<compile_context>
chip_gen: v7x
topology: tpu7x:2x2x1
jax: 0.10.2.dev20260603
libtpu: 0.0.44.dev20260713+nightly
codegen_flags: <defaults>
</compile_context>

<pallas_src>
import functools

import jax
import jax.numpy as jnp
from jax import lax
from jax.experimental import pallas as pl
from jax.experimental.pallas import tpu as pltpu
from jax.experimental.pallas import tpu_sc as plsc

N = 10000
E = 320000
D_IN = 128
D_HID = 256
D_OUT = 128

NC = 2
NS = 16

EP = 327680
ER = EP // 128
PAD = EP - E
NP = N + 16
RPT = ER // NS
RPW = ER // (NC * NS)

_mesh = plsc.VectorSubcoreMesh(core_axis_name="c", subcore_axis_name="s")

@functools.partial(
    pl.kernel,
    out_type=jax.ShapeDtypeStruct((NC, NP), jnp.float32),
    mesh=_mesh,
    scratch_types=[
        pltpu.VMEM((8, 128), jnp.int32),
        pltpu.VMEM((128,), jnp.float32),
        pltpu.VMEM_SHARED((NP,), jnp.float32),
    ],
)
def _deg_kernel(ones_hbm, col2_hbm, deg_hbm, cidx, ones_v, dacc):
    c = lax.axis_index("c")
    s = lax.axis_index("s")
    w = s * NC + c

    @pl.when(s == 0)
    def _():
        pltpu.sync_copy(ones_hbm, dacc)

    pltpu.sync_copy(ones_hbm.at[pl.ds(0, 128)], ones_v)
    plsc.subcore_barrier()

    def body(o, carry):
        rb = w * RPW + o * 8
        pltpu.sync_copy(col2_hbm.at[pl.ds(rb, 8)], cidx)
        for j in range(8):
            pltpu.sync_copy(ones_v, dacc.at[cidx.at[j]], add=True)
        return carry

    lax.fori_loop(0, RPW // 8, body, 0)
    plsc.subcore_barrier()

    @pl.when(s == 0)
    def _():
        pltpu.sync_copy(dacc, deg_hbm.at[c])


def _edge_pipeline(g_hbm, acc, ridx_src, cidx_src, base, ibufs, bufs,
                   gsems, ssems, irsems, icsems, nb):
    rbuf, cbuf = ibufs

    def iload(b, par, sync):
        rsrc = ridx_src.at[pl.ds(base + b * 8, 8)]
        csrc = cidx_src.at[pl.ds(base + b * 8, 8)]
        if sync:
            pltpu.sync_copy(rsrc, rbuf[par])
            pltpu.sync_copy(csrc, cbuf[par])
        else:
            pltpu.async_copy(rsrc, rbuf[par], irsems[par])
            pltpu.async_copy(csrc, cbuf[par], icsems[par])

    def iwait(par):
        pltpu.make_async_copy(ridx_src.at[pl.ds(0, 8)], rbuf[par], irsems[par]).wait()
        pltpu.make_async_copy(cidx_src.at[pl.ds(0, 8)], cbuf[par], icsems[par]).wait()

    def gwait(p):
        pltpu.make_async_copy(
            g_hbm.at[rbuf[0].at[0, pl.ds(0, 64)]], bufs[p], gsems[p]
        ).wait()

    def swait(p):
        pltpu.make_async_copy(
            bufs[p], acc.at[cbuf[0].at[0, pl.ds(0, 64)]], ssems[p]
        ).wait()

    def gissue(ib, l, p):
        pltpu.async_copy(
            g_hbm.at[rbuf[ib].at[l // 2, pl.ds(64 * (l % 2), 64)]], bufs[p], gsems[p]
        )

    def sissue(ib, l, p):
        pltpu.async_copy(
            bufs[p], acc.at[cbuf[ib].at[l // 2, pl.ds(64 * (l % 2), 64)]],
            ssems[p], add=True,
        )

    iload(0, 0, sync=True)
    gissue(0, 0, 0)
    gissue(0, 1, 1)

    def body(m, carry):
        for pb in range(2):
            b = 2 * m + pb
            for l in range(16):
                p = l % 4
                gwait(p)
                if l >= 2:
                    swait((l - 2) % 4)
                else:
                    @pl.when(b > 0)
                    def _():
                        swait((l - 2) % 4)
                if l < 14:
                    gissue(pb, l + 2, (l + 2) % 4)
                else:
                    @pl.when(b + 1 < nb)
                    def _():
                        if l == 14:
                            iwait(1 - pb)
                        gissue(1 - pb, l - 14, (l + 2) % 4)
                if l == 4:
                    @pl.when(b + 1 < nb)
                    def _():
                        iload(b + 1, 1 - pb, sync=False)
                sissue(pb, l, p)
        return carry

    lax.fori_loop(0, nb // 2, body, 0)
    swait(2)
    swait(3)


def _make_agg_kernel(dh):

    @functools.partial(
        pl.kernel,
        out_type=jax.ShapeDtypeStruct((2 * N, dh), jnp.float32),
        mesh=_mesh,
        scratch_types=[
            pltpu.VMEM((8, 128), jnp.int32),
            pltpu.VMEM((8, 128), jnp.int32),
            pltpu.VMEM((8, 128), jnp.int32),
            pltpu.VMEM((8, 128), jnp.int32),
            pltpu.VMEM((64, dh), jnp.float32),
            pltpu.VMEM((64, dh), jnp.float32),
            pltpu.VMEM((64, dh), jnp.float32),
            pltpu.VMEM((64, dh), jnp.float32),
            pltpu.VMEM_SHARED((NP, dh), jnp.float32),
            pltpu.SemaphoreType.DMA,
            pltpu.SemaphoreType.DMA,
            pltpu.SemaphoreType.DMA,
            pltpu.SemaphoreType.DMA,
            pltpu.SemaphoreType.DMA,
            pltpu.SemaphoreType.DMA,
            pltpu.SemaphoreType.DMA,
            pltpu.SemaphoreType.DMA,
            pltpu.SemaphoreType.DMA,
            pltpu.SemaphoreType.DMA,
            pltpu.SemaphoreType.DMA,
            pltpu.SemaphoreType.DMA,
        ],
    )
    def agg(g_hbm, rowpair_hbm, col2_hbm, out_hbm, ridx0, ridx1, cidx0, cidx1,
            rows0, rows1, rows2, rows3, acc,
            gsem0, gsem1, gsem2, gsem3, ssem0, ssem1, ssem2, ssem3,
            irsem0, irsem1, icsem0, icsem1):
        c = lax.axis_index("c")
        s = lax.axis_index("s")

        @pl.when(s < 15)
        def _():
            pltpu.sync_copy(
                g_hbm.at[pl.ds(c * N + s * 640, 640)], acc.at[pl.ds(s * 640, 640)]
            )

        @pl.when(s == 15)
        def _():
            pltpu.sync_copy(
                g_hbm.at[pl.ds(c * N + 9600, 400)], acc.at[pl.ds(9600, 400)]
            )

        plsc.subcore_barrier()

        _edge_pipeline(
            g_hbm, acc, rowpair_hbm.at[c], col2_hbm, s * RPT,
            ((ridx0, ridx1), (cidx0, cidx1)), (rows0, rows1, rows2, rows3),
            (gsem0, gsem1, gsem2, gsem3), (ssem0, ssem1, ssem2, ssem3),
            (irsem0, irsem1), (icsem0, icsem1), RPT // 8,
        )
        plsc.subcore_barrier()

        @pl.when(s < 15)
        def _():
            pltpu.sync_copy(
                acc.at[pl.ds(s * 640, 640)], out_hbm.at[pl.ds(c * N + s * 640, 640)]
            )

        @pl.when(s == 15)
        def _():
            pltpu.sync_copy(
                acc.at[pl.ds(9600, 400)], out_hbm.at[pl.ds(c * N + 9600, 400)]
            )

    return agg


_agg1 = _make_agg_kernel(D_HID // 2)


@functools.partial(
    pl.kernel,
    out_type=jax.ShapeDtypeStruct((NC, N, D_OUT), jnp.float32),
    mesh=_mesh,
    scratch_types=[
        pltpu.VMEM((8, 128), jnp.int32),
        pltpu.VMEM((8, 128), jnp.int32),
        pltpu.VMEM((8, 128), jnp.int32),
        pltpu.VMEM((8, 128), jnp.int32),
        pltpu.VMEM((64, D_OUT), jnp.float32),
        pltpu.VMEM((64, D_OUT), jnp.float32),
        pltpu.VMEM((64, D_OUT), jnp.float32),
        pltpu.VMEM((64, D_OUT), jnp.float32),
        pltpu.VMEM_SHARED((NP, D_OUT), jnp.float32),
        pltpu.SemaphoreType.DMA,
        pltpu.SemaphoreType.DMA,
        pltpu.SemaphoreType.DMA,
        pltpu.SemaphoreType.DMA,
        pltpu.SemaphoreType.DMA,
        pltpu.SemaphoreType.DMA,
        pltpu.SemaphoreType.DMA,
        pltpu.SemaphoreType.DMA,
        pltpu.SemaphoreType.DMA,
        pltpu.SemaphoreType.DMA,
        pltpu.SemaphoreType.DMA,
        pltpu.SemaphoreType.DMA,
    ],
)
def _agg2(g_hbm, row2_hbm, col2_hbm, out_hbm, ridx0, ridx1, cidx0, cidx1,
          rows0, rows1, rows2, rows3, acc,
          gsem0, gsem1, gsem2, gsem3, ssem0, ssem1, ssem2, ssem3,
          irsem0, irsem1, icsem0, icsem1):
    c = lax.axis_index("c")
    s = lax.axis_index("s")

    @pl.when(s < 15)
    def _():
        pltpu.sync_copy(g_hbm.at[pl.ds(s * 640, 640)], acc.at[pl.ds(s * 640, 640)])

    @pl.when(s == 15)
    def _():
        pltpu.sync_copy(g_hbm.at[pl.ds(9600, 400)], acc.at[pl.ds(9600, 400)])

    rpt = ER // (NC * NS)
    plsc.subcore_barrier()

    _edge_pipeline(
        g_hbm, acc, row2_hbm, col2_hbm, (s * NC + c) * rpt,
        ((ridx0, ridx1), (cidx0, cidx1)), (rows0, rows1, rows2, rows3),
        (gsem0, gsem1, gsem2, gsem3), (ssem0, ssem1, ssem2, ssem3),
        (irsem0, irsem1), (icsem0, icsem1), rpt // 8,
    )
    plsc.subcore_barrier()

    @pl.when(s < 15)
    def _():
        pltpu.sync_copy(acc.at[pl.ds(s * 640, 640)], out_hbm.at[c, pl.ds(s * 640, 640)])

    @pl.when(s == 15)
    def _():
        pltpu.sync_copy(acc.at[pl.ds(9600, 400)], out_hbm.at[c, pl.ds(9600, 400)])

_B = 1000
_NB = N // _B


def _tc0_body(x_ref, w1_ref, h1_ref):
    h1_ref[...] = jnp.dot(
        x_ref[...], w1_ref[...], preferred_element_type=jnp.float32
    )


def _tc1_body(pdeg_ref, h1_ref, dis_ref, g1_ref):
    deg = pdeg_ref[0] + pdeg_ref[1] - 1.0
    dis = lax.rsqrt(deg)
    dis_ref[...] = dis
    g = h1_ref[...] * dis
    g1_ref[0] = g[:, : D_HID // 2]
    g1_ref[1] = g[:, D_HID // 2 :]


def _tc2_body(agg1_ref, dis_ref, b1_ref, w2_ref, g2_ref):
    dis = dis_ref[...]
    o_l = jnp.maximum(agg1_ref[0] * dis + b1_ref[0, : D_HID // 2], 0.0)
    o_r = jnp.maximum(agg1_ref[1] * dis + b1_ref[0, D_HID // 2 :], 0.0)
    h2 = jnp.dot(o_l, w2_ref[: D_HID // 2], preferred_element_type=jnp.float32)
    h2 = h2 + jnp.dot(o_r, w2_ref[D_HID // 2 :], preferred_element_type=jnp.float32)
    g2_ref[...] = h2 * dis


def _tc3_body(agg2_ref, g2_ref, dis_ref, b2_ref, out_ref):
    full = agg2_ref[0] + agg2_ref[1] - g2_ref[...]
    out_ref[...] = full * dis_ref[...] + b2_ref[...]


_tc0 = pl.pallas_call(
    _tc0_body,
    grid=(_NB,),
    in_specs=[
        pl.BlockSpec((_B, D_IN), lambda i: (i, 0)),
        pl.BlockSpec((D_IN, D_HID), lambda i: (0, 0)),
    ],
    out_specs=pl.BlockSpec((_B, D_HID), lambda i: (i, 0)),
    out_shape=jax.ShapeDtypeStruct((N, D_HID), jnp.float32),
)

_tc1 = pl.pallas_call(
    _tc1_body,
    grid=(_NB,),
    in_specs=[
        pl.BlockSpec((2, _B, 1), lambda i: (0, i, 0)),
        pl.BlockSpec((_B, D_HID), lambda i: (i, 0)),
    ],
    out_specs=[
        pl.BlockSpec((_B, 1), lambda i: (i, 0)),
        pl.BlockSpec((2, _B, D_HID // 2), lambda i: (0, i, 0)),
    ],
    out_shape=[
        jax.ShapeDtypeStruct((N, 1), jnp.float32),
        jax.ShapeDtypeStruct((2, N, D_HID // 2), jnp.float32),
    ],
)

_tc2 = pl.pallas_call(
    _tc2_body,
    grid=(_NB,),
    in_specs=[
        pl.BlockSpec((2, _B, D_HID // 2), lambda i: (0, i, 0)),
        pl.BlockSpec((_B, 1), lambda i: (i, 0)),
        pl.BlockSpec((1, D_HID), lambda i: (0, 0)),
        pl.BlockSpec((D_HID, D_OUT), lambda i: (0, 0)),
    ],
    out_specs=pl.BlockSpec((_B, D_OUT), lambda i: (i, 0)),
    out_shape=jax.ShapeDtypeStruct((N, D_OUT), jnp.float32),
)

_tc3 = pl.pallas_call(
    _tc3_body,
    grid=(_NB,),
    in_specs=[
        pl.BlockSpec((2, _B, D_OUT), lambda i: (0, i, 0)),
        pl.BlockSpec((_B, D_OUT), lambda i: (i, 0)),
        pl.BlockSpec((_B, 1), lambda i: (i, 0)),
        pl.BlockSpec((1, D_OUT), lambda i: (0, 0)),
    ],
    out_specs=pl.BlockSpec((_B, D_OUT), lambda i: (i, 0)),
    out_shape=jax.ShapeDtypeStruct((N, D_OUT), jnp.float32),
)


def kernel(x, edge_index, W1, b1, W2, b2):
    row = edge_index[0]
    col = edge_index[1]
    pad_i = jnp.arange(PAD, dtype=jnp.int32)
    rowp = jnp.concatenate([row, pad_i % N])
    colp = jnp.concatenate([col, N + (pad_i % 16)])
    col2 = colp.reshape(ER, 128)
    row2 = rowp.reshape(ER, 128)
    rowpair = jnp.stack([rowp, rowp + N]).reshape(2, ER, 128)
    ones = jnp.ones((NP,), jnp.float32)

    h1 = _tc0(x, W1)
    deg2 = _deg_kernel(ones, col2)
    pdeg = deg2[:, :N].reshape(2, N, 1)
    dis, g1 = _tc1(pdeg, h1)
    agg1 = _agg1(g1.reshape(2 * N, D_HID // 2), rowpair, col2)
    g2 = _tc2(agg1.reshape(2, N, D_HID // 2), dis, b1.reshape(1, D_HID), W2)
    agg2 = _agg2(g2, row2, col2)
    out = _tc3(agg2, g2, dis, b2.reshape(1, D_OUT))
    return out

# --- scband reference (transcript-rebuilt; emitter-appended) ---
"""Pipeline reference for scband-gcnencoder-53970559041889 (READ-ONLY COPY).

The authoritative reference and input builder live on the scoring server;
editing this copy changes nothing except your own understanding.
"""

import jax, jax.numpy as jnp
import numpy as np

N = 10000
E = 320000
D_IN = 128
D_HID = 256
D_OUT = 128


def _glorot(key, shape):
    fan_in, fan_out = shape[0], shape[1]
    limit = np.sqrt(6.0 / (fan_in + fan_out))
    return jax.random.uniform(key, shape, jnp.float32, -limit, limit)


def setup_inputs(seed: int = 0) -> dict:
    key = jax.random.key(seed)
    k1, k2, k3, k4 = jax.random.split(key, 4)
    x = jax.random.normal(k1, (N, D_IN), dtype=jnp.float32)
    edge_index = jax.random.randint(k2, (2, E), 0, N, dtype=jnp.int32)
    W1 = _glorot(k3, (D_IN, D_HID))
    b1 = jnp.zeros((D_HID,), dtype=jnp.float32)
    W2 = _glorot(k4, (D_HID, D_OUT))
    b2 = jnp.zeros((D_OUT,), dtype=jnp.float32)
    return {"x": x, "edge_index": edge_index, "W1": W1, "b1": b1, "W2": W2, "b2": b2}


def _gcn_conv(x, edge_index, W, b):
    # Faithful PyG GCNConv: linear transform, add self-loops, symmetric normalization, scatter-add aggregation, bias.
    n = x.shape[0]
    row = edge_index[0]
    col = edge_index[1]
    loop = jnp.arange(n, dtype=row.dtype)
    row = jnp.concatenate([row, loop])
    col = jnp.concatenate([col, loop])
    w = jnp.ones((row.shape[0],), dtype=x.dtype)  # edge_weight=None -> ones
    deg = jax.ops.segment_sum(w, col, num_segments=n)
    deg_inv_sqrt = jnp.where(deg > 0, jax.lax.rsqrt(deg), 0.0)
    norm = deg_inv_sqrt[row] * w * deg_inv_sqrt[col]
    h = x @ W
    msg = h[row] * norm[:, None]
    out = jax.ops.segment_sum(msg, col, num_segments=n)
    return out + b


def reference(x, edge_index, W1, b1, W2, b2):
    h = jax.nn.relu(_gcn_conv(x, edge_index, W1, b1))
    out = _gcn_conv(h, edge_index, W2, b2)
    return out

if __name__ == "__main__":
    import jax
    _d = setup_inputs()
    print(jax.jit(kernel)(*tuple(_d.values())))

</pallas_src>

<mosaic_0001>
#map = affine_map<(d0, d1) -> (0, 0)>
#map1 = affine_map<(d0, d1) -> (0, 0, 0)>
module attributes {stable_mosaic.version = 14 : i64} {
  func.func @_agg2(%arg0: i32, %arg1: i32, %arg2: memref<10000x128xf32, #tpu.memory_space<hbm>>, %arg3: memref<2560x128xi32, #tpu.memory_space<hbm>>, %arg4: memref<2560x128xi32, #tpu.memory_space<hbm>>, %arg5: memref<2x10000x128xf32, #tpu.memory_space<hbm>>, %arg6: memref<8x128xi32, #tpu.memory_space<vmem>>, %arg7: memref<8x128xi32, #tpu.memory_space<vmem>>, %arg8: memref<8x128xi32, #tpu.memory_space<vmem>>, %arg9: memref<8x128xi32, #tpu.memory_space<vmem>>, %arg10: memref<64x128xf32, #tpu.memory_space<vmem>>, %arg11: memref<64x128xf32, #tpu.memory_space<vmem>>, %arg12: memref<64x128xf32, #tpu.memory_space<vmem>>, %arg13: memref<64x128xf32, #tpu.memory_space<vmem>>, %arg14: memref<10016x128xf32, #tpu.memory_space<vmem_shared>>, %arg15: memref<!tpu.dma_semaphore, #tpu.memory_space<semaphore_mem>>, %arg16: memref<!tpu.dma_semaphore, #tpu.memory_space<semaphore_mem>>, %arg17: memref<!tpu.dma_semaphore, #tpu.memory_space<semaphore_mem>>, %arg18: memref<!tpu.dma_semaphore, #tpu.memory_space<semaphore_mem>>, %arg19: memref<!tpu.dma_semaphore, #tpu.memory_space<semaphore_mem>>, %arg20: memref<!tpu.dma_semaphore, #tpu.memory_space<semaphore_mem>>, %arg21: memref<!tpu.dma_semaphore, #tpu.memory_space<semaphore_mem>>, %arg22: memref<!tpu.dma_semaphore, #tpu.memory_space<semaphore_mem>>, %arg23: memref<!tpu.dma_semaphore, #tpu.memory_space<semaphore_mem>>, %arg24: memref<!tpu.dma_semaphore, #tpu.memory_space<semaphore_mem>>, %arg25: memref<!tpu.dma_semaphore, #tpu.memory_space<semaphore_mem>>, %arg26: memref<!tpu.dma_semaphore, #tpu.memory_space<semaphore_mem>>) attributes {dimension_semantics = [#tpu.dimension_semantics<core_parallel>, #tpu.dimension_semantics<subcore_parallel>], iteration_bounds = array<i64: 2, 16>, scalar_prefetch = 0 : i64, scratch_operands = 21 : i64, tpu.core_type = #tpu.core_type<sc_vector_subcore>, window_params = [{transform_indices = #map}, {transform_indices = #map}, {transform_indices = #map}, {transform_indices = #map1}]} {
    %lt3A = arith.constant 15 : i32
    %lt3A_0 = arith.cmpi slt, %arg1, %lt3A : i32
    %convert_element_type3A = arith.extui %lt3A_0 : i1 to i32
    %cond3A = arith.constant 0 : i32
    %cond3A_1 = arith.cmpi ne, %convert_element_type3A, %cond3A : i32
    scf.if %cond3A_1 {
      %mul3A_55 = arith.constant 640 : i32
      %mul3A_56 = arith.muli %arg1, %mul3A_55 : i32
      %mul3A_57 = arith.constant 640 : i32
      %mul3A_58 = arith.muli %arg1, %mul3A_57 : i32
      "tpu.region"() ({
        %run_scoped3A = tpu.sem_alloc : memref<!tpu.dma_semaphore, #tpu.memory_space<semaphore_mem>>
        %dma_start3A_59 = arith.constant 0 : i32
        %dma_start3A_60 = tpu.memref_slice %arg14[%mul3A_58, %dma_start3A_59] : memref<10016x128xf32, #tpu.memory_space<vmem_shared>> -> memref<640x128xf32, #tpu.memory_space<vmem_shared>>
        %dma_start3A_61 = arith.constant 0 : i32
        %dma_start3A_62 = tpu.memref_slice %arg2[%mul3A_56, %dma_start3A_61] : memref<10000x128xf32, #tpu.memory_space<hbm>> -> memref<640x128xf32, #tpu.memory_space<hbm>>
        tpu.enqueue_dma source(%dma_start3A_62 : memref<640x128xf32, #tpu.memory_space<hbm>>) target(%dma_start3A_60 : memref<640x128xf32, #tpu.memory_space<vmem_shared>>) target_semaphore(%run_scoped3A : memref<!tpu.dma_semaphore, #tpu.memory_space<semaphore_mem>>)
        %dma_wait3A_63 = arith.constant 0 : i32
        %dma_wait3A_64 = tpu.memref_slice %arg14[%mul3A_58, %dma_wait3A_63] : memref<10016x128xf32, #tpu.memory_space<vmem_shared>> -> memref<640x128xf32, #tpu.memory_space<vmem_shared>>
        %dma_wait3A_65 = arith.constant 0 : i32
        %dma_wait3A_66 = tpu.memref_slice %arg2[%mul3A_56, %dma_wait3A_65] : memref<10000x128xf32, #tpu.memory_space<hbm>> -> memref<640x128xf32, #tpu.memory_space<hbm>>
        tpu.wait_dma2 semaphore(%run_scoped3A : memref<!tpu.dma_semaphore, #tpu.memory_space<semaphore_mem>>) src(%dma_wait3A_66 : memref<640x128xf32, #tpu.memory_space<hbm>>) dst(%dma_wait3A_64 : memref<640x128xf32, #tpu.memory_space<vmem_shared>>)
        tpu.yield
      }) : () -> ()
    } else {
    }
    %eq3A = arith.constant 15 : i32
    %eq3A_2 = arith.cmpi eq, %arg1, %eq3A : i32
    %convert_element_type3A_3 = arith.extui %eq3A_2 : i1 to i32
    %cond3A_4 = arith.constant 0 : i32
    %cond3A_5 = arith.cmpi ne, %convert_element_type3A_3, %cond3A_4 : i32
    scf.if %cond3A_5 {
      "tpu.region"() ({
        %run_scoped3A = tpu.sem_alloc : memref<!tpu.dma_semaphore, #tpu.memory_space<semaphore_mem>>
        %dma_start3A_55 = arith.constant 9600 : i32
        %dma_start3A_56 = arith.constant 0 : i32
        %dma_start3A_57 = tpu.memref_slice %arg14[%dma_start3A_55, %dma_start3A_56] : memref<10016x128xf32, #tpu.memory_space<vmem_shared>> -> memref<400x128xf32, #tpu.memory_space<vmem_shared>>
        %dma_start3A_58 = arith.constant 9600 : i32
        %dma_start3A_59 = arith.constant 0 : i32
        %dma_start3A_60 = tpu.memref_slice %arg2[%dma_start3A_58, %dma_start3A_59] : memref<10000x128xf32, #tpu.memory_space<hbm>> -> memref<400x128xf32, #tpu.memory_space<hbm>>
        tpu.enqueue_dma source(%dma_start3A_60 : memref<400x128xf32, #tpu.memory_space<hbm>>) target(%dma_start3A_57 : memref<400x128xf32, #tpu.memory_space<vmem_shared>>) target_semaphore(%run_scoped3A : memref<!tpu.dma_semaphore, #tpu.memory_space<semaphore_mem>>)
        %dma_wait3A_61 = arith.constant 9600 : i32
        %dma_wait3A_62 = arith.constant 0 : i32
        %dma_wait3A_63 = tpu.memref_slice %arg14[%dma_wait3A_61, %dma_wait3A_62] : memref<10016x128xf32, #tpu.memory_space<vmem_shared>> -> memref<400x128xf32, #tpu.memory_space<vmem_shared>>
        %dma_wait3A_64 = arith.constant 9600 : i32
        %dma_wait3A_65 = arith.constant 0 : i32
        %dma_wait3A_66 = tpu.memref_slice %arg2[%dma_wait3A_64, %dma_wait3A_65] : memref<10000x128xf32, #tpu.memory_space<hbm>> -> memref<400x128xf32, #tpu.memory_space<hbm>>
        tpu.wait_dma2 semaphore(%run_scoped3A : memref<!tpu.dma_semaphore, #tpu.memory_space<semaphore_mem>>) src(%dma_wait3A_66 : memref<400x128xf32, #tpu.memory_space<hbm>>) dst(%dma_wait3A_63 : memref<400x128xf32, #tpu.memory_space<vmem_shared>>)
        tpu.yield
      }) : () -> ()
    } else {
    }
    %barrier3A = arith.constant 0 : index
    tpu.barrier barrier_id(%barrier3A)
    %mul3A = arith.constant 2 : i32
    %mul3A_6 = arith.muli %arg1, %mul3A : i32
    %add3A = arith.addi %mul3A_6, %arg0 : i32
    %mul3A_7 = arith.constant 80 : i32
    %mul3A_8 = arith.muli %add3A, %mul3A_7 : i32
    %add3A_9 = arith.constant 0 : i32
    %add3A_10 = arith.addi %mul3A_8, %add3A_9 : i32
    %add3A_11 = arith.constant 0 : i32
    %add3A_12 = arith.addi %mul3A_8, %add3A_11 : i32
    "tpu.region"() ({
      %run_scoped3A = tpu.sem_alloc : memref<!tpu.dma_semaphore, #tpu.memory_space<semaphore_mem>>
      %dma_start3A_55 = arith.constant 0 : i32
      %dma_start3A_56 = tpu.memref_slice %arg3[%add3A_10, %dma_start3A_55] : memref<2560x128xi32, #tpu.memory_space<hbm>> -> memref<8x128xi32, #tpu.memory_space<hbm>>
      %dma_start3A_57 = arith.constant 0 : i32
      %dma_start3A_58 = tpu.memref_slice %arg3[%add3A_10, %dma_start3A_57] : memref<2560x128xi32, #tpu.memory_space<hbm>> -> memref<8x128xi32, #tpu.memory_space<hbm>>
      tpu.enqueue_dma source(%dma_start3A_58 : memref<8x128xi32, #tpu.memory_space<hbm>>) target(%arg6 : memref<8x128xi32, #tpu.memory_space<vmem>>) target_semaphore(%run_scoped3A : memref<!tpu.dma_semaphore, #tpu.memory_space<semaphore_mem>>)
      %dma_wait3A_59 = arith.constant 0 : i32
      %dma_wait3A_60 = tpu.memref_slice %arg3[%add3A_10, %dma_wait3A_59] : memref<2560x128xi32, #tpu.memory_space<hbm>> -> memref<8x128xi32, #tpu.memory_space<hbm>>
      %dma_wait3A_61 = arith.constant 0 : i32
      %dma_wait3A_62 = tpu.memref_slice %arg3[%add3A_10, %dma_wait3A_61] : memref<2560x128xi32, #tpu.memory_space<hbm>> -> memref<8x128xi32, #tpu.memory_space<hbm>>
      tpu.wait_dma2 semaphore(%run_scoped3A : memref<!tpu.dma_semaphore, #tpu.memory_space<semaphore_mem>>) src(%dma_wait3A_62 : memref<8x128xi32, #tpu.memory_space<hbm>>) dst(%arg6 : memref<8x128xi32, #tpu.memory_space<vmem>>)
      tpu.yield
    }) : () -> ()
    "tpu.region"() ({
      %run_scoped3A = tpu.sem_alloc : memref<!tpu.dma_semaphore, #tpu.memory_space<semaphore_mem>>
      %dma_start3A_55 = arith.constant 0 : i32
      %dma_start3A_56 = tpu.memref_slice %arg4[%add3A_12, %dma_start3A_55] : memref<2560x128xi32, #tpu.memory_space<hbm>> -> memref<8x128xi32, #tpu.memory_space<hbm>>
      %dma_start3A_57 = arith.constant 0 : i32
      %dma_start3A_58 = tpu.memref_slice %arg4[%add3A_12, %dma_start3A_57] : memref<2560x128xi32, #tpu.memory_space<hbm>> -> memref<8x128xi32, #tpu.memory_space<hbm>>
      tpu.enqueue_dma source(%dma_start3A_58 : memref<8x128xi32, #tpu.memory_space<hbm>>) target(%arg8 : memref<8x128xi32, #tpu.memory_space<vmem>>) target_semaphore(%run_scoped3A : memref<!tpu.dma_semaphore, #tpu.memory_space<semaphore_mem>>)
      %dma_wait3A_59 = arith.constant 0 : i32
      %dma_wait3A_60 = tpu.memref_slice %arg4[%add3A_12, %dma_wait3A_59] : memref<2560x128xi32, #tpu.memory_space<hbm>> -> memref<8x128xi32, #tpu.memory_space<hbm>>
      %dma_wait3A_61 = arith.constant 0 : i32
      %dma_wait3A_62 = tpu.memref_slice %arg4[%add3A_12, %dma_wait3A_61] : memref<2560x128xi32, #tpu.memory_space<hbm>> -> memref<8x128xi32, #tpu.memory_space<hbm>>
      tpu.wait_dma2 semaphore(%run_scoped3A : memref<!tpu.dma_semaphore, #tpu.memory_space<semaphore_mem>>) src(%dma_wait3A_62 : memref<8x128xi32, #tpu.memory_space<hbm>>) dst(%arg8 : memref<8x128xi32, #tpu.memory_space<vmem>>)
      tpu.yield
    }) : () -> ()
    %dma_start3A = arith.constant 0 : i32
    %dma_start3A_13 = arith.constant 0 : i32
    %dma_start3A_14 = tpu.memref_slice %arg6[%dma_start3A, %dma_start3A_13] : memref<8x128xi32, #tpu.memory_space<vmem>> -> memref<1x64xi32, #tpu.memory_space<vmem>>
    %dma_start3A_15 = tpu.memref_squeeze %dma_start3A_14 : memref<1x64xi32, #tpu.memory_space<vmem>> -> memref<64xi32, #tpu.memory_space<vmem>>
    %dma_start3A_16 = arith.constant 0 : i32
    %dma_start3A_17 = arith.constant 0 : i32
    %dma_start3A_18 = tpu.memref_slice %arg2[%dma_start3A_16, %dma_start3A_17] : memref<10000x128xf32, #tpu.memory_space<hbm>> -> memref<10000x128xf32, #tpu.memory_space<hbm>>
    tpu.enqueue_indirect_dma source(%dma_start3A_18 : memref<10000x128xf32, #tpu.memory_space<hbm>>) target(%arg10 : memref<64x128xf32, #tpu.memory_space<vmem>>) offsets(%dma_start3A_15 : memref<64xi32, #tpu.memory_space<vmem>>) semaphore(%arg15 : memref<!tpu.dma_semaphore, #tpu.memory_space<semaphore_mem>>)
    %dma_start3A_19 = arith.constant 0 : i32
    %dma_start3A_20 = arith.constant 64 : i32
    %dma_start3A_21 = tpu.memref_slice %arg6[%dma_start3A_19, %dma_start3A_20] : memref<8x128xi32, #tpu.memory_space<vmem>> -> memref<1x64xi32, #tpu.memory_space<vmem>>
    %dma_start3A_22 = tpu.memref_squeeze %dma_start3A_21 : memref<1x64xi32, #tpu.memory_space<vmem>> -> memref<64xi32, #tpu.memory_space<vmem>>
    %dma_start3A_23 = arith.constant 0 : i32
    %dma_start3A_24 = arith.constant 0 : i32
    %dma_start3A_25 = tpu.memref_slice %arg2[%dma_start3A_23, %dma_start3A_24] : memref<10000x128xf32, #tpu.memory_space<hbm>> -> memref<10000x128xf32, #tpu.memory_space<hbm>>
    tpu.enqueue_indirect_dma source(%dma_start3A_25 : memref<10000x128xf32, #tpu.memory_space<hbm>>) target(%arg11 : memref<64x128xf32, #tpu.memory_space<vmem>>) offsets(%dma_start3A_22 : memref<64xi32, #tpu.memory_space<vmem>>) semaphore(%arg16 : memref<!tpu.dma_semaphore, #tpu.memory_space<semaphore_mem>>)
    %scan3A = arith.constant 0 : i32
    %scan3A_26 = arith.constant 0 : i32
    %scan3A_27 = arith.constant 5 : i32
    %scan3A_28 = arith.addi %scan3A_26, %scan3A_27 : i32
    %scan3A_29 = arith.constant 1 : i32
    scf.for %scan3A_55 = %scan3A_26 to %scan3A_28 step %scan3A_29  : i32 {
      %mul3A_56 = arith.constant 2 : i32
      %mul3A_57 = arith.muli %mul3A_56, %scan3A_55 : i32
      %add3A_58 = arith.constant 0 : i32
      %add3A_59 = arith.addi %mul3A_57, %add3A_58 : i32
      %dma_wait3A_60 = arith.constant 0 : i32
      %dma_wait3A_61 = arith.constant 0 : i32
      %dma_wait3A_62 = tpu.memref_slice %arg6[%dma_wait3A_60, %dma_wait3A_61] : memref<8x128xi32, #tpu.memory_space<vmem>> -> memref<1x64xi32, #tpu.memory_space<vmem>>
      %dma_wait3A_63 = tpu.memref_squeeze %dma_wait3A_62 : memref<1x64xi32, #tpu.memory_space<vmem>> -> memref<64xi32, #tpu.memory_space<vmem>>
      %dma_wait3A_64 = arith.constant 0 : i32
      %dma_wait3A_65 = arith.constant 0 : i32
      %dma_wait3A_66 = tpu.memref_slice %arg2[%dma_wait3A_64, %dma_wait3A_65] : memref<10000x128xf32, #tpu.memory_space<hbm>> -> memref<10000x128xf32, #tpu.memory_space<hbm>>
      tpu.wait_indirect_dma semaphore(%arg15 : memref<!tpu.dma_semaphore, #tpu.memory_space<semaphore_mem>>) src(%dma_wait3A_66 : memref<10000x128xf32, #tpu.memory_space<hbm>>) dst(%arg10 : memref<64x128xf32, #tpu.memory_space<vmem>>)
      %gt3A = arith.constant 0 : i32
      %gt3A_67 = arith.cmpi sgt, %add3A_59, %gt3A : i32
      %convert_element_type3A_68 = arith.extui %gt3A_67 : i1 to i32
      %cond3A_69 = arith.constant 0 : i32
      %cond3A_70 = arith.cmpi ne, %convert_element_type3A_68, %cond3A_69 : i32
      scf.if %cond3A_70 {
        %dma_wait3A_965 = arith.constant 0 : i32
        %dma_wait3A_966 = arith.constant 0 : i32
        %dma_wait3A_967 = tpu.memref_slice %arg8[%dma_wait3A_965, %dma_wait3A_966] : memref<8x128xi32, #tpu.memory_space<vmem>> -> memref<1x64xi32, #tpu.memory_space<vmem>>
        %dma_wait3A_968 = tpu.memref_squeeze %dma_wait3A_967 : memref<1x64xi32, #tpu.memory_space<vmem>> -> memref<64xi32, #tpu.memory_space<vmem>>
        %dma_wait3A_969 = arith.constant 0 : i32
        %dma_wait3A_970 = arith.constant 0 : i32
        %dma_wait3A_971 = tpu.memref_slice %arg14[%dma_wait3A_969, %dma_wait3A_970] : memref<10016x128xf32, #tpu.memory_space<vmem_shared>> -> memref<10016x128xf32, #tpu.memory_space<vmem_shared>>
        tpu.wait_indirect_dma semaphore(%arg21 : memref<!tpu.dma_semaphore, #tpu.memory_space<semaphore_mem>>) src(%arg12 : memref<64x128xf32, #tpu.memory_space<vmem>>) dst(%dma_wait3A_971 : memref<10016x128xf32, #tpu.memory_space<vmem_shared>>)
      } else {
      }
      %dma_start3A_71 = arith.constant 1 : i32
      %dma_start3A_72 = arith.constant 0 : i32
      %dma_start3A_73 = tpu.memref_slice %arg6[%dma_start3A_71, %dma_start3A_72] : memref<8x128xi32, #tpu.memory_space<vmem>> -> memref<1x64xi32, #tpu.memory_space<vmem>>
      %dma_start3A_74 = tpu.memref_squeeze %dma_start3A_73 : memref<1x64xi32, #tpu.memory_space<vmem>> -> memref<64xi32, #tpu.memory_space<vmem>>
      %dma_start3A_75 = arith.constant 0 : i32
      %dma_start3A_76 = arith.constant 0 : i32
      %dma_start3A_77 = tpu.memref_slice %arg2[%dma_start3A_75, %dma_start3A_76] : memref<10000x128xf32, #tpu.memory_space<hbm>> -> memref<10000x128xf32, #tpu.memory_space<hbm>>
      tpu.enqueue_indirect_dma source(%dma_start3A_77 : memref<10000x128xf32, #tpu.memory_space<hbm>>) target(%arg12 : memref<64x128xf32, #tpu.memory_space<vmem>>) offsets(%dma_start3A_74 : memref<64xi32, #tpu.memory_space<vmem>>) semaphore(%arg17 : memref<!tpu.dma_semaphore, #tpu.memory_space<semaphore_mem>>)
      %dma_start3A_78 = arith.constant 0 : i32
      %dma_start3A_79 = arith.constant 0 : i32
      %dma_start3A_80 = tpu.memref_slice %arg8[%dma_start3A_78, %dma_start3A_79] : memref<8x128xi32, #tpu.memory_space<vmem>> -> memref<1x64xi32, #tpu.memory_space<vmem>>
      %dma_start3A_81 = tpu.memref_squeeze %dma_start3A_80 : memref<1x64xi32, #tpu.memory_space<vmem>> -> memref<64xi32, #tpu.memory_space<vmem>>
      %dma_start3A_82 = arith.constant 0 : i32
      %dma_start3A_83 = arith.constant 0 : i32
      %dma_start3A_84 = tpu.memref_slice %arg14[%dma_start3A_82, %dma_start3A_83] : memref<10016x128xf32, #tpu.memory_space<vmem_shared>> -> memref<10016x128xf32, #tpu.memory_space<vmem_shared>>
      tpu.enqueue_indirect_dma source(%arg10 : memref<64x128xf32, #tpu.memory_space<vmem>>) target(%dma_start3A_84 : memref<10016x128xf32, #tpu.memory_space<vmem_shared>>) offsets(%dma_start3A_81 : memref<64xi32, #tpu.memory_space<vmem>>) semaphore(%arg19 : memref<!tpu.dma_semaphore, #tpu.memory_space<semaphore_mem>>) {add = true}
      %dma_wait3A_85 = arith.constant 0 : i32
      %dma_wait3A_86 = arith.constant 0 : i32
      %dma_wait3A_87 = tpu.memref_slice %arg6[%dma_wait3A_85, %dma_wait3A_86] : memref<8x128xi32, #tpu.memory_space<vmem>> -> memref<1x64xi32, #tpu.memory_space<vmem>>
      %dma_wait3A_88 = tpu.memref_squeeze %dma_wait3A_87 : memref<1x64xi32, #tpu.memory_space<vmem>> -> memref<64xi32, #tpu.memory_space<vmem>>
      %dma_wait3A_89 = arith.constant 0 : i32
      %dma_wait3A_90 = arith.constant 0 : i32
      %dma_wait3A_91 = tpu.memref_slice %arg2[%dma_wait3A_89, %dma_wait3A_90] : memref<10000x128xf32, #tpu.memory_space<hbm>> -> memref<10000x128xf32, #tpu.memory_space<hbm>>
      tpu.wait_indirect_dma semaphore(%arg16 : memref<!tpu.dma_semaphore, #tpu.memory_space<semaphore_mem>>) src(%dma_wait3A_91 : memref<10000x128xf32, #tpu.memory_space<hbm>>) dst(%arg11 : memref<64x128xf32, #tpu.memory_space<vmem>>)
      %gt3A_92 = arith.constant 0 : i32
      %gt3A_93 = arith.cmpi sgt, %add3A_59, %gt3A_92 : i32
      %convert_element_type3A_94 = arith.extui %gt3A_93 : i1 to i32
      %cond3A_95 = arith.constant 0 : i32
      %cond3A_96 = arith.cmpi ne, %convert_element_type3A_94, %cond3A_95 : i32
      scf.if %cond3A_96 {
        %dma_wait3A_965 = arith.constant 0 : i32
        %dma_wait3A_966 = arith.constant 0 : i32
        %dma_wait3A_967 = tpu.memref_slice %arg8[%dma_wait3A_965, %dma_wait3A_966] : memref<8x128xi32, #tpu.memory_space<vmem>> -> memref<1x64xi32, #tpu.memory_space<vmem>>
        %dma_wait3A_968 = tpu.memref_squeeze %dma_wait3A_967 : memref<1x64xi32, #tpu.memory_space<vmem>> -> memref<64xi32, #tpu.memory_space<vmem>>
        %dma_wait3A_969 = arith.constant 0 : i32
        %dma_wait3A_970 = arith.constant 0 : i32
        %dma_wait3A_971 = tpu.memref_slice %arg14[%dma_wait3A_969, %dma_wait3A_970] : memref<10016x128xf32, #tpu.memory_space<vmem_shared>> -> memref<10016x128xf32, #tpu.memory_space<vmem_shared>>
        tpu.wait_indirect_dma semaphore(%arg22 : memref<!tpu.dma_semaphore, #tpu.memory_space<semaphore_mem>>) src(%arg13 : memref<64x128xf32, #tpu.memory_space<vmem>>) dst(%dma_wait3A_971 : memref<10016x128xf32, #tpu.memory_space<vmem_shared>>)
      } else {
      }
      %dma_start3A_97 = arith.constant 1 : i32
      %dma_start3A_98 = arith.constant 64 : i32
      %dma_start3A_99 = tpu.memref_slice %arg6[%dma_start3A_97, %dma_start3A_98] : memref<8x128xi32, #tpu.memory_space<vmem>> -> memref<1x64xi32, #tpu.memory_space<vmem>>
      %dma_start3A_100 = tpu.memref_squeeze %dma_start3A_99 : memref<1x64xi32, #tpu.memory_space<vmem>> -> memref<64xi32, #tpu.memory_space<vmem>>
      %dma_start3A_101 = arith.constant 0 : i32
      %dma_start3A_102 = arith.constant 0 : i32
      %dma_start3A_103 = tpu.memref_slice %arg2[%dma_start3A_101, %dma_start3A_102] : memref<10000x128xf32, #tpu.memory_space<hbm>> -> memref<10000x128xf32, #tpu.memory_space<hbm>>
      tpu.enqueue_indirect_dma source(%dma_start3A_103 : memref<10000x128xf32, #tpu.memory_space<hbm>>) target(%arg13 : memref<64x128xf32, #tpu.memory_space<vmem>>) offsets(%dma_start3A_100 : memref<64xi32, #tpu.memory_space<vmem>>) semaphore(%arg18 : memref<!tpu.dma_semaphore, #tpu.memory_space<semaphore_mem>>)
      %dma_start3A_104 = arith.constant 0 : i32
      %dma_start3A_105 = arith.constant 64 : i32
      %dma_start3A_106 = tpu.memref_slice %arg8[%dma_start3A_104, %dma_start3A_105] : memref<8x128xi32, #tpu.memory_space<vmem>> -> memref<1x64xi32, #tpu.memory_space<vmem>>
      %dma_start3A_107 = tpu.memref_squeeze %dma_start3A_106 : memref<1x64xi32, #tpu.memory_space<vmem>> -> memref<64xi32, #tpu.memory_space<vmem>>
      %dma_start3A_108 = arith.constant 0 : i32
      %dma_start3A_109 = arith.constant 0 : i32
      %dma_start3A_110 = tpu.memref_slice %arg14[%dma_start3A_108, %dma_start3A_109] : memref<10016x128xf32, #tpu.memory_space<vmem_shared>> -> memref<10016x128xf32, #tpu.memory_space<vmem_shared>>
      tpu.enqueue_indirect_dma source(%arg11 : memref<64x128xf32, #tpu.memory_space<vmem>>) target(%dma_start3A_110 : memref<10016x128xf32, #tpu.memory_space<vmem_shared>>) offsets(%dma_start3A_107 : memref<64xi32, #tpu.memory_space<vmem>>) semaphore(%arg20 : memref<!tpu.dma_semaphore, #tpu.memory_space<semaphore_mem>>) {add = true}
      %dma_wait3A_111 = arith.constant 0 : i32
      %dma_wait3A_112 = arith.constant 0 : i32
      %dma_wait3A_113 = tpu.memref_slice %arg6[%dma_wait3A_111, %dma_wait3A_112] : memref<8x128xi32, #tpu.memory_space<vmem>> -> memref<1x64xi32, #tpu.memory_space<vmem>>
      %dma_wait3A_114 = tpu.memref_squeeze %dma_wait3A_113 : memref<1x64xi32, #tpu.memory_space<vmem>> -> memref<64xi32, #tpu.memory_space<vmem>>
      %dma_wait3A_115 = arith.constant 0 : i32
      %dma_wait3A_116 = arith.constant 0 : i32
      %dma_wait3A_117 = tpu.memref_slice %arg2[%dma_wait3A_115, %dma_wait3A_116] : memref<10000x128xf32, #tpu.memory_space<hbm>> -> memref<10000x128xf32, #tpu.memory_space<hbm>>
      tpu.wait_indirect_dma semaphore(%arg17 : memref<!tpu.dma_semaphore, #tpu.memory_space<semaphore_mem>>) src(%dma_wait3A_117 : memref<10000x128xf32, #tpu.memory_space<hbm>>) dst(%arg12 : memref<64x128xf32, #tpu.memory_space<vmem>>)
      %dma_wait3A_118 = arith.constant 0 : i32
      %dma_wait3A_119 = arith.constant 0 : i32
      %dma_wait3A_120 = tpu.memref_slice %arg8[%dma_wait3A_118, %dma_wait3A_119] : memref<8x128xi32, #tpu.memory_space<vmem>> -> memref<1x64xi32, #tpu.memory_space<vmem>>
      %dma_wait3A_121 = tpu.memref_squeeze %dma_wait3A_120 : memref<1x64xi32, #tpu.memory_space<vmem>> -> memref<64xi32, #tpu.memory_space<vmem>>
      %dma_wait3A_122 = arith.constant 0 : i32
      %dma_wait3A_123 = arith.constant 0 : i32
      %dma_wait3A_124 = tpu.memref_slice %arg14[%dma_wait3A_122, %dma_wait3A_123] : memref<10016x128xf32, #tpu.memory_space<vmem_shared>> -> memref<10016x128xf32, #tpu.memory_space<vmem_shared>>
      tpu.wait_indirect_dma semaphore(%arg19 : memref<!tpu.dma_semaphore, #tpu.memory_space<semaphore_mem>>) src(%arg10 : memref<64x128xf32, #tpu.memory_space<vmem>>) dst(%dma_wait3A_124 : memref<10016x128xf32, #tpu.memory_space<vmem_shared>>)
      %dma_start3A_125 = arith.constant 2 : i32
      %dma_start3A_126 = arith.constant 0 : i32
      %dma_start3A_127 = tpu.memref_slice %arg6[%dma_start3A_125, %dma_start3A_126] : memref<8x128xi32, #tpu.memory_space<vmem>> -> memref<1x64xi32, #tpu.memory_space<vmem>>
      %dma_start3A_128 = tpu.memref_squeeze %dma_start3A_127 : memref<1x64xi32, #tpu.memory_space<vmem>> -> memref<64xi32, #tpu.memory_space<vmem>>
      %dma_start3A_129 = arith.constant 0 : i32
      %dma_start3A_130 = arith.constant 0 : i32
      %dma_start3A_131 = tpu.memref_slice %arg2[%dma_start3A_129, %dma_start3A_130] : memref<10000x128xf32, #tpu.memory_space<hbm>> -> memref<10000x128xf32, #tpu.memory_space<hbm>>
      tpu.enqueue_indirect_dma source(%dma_start3A_131 : memref<10000x128xf32, #tpu.memory_space<hbm>>) target(%arg10 : memref<64x128xf32, #tpu.memory_space<vmem>>) offsets(%dma_start3A_128 : memref<64xi32, #tpu.memory_space<vmem>>) semaphore(%arg15 : memref<!tpu.dma_semaphore, #tpu.memory_space<semaphore_mem>>)
      %dma_start3A_132 = arith.constant 1 : i32
      %dma_start3A_133 = arith.constant 0 : i32
      %dma_start3A_134 = tpu.memref_slice %arg8[%dma_start3A_132, %dma_start3A_133] : memref<8x128xi32, #tpu.memory_space<vmem>> -> memref<1x64xi32, #tpu.memory_space<vmem>>
      %dma_start3A_135 = tpu.memref_squeeze %dma_start3A_134 : memref<1x64xi32, #tpu.memory_space<vmem>> -> memref<64xi32, #tpu.memory_space<vmem>>
      %dma_start3A_136 = arith.constant 0 : i32
      %dma_start3A_137 = arith.constant 0 : i32
      %dma_start3A_138 = tpu.memref_slice %arg14[%dma_start3A_136, %dma_start3A_137] : memref<10016x128xf32, #tpu.memory_space<vmem_shared>> -> memref<10016x128xf32, #tpu.memory_space<vmem_shared>>
      tpu.enqueue_indirect_dma source(%arg12 : memref<64x128xf32, #tpu.memory_space<vmem>>) target(%dma_start3A_138 : memref<10016x128xf32, #tpu.memory_space<vmem_shared>>) offsets(%dma_start3A_135 : memref<64xi32, #tpu.memory_space<vmem>>) semaphore(%arg21 : memref<!tpu.dma_semaphore, #tpu.memory_space<semaphore_mem>>) {add = true}
      %dma_wait3A_139 = arith.constant 0 : i32
      %dma_wait3A_140 = arith.constant 0 : i32
      %dma_wait3A_141 = tpu.memref_slice %arg6[%dma_wait3A_139, %dma_wait3A_140] : memref<8x128xi32, #tpu.memory_space<vmem>> -> memref<1x64xi32, #tpu.memory_space<vmem>>
      %dma_wait3A_142 = tpu.memref_squeeze %dma_wait3A_141 : memref<1x64xi32, #tpu.memory_space<vmem>> -> memref<64xi32, #tpu.memory_space<vmem>>
      %dma_wait3A_143 = arith.constant 0 : i32
      %dma_wait3A_144 = arith.constant 0 : i32
      %dma_wait3A_145 = tpu.memref_slice %arg2[%dma_wait3A_143, %dma_wait3A_144] : memref<10000x128xf32, #tpu.memory_space<hbm>> -> memref<10000x128xf32, #tpu.memory_space<hbm>>
      tpu.wait_indirect_dma semaphore(%arg18 : memref<!tpu.dma_semaphore, #tpu.memory_space<semaphore_mem>>) src(%dma_wait3A_145 : memref<10000x128xf32, #tpu.memory_space<hbm>>) dst(%arg13 : memref<64x128xf32, #tpu.memory_space<vmem>>)
      %dma_wait3A_146 = arith.constant 0 : i32
      %dma_wait3A_147 = arith.constant 0 : i32
      %dma_wait3A_148 = tpu.memref_slice %arg8[%dma_wait3A_146, %dma_wait3A_147] : memref<8x128xi32, #tpu.memory_space<vmem>> -> memref<1x64xi32, #tpu.memory_space<vmem>>
      %dma_wait3A_149 = tpu.memref_squeeze %dma_wait3A_148 : memref<1x64xi32, #tpu.memory_space<vmem>> -> memref<64xi32, #tpu.memory_space<vmem>>
      %dma_wait3A_150 = arith.constant 0 : i32
      %dma_wait3A_151 = arith.constant 0 : i32
      %dma_wait3A_152 = tpu.memref_slice %arg14[%dma_wait3A_150, %dma_wait3A_151] : memref<10016x128xf32, #tpu.memory_space<vmem_shared>> -> memref<10016x128xf32, #tpu.memory_space<vmem_shared>>
      tpu.wait_indirect_dma semaphore(%arg20 : memref<!tpu.dma_semaphore, #tpu.memory_space<semaphore_mem>>) src(%arg11 : memref<64x128xf32, #tpu.memory_space<vmem>>) dst(%dma_wait3A_152 : memref<10016x128xf32, #tpu.memory_space<vmem_shared>>)
      %dma_start3A_153 = arith.constant 2 : i32
      %dma_start3A_154 = arith.constant 64 : i32
      %dma_start3A_155 = tpu.memref_slice %arg6[%dma_start3A_153, %dma_start3A_154] : memref<8x128xi32, #tpu.memory_space<vmem>> -> memref<1x64xi32, #tpu.memory_space<vmem>>
      %dma_start3A_156 = tpu.memref_squeeze %dma_start3A_155 : memref<1x64xi32, #tpu.memory_space<vmem>> -> memref<64xi32, #tpu.memory_space<vmem>>
      %dma_start3A_157 = arith.constant 0 : i32
      %dma_start3A_158 = arith.constant 0 : i32
      %dma_start3A_159 = tpu.memref_slice %arg2[%dma_start3A_157, %dma_start3A_158] : memref<10000x128xf32, #tpu.memory_space<hbm>> -> memref<10000x128xf32, #tpu.memory_space<hbm>>
      tpu.enqueue_indirect_dma source(%dma_start3A_159 : memref<10000x128xf32, #tpu.memory_space<hbm>>) target(%arg11 : memref<64x128xf32, #tpu.memory_space<vmem>>) offsets(%dma_start3A_156 : memref<64xi32, #tpu.memory_space<vmem>>) semaphore(%arg16 : memref<!tpu.dma_semaphore, #tpu.memory_space<semaphore_mem>>)
      %dma_start3A_160 = arith.constant 1 : i32
      %dma_start3A_161 = arith.constant 64 : i32
      %dma_start3A_162 = tpu.memref_slice %arg8[%dma_start3A_160, %dma_start3A_161] : memref<8x128xi32, #tpu.memory_space<vmem>> -> memref<1x64xi32, #tpu.memory_space<vmem>>
      %dma_start3A_163 = tpu.memref_squeeze %dma_start3A_162 : memref<1x64xi32, #tpu.memory_space<vmem>> -> memref<64xi32, #tpu.memory_space<vmem>>
      %dma_start3A_164 = arith.constant 0 : i32
      %dma_start3A_165 = arith.constant 0 : i32
      %dma_start3A_166 = tpu.memref_slice %arg14[%dma_start3A_164, %dma_start3A_165] : memref<10016x128xf32, #tpu.memory_space<vmem_shared>> -> memref<10016x128xf32, #tpu.memory_space<vmem_shared>>
      tpu.enqueue_indirect_dma source(%arg13 : memref<64x128xf32, #tpu.memory_space<vmem>>) target(%dma_start3A_166 : memref<10016x128xf32, #tpu.memory_space<vmem_shared>>) offsets(%dma_start3A_163 : memref<64xi32, #tpu.memory_space<vmem>>) semaphore(%arg22 : memref<!tpu.dma_semaphore, #tpu.memory_space<semaphore_mem>>) {add = true}
      %dma_wait3A_167 = arith.constant 0 : i32
      %dma_wait3A_168 = arith.constant 0 : i32
      %dma_wait3A_169 = tpu.memref_slice %arg6[%dma_wait3A_167, %dma_wait3A_168] : memref<8x128xi32, #tpu.memory_space<vmem>> -> memref<1x64xi32, #tpu.memory_space<vmem>>
      %dma_wait3A_170 = tpu.memref_squeeze %dma_wait3A_169 : memref<1x64xi32, #tpu.memory_space<vmem>> -> memref<64xi32, #tpu.memory_space<vmem>>
      %dma_wait3A_171 = arith.constant 0 : i32
      %dma_wait3A_172 = arith.constant 0 : i32
      %dma_wait3A_173 = tpu.memref_slice %arg2[%dma_wait3A_171, %dma_wait3A_172] : memref<10000x128xf32, #tpu.memory_space<hbm>> -> memref<10000x128xf32, #tpu.memory_space<hbm>>
      tpu.wait_indirect_dma semaphore(%arg15 : memref<!tpu.dma_semaphore, #tpu.memory_space<semaphore_mem>>) src(%dma_wait3A_173 : memref<10000x128xf32, #tpu.memory_space<hbm>>) dst(%arg10 : memref<64x128xf32, #tpu.memory_space<vmem>>)
      %dma_wait3A_174 = arith.constant 0 : i32
      %dma_wait3A_175 = arith.constant 0 : i32
      %dma_wait3A_176 = tpu.memref_slice %arg8[%dma_wait3A_174, %dma_wait3A_175] : memref<8x128xi32, #tpu.memory_space<vmem>> -> memref<1x64xi32, #tpu.memory_space<vmem>>
      %dma_wait3A_177 = tpu.memref_squeeze %dma_wait3A_176 : memref<1x64xi32, #tpu.memory_space<vmem>> -> memref<64xi32, #tpu.memory_space<vmem>>
      %dma_wait3A_178 = arith.constant 0 : i32
      %dma_wait3A_179 = arith.constant 0 : i32
      %dma_wait3A_180 = tpu.memref_slice %arg14[%dma_wait3A_178, %dma_wait3A_179] : memref<10016x128xf32, #tpu.memory_space<vmem_shared>> -> memref<10016x128xf32, #tpu.memory_space<vmem_shared>>
      tpu.wait_indirect_dma semaphore(%arg21 : memref<!tpu.dma_semaphore, #tpu.memory_space<semaphore_mem>>) src(%arg12 : memref<64x128xf32, #tpu.memory_space<vmem>>) dst(%dma_wait3A_180 : memref<10016x128xf32, #tpu.memory_space<vmem_shared>>)
      %dma_start3A_181 = arith.constant 3 : i32
      %dma_start3A_182 = arith.constant 0 : i32
      %dma_start3A_183 = tpu.memref_slice %arg6[%dma_start3A_181, %dma_start3A_182] : memref<8x128xi32, #tpu.memory_space<vmem>> -> memref<1x64xi32, #tpu.memory_space<vmem>>
      %dma_start3A_184 = tpu.memref_squeeze %dma_start3A_183 : memref<1x64xi32, #tpu.memory_space<vmem>> -> memref<64xi32, #tpu.memory_space<vmem>>
      %dma_start3A_185 = arith.constant 0 : i32
      %dma_start3A_186 = arith.constant 0 : i32
      %dma_start3A_187 = tpu.memref_slice %arg2[%dma_start3A_185, %dma_start3A_186] : memref<10000x128xf32, #tpu.memory_space<hbm>> -> memref<10000x128xf32, #tpu.memory_space<hbm>>
      tpu.enqueue_indirect_dma source(%dma_start3A_187 : memref<10000x128xf32, #tpu.memory_space<hbm>>) target(%arg12 : memref<64x128xf32, #tpu.memory_space<vmem>>) offsets(%dma_start3A_184 : memref<64xi32, #tpu.memory_space<vmem>>) semaphore(%arg17 : memref<!tpu.dma_semaphore, #tpu.memory_space<semaphore_mem>>)
      %add3A_188 = arith.constant 1 : i32
      %add3A_189 = arith.addi %add3A_59, %add3A_188 : i32
      %lt3A_190 = arith.constant 10 : i32
      %lt3A_191 = arith.cmpi slt, %add3A_189, %lt3A_190 : i32
      %convert_element_type3A_192 = arith.extui %lt3A_191 : i1 to i32
      %cond3A_193 = arith.constant 0 : i32
      %cond3A_194 = arith.cmpi ne, %convert_element_type3A_192, %cond3A_193 : i32
      scf.if %cond3A_194 {
        %add3A_965 = arith.constant 1 : i32
        %add3A_966 = arith.addi %add3A_59, %add3A_965 : i32
        %mul3A_967 = arith.constant 8 : i32
        %mul3A_968 = arith.muli %add3A_966, %mul3A_967 : i32
        %add3A_969 = arith.addi %mul3A_8, %mul3A_968 : i32
        %mul3A_970 = arith.constant 8 : i32
        %mul3A_971 = arith.muli %add3A_966, %mul3A_970 : i32
        %add3A_972 = arith.addi %mul3A_8, %mul3A_971 : i32
        %dma_start3A_973 = arith.constant 0 : i32
        %dma_start3A_974 = tpu.memref_slice %arg3[%add3A_969, %dma_start3A_973] : memref<2560x128xi32, #tpu.memory_space<hbm>> -> memref<8x128xi32, #tpu.memory_space<hbm>>
        %dma_start3A_975 = arith.constant 0 : i32
        %dma_start3A_976 = tpu.memref_slice %arg3[%add3A_969, %dma_start3A_975] : memref<2560x128xi32, #tpu.memory_space<hbm>> -> memref<8x128xi32, #tpu.memory_space<hbm>>
        tpu.enqueue_dma source(%dma_start3A_976 : memref<8x128xi32, #tpu.memory_space<hbm>>) target(%arg7 : memref<8x128xi32, #tpu.memory_space<vmem>>) target_semaphore(%arg24 : memref<!tpu.dma_semaphore, #tpu.memory_space<semaphore_mem>>)
        %dma_start3A_977 = arith.constant 0 : i32
        %dma_start3A_978 = tpu.memref_slice %arg4[%add3A_972, %dma_start3A_977] : memref<2560x128xi32, #tpu.memory_space<hbm>> -> memref<8x128xi32, #tpu.memory_space<hbm>>
        %dma_start3A_979 = arith.constant 0 : i32
        %dma_start3A_980 = tpu.memref_slice %arg4[%add3A_972, %dma_start3A_979] : memref<2560x128xi32, #tpu.memory_space<hbm>> -> memref<8x128xi32, #tpu.memory_space<hbm>>
        tpu.enqueue_dma source(%dma_start3A_980 : memref<8x128xi32, #tpu.memory_space<hbm>>) target(%arg9 : memref<8x128xi32, #tpu.memory_space<vmem>>) target_semaphore(%arg26 : memref<!tpu.dma_semaphore, #tpu.memory_space<semaphore_mem>>)
      } else {
      }
      %dma_start3A_195 = arith.constant 2 : i32
      %dma_start3A_196 = arith.constant 0 : i32
      %dma_start3A_197 = tpu.memref_slice %arg8[%dma_start3A_195, %dma_start3A_196] : memref<8x128xi32, #tpu.memory_space<vmem>> -> memref<1x64xi32, #tpu.memory_space<vmem>>
      %dma_start3A_198 = tpu.memref_squeeze %dma_start3A_197 : memref<1x64xi32, #tpu.memory_space<vmem>> -> memref<64xi32, #tpu.memory_space<vmem>>
      %dma_start3A_199 = arith.constant 0 : i32
      %dma_start3A_200 = arith.constant 0 : i32
      %dma_start3A_201 = tpu.memref_slice %arg14[%dma_start3A_199, %dma_start3A_200] : memref<10016x128xf32, #tpu.memory_space<vmem_shared>> -> memref<10016x128xf32, #tpu.memory_space<vmem_shared>>
      tpu.enqueue_indirect_dma source(%arg10 : memref<64x128xf32, #tpu.memory_space<vmem>>) target(%dma_start3A_201 : memref<10016x128xf32, #tpu.memory_space<vmem_shared>>) offsets(%dma_start3A_198 : memref<64xi32, #tpu.memory_space<vmem>>) semaphore(%arg19 : memref<!tpu.dma_semaphore, #tpu.memory_space<semaphore_mem>>) {add = true}
      %dma_wait3A_202 = arith.constant 0 : i32
      %dma_wait3A_203 = arith.constant 0 : i32
      %dma_wait3A_204 = tpu.memref_slice %arg6[%dma_wait3A_202, %dma_wait3A_203] : memref<8x128xi32, #tpu.memory_space<vmem>> -> memref<1x64xi32, #tpu.memory_space<vmem>>
      %dma_wait3A_205 = tpu.memref_squeeze %dma_wait3A_204 : memref<1x64xi32, #tpu.memory_space<vmem>> -> memref<64xi32, #tpu.memory_space<vmem>>
      %dma_wait3A_206 = arith.constant 0 : i32
      %dma_wait3A_207 = arith.constant 0 : i32
      %dma_wait3A_208 = tpu.memref_slice %arg2[%dma_wait3A_206, %dma_wait3A_207] : memref<10000x128xf32, #tpu.memory_space<hbm>> -> memref<10000x128xf32, #tpu.memory_space<hbm>>
      tpu.wait_indirect_dma semaphore(%arg16 : memref<!tpu.dma_semaphore, #tpu.memory_space<semaphore_mem>>) src(%dma_wait3A_208 : memref<10000x128xf32, #tpu.memory_space<hbm>>) dst(%arg11 : memref<64x128xf32, #tpu.memory_space<vmem>>)
      %dma_wait3A_209 = arith.constant 0 : i32
      %dma_wait3A_210 = arith.constant 0 : i32
      %dma_wait3A_211 = tpu.memref_slice %arg8[%dma_wait3A_209, %dma_wait3A_210] : memref<8x128xi32, #tpu.memory_space<vmem>> -> memref<1x64xi32, #tpu.memory_space<vmem>>
      %dma_wait3A_212 = tpu.memref_squeeze %dma_wait3A_211 : memref<1x64xi32, #tpu.memory_space<vmem>> -> memref<64xi32, #tpu.memory_space<vmem>>
      %dma_wait3A_213 = arith.constant 0 : i32
      %dma_wait3A_214 = arith.constant 0 : i32
      %dma_wait3A_215 = tpu.memref_slice %arg14[%dma_wait3A_213, %dma_wait3A_214] : memref<10016x128xf32, #tpu.memory_space<vmem_shared>> -> memref<10016x128xf32, #tpu.memory_space<vmem_shared>>
      tpu.wait_indirect_dma semaphore(%arg22 : memref<!tpu.dma_semaphore, #tpu.memory_space<semaphore_mem>>) src(%arg13 : memref<64x128xf32, #tpu.memory_space<vmem>>) dst(%dma_wait3A_215 : memref<10016x128xf32, #tpu.memory_space<vmem_shared>>)
      %dma_start3A_216 = arith.constant 3 : i32
      %dma_start3A_217 = arith.constant 64 : i32
      %dma_start3A_218 = tpu.memref_slice %arg6[%dma_start3A_216, %dma_start3A_217] : memref<8x128xi32, #tpu.memory_space<vmem>> -> memref<1x64xi32, #tpu.memory_space<vmem>>
      %dma_start3A_219 = tpu.memref_squeeze %dma_start3A_218 : memref<1x64xi32, #tpu.memory_space<vmem>> -> memref<64xi32, #tpu.memory_space<vmem>>
      %dma_start3A_220 = arith.constant 0 : i32
      %dma_start3A_221 = arith.constant 0 : i32
      %dma_start3A_222 = tpu.memref_slice %arg2[%dma_start3A_220, %dma_start3A_221] : memref<10000x128xf32, #tpu.memory_space<hbm>> -> memref<10000x128xf32, #tpu.memory_space<hbm>>
      tpu.enqueue_indirect_dma source(%dma_start3A_222 : memref<10000x128xf32, #tpu.memory_space<hbm>>) target(%arg13 : memref<64x128xf32, #tpu.memory_space<vmem>>) offsets(%dma_start3A_219 : memref<64xi32, #tpu.memory_space<vmem>>) semaphore(%arg18 : memref<!tpu.dma_semaphore, #tpu.memory_space<semaphore_mem>>)
      %dma_start3A_223 = arith.constant 2 : i32
      %dma_start3A_224 = arith.constant 64 : i32
      %dma_start3A_225 = tpu.memref_slice %arg8[%dma_start3A_223, %dma_start3A_224] : memref<8x128xi32, #tpu.memory_space<vmem>> -> memref<1x64xi32, #tpu.memory_space<vmem>>
      %dma_start3A_226 = tpu.memref_squeeze %dma_start3A_225 : memref<1x64xi32, #tpu.memory_space<vmem>> -> memref<64xi32, #tpu.memory_space<vmem>>
      %dma_start3A_227 = arith.constant 0 : i32
      %dma_start3A_228 = arith.constant 0 : i32
      %dma_start3A_229 = tpu.memref_slice %arg14[%dma_start3A_227, %dma_start3A_228] : memref<10016x128xf32, #tpu.memory_space<vmem_shared>> -> memref<10016x128xf32, #tpu.memory_space<vmem_shared>>
      tpu.enqueue_indirect_dma source(%arg11 : memref<64x128xf32, #tpu.memory_space<vmem>>) target(%dma_start3A_229 : memref<10016x128xf32, #tpu.memory_space<vmem_shared>>) offsets(%dma_start3A_226 : memref<64xi32, #tpu.memory_space<vmem>>) semaphore(%arg20 : memref<!tpu.dma_semaphore, #tpu.memory_space<semaphore_mem>>) {add = true}
      %dma_wait3A_230 = arith.constant 0 : i32
      %dma_wait3A_231 = arith.constant 0 : i32
      %dma_wait3A_232 = tpu.memref_slice %arg6[%dma_wait3A_230, %dma_wait3A_231] : memref<8x128xi32, #tpu.memory_space<vmem>> -> memref<1x64xi32, #tpu.memory_space<vmem>>
      %dma_wait3A_233 = tpu.memref_squeeze %dma_wait3A_232 : memref<1x64xi32, #tpu.memory_space<vmem>> -> memref<64xi32, #tpu.memory_space<vmem>>
      %dma_wait3A_234 = arith.constant 0 : i32
      %dma_wait3A_235 = arith.constant 0 : i32
      %dma_wait3A_236 = tpu.memref_slice %arg2[%dma_wait3A_234, %dma_wait3A_235] : memref<10000x128xf32, #tpu.memory_space<hbm>> -> memref<10000x128xf32, #tpu.memory_space<hbm>>
      tpu.wait_indirect_dma semaphore(%arg17 : memref<!tpu.dma_semaphore, #tpu.memory_space<semaphore_mem>>) src(%dma_wait3A_236 : memref<10000x128xf32, #tpu.memory_space<hbm>>) dst(%arg12 : memref<64x128xf32, #tpu.memory_space<vmem>>)
      %dma_wait3A_237 = arith.constant 0 : i32
      %dma_wait3A_238 = arith.constant 0 : i32
      %dma_wait3A_239 = tpu.memref_slice %arg8[%dma_wait3A_237, %dma_wait3A_238] : memref<8x128xi32, #tpu.memory_space<vmem>> -> memref<1x64xi32, #tpu.memory_space<vmem>>
      %dma_wait3A_240 = tpu.memref_squeeze %dma_wait3A_239 : memref<1x64xi32, #tpu.memory_space<vmem>> -> memref<64xi32, #tpu.memory_space<vmem>>
      %dma_wait3A_241 = arith.constant 0 : i32
      %dma_wait3A_242 = arith.constant 0 : i32
      %dma_wait3A_243 = tpu.memref_slice %arg14[%dma_wait3A_241, %dma_wait3A_242] : memref<10016x128xf32, #tpu.memory_space<vmem_shared>> -> memref<10016x128xf32, #tpu.memory_space<vmem_shared>>
      tpu.wait_indirect_dma semaphore(%arg19 : memref<!tpu.dma_semaphore, #tpu.memory_space<semaphore_mem>>) src(%arg10 : memref<64x128xf32, #tpu.memory_space<vmem>>) dst(%dma_wait3A_243 : memref<10016x128xf32, #tpu.memory_space<vmem_shared>>)
      %dma_start3A_244 = arith.constant 4 : i32
      %dma_start3A_245 = arith.constant 0 : i32
      %dma_start3A_246 = tpu.memref_slice %arg6[%dma_start3A_244, %dma_start3A_245] : memref<8x128xi32, #tpu.memory_space<vmem>> -> memref<1x64xi32, #tpu.memory_space<vmem>>
      %dma_start3A_247 = tpu.memref_squeeze %dma_start3A_246 : memref<1x64xi32, #tpu.memory_space<vmem>> -> memref<64xi32, #tpu.memory_space<vmem>>
      %dma_start3A_248 = arith.constant 0 : i32
      %dma_start3A_249 = arith.constant 0 : i32
      %dma_start3A_250 = tpu.memref_slice %arg2[%dma_start3A_248, %dma_start3A_249] : memref<10000x128xf32, #tpu.memory_space<hbm>> -> memref<10000x128xf32, #tpu.memory_space<hbm>>
      tpu.enqueue_indirect_dma source(%dma_start3A_250 : memref<10000x128xf32, #tpu.memory_space<hbm>>) target(%arg10 : memref<64x128xf32, #tpu.memory_space<vmem>>) offsets(%dma_start3A_247 : memref<64xi32, #tpu.memory_space<vmem>>) semaphore(%arg15 : memref<!tpu.dma_semaphore, #tpu.memory_space<semaphore_mem>>)
      %dma_start3A_251 = arith.constant 3 : i32
      %dma_start3A_252 = arith.constant 0 : i32
      %dma_start3A_253 = tpu.memref_slice %arg8[%dma_start3A_251, %dma_start3A_252] : memref<8x128xi32, #tpu.memory_space<vmem>> -> memref<1x64xi32, #tpu.memory_space<vmem>>
      %dma_start3A_254 = tpu.memref_squeeze %dma_start3A_253 : memref<1x64xi32, #tpu.memory_space<vmem>> -> memref<64xi32, #tpu.memory_space<vmem>>
      %dma_start3A_255 = arith.constant 0 : i32
      %dma_start3A_256 = arith.constant 0 : i32
      %dma_start3A_257 = tpu.memref_slice %arg14[%dma_start3A_255, %dma_start3A_256] : memref<10016x128xf32, #tpu.memory_space<vmem_shared>> -> memref<10016x128xf32, #tpu.memory_space<vmem_shared>>
      tpu.enqueue_indirect_dma source(%arg12 : memref<64x128xf32, #tpu.memory_space<vmem>>) target(%dma_start3A_257 : memref<10016x128xf32, #tpu.memory_space<vmem_shared>>) offsets(%dma_start3A_254 : memref<64xi32, #tpu.memory_space<vmem>>) semaphore(%arg21 : memref<!tpu.dma_semaphore, #tpu.memory_space<semaphore_mem>>) {add = true}
      %dma_wait3A_258 = arith.constant 0 : i32
      %dma_wait3A_259 = arith.constant 0 : i32
      %dma_wait3A_260 = tpu.memref_slice %arg6[%dma_wait3A_258, %dma_wait3A_259] : memref<8x128xi32, #tpu.memory_space<vmem>> -> memref<1x64xi32, #tpu.memory_space<vmem>>
      %dma_wait3A_261 = tpu.memref_squeeze %dma_wait3A_260 : memref<1x64xi32, #tpu.memory_space<vmem>> -> memref<64xi32, #tpu.memory_space<vmem>>
      %dma_wait3A_262 = arith.constant 0 : i32
      %dma_wait3A_263 = arith.constant 0 : i32
      %dma_wait3A_264 = tpu.memref_slice %arg2[%dma_wait3A_262, %dma_wait3A_263] : memref<10000x128xf32, #tpu.memory_space<hbm>> -> memref<10000x128xf32, #tpu.memory_space<hbm>>
      tpu.wait_indirect_dma semaphore(%arg18 : memref<!tpu.dma_semaphore, #tpu.memory_space<semaphore_mem>>) src(%dma_wait3A_264 : memref<10000x128xf32, #tpu.memory_space<hbm>>) dst(%arg13 : memref<64x128xf32, #tpu.memory_space<vmem>>)
      %dma_wait3A_265 = arith.constant 0 : i32
      %dma_wait3A_266 = arith.constant 0 : i32
      %dma_wait3A_267 = tpu.memref_slice %arg8[%dma_wait3A_265, %dma_wait3A_266] : memref<8x128xi32, #tpu.memory_space<vmem>> -> memref<1x64xi32, #tpu.memory_space<vmem>>
      %dma_wait3A_268 = tpu.memref_squeeze %dma_wait3A_267 : memref<1x64xi32, #tpu.memory_space<vmem>> -> memref<64xi32, #tpu.memory_space<vmem>>
      %dma_wait3A_269 = arith.constant 0 : i32
      %dma_wait3A_270 = arith.constant 0 : i32
      %dma_wait3A_271 = tpu.memref_slice %arg14[%dma_wait3A_269, %dma_wait3A_270] : memref<10016x128xf32, #tpu.memory_space<vmem_shared>> -> memref<10016x128xf32, #tpu.memory_space<vmem_shared>>
      tpu.wait_indirect_dma semaphore(%arg20 : memref<!tpu.dma_semaphore, #tpu.memory_space<semaphore_mem>>) src(%arg11 : memref<64x128xf32, #tpu.memory_space<vmem>>) dst(%dma_wait3A_271 : memref<10016x128xf32, #tpu.memory_space<vmem_shared>>)
      %dma_start3A_272 = arith.constant 4 : i32
      %dma_start3A_273 = arith.constant 64 : i32
      %dma_start3A_274 = tpu.memref_slice %arg6[%dma_start3A_272, %dma_start3A_273] : memref<8x128xi32, #tpu.memory_space<vmem>> -> memref<1x64xi32, #tpu.memory_space<vmem>>
      %dma_start3A_275 = tpu.memref_squeeze %dma_start3A_274 : memref<1x64xi32, #tpu.memory_space<vmem>> -> memref<64xi32, #tpu.memory_space<vmem>>
      %dma_start3A_276 = arith.constant 0 : i32
      %dma_start3A_277 = arith.constant 0 : i32
      %dma_start3A_278 = tpu.memref_slice %arg2[%dma_start3A_276, %dma_start3A_277] : memref<10000x128xf32, #tpu.memory_space<hbm>> -> memref<10000x128xf32, #tpu.memory_space<hbm>>
      tpu.enqueue_indirect_dma source(%dma_start3A_278 : memref<10000x128xf32, #tpu.memory_space<hbm>>) target(%arg11 : memref<64x128xf32, #tpu.memory_space<vmem>>) offsets(%dma_start3A_275 : memref<64xi32, #tpu.memory_space<vmem>>) semaphore(%arg16 : memref<!tpu.dma_semaphore, #tpu.memory_space<semaphore_mem>>)
      %dma_start3A_279 = arith.constant 3 : i32
      %dma_start3A_280 = arith.constant 64 : i32
      %dma_start3A_281 = tpu.memref_slice %arg8[%dma_start3A_279, %dma_start3A_280] : memref<8x128xi32, #tpu.memory_space<vmem>> -> memref<1x64xi32, #tpu.memory_space<vmem>>
      %dma_start3A_282 = tpu.memref_squeeze %dma_start3A_281 : memref<1x64xi32, #tpu.memory_space<vmem>> -> memref<64xi32, #tpu.memory_space<vmem>>
      %dma_start3A_283 = arith.constant 0 : i32
      %dma_start3A_284 = arith.constant 0 : i32
      %dma_start3A_285 = tpu.memref_slice %arg14[%dma_start3A_283, %dma_start3A_284] : memref<10016x128xf32, #tpu.memory_space<vmem_shared>> -> memref<10016x128xf32, #tpu.memory_space<vmem_shared>>
      tpu.enqueue_indirect_dma source(%arg13 : memref<64x128xf32, #tpu.memory_space<vmem>>) target(%dma_start3A_285 : memref<10016x128xf32, #tpu.memory_space<vmem_shared>>) offsets(%dma_start3A_282 : memref<64xi32, #tpu.memory_space<vmem>>) semaphore(%arg22 : memref<!tpu.dma_semaphore, #tpu.memory_space<semaphore_mem>>) {add = true}
      %dma_wait3A_286 = arith.constant 0 : i32
      %dma_wait3A_287 = arith.constant 0 : i32
      %dma_wait3A_288 = tpu.memref_slice %arg6[%dma_wait3A_286, %dma_wait3A_287] : memref<8x128xi32, #tpu.memory_space<vmem>> -> memref<1x64xi32, #tpu.memory_space<vmem>>
      %dma_wait3A_289 = tpu.memref_squeeze %dma_wait3A_288 : memref<1x64xi32, #tpu.memory_space<vmem>> -> memref<64xi32, #tpu.memory_space<vmem>>
      %dma_wait3A_290 = arith.constant 0 : i32
      %dma_wait3A_291 = arith.constant 0 : i32
      %dma_wait3A_292 = tpu.memref_slice %arg2[%dma_wait3A_290, %dma_wait3A_291] : memref<10000x128xf32, #tpu.memory_space<hbm>> -> memref<10000x128xf32, #tpu.memory_space<hbm>>
      tpu.wait_indirect_dma semaphore(%arg15 : memref<!tpu.dma_semaphore, #tpu.memory_space<semaphore_mem>>) src(%dma_wait3A_292 : memref<10000x128xf32, #tpu.memory_space<hbm>>) dst(%arg10 : memref<64x128xf32, #tpu.memory_space<vmem>>)
      %dma_wait3A_293 = arith.constant 0 : i32
      %dma_wait3A_294 = arith.constant 0 : i32
      %dma_wait3A_295 = tpu.memref_slice %arg8[%dma_wait3A_293, %dma_wait3A_294] : memref<8x128xi32, #tpu.memory_space<vmem>> -> memref<1x64xi32, #tpu.memory_space<vmem>>
      %dma_wait3A_296 = tpu.memref_squeeze %dma_wait3A_295 : memref<1x64xi32, #tpu.memory_space<vmem>> -> memref<64xi32, #tpu.memory_space<vmem>>
      %dma_wait3A_297 = arith.constant 0 : i32
      %dma_wait3A_298 = arith.constant 0 : i32
      %dma_wait3A_299 = tpu.memref_slice %arg14[%dma_wait3A_297, %dma_wait3A_298] : memref<10016x128xf32, #tpu.memory_space<vmem_shared>> -> memref<10016x128xf32, #tpu.memory_space<vmem_shared>>
      tpu.wait_indirect_dma semaphore(%arg21 : memref<!tpu.dma_semaphore, #tpu.memory_space<semaphore_mem>>) src(%arg12 : memref<64x128xf32, #tpu.memory_space<vmem>>) dst(%dma_wait3A_299 : memref<10016x128xf32, #tpu.memory_space<vmem_shared>>)
      %dma_start3A_300 = arith.constant 5 : i32
      %dma_start3A_301 = arith.constant 0 : i32
      %dma_start3A_302 = tpu.memref_slice %arg6[%dma_start3A_300, %dma_start3A_301] : memref<8x128xi32, #tpu.memory_space<vmem>> -> memref<1x64xi32, #tpu.memory_space<vmem>>
      %dma_start3A_303 = tpu.memref_squeeze %dma_start3A_302 : memref<1x64xi32, #tpu.memory_space<vmem>> -> memref<64xi32, #tpu.memory_space<vmem>>
      %dma_start3A_304 = arith.constant 0 : i32
      %dma_start3A_305 = arith.constant 0 : i32
      %dma_start3A_306 = tpu.memref_slice %arg2[%dma_start3A_304, %dma_start3A_305] : memref<10000x128xf32, #tpu.memory_space<hbm>> -> memref<10000x128xf32, #tpu.memory_space<hbm>>
      tpu.enqueue_indirect_dma source(%dma_start3A_306 : memref<10000x128xf32, #tpu.memory_space<hbm>>) target(%arg12 : memref<64x128xf32, #tpu.memory_space<vmem>>) offsets(%dma_start3A_303 : memref<64xi32, #tpu.memory_space<vmem>>) semaphore(%arg17 : memref<!tpu.dma_semaphore, #tpu.memory_space<semaphore_mem>>)
      %dma_start3A_307 = arith.constant 4 : i32
      %dma_start3A_308 = arith.constant 0 : i32
      %dma_start3A_309 = tpu.memref_slice %arg8[%dma_start3A_307, %dma_start3A_308] : memref<8x128xi32, #tpu.memory_space<vmem>> -> memref<1x64xi32, #tpu.memory_space<vmem>>
      %dma_start3A_310 = tpu.memref_squeeze %dma_start3A_309 : memref<1x64xi32, #tpu.memory_space<vmem>> -> memref<64xi32, #tpu.memory_space<vmem>>
      %dma_start3A_311 = arith.constant 0 : i32
      %dma_start3A_312 = arith.constant 0 : i32
      %dma_start3A_313 = tpu.memref_slice %arg14[%dma_start3A_311, %dma_start3A_312] : memref<10016x128xf32, #tpu.memory_space<vmem_shared>> -> memref<10016x128xf32, #tpu.memory_space<vmem_shared>>
      tpu.enqueue_indirect_dma source(%arg10 : memref<64x128xf32, #tpu.memory_space<vmem>>) target(%dma_start3A_313 : memref<10016x128xf32, #tpu.memory_space<vmem_shared>>) offsets(%dma_start3A_310 : memref<64xi32, #tpu.memory_space<vmem>>) semaphore(%arg19 : memref<!tpu.dma_semaphore, #tpu.memory_space<semaphore_mem>>) {add = true}
      %dma_wait3A_314 = arith.constant 0 : i32
      %dma_wait3A_315 = arith.constant 0 : i32
      %dma_wait3A_316 = tpu.memref_slice %arg6[%dma_wait3A_314, %dma_wait3A_315] : memref<8x128xi32, #tpu.memory_space<vmem>> -> memref<1x64xi32, #tpu.memory_space<vmem>>
      %dma_wait3A_317 = tpu.memref_squeeze %dma_wait3A_316 : memref<1x64xi32, #tpu.memory_space<vmem>> -> memref<64xi32, #tpu.memory_space<vmem>>
      %dma_wait3A_318 = arith.constant 0 : i32
      %dma_wait3A_319 = arith.constant 0 : i32
      %dma_wait3A_320 = tpu.memref_slice %arg2[%dma_wait3A_318, %dma_wait3A_319] : memref<10000x128xf32, #tpu.memory_space<hbm>> -> memref<10000x128xf32, #tpu.memory_space<hbm>>
      tpu.wait_indirect_dma semaphore(%arg16 : memref<!tpu.dma_semaphore, #tpu.memory_space<semaphore_mem>>) src(%dma_wait3A_320 : memref<10000x128xf32, #tpu.memory_space<hbm>>) dst(%arg11 : memref<64x128xf32, #tpu.memory_space<vmem>>)
      %dma_wait3A_321 = arith.constant 0 : i32
      %dma_wait3A_322 = arith.constant 0 : i32
      %dma_wait3A_323 = tpu.memref_slice %arg8[%dma_wait3A_321, %dma_wait3A_322] : memref<8x128xi32, #tpu.memory_space<vmem>> -> memref<1x64xi32, #tpu.memory_space<vmem>>
      %dma_wait3A_324 = tpu.memref_squeeze %dma_wait3A_323 : memref<1x64xi32, #tpu.memory_space<vmem>> -> memref<64xi32, #tpu.memory_space<vmem>>
      %dma_wait3A_325 = arith.constant 0 : i32
      %dma_wait3A_326 = arith.constant 0 : i32
      %dma_wait3A_327 = tpu.memref_slice %arg14[%dma_wait3A_325, %dma_wait3A_326] : memref<10016x128xf32, #tpu.memory_space<vmem_shared>> -> memref<10016x128xf32, #tpu.memory_space<vmem_shared>>
      tpu.wait_indirect_dma semaphore(%arg22 : memref<!tpu.dma_semaphore, #tpu.memory_space<semaphore_mem>>) src(%arg13 : memref<64x128xf32, #tpu.memory_space<vmem>>) dst(%dma_wait3A_327 : memref<10016x128xf32, #tpu.memory_space<vmem_shared>>)
      %dma_start3A_328 = arith.constant 5 : i32
      %dma_start3A_329 = arith.constant 64 : i32
      %dma_start3A_330 = tpu.memref_slice %arg6[%dma_start3A_328, %dma_start3A_329] : memref<8x128xi32, #tpu.memory_space<vmem>> -> memref<1x64xi32, #tpu.memory_space<vmem>>
      %dma_start3A_331 = tpu.memref_squeeze %dma_start3A_330 : memref<1x64xi32, #tpu.memory_space<vmem>> -> memref<64xi32, #tpu.memory_space<vmem>>
      %dma_start3A_332 = arith.constant 0 : i32
      %dma_start3A_333 = arith.constant 0 : i32
      %dma_start3A_334 = tpu.memref_slice %arg2[%dma_start3A_332, %dma_start3A_333] : memref<10000x128xf32, #tpu.memory_space<hbm>> -> memref<10000x128xf32, #tpu.memory_space<hbm>>
      tpu.enqueue_indirect_dma source(%dma_start3A_334 : memref<10000x128xf32, #tpu.memory_space<hbm>>) target(%arg13 : memref<64x128xf32, #tpu.memory_space<vmem>>) offsets(%dma_start3A_331 : memref<64xi32, #tpu.memory_space<vmem>>) semaphore(%arg18 : memref<!tpu.dma_semaphore, #tpu.memory_space<semaphore_mem>>)
      %dma_start3A_335 = arith.constant 4 : i32
      %dma_start3A_336 = arith.constant 64 : i32
      %dma_start3A_337 = tpu.memref_slice %arg8[%dma_start3A_335, %dma_start3A_336] : memref<8x128xi32, #tpu.memory_space<vmem>> -> memref<1x64xi32, #tpu.memory_space<vmem>>
      %dma_start3A_338 = tpu.memref_squeeze %dma_start3A_337 : memref<1x64xi32, #tpu.memory_space<vmem>> -> memref<64xi32, #tpu.memory_space<vmem>>
      %dma_start3A_339 = arith.constant 0 : i32
      %dma_start3A_340 = arith.constant 0 : i32
      %dma_start3A_341 = tpu.memref_slice %arg14[%dma_start3A_339, %dma_start3A_340] : memref<10016x128xf32, #tpu.memory_space<vmem_shared>> -> memref<10016x128xf32, #tpu.memory_space<vmem_shared>>
      tpu.enqueue_indirect_dma source(%arg11 : memref<64x128xf32, #tpu.memory_space<vmem>>) target(%dma_start3A_341 : memref<10016x128xf32, #tpu.memory_space<vmem_shared>>) offsets(%dma_start3A_338 : memref<64xi32, #tpu.memory_space<vmem>>) semaphore(%arg20 : memref<!tpu.dma_semaphore, #tpu.memory_space<semaphore_mem>>) {add = true}
      %dma_wait3A_342 = arith.constant 0 : i32
      %dma_wait3A_343 = arith.constant 0 : i32
      %dma_wait3A_344 = tpu.memref_slice %arg6[%dma_wait3A_342, %dma_wait3A_343] : memref<8x128xi32, #tpu.memory_space<vmem>> -> memref<1x64xi32, #tpu.memory_space<vmem>>
      %dma_wait3A_345 = tpu.memref_squeeze %dma_wait3A_344 : memref<1x64xi32, #tpu.memory_space<vmem>> -> memref<64xi32, #tpu.memory_space<vmem>>
      %dma_wait3A_346 = arith.constant 0 : i32
      %dma_wait3A_347 = arith.constant 0 : i32
      %dma_wait3A_348 = tpu.memref_slice %arg2[%dma_wait3A_346, %dma_wait3A_347] : memref<10000x128xf32, #tpu.memory_space<hbm>> -> memref<10000x128xf32, #tpu.memory_space<hbm>>
      tpu.wait_indirect_dma semaphore(%arg17 : memref<!tpu.dma_semaphore, #tpu.memory_space<semaphore_mem>>) src(%dma_wait3A_348 : memref<10000x128xf32, #tpu.memory_space<hbm>>) dst(%arg12 : memref<64x128xf32, #tpu.memory_space<vmem>>)
      %dma_wait3A_349 = arith.constant 0 : i32
      %dma_wait3A_350 = arith.constant 0 : i32
      %dma_wait3A_351 = tpu.memref_slice %arg8[%dma_wait3A_349, %dma_wait3A_350] : memref<8x128xi32, #tpu.memory_space<vmem>> -> memref<1x64xi32, #tpu.memory_space<vmem>>
      %dma_wait3A_352 = tpu.memref_squeeze %dma_wait3A_351 : memref<1x64xi32, #tpu.memory_space<vmem>> -> memref<64xi32, #tpu.memory_space<vmem>>
      %dma_wait3A_353 = arith.constant 0 : i32
      %dma_wait3A_354 = arith.constant 0 : i32
      %dma_wait3A_355 = tpu.memref_slice %arg14[%dma_wait3A_353, %dma_wait3A_354] : memref<10016x128xf32, #tpu.memory_space<vmem_shared>> -> memref<10016x128xf32, #tpu.memory_space<vmem_shared>>
      tpu.wait_indirect_dma semaphore(%arg19 : memref<!tpu.dma_semaphore, #tpu.memory_space<semaphore_mem>>) src(%arg10 : memref<64x128xf32, #tpu.memory_space<vmem>>) dst(%dma_wait3A_355 : memref<10016x128xf32, #tpu.memory_space<vmem_shared>>)
      %dma_start3A_356 = arith.constant 6 : i32
      %dma_start3A_357 = arith.constant 0 : i32
      %dma_start3A_358 = tpu.memref_slice %arg6[%dma_start3A_356, %dma_start3A_357] : memref<8x128xi32, #tpu.memory_space<vmem>> -> memref<1x64xi32, #tpu.memory_space<vmem>>
      %dma_start3A_359 = tpu.memref_squeeze %dma_start3A_358 : memref<1x64xi32, #tpu.memory_space<vmem>> -> memref<64xi32, #tpu.memory_space<vmem>>
      %dma_start3A_360 = arith.constant 0 : i32
      %dma_start3A_361 = arith.constant 0 : i32
      %dma_start3A_362 = tpu.memref_slice %arg2[%dma_start3A_360, %dma_start3A_361] : memref<10000x128xf32, #tpu.memory_space<hbm>> -> memref<10000x128xf32, #tpu.memory_space<hbm>>
      tpu.enqueue_indirect_dma source(%dma_start3A_362 : memref<10000x128xf32, #tpu.memory_space<hbm>>) target(%arg10 : memref<64x128xf32, #tpu.memory_space<vmem>>) offsets(%dma_start3A_359 : memref<64xi32, #tpu.memory_space<vmem>>) semaphore(%arg15 : memref<!tpu.dma_semaphore, #tpu.memory_space<semaphore_mem>>)
      %dma_start3A_363 = arith.constant 5 : i32
      %dma_start3A_364 = arith.constant 0 : i32
      %dma_start3A_365 = tpu.memref_slice %arg8[%dma_start3A_363, %dma_start3A_364] : memref<8x128xi32, #tpu.memory_space<vmem>> -> memref<1x64xi32, #tpu.memory_space<vmem>>
      %dma_start3A_366 = tpu.memref_squeeze %dma_start3A_365 : memref<1x64xi32, #tpu.memory_space<vmem>> -> memref<64xi32, #tpu.memory_space<vmem>>
      %dma_start3A_367 = arith.constant 0 : i32
      %dma_start3A_368 = arith.constant 0 : i32
      %dma_start3A_369 = tpu.memref_slice %arg14[%dma_start3A_367, %dma_start3A_368] : memref<10016x128xf32, #tpu.memory_space<vmem_shared>> -> memref<10016x128xf32, #tpu.memory_space<vmem_shared>>
      tpu.enqueue_indirect_dma source(%arg12 : memref<64x128xf32, #tpu.memory_space<vmem>>) target(%dma_start3A_369 : memref<10016x128xf32, #tpu.memory_space<vmem_shared>>) offsets(%dma_start3A_366 : memref<64xi32, #tpu.memory_space<vmem>>) semaphore(%arg21 : memref<!tpu.dma_semaphore, #tpu.memory_space<semaphore_mem>>) {add = true}
      %dma_wait3A_370 = arith.constant 0 : i32
      %dma_wait3A_371 = arith.constant 0 : i32
      %dma_wait3A_372 = tpu.memref_slice %arg6[%dma_wait3A_370, %dma_wait3A_371] : memref<8x128xi32, #tpu.memory_space<vmem>> -> memref<1x64xi32, #tpu.memory_space<vmem>>
      %dma_wait3A_373 = tpu.memref_squeeze %dma_wait3A_372 : memref<1x64xi32, #tpu.memory_space<vmem>> -> memref<64xi32, #tpu.memory_space<vmem>>
      %dma_wait3A_374 = arith.constant 0 : i32
      %dma_wait3A_375 = arith.constant 0 : i32
      %dma_wait3A_376 = tpu.memref_slice %arg2[%dma_wait3A_374, %dma_wait3A_375] : memref<10000x128xf32, #tpu.memory_space<hbm>> -> memref<10000x128xf32, #tpu.memory_space<hbm>>
      tpu.wait_indirect_dma semaphore(%arg18 : memref<!tpu.dma_semaphore, #tpu.memory_space<semaphore_mem>>) src(%dma_wait3A_376 : memref<10000x128xf32, #tpu.memory_space<hbm>>) dst(%arg13 : memref<64x128xf32, #tpu.memory_space<vmem>>)
      %dma_wait3A_377 = arith.constant 0 : i32
      %dma_wait3A_378 = arith.constant 0 : i32
      %dma_wait3A_379 = tpu.memref_slice %arg8[%dma_wait3A_377, %dma_wait3A_378] : memref<8x128xi32, #tpu.memory_space<vmem>> -> memref<1x64xi32, #tpu.memory_space<vmem>>
      %dma_wait3A_380 = tpu.memref_squeeze %dma_wait3A_379 : memref<1x64xi32, #tpu.memory_space<vmem>> -> memref<64xi32, #tpu.memory_space<vmem>>
      %dma_wait3A_381 = arith.constant 0 : i32
      %dma_wait3A_382 = arith.constant 0 : i32
      %dma_wait3A_383 = tpu.memref_slice %arg14[%dma_wait3A_381, %dma_wait3A_382] : memref<10016x128xf32, #tpu.memory_space<vmem_shared>> -> memref<10016x128xf32, #tpu.memory_space<vmem_shared>>
      tpu.wait_indirect_dma semaphore(%arg20 : memref<!tpu.dma_semaphore, #tpu.memory_space<semaphore_mem>>) src(%arg11 : memref<64x128xf32, #tpu.memory_space<vmem>>) dst(%dma_wait3A_383 : memref<10016x128xf32, #tpu.memory_space<vmem_shared>>)
      %dma_start3A_384 = arith.constant 6 : i32
      %dma_start3A_385 = arith.constant 64 : i32
      %dma_start3A_386 = tpu.memref_slice %arg6[%dma_start3A_384, %dma_start3A_385] : memref<8x128xi32, #tpu.memory_space<vmem>> -> memref<1x64xi32, #tpu.memory_space<vmem>>
      %dma_start3A_387 = tpu.memref_squeeze %dma_start3A_386 : memref<1x64xi32, #tpu.memory_space<vmem>> -> memref<64xi32, #tpu.memory_space<vmem>>
      %dma_start3A_388 = arith.constant 0 : i32
      %dma_start3A_389 = arith.constant 0 : i32
      %dma_start3A_390 = tpu.memref_slice %arg2[%dma_start3A_388, %dma_start3A_389] : memref<10000x128xf32, #tpu.memory_space<hbm>> -> memref<10000x128xf32, #tpu.memory_space<hbm>>
      tpu.enqueue_indirect_dma source(%dma_start3A_390 : memref<10000x128xf32, #tpu.memory_space<hbm>>) target(%arg11 : memref<64x128xf32, #tpu.memory_space<vmem>>) offsets(%dma_start3A_387 : memref<64xi32, #tpu.memory_space<vmem>>) semaphore(%arg16 : memref<!tpu.dma_semaphore, #tpu.memory_space<semaphore_mem>>)
      %dma_start3A_391 = arith.constant 5 : i32
      %dma_start3A_392 = arith.constant 64 : i32
      %dma_start3A_393 = tpu.memref_slice %arg8[%dma_start3A_391, %dma_start3A_392] : memref<8x128xi32, #tpu.memory_space<vmem>> -> memref<1x64xi32, #tpu.memory_space<vmem>>
      %dma_start3A_394 = tpu.memref_squeeze %dma_start3A_393 : memref<1x64xi32, #tpu.memory_space<vmem>> -> memref<64xi32, #tpu.memory_space<vmem>>
      %dma_start3A_395 = arith.constant 0 : i32
      %dma_start3A_396 = arith.constant 0 : i32
      %dma_start3A_397 = tpu.memref_slice %arg14[%dma_start3A_395, %dma_start3A_396] : memref<10016x128xf32, #tpu.memory_space<vmem_shared>> -> memref<10016x128xf32, #tpu.memory_space<vmem_shared>>
      tpu.enqueue_indirect_dma source(%arg13 : memref<64x128xf32, #tpu.memory_space<vmem>>) target(%dma_start3A_397 : memref<10016x128xf32, #tpu.memory_space<vmem_shared>>) offsets(%dma_start3A_394 : memref<64xi32, #tpu.memory_space<vmem>>) semaphore(%arg22 : memref<!tpu.dma_semaphore, #tpu.memory_space<semaphore_mem>>) {add = true}
      %dma_wait3A_398 = arith.constant 0 : i32
      %dma_wait3A_399 = arith.constant 0 : i32
      %dma_wait3A_400 = tpu.memref_slice %arg6[%dma_wait3A_398, %dma_wait3A_399] : memref<8x128xi32, #tpu.memory_space<vmem>> -> memref<1x64xi32, #tpu.memory_space<vmem>>
      %dma_wait3A_401 = tpu.memref_squeeze %dma_wait3A_400 : memref<1x64xi32, #tpu.memory_space<vmem>> -> memref<64xi32, #tpu.memory_space<vmem>>
      %dma_wait3A_402 = arith.constant 0 : i32
      %dma_wait3A_403 = arith.constant 0 : i32
      %dma_wait3A_404 = tpu.memref_slice %arg2[%dma_wait3A_402, %dma_wait3A_403] : memref<10000x128xf32, #tpu.memory_space<hbm>> -> memref<10000x128xf32, #tpu.memory_space<hbm>>
      tpu.wait_indirect_dma semaphore(%arg15 : memref<!tpu.dma_semaphore, #tpu.memory_space<semaphore_mem>>) src(%dma_wait3A_404 : memref<10000x128xf32, #tpu.memory_space<hbm>>) dst(%arg10 : memref<64x128xf32, #tpu.memory_space<vmem>>)
      %dma_wait3A_405 = arith.constant 0 : i32
      %dma_wait3A_406 = arith.constant 0 : i32
      %dma_wait3A_407 = tpu.memref_slice %arg8[%dma_wait3A_405, %dma_wait3A_406] : memref<8x128xi32, #tpu.memory_space<vmem>> -> memref<1x64xi32, #tpu.memory_space<vmem>>
      %dma_wait3A_408 = tpu.memref_squeeze %dma_wait3A_407 : memref<1x64xi32, #tpu.memory_space<vmem>> -> memref<64xi32, #tpu.memory_space<vmem>>
      %dma_wait3A_409 = arith.constant 0 : i32
      %dma_wait3A_410 = arith.constant 0 : i32
      %dma_wait3A_411 = tpu.memref_slice %arg14[%dma_wait3A_409, %dma_wait3A_410] : memref<10016x128xf32, #tpu.memory_space<vmem_shared>> -> memref<10016x128xf32, #tpu.memory_space<vmem_shared>>
      tpu.wait_indirect_dma semaphore(%arg21 : memref<!tpu.dma_semaphore, #tpu.memory_space<semaphore_mem>>) src(%arg12 : memref<64x128xf32, #tpu.memory_space<vmem>>) dst(%dma_wait3A_411 : memref<10016x128xf32, #tpu.memory_space<vmem_shared>>)
      %dma_start3A_412 = arith.constant 7 : i32
      %dma_start3A_413 = arith.constant 0 : i32
      %dma_start3A_414 = tpu.memref_slice %arg6[%dma_start3A_412, %dma_start3A_413] : memref<8x128xi32, #tpu.memory_space<vmem>> -> memref<1x64xi32, #tpu.memory_space<vmem>>
      %dma_start3A_415 = tpu.memref_squeeze %dma_start3A_414 : memref<1x64xi32, #tpu.memory_space<vmem>> -> memref<64xi32, #tpu.memory_space<vmem>>
      %dma_start3A_416 = arith.constant 0 : i32
      %dma_start3A_417 = arith.constant 0 : i32
      %dma_start3A_418 = tpu.memref_slice %arg2[%dma_start3A_416, %dma_start3A_417] : memref<10000x128xf32, #tpu.memory_space<hbm>> -> memref<10000x128xf32, #tpu.memory_space<hbm>>
      tpu.enqueue_indirect_dma source(%dma_start3A_418 : memref<10000x128xf32, #tpu.memory_space<hbm>>) target(%arg12 : memref<64x128xf32, #tpu.memory_space<vmem>>) offsets(%dma_start3A_415 : memref<64xi32, #tpu.memory_space<vmem>>) semaphore(%arg17 : memref<!tpu.dma_semaphore, #tpu.memory_space<semaphore_mem>>)
      %dma_start3A_419 = arith.constant 6 : i32
      %dma_start3A_420 = arith.constant 0 : i32
      %dma_start3A_421 = tpu.memref_slice %arg8[%dma_start3A_419, %dma_start3A_420] : memref<8x128xi32, #tpu.memory_space<vmem>> -> memref<1x64xi32, #tpu.memory_space<vmem>>
      %dma_start3A_422 = tpu.memref_squeeze %dma_start3A_421 : memref<1x64xi32, #tpu.memory_space<vmem>> -> memref<64xi32, #tpu.memory_space<vmem>>
      %dma_start3A_423 = arith.constant 0 : i32
      %dma_start3A_424 = arith.constant 0 : i32
      %dma_start3A_425 = tpu.memref_slice %arg14[%dma_start3A_423, %dma_start3A_424] : memref<10016x128xf32, #tpu.memory_space<vmem_shared>> -> memref<10016x128xf32, #tpu.memory_space<vmem_shared>>
      tpu.enqueue_indirect_dma source(%arg10 : memref<64x128xf32, #tpu.memory_space<vmem>>) target(%dma_start3A_425 : memref<10016x128xf32, #tpu.memory_space<vmem_shared>>) offsets(%dma_start3A_422 : memref<64xi32, #tpu.memory_space<vmem>>) semaphore(%arg19 : memref<!tpu.dma_semaphore, #tpu.memory_space<semaphore_mem>>) {add = true}
      %dma_wait3A_426 = arith.constant 0 : i32
      %dma_wait3A_427 = arith.constant 0 : i32
      %dma_wait3A_428 = tpu.memref_slice %arg6[%dma_wait3A_426, %dma_wait3A_427] : memref<8x128xi32, #tpu.memory_space<vmem>> -> memref<1x64xi32, #tpu.memory_space<vmem>>
      %dma_wait3A_429 = tpu.memref_squeeze %dma_wait3A_428 : memref<1x64xi32, #tpu.memory_space<vmem>> -> memref<64xi32, #tpu.memory_space<vmem>>
      %dma_wait3A_430 = arith.constant 0 : i32
      %dma_wait3A_431 = arith.constant 0 : i32
      %dma_wait3A_432 = tpu.memref_slice %arg2[%dma_wait3A_430, %dma_wait3A_431] : memref<10000x128xf32, #tpu.memory_space<hbm>> -> memref<10000x128xf32, #tpu.memory_space<hbm>>
      tpu.wait_indirect_dma semaphore(%arg16 : memref<!tpu.dma_semaphore, #tpu.memory_space<semaphore_mem>>) src(%dma_wait3A_432 : memref<10000x128xf32, #tpu.memory_space<hbm>>) dst(%arg11 : memref<64x128xf32, #tpu.memory_space<vmem>>)
      %dma_wait3A_433 = arith.constant 0 : i32
      %dma_wait3A_434 = arith.constant 0 : i32
      %dma_wait3A_435 = tpu.memref_slice %arg8[%dma_wait3A_433, %dma_wait3A_434] : memref<8x128xi32, #tpu.memory_space<vmem>> -> memref<1x64xi32, #tpu.memory_space<vmem>>
      %dma_wait3A_436 = tpu.memref_squeeze %dma_wait3A_435 : memref<1x64xi32, #tpu.memory_space<vmem>> -> memref<64xi32, #tpu.memory_space<vmem>>
      %dma_wait3A_437 = arith.constant 0 : i32
      %dma_wait3A_438 = arith.constant 0 : i32
      %dma_wait3A_439 = tpu.memref_slice %arg14[%dma_wait3A_437, %dma_wait3A_438] : memref<10016x128xf32, #tpu.memory_space<vmem_shared>> -> memref<10016x128xf32, #tpu.memory_space<vmem_shared>>
      tpu.wait_indirect_dma semaphore(%arg22 : memref<!tpu.dma_semaphore, #tpu.memory_space<semaphore_mem>>) src(%arg13 : memref<64x128xf32, #tpu.memory_space<vmem>>) dst(%dma_wait3A_439 : memref<10016x128xf32, #tpu.memory_space<vmem_shared>>)
      %dma_start3A_440 = arith.constant 7 : i32
      %dma_start3A_441 = arith.constant 64 : i32
      %dma_start3A_442 = tpu.memref_slice %arg6[%dma_start3A_440, %dma_start3A_441] : memref<8x128xi32, #tpu.memory_space<vmem>> -> memref<1x64xi32, #tpu.memory_space<vmem>>
      %dma_start3A_443 = tpu.memref_squeeze %dma_start3A_442 : memref<1x64xi32, #tpu.memory_space<vmem>> -> memref<64xi32, #tpu.memory_space<vmem>>
      %dma_start3A_444 = arith.constant 0 : i32
      %dma_start3A_445 = arith.constant 0 : i32
      %dma_start3A_446 = tpu.memref_slice %arg2[%dma_start3A_444, %dma_start3A_445] : memref<10000x128xf32, #tpu.memory_space<hbm>> -> memref<10000x128xf32, #tpu.memory_space<hbm>>
      tpu.enqueue_indirect_dma source(%dma_start3A_446 : memref<10000x128xf32, #tpu.memory_space<hbm>>) target(%arg13 : memref<64x128xf32, #tpu.memory_space<vmem>>) offsets(%dma_start3A_443 : memref<64xi32, #tpu.memory_space<vmem>>) semaphore(%arg18 : memref<!tpu.dma_semaphore, #tpu.memory_space<semaphore_mem>>)
      %dma_start3A_447 = arith.constant 6 : i32
      %dma_start3A_448 = arith.constant 64 : i32
      %dma_start3A_449 = tpu.memref_slice %arg8[%dma_start3A_447, %dma_start3A_448] : memref<8x128xi32, #tpu.memory_space<vmem>> -> memref<1x64xi32, #tpu.memory_space<vmem>>
      %dma_start3A_450 = tpu.memref_squeeze %dma_start3A_449 : memref<1x64xi32, #tpu.memory_space<vmem>> -> memref<64xi32, #tpu.memory_space<vmem>>
      %dma_start3A_451 = arith.constant 0 : i32
      %dma_start3A_452 = arith.constant 0 : i32
      %dma_start3A_453 = tpu.memref_slice %arg14[%dma_start3A_451, %dma_start3A_452] : memref<10016x128xf32, #tpu.memory_space<vmem_shared>> -> memref<10016x128xf32, #tpu.memory_space<vmem_shared>>
      tpu.enqueue_indirect_dma source(%arg11 : memref<64x128xf32, #tpu.memory_space<vmem>>) target(%dma_start3A_453 : memref<10016x128xf32, #tpu.memory_space<vmem_shared>>) offsets(%dma_start3A_450 : memref<64xi32, #tpu.memory_space<vmem>>) semaphore(%arg20 : memref<!tpu.dma_semaphore, #tpu.memory_space<semaphore_mem>>) {add = true}
      %dma_wait3A_454 = arith.constant 0 : i32
      %dma_wait3A_455 = arith.constant 0 : i32
      %dma_wait3A_456 = tpu.memref_slice %arg6[%dma_wait3A_454, %dma_wait3A_455] : memref<8x128xi32, #tpu.memory_space<vmem>> -> memref<1x64xi32, #tpu.memory_space<vmem>>
      %dma_wait3A_457 = tpu.memref_squeeze %dma_wait3A_456 : memref<1x64xi32, #tpu.memory_space<vmem>> -> memref<64xi32, #tpu.memory_space<vmem>>
      %dma_wait3A_458 = arith.constant 0 : i32
      %dma_wait3A_459 = arith.constant 0 : i32
      %dma_wait3A_460 = tpu.memref_slice %arg2[%dma_wait3A_458, %dma_wait3A_459] : memref<10000x128xf32, #tpu.memory_space<hbm>> -> memref<10000x128xf32, #tpu.memory_space<hbm>>
      tpu.wait_indirect_dma semaphore(%arg17 : memref<!tpu.dma_semaphore, #tpu.memory_space<semaphore_mem>>) src(%dma_wait3A_460 : memref<10000x128xf32, #tpu.memory_space<hbm>>) dst(%arg12 : memref<64x128xf32, #tpu.memory_space<vmem>>)
      %dma_wait3A_461 = arith.constant 0 : i32
      %dma_wait3A_462 = arith.constant 0 : i32
      %dma_wait3A_463 = tpu.memref_slice %arg8[%dma_wait3A_461, %dma_wait3A_462] : memref<8x128xi32, #tpu.memory_space<vmem>> -> memref<1x64xi32, #tpu.memory_space<vmem>>
      %dma_wait3A_464 = tpu.memref_squeeze %dma_wait3A_463 : memref<1x64xi32, #tpu.memory_space<vmem>> -> memref<64xi32, #tpu.memory_space<vmem>>
      %dma_wait3A_465 = arith.constant 0 : i32
      %dma_wait3A_466 = arith.constant 0 : i32
      %dma_wait3A_467 = tpu.memref_slice %arg14[%dma_wait3A_465, %dma_wait3A_466] : memref<10016x128xf32, #tpu.memory_space<vmem_shared>> -> memref<10016x128xf32, #tpu.memory_space<vmem_shared>>
      tpu.wait_indirect_dma semaphore(%arg19 : memref<!tpu.dma_semaphore, #tpu.memory_space<semaphore_mem>>) src(%arg10 : memref<64x128xf32, #tpu.memory_space<vmem>>) dst(%dma_wait3A_467 : memref<10016x128xf32, #tpu.memory_space<vmem_shared>>)
      %add3A_468 = arith.constant 1 : i32
      %add3A_469 = arith.addi %add3A_59, %add3A_468 : i32
      %lt3A_470 = arith.constant 10 : i32
      %lt3A_471 = arith.cmpi slt, %add3A_469, %lt3A_470 : i32
      %convert_element_type3A_472 = arith.extui %lt3A_471 : i1 to i32
      %cond3A_473 = arith.constant 0 : i32
      %cond3A_474 = arith.cmpi ne, %convert_element_type3A_472, %cond3A_473 : i32
      scf.if %cond3A_474 {
        %dma_wait3A_965 = arith.constant 0 : i32
        %dma_wait3A_966 = arith.constant 0 : i32
        %dma_wait3A_967 = tpu.memref_slice %arg3[%dma_wait3A_965, %dma_wait3A_966] : memref<2560x128xi32, #tpu.memory_space<hbm>> -> memref<8x128xi32, #tpu.memory_space<hbm>>
        %dma_wait3A_968 = arith.constant 0 : i32
        %dma_wait3A_969 = arith.constant 0 : i32
        %dma_wait3A_970 = tpu.memref_slice %arg3[%dma_wait3A_968, %dma_wait3A_969] : memref<2560x128xi32, #tpu.memory_space<hbm>> -> memref<8x128xi32, #tpu.memory_space<hbm>>
        tpu.wait_dma2 semaphore(%arg24 : memref<!tpu.dma_semaphore, #tpu.memory_space<semaphore_mem>>) src(%dma_wait3A_970 : memref<8x128xi32, #tpu.memory_space<hbm>>) dst(%arg7 : memref<8x128xi32, #tpu.memory_space<vmem>>)
        %dma_wait3A_971 = arith.constant 0 : i32
        %dma_wait3A_972 = arith.constant 0 : i32
        %dma_wait3A_973 = tpu.memref_slice %arg4[%dma_wait3A_971, %dma_wait3A_972] : memref<2560x128xi32, #tpu.memory_space<hbm>> -> memref<8x128xi32, #tpu.memory_space<hbm>>
        %dma_wait3A_974 = arith.constant 0 : i32
        %dma_wait3A_975 = arith.constant 0 : i32
        %dma_wait3A_976 = tpu.memref_slice %arg4[%dma_wait3A_974, %dma_wait3A_975] : memref<2560x128xi32, #tpu.memory_space<hbm>> -> memref<8x128xi32, #tpu.memory_space<hbm>>
        tpu.wait_dma2 semaphore(%arg26 : memref<!tpu.dma_semaphore, #tpu.memory_space<semaphore_mem>>) src(%dma_wait3A_976 : memref<8x128xi32, #tpu.memory_space<hbm>>) dst(%arg9 : memref<8x128xi32, #tpu.memory_space<vmem>>)
        %dma_start3A_977 = arith.constant 0 : i32
        %dma_start3A_978 = arith.constant 0 : i32
        %dma_start3A_979 = tpu.memref_slice %arg7[%dma_start3A_977, %dma_start3A_978] : memref<8x128xi32, #tpu.memory_space<vmem>> -> memref<1x64xi32, #tpu.memory_space<vmem>>
        %dma_start3A_980 = tpu.memref_squeeze %dma_start3A_979 : memref<1x64xi32, #tpu.memory_space<vmem>> -> memref<64xi32, #tpu.memory_space<vmem>>
        %dma_start3A_981 = arith.constant 0 : i32
        %dma_start3A_982 = arith.constant 0 : i32
        %dma_start3A_983 = tpu.memref_slice %arg2[%dma_start3A_981, %dma_start3A_982] : memref<10000x128xf32, #tpu.memory_space<hbm>> -> memref<10000x128xf32, #tpu.memory_space<hbm>>
        tpu.enqueue_indirect_dma source(%dma_start3A_983 : memref<10000x128xf32, #tpu.memory_space<hbm>>) target(%arg10 : memref<64x128xf32, #tpu.memory_space<vmem>>) offsets(%dma_start3A_980 : memref<64xi32, #tpu.memory_space<vmem>>) semaphore(%arg15 : memref<!tpu.dma_semaphore, #tpu.memory_space<semaphore_mem>>)
      } else {
      }
      %dma_start3A_475 = arith.constant 7 : i32
      %dma_start3A_476 = arith.constant 0 : i32
      %dma_start3A_477 = tpu.memref_slice %arg8[%dma_start3A_475, %dma_start3A_476] : memref<8x128xi32, #tpu.memory_space<vmem>> -> memref<1x64xi32, #tpu.memory_space<vmem>>
      %dma_start3A_478 = tpu.memref_squeeze %dma_start3A_477 : memref<1x64xi32, #tpu.memory_space<vmem>> -> memref<64xi32, #tpu.memory_space<vmem>>
      %dma_start3A_479 = arith.constant 0 : i32
      %dma_start3A_480 = arith.constant 0 : i32
      %dma_start3A_481 = tpu.memref_slice %arg14[%dma_start3A_479, %dma_start3A_480] : memref<10016x128xf32, #tpu.memory_space<vmem_shared>> -> memref<10016x128xf32, #tpu.memory_space<vmem_shared>>
      tpu.enqueue_indirect_dma source(%arg12 : memref<64x128xf32, #tpu.memory_space<vmem>>) target(%dma_start3A_481 : memref<10016x128xf32, #tpu.memory_space<vmem_shared>>) offsets(%dma_start3A_478 : memref<64xi32, #tpu.memory_space<vmem>>) semaphore(%arg21 : memref<!tpu.dma_semaphore, #tpu.memory_space<semaphore_mem>>) {add = true}
      %dma_wait3A_482 = arith.constant 0 : i32
      %dma_wait3A_483 = arith.constant 0 : i32
      %dma_wait3A_484 = tpu.memref_slice %arg6[%dma_wait3A_482, %dma_wait3A_483] : memref<8x128xi32, #tpu.memory_space<vmem>> -> memref<1x64xi32, #tpu.memory_space<vmem>>
      %dma_wait3A_485 = tpu.memref_squeeze %dma_wait3A_484 : memref<1x64xi32, #tpu.memory_space<vmem>> -> memref<64xi32, #tpu.memory_space<vmem>>
      %dma_wait3A_486 = arith.constant 0 : i32
      %dma_wait3A_487 = arith.constant 0 : i32
      %dma_wait3A_488 = tpu.memref_slice %arg2[%dma_wait3A_486, %dma_wait3A_487] : memref<10000x128xf32, #tpu.memory_space<hbm>> -> memref<10000x128xf32, #tpu.memory_space<hbm>>
      tpu.wait_indirect_dma semaphore(%arg18 : memref<!tpu.dma_semaphore, #tpu.memory_space<semaphore_mem>>) src(%dma_wait3A_488 : memref<10000x128xf32, #tpu.memory_space<hbm>>) dst(%arg13 : memref<64x128xf32, #tpu.memory_space<vmem>>)
      %dma_wait3A_489 = arith.constant 0 : i32
      %dma_wait3A_490 = arith.constant 0 : i32
      %dma_wait3A_491 = tpu.memref_slice %arg8[%dma_wait3A_489, %dma_wait3A_490] : memref<8x128xi32, #tpu.memory_space<vmem>> -> memref<1x64xi32, #tpu.memory_space<vmem>>
      %dma_wait3A_492 = tpu.memref_squeeze %dma_wait3A_491 : memref<1x64xi32, #tpu.memory_space<vmem>> -> memref<64xi32, #tpu.memory_space<vmem>>
      %dma_wait3A_493 = arith.constant 0 : i32
      %dma_wait3A_494 = arith.constant 0 : i32
      %dma_wait3A_495 = tpu.memref_slice %arg14[%dma_wait3A_493, %dma_wait3A_494] : memref<10016x128xf32, #tpu.memory_space<vmem_shared>> -> memref<10016x128xf32, #tpu.memory_space<vmem_shared>>
      tpu.wait_indirect_dma semaphore(%arg20 : memref<!tpu.dma_semaphore, #tpu.memory_space<semaphore_mem>>) src(%arg11 : memref<64x128xf32, #tpu.memory_space<vmem>>) dst(%dma_wait3A_495 : memref<10016x128xf32, #tpu.memory_space<vmem_shared>>)
      %add3A_496 = arith.constant 1 : i32
      %add3A_497 = arith.addi %add3A_59, %add3A_496 : i32
      %lt3A_498 = arith.constant 10 : i32
      %lt3A_499 = arith.cmpi slt, %add3A_497, %lt3A_498 : i32
      %convert_element_type3A_500 = arith.extui %lt3A_499 : i1 to i32
      %cond3A_501 = arith.constant 0 : i32
      %cond3A_502 = arith.cmpi ne, %convert_element_type3A_500, %cond3A_501 : i32
      scf.if %cond3A_502 {
        %dma_start3A_965 = arith.constant 0 : i32
        %dma_start3A_966 = arith.constant 64 : i32
        %dma_start3A_967 = tpu.memref_slice %arg7[%dma_start3A_965, %dma_start3A_966] : memref<8x128xi32, #tpu.memory_space<vmem>> -> memref<1x64xi32, #tpu.memory_space<vmem>>
        %dma_start3A_968 = tpu.memref_squeeze %dma_start3A_967 : memref<1x64xi32, #tpu.memory_space<vmem>> -> memref<64xi32, #tpu.memory_space<vmem>>
        %dma_start3A_969 = arith.constant 0 : i32
        %dma_start3A_970 = arith.constant 0 : i32
        %dma_start3A_971 = tpu.memref_slice %arg2[%dma_start3A_969, %dma_start3A_970] : memref<10000x128xf32, #tpu.memory_space<hbm>> -> memref<10000x128xf32, #tpu.memory_space<hbm>>
        tpu.enqueue_indirect_dma source(%dma_start3A_971 : memref<10000x128xf32, #tpu.memory_space<hbm>>) target(%arg11 : memref<64x128xf32, #tpu.memory_space<vmem>>) offsets(%dma_start3A_968 : memref<64xi32, #tpu.memory_space<vmem>>) semaphore(%arg16 : memref<!tpu.dma_semaphore, #tpu.memory_space<semaphore_mem>>)
      } else {
      }
      %dma_start3A_503 = arith.constant 7 : i32
      %dma_start3A_504 = arith.constant 64 : i32
      %dma_start3A_505 = tpu.memref_slice %arg8[%dma_start3A_503, %dma_start3A_504] : memref<8x128xi32, #tpu.memory_space<vmem>> -> memref<1x64xi32, #tpu.memory_space<vmem>>
      %dma_start3A_506 = tpu.memref_squeeze %dma_start3A_505 : memref<1x64xi32, #tpu.memory_space<vmem>> -> memref<64xi32, #tpu.memory_space<vmem>>
      %dma_start3A_507 = arith.constant 0 : i32
      %dma_start3A_508 = arith.constant 0 : i32
      %dma_start3A_509 = tpu.memref_slice %arg14[%dma_start3A_507, %dma_start3A_508] : memref<10016x128xf32, #tpu.memory_space<vmem_shared>> -> memref<10016x128xf32, #tpu.memory_space<vmem_shared>>
      tpu.enqueue_indirect_dma source(%arg13 : memref<64x128xf32, #tpu.memory_space<vmem>>) target(%dma_start3A_509 : memref<10016x128xf32, #tpu.memory_space<vmem_shared>>) offsets(%dma_start3A_506 : memref<64xi32, #tpu.memory_space<vmem>>) semaphore(%arg22 : memref<!tpu.dma_semaphore, #tpu.memory_space<semaphore_mem>>) {add = true}
      %mul3A_510 = arith.constant 2 : i32
      %mul3A_511 = arith.muli %mul3A_510, %scan3A_55 : i32
      %add3A_512 = arith.constant 1 : i32
      %add3A_513 = arith.addi %mul3A_511, %add3A_512 : i32
      %dma_wait3A_514 = arith.constant 0 : i32
      %dma_wait3A_515 = arith.constant 0 : i32
      %dma_wait3A_516 = tpu.memref_slice %arg6[%dma_wait3A_514, %dma_wait3A_515] : memref<8x128xi32, #tpu.memory_space<vmem>> -> memref<1x64xi32, #tpu.memory_space<vmem>>
      %dma_wait3A_517 = tpu.memref_squeeze %dma_wait3A_516 : memref<1x64xi32, #tpu.memory_space<vmem>> -> memref<64xi32, #tpu.memory_space<vmem>>
      %dma_wait3A_518 = arith.constant 0 : i32
      %dma_wait3A_519 = arith.constant 0 : i32
      %dma_wait3A_520 = tpu.memref_slice %arg2[%dma_wait3A_518, %dma_wait3A_519] : memref<10000x128xf32, #tpu.memory_space<hbm>> -> memref<10000x128xf32, #tpu.memory_space<hbm>>
      tpu.wait_indirect_dma semaphore(%arg15 : memref<!tpu.dma_semaphore, #tpu.memory_space<semaphore_mem>>) src(%dma_wait3A_520 : memref<10000x128xf32, #tpu.memory_space<hbm>>) dst(%arg10 : memref<64x128xf32, #tpu.memory_space<vmem>>)
      %gt3A_521 = arith.constant 0 : i32
      %gt3A_522 = arith.cmpi sgt, %add3A_513, %gt3A_521 : i32
      %convert_element_type3A_523 = arith.extui %gt3A_522 : i1 to i32
      %cond3A_524 = arith.constant 0 : i32
      %cond3A_525 = arith.cmpi ne, %convert_element_type3A_523, %cond3A_524 : i32
      scf.if %cond3A_525 {
        %dma_wait3A_965 = arith.constant 0 : i32
        %dma_wait3A_966 = arith.constant 0 : i32
        %dma_wait3A_967 = tpu.memref_slice %arg8[%dma_wait3A_965, %dma_wait3A_966] : memref<8x128xi32, #tpu.memory_space<vmem>> -> memref<1x64xi32, #tpu.memory_space<vmem>>
        %dma_wait3A_968 = tpu.memref_squeeze %dma_wait3A_967 : memref<1x64xi32, #tpu.memory_space<vmem>> -> memref<64xi32, #tpu.memory_space<vmem>>
        %dma_wait3A_969 = arith.constant 0 : i32
        %dma_wait3A_970 = arith.constant 0 : i32
        %dma_wait3A_971 = tpu.memref_slice %arg14[%dma_wait3A_969, %dma_wait3A_970] : memref<10016x128xf32, #tpu.memory_space<vmem_shared>> -> memref<10016x128xf32, #tpu.memory_space<vmem_shared>>
        tpu.wait_indirect_dma semaphore(%arg21 : memref<!tpu.dma_semaphore, #tpu.memory_space<semaphore_mem>>) src(%arg12 : memref<64x128xf32, #tpu.memory_space<vmem>>) dst(%dma_wait3A_971 : memref<10016x128xf32, #tpu.memory_space<vmem_shared>>)
      } else {
      }
      %dma_start3A_526 = arith.constant 1 : i32
      %dma_start3A_527 = arith.constant 0 : i32
      %dma_start3A_528 = tpu.memref_slice %arg7[%dma_start3A_526, %dma_start3A_527] : memref<8x128xi32, #tpu.memory_space<vmem>> -> memref<1x64xi32, #tpu.memory_space<vmem>>
      %dma_start3A_529 = tpu.memref_squeeze %dma_start3A_528 : memref<1x64xi32, #tpu.memory_space<vmem>> -> memref<64xi32, #tpu.memory_space<vmem>>
      %dma_start3A_530 = arith.constant 0 : i32
      %dma_start3A_531 = arith.constant 0 : i32
      %dma_start3A_532 = tpu.memref_slice %arg2[%dma_start3A_530, %dma_start3A_531] : memref<10000x128xf32, #tpu.memory_space<hbm>> -> memref<10000x128xf32, #tpu.memory_space<hbm>>
      tpu.enqueue_indirect_dma source(%dma_start3A_532 : memref<10000x128xf32, #tpu.memory_space<hbm>>) target(%arg12 : memref<64x128xf32, #tpu.memory_space<vmem>>) offsets(%dma_start3A_529 : memref<64xi32, #tpu.memory_space<vmem>>) semaphore(%arg17 : memref<!tpu.dma_semaphore, #tpu.memory_space<semaphore_mem>>)
      %dma_start3A_533 = arith.constant 0 : i32
      %dma_start3A_534 = arith.constant 0 : i32
      %dma_start3A_535 = tpu.memref_slice %arg9[%dma_start3A_533, %dma_start3A_534] : memref<8x128xi32, #tpu.memory_space<vmem>> -> memref<1x64xi32, #tpu.memory_space<vmem>>
      %dma_start3A_536 = tpu.memref_squeeze %dma_start3A_535 : memref<1x64xi32, #tpu.memory_space<vmem>> -> memref<64xi32, #tpu.memory_space<vmem>>
      %dma_start3A_537 = arith.constant 0 : i32
      %dma_start3A_538 = arith.constant 0 : i32
      %dma_start3A_539 = tpu.memref_slice %arg14[%dma_start3A_537, %dma_start3A_538] : memref<10016x128xf32, #tpu.memory_space<vmem_shared>> -> memref<10016x128xf32, #tpu.memory_space<vmem_shared>>
      tpu.enqueue_indirect_dma source(%arg10 : memref<64x128xf32, #tpu.memory_space<vmem>>) target(%dma_start3A_539 : memref<10016x128xf32, #tpu.memory_space<vmem_shared>>) offsets(%dma_start3A_536 : memref<64xi32, #tpu.memory_space<vmem>>) semaphore(%arg19 : memref<!tpu.dma_semaphore, #tpu.memory_space<semaphore_mem>>) {add = true}
      %dma_wait3A_540 = arith.constant 0 : i32
      %dma_wait3A_541 = arith.constant 0 : i32
      %dma_wait3A_542 = tpu.memref_slice %arg6[%dma_wait3A_540, %dma_wait3A_541] : memref<8x128xi32, #tpu.memory_space<vmem>> -> memref<1x64xi32, #tpu.memory_space<vmem>>
      %dma_wait3A_543 = tpu.memref_squeeze %dma_wait3A_542 : memref<1x64xi32, #tpu.memory_space<vmem>> -> memref<64xi32, #tpu.memory_space<vmem>>
      %dma_wait3A_544 = arith.constant 0 : i32
      %dma_wait3A_545 = arith.constant 0 : i32
      %dma_wait3A_546 = tpu.memref_slice %arg2[%dma_wait3A_544, %dma_wait3A_545] : memref<10000x128xf32, #tpu.memory_space<hbm>> -> memref<10000x128xf32, #tpu.memory_space<hbm>>
      tpu.wait_indirect_dma semaphore(%arg16 : memref<!tpu.dma_semaphore, #tpu.memory_space<semaphore_mem>>) src(%dma_wait3A_546 : memref<10000x128xf32, #tpu.memory_space<hbm>>) dst(%arg11 : memref<64x128xf32, #tpu.memory_space<vmem>>)
      %gt3A_547 = arith.constant 0 : i32
      %gt3A_548 = arith.cmpi sgt, %add3A_513, %gt3A_547 : i32
      %convert_element_type3A_549 = arith.extui %gt3A_548 : i1 to i32
      %cond3A_550 = arith.constant 0 : i32
      %cond3A_551 = arith.cmpi ne, %convert_element_type3A_549, %cond3A_550 : i32
      scf.if %cond3A_551 {
        %dma_wait3A_965 = arith.constant 0 : i32
        %dma_wait3A_966 = arith.constant 0 : i32
        %dma_wait3A_967 = tpu.memref_slice %arg8[%dma_wait3A_965, %dma_wait3A_966] : memref<8x128xi32, #tpu.memory_space<vmem>> -> memref<1x64xi32, #tpu.memory_space<vmem>>
        %dma_wait3A_968 = tpu.memref_squeeze %dma_wait3A_967 : memref<1x64xi32, #tpu.memory_space<vmem>> -> memref<64xi32, #tpu.memory_space<vmem>>
        %dma_wait3A_969 = arith.constant 0 : i32
        %dma_wait3A_970 = arith.constant 0 : i32
        %dma_wait3A_971 = tpu.memref_slice %arg14[%dma_wait3A_969, %dma_wait3A_970] : memref<10016x128xf32, #tpu.memory_space<vmem_shared>> -> memref<10016x128xf32, #tpu.memory_space<vmem_shared>>
        tpu.wait_indirect_dma semaphore(%arg22 : memref<!tpu.dma_semaphore, #tpu.memory_space<semaphore_mem>>) src(%arg13 : memref<64x128xf32, #tpu.memory_space<vmem>>) dst(%dma_wait3A_971 : memref<10016x128xf32, #tpu.memory_space<vmem_shared>>)
      } else {
      }
      %dma_start3A_552 = arith.constant 1 : i32
      %dma_start3A_553 = arith.constant 64 : i32
      %dma_start3A_554 = tpu.memref_slice %arg7[%dma_start3A_552, %dma_start3A_553] : memref<8x128xi32, #tpu.memory_space<vmem>> -> memref<1x64xi32, #tpu.memory_space<vmem>>
      %dma_start3A_555 = tpu.memref_squeeze %dma_start3A_554 : memref<1x64xi32, #tpu.memory_space<vmem>> -> memref<64xi32, #tpu.memory_space<vmem>>
      %dma_start3A_556 = arith.constant 0 : i32
      %dma_start3A_557 = arith.constant 0 : i32
      %dma_start3A_558 = tpu.memref_slice %arg2[%dma_start3A_556, %dma_start3A_557] : memref<10000x128xf32, #tpu.memory_space<hbm>> -> memref<10000x128xf32, #tpu.memory_space<hbm>>
      tpu.enqueue_indirect_dma source(%dma_start3A_558 : memref<10000x128xf32, #tpu.memory_space<hbm>>) target(%arg13 : memref<64x128xf32, #tpu.memory_space<vmem>>) offsets(%dma_start3A_555 : memref<64xi32, #tpu.memory_space<vmem>>) semaphore(%arg18 : memref<!tpu.dma_semaphore, #tpu.memory_space<semaphore_mem>>)
      %dma_start3A_559 = arith.constant 0 : i32
      %dma_start3A_560 = arith.constant 64 : i32
      %dma_start3A_561 = tpu.memref_slice %arg9[%dma_start3A_559, %dma_start3A_560] : memref<8x128xi32, #tpu.memory_space<vmem>> -> memref<1x64xi32, #tpu.memory_space<vmem>>
      %dma_start3A_562 = tpu.memref_squeeze %dma_start3A_561 : memref<1x64xi32, #tpu.memory_space<vmem>> -> memref<64xi32, #tpu.memory_space<vmem>>
      %dma_start3A_563 = arith.constant 0 : i32
      %dma_start3A_564 = arith.constant 0 : i32
      %dma_start3A_565 = tpu.memref_slice %arg14[%dma_start3A_563, %dma_start3A_564] : memref<10016x128xf32, #tpu.memory_space<vmem_shared>> -> memref<10016x128xf32, #tpu.memory_space<vmem_shared>>
      tpu.enqueue_indirect_dma source(%arg11 : memref<64x128xf32, #tpu.memory_space<vmem>>) target(%dma_start3A_565 : memref<10016x128xf32, #tpu.memory_space<vmem_shared>>) offsets(%dma_start3A_562 : memref<64xi32, #tpu.memory_space<vmem>>) semaphore(%arg20 : memref<!tpu.dma_semaphore, #tpu.memory_space<semaphore_mem>>) {add = true}
      %dma_wait3A_566 = arith.constant 0 : i32
      %dma_wait3A_567 = arith.constant 0 : i32
      %dma_wait3A_568 = tpu.memref_slice %arg6[%dma_wait3A_566, %dma_wait3A_567] : memref<8x128xi32, #tpu.memory_space<vmem>> -> memref<1x64xi32, #tpu.memory_space<vmem>>
      %dma_wait3A_569 = tpu.memref_squeeze %dma_wait3A_568 : memref<1x64xi32, #tpu.memory_space<vmem>> -> memref<64xi32, #tpu.memory_space<vmem>>
      %dma_wait3A_570 = arith.constant 0 : i32
      %dma_wait3A_571 = arith.constant 0 : i32
      %dma_wait3A_572 = tpu.memref_slice %arg2[%dma_wait3A_570, %dma_wait3A_571] : memref<10000x128xf32, #tpu.memory_space<hbm>> -> memref<10000x128xf32, #tpu.memory_space<hbm>>
      tpu.wait_indirect_dma semaphore(%arg17 : memref<!tpu.dma_semaphore, #tpu.memory_space<semaphore_mem>>) src(%dma_wait3A_572 : memref<10000x128xf32, #tpu.memory_space<hbm>>) dst(%arg12 : memref<64x128xf32, #tpu.memory_space<vmem>>)
      %dma_wait3A_573 = arith.constant 0 : i32
      %dma_wait3A_574 = arith.constant 0 : i32
      %dma_wait3A_575 = tpu.memref_slice %arg8[%dma_wait3A_573, %dma_wait3A_574] : memref<8x128xi32, #tpu.memory_space<vmem>> -> memref<1x64xi32, #tpu.memory_space<vmem>>
      %dma_wait3A_576 = tpu.memref_squeeze %dma_wait3A_575 : memref<1x64xi32, #tpu.memory_space<vmem>> -> memref<64xi32, #tpu.memory_space<vmem>>
      %dma_wait3A_577 = arith.constant 0 : i32
      %dma_wait3A_578 = arith.constant 0 : i32
      %dma_wait3A_579 = tpu.memref_slice %arg14[%dma_wait3A_577, %dma_wait3A_578] : memref<10016x128xf32, #tpu.memory_space<vmem_shared>> -> memref<10016x128xf32, #tpu.memory_space<vmem_shared>>
      tpu.wait_indirect_dma semaphore(%arg19 : memref<!tpu.dma_semaphore, #tpu.memory_space<semaphore_mem>>) src(%arg10 : memref<64x128xf32, #tpu.memory_space<vmem>>) dst(%dma_wait3A_579 : memref<10016x128xf32, #tpu.memory_space<vmem_shared>>)
      %dma_start3A_580 = arith.constant 2 : i32
      %dma_start3A_581 = arith.constant 0 : i32
      %dma_start3A_582 = tpu.memref_slice %arg7[%dma_start3A_580, %dma_start3A_581] : memref<8x128xi32, #tpu.memory_space<vmem>> -> memref<1x64xi32, #tpu.memory_space<vmem>>
      %dma_start3A_583 = tpu.memref_squeeze %dma_start3A_582 : memref<1x64xi32, #tpu.memory_space<vmem>> -> memref<64xi32, #tpu.memory_space<vmem>>
      %dma_start3A_584 = arith.constant 0 : i32
      %dma_start3A_585 = arith.constant 0 : i32
      %dma_start3A_586 = tpu.memref_slice %arg2[%dma_start3A_584, %dma_start3A_585] : memref<10000x128xf32, #tpu.memory_space<hbm>> -> memref<10000x128xf32, #tpu.memory_space<hbm>>
      tpu.enqueue_indirect_dma source(%dma_start3A_586 : memref<10000x128xf32, #tpu.memory_space<hbm>>) target(%arg10 : memref<64x128xf32, #tpu.memory_space<vmem>>) offsets(%dma_start3A_583 : memref<64xi32, #tpu.memory_space<vmem>>) semaphore(%arg15 : memref<!tpu.dma_semaphore, #tpu.memory_space<semaphore_mem>>)
      %dma_start3A_587 = arith.constant 1 : i32
      %dma_start3A_588 = arith.constant 0 : i32
      %dma_start3A_589 = tpu.memref_slice %arg9[%dma_start3A_587, %dma_start3A_588] : memref<8x128xi32, #tpu.memory_space<vmem>> -> memref<1x64xi32, #tpu.memory_space<vmem>>
      %dma_start3A_590 = tpu.memref_squeeze %dma_start3A_589 : memref<1x64xi32, #tpu.memory_space<vmem>> -> memref<64xi32, #tpu.memory_space<vmem>>
      %dma_start3A_591 = arith.constant 0 : i32
      %dma_start3A_592 = arith.constant 0 : i32
      %dma_start3A_593 = tpu.memref_slice %arg14[%dma_start3A_591, %dma_start3A_592] : memref<10016x128xf32, #tpu.memory_space<vmem_shared>> -> memref<10016x128xf32, #tpu.memory_space<vmem_shared>>
      tpu.enqueue_indirect_dma source(%arg12 : memref<64x128xf32, #tpu.memory_space<vmem>>) target(%dma_start3A_593 : memref<10016x128xf32, #tpu.memory_space<vmem_shared>>) offsets(%dma_start3A_590 : memref<64xi32, #tpu.memory_space<vmem>>) semaphore(%arg21 : memref<!tpu.dma_semaphore, #tpu.memory_space<semaphore_mem>>) {add = true}
      %dma_wait3A_594 = arith.constant 0 : i32
      %dma_wait3A_595 = arith.constant 0 : i32
      %dma_wait3A_596 = tpu.memref_slice %arg6[%dma_wait3A_594, %dma_wait3A_595] : memref<8x128xi32, #tpu.memory_space<vmem>> -> memref<1x64xi32, #tpu.memory_space<vmem>>
      %dma_wait3A_597 = tpu.memref_squeeze %dma_wait3A_596 : memref<1x64xi32, #tpu.memory_space<vmem>> -> memref<64xi32, #tpu.memory_space<vmem>>
      %dma_wait3A_598 = arith.constant 0 : i32
      %dma_wait3A_599 = arith.constant 0 : i32
      %dma_wait3A_600 = tpu.memref_slice %arg2[%dma_wait3A_598, %dma_wait3A_599] : memref<10000x128xf32, #tpu.memory_space<hbm>> -> memref<10000x128xf32, #tpu.memory_space<hbm>>
      tpu.wait_indirect_dma semaphore(%arg18 : memref<!tpu.dma_semaphore, #tpu.memory_space<semaphore_mem>>) src(%dma_wait3A_600 : memref<10000x128xf32, #tpu.memory_space<hbm>>) dst(%arg13 : memref<64x128xf32, #tpu.memory_space<vmem>>)
      %dma_wait3A_601 = arith.constant 0 : i32
      %dma_wait3A_602 = arith.constant 0 : i32
      %dma_wait3A_603 = tpu.memref_slice %arg8[%dma_wait3A_601, %dma_wait3A_602] : memref<8x128xi32, #tpu.memory_space<vmem>> -> memref<1x64xi32, #tpu.memory_space<vmem>>
      %dma_wait3A_604 = tpu.memref_squeeze %dma_wait3A_603 : memref<1x64xi32, #tpu.memory_space<vmem>> -> memref<64xi32, #tpu.memory_space<vmem>>
      %dma_wait3A_605 = arith.constant 0 : i32
      %dma_wait3A_606 = arith.constant 0 : i32
      %dma_wait3A_607 = tpu.memref_slice %arg14[%dma_wait3A_605, %dma_wait3A_606] : memref<10016x128xf32, #tpu.memory_space<vmem_shared>> -> memref<10016x128xf32, #tpu.memory_space<vmem_shared>>
      tpu.wait_indirect_dma semaphore(%arg20 : memref<!tpu.dma_semaphore, #tpu.memory_space<semaphore_mem>>) src(%arg11 : memref<64x128xf32, #tpu.memory_space<vmem>>) dst(%dma_wait3A_607 : memref<10016x128xf32, #tpu.memory_space<vmem_shared>>)
      %dma_start3A_608 = arith.constant 2 : i32
      %dma_start3A_609 = arith.constant 64 : i32
      %dma_start3A_610 = tpu.memref_slice %arg7[%dma_start3A_608, %dma_start3A_609] : memref<8x128xi32, #tpu.memory_space<vmem>> -> memref<1x64xi32, #tpu.memory_space<vmem>>
      %dma_start3A_611 = tpu.memref_squeeze %dma_start3A_610 : memref<1x64xi32, #tpu.memory_space<vmem>> -> memref<64xi32, #tpu.memory_space<vmem>>
      %dma_start3A_612 = arith.constant 0 : i32
      %dma_start3A_613 = arith.constant 0 : i32
      %dma_start3A_614 = tpu.memref_slice %arg2[%dma_start3A_612, %dma_start3A_613] : memref<10000x128xf32, #tpu.memory_space<hbm>> -> memref<10000x128xf32, #tpu.memory_space<hbm>>
      tpu.enqueue_indirect_dma source(%dma_start3A_614 : memref<10000x128xf32, #tpu.memory_space<hbm>>) target(%arg11 : memref<64x128xf32, #tpu.memory_space<vmem>>) offsets(%dma_start3A_611 : memref<64xi32, #tpu.memory_space<vmem>>) semaphore(%arg16 : memref<!tpu.dma_semaphore, #tpu.memory_space<semaphore_mem>>)
      %dma_start3A_615 = arith.constant 1 : i32
      %dma_start3A_616 = arith.constant 64 : i32
      %dma_start3A_617 = tpu.memref_slice %arg9[%dma_start3A_615, %dma_start3A_616] : memref<8x128xi32, #tpu.memory_space<vmem>> -> memref<1x64xi32, #tpu.memory_space<vmem>>
      %dma_start3A_618 = tpu.memref_squeeze %dma_start3A_617 : memref<1x64xi32, #tpu.memory_space<vmem>> -> memref<64xi32, #tpu.memory_space<vmem>>
      %dma_start3A_619 = arith.constant 0 : i32
      %dma_start3A_620 = arith.constant 0 : i32
      %dma_start3A_621 = tpu.memref_slice %arg14[%dma_start3A_619, %dma_start3A_620] : memref<10016x128xf32, #tpu.memory_space<vmem_shared>> -> memref<10016x128xf32, #tpu.memory_space<vmem_shared>>
      tpu.enqueue_indirect_dma source(%arg13 : memref<64x128xf32, #tpu.memory_space<vmem>>) target(%dma_start3A_621 : memref<10016x128xf32, #tpu.memory_space<vmem_shared>>) offsets(%dma_start3A_618 : memref<64xi32, #tpu.memory_space<vmem>>) semaphore(%arg22 : memref<!tpu.dma_semaphore, #tpu.memory_space<semaphore_mem>>) {add = true}
      %dma_wait3A_622 = arith.constant 0 : i32
      %dma_wait3A_623 = arith.constant 0 : i32
      %dma_wait3A_624 = tpu.memref_slice %arg6[%dma_wait3A_622, %dma_wait3A_623] : memref<8x128xi32, #tpu.memory_space<vmem>> -> memref<1x64xi32, #tpu.memory_space<vmem>>
      %dma_wait3A_625 = tpu.memref_squeeze %dma_wait3A_624 : memref<1x64xi32, #tpu.memory_space<vmem>> -> memref<64xi32, #tpu.memory_space<vmem>>
      %dma_wait3A_626 = arith.constant 0 : i32
      %dma_wait3A_627 = arith.constant 0 : i32
      %dma_wait3A_628 = tpu.memref_slice %arg2[%dma_wait3A_626, %dma_wait3A_627] : memref<10000x128xf32, #tpu.memory_space<hbm>> -> memref<10000x128xf32, #tpu.memory_space<hbm>>
      tpu.wait_indirect_dma semaphore(%arg15 : memref<!tpu.dma_semaphore, #tpu.memory_space<semaphore_mem>>) src(%dma_wait3A_628 : memref<10000x128xf32, #tpu.memory_space<hbm>>) dst(%arg10 : memref<64x128xf32, #tpu.memory_space<vmem>>)
      %dma_wait3A_629 = arith.constant 0 : i32
      %dma_wait3A_630 = arith.constant 0 : i32
      %dma_wait3A_631 = tpu.memref_slice %arg8[%dma_wait3A_629, %dma_wait3A_630] : memref<8x128xi32, #tpu.memory_space<vmem>> -> memref<1x64xi32, #tpu.memory_space<vmem>>
      %dma_wait3A_632 = tpu.memref_squeeze %dma_wait3A_631 : memref<1x64xi32, #tpu.memory_space<vmem>> -> memref<64xi32, #tpu.memory_space<vmem>>
      %dma_wait3A_633 = arith.constant 0 : i32
      %dma_wait3A_634 = arith.constant 0 : i32
      %dma_wait3A_635 = tpu.memref_slice %arg14[%dma_wait3A_633, %dma_wait3A_634] : memref<10016x128xf32, #tpu.memory_space<vmem_shared>> -> memref<10016x128xf32, #tpu.memory_space<vmem_shared>>
      tpu.wait_indirect_dma semaphore(%arg21 : memref<!tpu.dma_semaphore, #tpu.memory_space<semaphore_mem>>) src(%arg12 : memref<64x128xf32, #tpu.memory_space<vmem>>) dst(%dma_wait3A_635 : memref<10016x128xf32, #tpu.memory_space<vmem_shared>>)
      %dma_start3A_636 = arith.constant 3 : i32
      %dma_start3A_637 = arith.constant 0 : i32
      %dma_start3A_638 = tpu.memref_slice %arg7[%dma_start3A_636, %dma_start3A_637] : memref<8x128xi32, #tpu.memory_space<vmem>> -> memref<1x64xi32, #tpu.memory_space<vmem>>
      %dma_start3A_639 = tpu.memref_squeeze %dma_start3A_638 : memref<1x64xi32, #tpu.memory_space<vmem>> -> memref<64xi32, #tpu.memory_space<vmem>>
      %dma_start3A_640 = arith.constant 0 : i32
      %dma_start3A_641 = arith.constant 0 : i32
      %dma_start3A_642 = tpu.memref_slice %arg2[%dma_start3A_640, %dma_start3A_641] : memref<10000x128xf32, #tpu.memory_space<hbm>> -> memref<10000x128xf32, #tpu.memory_space<hbm>>
      tpu.enqueue_indirect_dma source(%dma_start3A_642 : memref<10000x128xf32, #tpu.memory_space<hbm>>) target(%arg12 : memref<64x128xf32, #tpu.memory_space<vmem>>) offsets(%dma_start3A_639 : memref<64xi32, #tpu.memory_space<vmem>>) semaphore(%arg17 : memref<!tpu.dma_semaphore, #tpu.memory_space<semaphore_mem>>)
      %add3A_643 = arith.constant 1 : i32
      %add3A_644 = arith.addi %add3A_513, %add3A_643 : i32
      %lt3A_645 = arith.constant 10 : i32
      %lt3A_646 = arith.cmpi slt, %add3A_644, %lt3A_645 : i32
      %convert_element_type3A_647 = arith.extui %lt3A_646 : i1 to i32
      %cond3A_648 = arith.constant 0 : i32
      %cond3A_649 = arith.cmpi ne, %convert_element_type3A_647, %cond3A_648 : i32
      scf.if %cond3A_649 {
        %add3A_965 = arith.constant 1 : i32
        %add3A_966 = arith.addi %add3A_513, %add3A_965 : i32
        %mul3A_967 = arith.constant 8 : i32
        %mul3A_968 = arith.muli %add3A_966, %mul3A_967 : i32
        %add3A_969 = arith.addi %mul3A_8, %mul3A_968 : i32
        %mul3A_970 = arith.constant 8 : i32
        %mul3A_971 = arith.muli %add3A_966, %mul3A_970 : i32
        %add3A_972 = arith.addi %mul3A_8, %mul3A_971 : i32
        %dma_start3A_973 = arith.constant 0 : i32
        %dma_start3A_974 = tpu.memref_slice %arg3[%add3A_969, %dma_start3A_973] : memref<2560x128xi32, #tpu.memory_space<hbm>> -> memref<8x128xi32, #tpu.memory_space<hbm>>
        %dma_start3A_975 = arith.constant 0 : i32
        %dma_start3A_976 = tpu.memref_slice %arg3[%add3A_969, %dma_start3A_975] : memref<2560x128xi32, #tpu.memory_space<hbm>> -> memref<8x128xi32, #tpu.memory_space<hbm>>
        tpu.enqueue_dma source(%dma_start3A_976 : memref<8x128xi32, #tpu.memory_space<hbm>>) target(%arg6 : memref<8x128xi32, #tpu.memory_space<vmem>>) target_semaphore(%arg23 : memref<!tpu.dma_semaphore, #tpu.memory_space<semaphore_mem>>)
        %dma_start3A_977 = arith.constant 0 : i32
        %dma_start3A_978 = tpu.memref_slice %arg4[%add3A_972, %dma_start3A_977] : memref<2560x128xi32, #tpu.memory_space<hbm>> -> memref<8x128xi32, #tpu.memory_space<hbm>>
        %dma_start3A_979 = arith.constant 0 : i32
        %dma_start3A_980 = tpu.memref_slice %arg4[%add3A_972, %dma_start3A_979] : memref<2560x128xi32, #tpu.memory_space<hbm>> -> memref<8x128xi32, #tpu.memory_space<hbm>>
        tpu.enqueue_dma source(%dma_start3A_980 : memref<8x128xi32, #tpu.memory_space<hbm>>) target(%arg8 : memref<8x128xi32, #tpu.memory_space<vmem>>) target_semaphore(%arg25 : memref<!tpu.dma_semaphore, #tpu.memory_space<semaphore_mem>>)
      } else {
      }
      %dma_start3A_650 = arith.constant 2 : i32
      %dma_start3A_651 = arith.constant 0 : i32
      %dma_start3A_652 = tpu.memref_slice %arg9[%dma_start3A_650, %dma_start3A_651] : memref<8x128xi32, #tpu.memory_space<vmem>> -> memref<1x64xi32, #tpu.memory_space<vmem>>
      %dma_start3A_653 = tpu.memref_squeeze %dma_start3A_652 : memref<1x64xi32, #tpu.memory_space<vmem>> -> memref<64xi32, #tpu.memory_space<vmem>>
      %dma_start3A_654 = arith.constant 0 : i32
      %dma_start3A_655 = arith.constant 0 : i32
      %dma_start3A_656 = tpu.memref_slice %arg14[%dma_start3A_654, %dma_start3A_655] : memref<10016x128xf32, #tpu.memory_space<vmem_shared>> -> memref<10016x128xf32, #tpu.memory_space<vmem_shared>>
      tpu.enqueue_indirect_dma source(%arg10 : memref<64x128xf32, #tpu.memory_space<vmem>>) target(%dma_start3A_656 : memref<10016x128xf32, #tpu.memory_space<vmem_shared>>) offsets(%dma_start3A_653 : memref<64xi32, #tpu.memory_space<vmem>>) semaphore(%arg19 : memref<!tpu.dma_semaphore, #tpu.memory_space<semaphore_mem>>) {add = true}
      %dma_wait3A_657 = arith.constant 0 : i32
      %dma_wait3A_658 = arith.constant 0 : i32
      %dma_wait3A_659 = tpu.memref_slice %arg6[%dma_wait3A_657, %dma_wait3A_658] : memref<8x128xi32, #tpu.memory_space<vmem>> -> memref<1x64xi32, #tpu.memory_space<vmem>>
      %dma_wait3A_660 = tpu.memref_squeeze %dma_wait3A_659 : memref<1x64xi32, #tpu.memory_space<vmem>> -> memref<64xi32, #tpu.memory_space<vmem>>
      %dma_wait3A_661 = arith.constant 0 : i32
      %dma_wait3A_662 = arith.constant 0 : i32
      %dma_wait3A_663 = tpu.memref_slice %arg2[%dma_wait3A_661, %dma_wait3A_662] : memref<10000x128xf32, #tpu.memory_space<hbm>> -> memref<10000x128xf32, #tpu.memory_space<hbm>>
      tpu.wait_indirect_dma semaphore(%arg16 : memref<!tpu.dma_semaphore, #tpu.memory_space<semaphore_mem>>) src(%dma_wait3A_663 : memref<10000x128xf32, #tpu.memory_space<hbm>>) dst(%arg11 : memref<64x128xf32, #tpu.memory_space<vmem>>)
      %dma_wait3A_664 = arith.constant 0 : i32
      %dma_wait3A_665 = arith.constant 0 : i32
      %dma_wait3A_666 = tpu.memref_slice %arg8[%dma_wait3A_664, %dma_wait3A_665] : memref<8x128xi32, #tpu.memory_space<vmem>> -> memref<1x64xi32, #tpu.memory_space<vmem>>
      %dma_wait3A_667 = tpu.memref_squeeze %dma_wait3A_666 : memref<1x64xi32, #tpu.memory_space<vmem>> -> memref<64xi32, #tpu.memory_space<vmem>>
      %dma_wait3A_668 = arith.constant 0 : i32
      %dma_wait3A_669 = arith.constant 0 : i32
      %dma_wait3A_670 = tpu.memref_slice %arg14[%dma_wait3A_668, %dma_wait3A_669] : memref<10016x128xf32, #tpu.memory_space<vmem_shared>> -> memref<10016x128xf32, #tpu.memory_space<vmem_shared>>
      tpu.wait_indirect_dma semaphore(%arg22 : memref<!tpu.dma_semaphore, #tpu.memory_space<semaphore_mem>>) src(%arg13 : memref<64x128xf32, #tpu.memory_space<vmem>>) dst(%dma_wait3A_670 : memref<10016x128xf32, #tpu.memory_space<vmem_shared>>)
      %dma_start3A_671 = arith.constant 3 : i32
      %dma_start3A_672 = arith.constant 64 : i32
      %dma_start3A_673 = tpu.memref_slice %arg7[%dma_start3A_671, %dma_start3A_672] : memref<8x128xi32, #tpu.memory_space<vmem>> -> memref<1x64xi32, #tpu.memory_space<vmem>>
      %dma_start3A_674 = tpu.memref_squeeze %dma_start3A_673 : memref<1x64xi32, #tpu.memory_space<vmem>> -> memref<64xi32, #tpu.memory_space<vmem>>
      %dma_start3A_675 = arith.constant 0 : i32
      %dma_start3A_676 = arith.constant 0 : i32
      %dma_start3A_677 = tpu.memref_slice %arg2[%dma_start3A_675, %dma_start3A_676] : memref<10000x128xf32, #tpu.memory_space<hbm>> -> memref<10000x128xf32, #tpu.memory_space<hbm>>
      tpu.enqueue_indirect_dma source(%dma_start3A_677 : memref<10000x128xf32, #tpu.memory_space<hbm>>) target(%arg13 : memref<64x128xf32, #tpu.memory_space<vmem>>) offsets(%dma_start3A_674 : memref<64xi32, #tpu.memory_space<vmem>>) semaphore(%arg18 : memref<!tpu.dma_semaphore, #tpu.memory_space<semaphore_mem>>)
      %dma_start3A_678 = arith.constant 2 : i32
      %dma_start3A_679 = arith.constant 64 : i32
      %dma_start3A_680 = tpu.memref_slice %arg9[%dma_start3A_678, %dma_start3A_679] : memref<8x128xi32, #tpu.memory_space<vmem>> -> memref<1x64xi32, #tpu.memory_space<vmem>>
      %dma_start3A_681 = tpu.memref_squeeze %dma_start3A_680 : memref<1x64xi32, #tpu.memory_space<vmem>> -> memref<64xi32, #tpu.memory_space<vmem>>
      %dma_start3A_682 = arith.constant 0 : i32
      %dma_start3A_683 = arith.constant 0 : i32
      %dma_start3A_684 = tpu.memref_slice %arg14[%dma_start3A_682, %dma_start3A_683] : memref<10016x128xf32, #tpu.memory_space<vmem_shared>> -> memref<10016x128xf32, #tpu.memory_space<vmem_shared>>
      tpu.enqueue_indirect_dma source(%arg11 : memref<64x128xf32, #tpu.memory_space<vmem>>) target(%dma_start3A_684 : memref<10016x128xf32, #tpu.memory_space<vmem_shared>>) offsets(%dma_start3A_681 : memref<64xi32, #tpu.memory_space<vmem>>) semaphore(%arg20 : memref<!tpu.dma_semaphore, #tpu.memory_space<semaphore_mem>>) {add = true}
      %dma_wait3A_685 = arith.constant 0 : i32
      %dma_wait3A_686 = arith.constant 0 : i32
      %dma_wait3A_687 = tpu.memref_slice %arg6[%dma_wait3A_685, %dma_wait3A_686] : memref<8x128xi32, #tpu.memory_space<vmem>> -> memref<1x64xi32, #tpu.memory_space<vmem>>
      %dma_wait3A_688 = tpu.memref_squeeze %dma_wait3A_687 : memref<1x64xi32, #tpu.memory_space<vmem>> -> memref<64xi32, #tpu.memory_space<vmem>>
      %dma_wait3A_689 = arith.constant 0 : i32
      %dma_wait3A_690 = arith.constant 0 : i32
      %dma_wait3A_691 = tpu.memref_slice %arg2[%dma_wait3A_689, %dma_wait3A_690] : memref<10000x128xf32, #tpu.memory_space<hbm>> -> memref<10000x128xf32, #tpu.memory_space<hbm>>
      tpu.wait_indirect_dma semaphore(%arg17 : memref<!tpu.dma_semaphore, #tpu.memory_space<semaphore_mem>>) src(%dma_wait3A_691 : memref<10000x128xf32, #tpu.memory_space<hbm>>) dst(%arg12 : memref<64x128xf32, #tpu.memory_space<vmem>>)
      %dma_wait3A_692 = arith.constant 0 : i32
      %dma_wait3A_693 = arith.constant 0 : i32
      %dma_wait3A_694 = tpu.memref_slice %arg8[%dma_wait3A_692, %dma_wait3A_693] : memref<8x128xi32, #tpu.memory_space<vmem>> -> memref<1x64xi32, #tpu.memory_space<vmem>>
      %dma_wait3A_695 = tpu.memref_squeeze %dma_wait3A_694 : memref<1x64xi32, #tpu.memory_space<vmem>> -> memref<64xi32, #tpu.memory_space<vmem>>
      %dma_wait3A_696 = arith.constant 0 : i32
      %dma_wait3A_697 = arith.constant 0 : i32
      %dma_wait3A_698 = tpu.memref_slice %arg14[%dma_wait3A_696, %dma_wait3A_697] : memref<10016x128xf32, #tpu.memory_space<vmem_shared>> -> memref<10016x128xf32, #tpu.memory_space<vmem_shared>>
      tpu.wait_indirect_dma semaphore(%arg19 : memref<!tpu.dma_semaphore, #tpu.memory_space<semaphore_mem>>) src(%arg10 : memref<64x128xf32, #tpu.memory_space<vmem>>) dst(%dma_wait3A_698 : memref<10016x128xf32, #tpu.memory_space<vmem_shared>>)
      %dma_start3A_699 = arith.constant 4 : i32
      %dma_start3A_700 = arith.constant 0 : i32
      %dma_start3A_701 = tpu.memref_slice %arg7[%dma_start3A_699, %dma_start3A_700] : memref<8x128xi32, #tpu.memory_space<vmem>> -> memref<1x64xi32, #tpu.memory_space<vmem>>
      %dma_start3A_702 = tpu.memref_squeeze %dma_start3A_701 : memref<1x64xi32, #tpu.memory_space<vmem>> -> memref<64xi32, #tpu.memory_space<vmem>>
      %dma_start3A_703 = arith.constant 0 : i32
      %dma_start3A_704 = arith.constant 0 : i32
      %dma_start3A_705 = tpu.memref_slice %arg2[%dma_start3A_703, %dma_start3A_704] : memref<10000x128xf32, #tpu.memory_space<hbm>> -> memref<10000x128xf32, #tpu.memory_space<hbm>>
      tpu.enqueue_indirect_dma source(%dma_start3A_705 : memref<10000x128xf32, #tpu.memory_space<hbm>>) target(%arg10 : memref<64x128xf32, #tpu.memory_space<vmem>>) offsets(%dma_start3A_702 : memref<64xi32, #tpu.memory_space<vmem>>) semaphore(%arg15 : memref<!tpu.dma_semaphore, #tpu.memory_space<semaphore_mem>>)
      %dma_start3A_706 = arith.constant 3 : i32
      %dma_start3A_707 = arith.constant 0 : i32
      %dma_start3A_708 = tpu.memref_slice %arg9[%dma_start3A_706, %dma_start3A_707] : memref<8x128xi32, #tpu.memory_space<vmem>> -> memref<1x64xi32, #tpu.memory_space<vmem>>
      %dma_start3A_709 = tpu.memref_squeeze %dma_start3A_708 : memref<1x64xi32, #tpu.memory_space<vmem>> -> memref<64xi32, #tpu.memory_space<vmem>>
      %dma_start3A_710 = arith.constant 0 : i32
      %dma_start3A_711 = arith.constant 0 : i32
      %dma_start3A_712 = tpu.memref_slice %arg14[%dma_start3A_710, %dma_start3A_711] : memref<10016x128xf32, #tpu.memory_space<vmem_shared>> -> memref<10016x128xf32, #tpu.memory_space<vmem_shared>>
      tpu.enqueue_indirect_dma source(%arg12 : memref<64x128xf32, #tpu.memory_space<vmem>>) target(%dma_start3A_712 : memref<10016x128xf32, #tpu.memory_space<vmem_shared>>) offsets(%dma_start3A_709 : memref<64xi32, #tpu.memory_space<vmem>>) semaphore(%arg21 : memref<!tpu.dma_semaphore, #tpu.memory_space<semaphore_mem>>) {add = true}
      %dma_wait3A_713 = arith.constant 0 : i32
      %dma_wait3A_714 = arith.constant 0 : i32
      %dma_wait3A_715 = tpu.memref_slice %arg6[%dma_wait3A_713, %dma_wait3A_714] : memref<8x128xi32, #tpu.memory_space<vmem>> -> memref<1x64xi32, #tpu.memory_space<vmem>>
      %dma_wait3A_716 = tpu.memref_squeeze %dma_wait3A_715 : memref<1x64xi32, #tpu.memory_space<vmem>> -> memref<64xi32, #tpu.memory_space<vmem>>
      %dma_wait3A_717 = arith.constant 0 : i32
      %dma_wait3A_718 = arith.constant 0 : i32
      %dma_wait3A_719 = tpu.memref_slice %arg2[%dma_wait3A_717, %dma_wait3A_718] : memref<10000x128xf32, #tpu.memory_space<hbm>> -> memref<10000x128xf32, #tpu.memory_space<hbm>>
      tpu.wait_indirect_dma semaphore(%arg18 : memref<!tpu.dma_semaphore, #tpu.memory_space<semaphore_mem>>) src(%dma_wait3A_719 : memref<10000x128xf32, #tpu.memory_space<hbm>>) dst(%arg13 : memref<64x128xf32, #tpu.memory_space<vmem>>)
      %dma_wait3A_720 = arith.constant 0 : i32
      %dma_wait3A_721 = arith.constant 0 : i32
      %dma_wait3A_722 = tpu.memref_slice %arg8[%dma_wait3A_720, %dma_wait3A_721] : memref<8x128xi32, #tpu.memory_space<vmem>> -> memref<1x64xi32, #tpu.memory_space<vmem>>
      %dma_wait3A_723 = tpu.memref_squeeze %dma_wait3A_722 : memref<1x64xi32, #tpu.memory_space<vmem>> -> memref<64xi32, #tpu.memory_space<vmem>>
      %dma_wait3A_724 = arith.constant 0 : i32
      %dma_wait3A_725 = arith.constant 0 : i32
      %dma_wait3A_726 = tpu.memref_slice %arg14[%dma_wait3A_724, %dma_wait3A_725] : memref<10016x128xf32, #tpu.memory_space<vmem_shared>> -> memref<10016x128xf32, #tpu.memory_space<vmem_shared>>
      tpu.wait_indirect_dma semaphore(%arg20 : memref<!tpu.dma_semaphore, #tpu.memory_space<semaphore_mem>>) src(%arg11 : memref<64x128xf32, #tpu.memory_space<vmem>>) dst(%dma_wait3A_726 : memref<10016x128xf32, #tpu.memory_space<vmem_shared>>)
      %dma_start3A_727 = arith.constant 4 : i32
      %dma_start3A_728 = arith.constant 64 : i32
      %dma_start3A_729 = tpu.memref_slice %arg7[%dma_start3A_727, %dma_start3A_728] : memref<8x128xi32, #tpu.memory_space<vmem>> -> memref<1x64xi32, #tpu.memory_space<vmem>>
      %dma_start3A_730 = tpu.memref_squeeze %dma_start3A_729 : memref<1x64xi32, #tpu.memory_space<vmem>> -> memref<64xi32, #tpu.memory_space<vmem>>
      %dma_start3A_731 = arith.constant 0 : i32
      %dma_start3A_732 = arith.constant 0 : i32
      %dma_start3A_733 = tpu.memref_slice %arg2[%dma_start3A_731, %dma_start3A_732] : memref<10000x128xf32, #tpu.memory_space<hbm>> -> memref<10000x128xf32, #tpu.memory_space<hbm>>
      tpu.enqueue_indirect_dma source(%dma_start3A_733 : memref<10000x128xf32, #tpu.memory_space<hbm>>) target(%arg11 : memref<64x128xf32, #tpu.memory_space<vmem>>) offsets(%dma_start3A_730 : memref<64xi32, #tpu.memory_space<vmem>>) semaphore(%arg16 : memref<!tpu.dma_semaphore, #tpu.memory_space<semaphore_mem>>)
      %dma_start3A_734 = arith.constant 3 : i32
      %dma_start3A_735 = arith.constant 64 : i32
      %dma_start3A_736 = tpu.memref_slice %arg9[%dma_start3A_734, %dma_start3A_735] : memref<8x128xi32, #tpu.memory_space<vmem>> -> memref<1x64xi32, #tpu.memory_space<vmem>>
      %dma_start3A_737 = tpu.memref_squeeze %dma_start3A_736 : memref<1x64xi32, #tpu.memory_space<vmem>> -> memref<64xi32, #tpu.memory_space<vmem>>
      %dma_start3A_738 = arith.constant 0 : i32
      %dma_start3A_739 = arith.constant 0 : i32
      %dma_start3A_740 = tpu.memref_slice %arg14[%dma_start3A_738, %dma_start3A_739] : memref<10016x128xf32, #tpu.memory_space<vmem_shared>> -> memref<10016x128xf32, #tpu.memory_space<vmem_shared>>
      tpu.enqueue_indirect_dma source(%arg13 : memref<64x128xf32, #tpu.memory_space<vmem>>) target(%dma_start3A_740 : memref<10016x128xf32, #tpu.memory_space<vmem_shared>>) offsets(%dma_start3A_737 : memref<64xi32, #tpu.memory_space<vmem>>) semaphore(%arg22 : memref<!tpu.dma_semaphore, #tpu.memory_space<semaphore_mem>>) {add = true}
      %dma_wait3A_741 = arith.constant 0 : i32
      %dma_wait3A_742 = arith.constant 0 : i32
      %dma_wait3A_743 = tpu.memref_slice %arg6[%dma_wait3A_741, %dma_wait3A_742] : memref<8x128xi32, #tpu.memory_space<vmem>> -> memref<1x64xi32, #tpu.memory_space<vmem>>
      %dma_wait3A_744 = tpu.memref_squeeze %dma_wait3A_743 : memref<1x64xi32, #tpu.memory_space<vmem>> -> memref<64xi32, #tpu.memory_space<vmem>>
      %dma_wait3A_745 = arith.constant 0 : i32
      %dma_wait3A_746 = arith.constant 0 : i32
      %dma_wait3A_747 = tpu.memref_slice %arg2[%dma_wait3A_745, %dma_wait3A_746] : memref<10000x128xf32, #tpu.memory_space<hbm>> -> memref<10000x128xf32, #tpu.memory_space<hbm>>
      tpu.wait_indirect_dma semaphore(%arg15 : memref<!tpu.dma_semaphore, #tpu.memory_space<semaphore_mem>>) src(%dma_wait3A_747 : memref<10000x128xf32, #tpu.memory_space<hbm>>) dst(%arg10 : memref<64x128xf32, #tpu.memory_space<vmem>>)
      %dma_wait3A_748 = arith.constant 0 : i32
      %dma_wait3A_749 = arith.constant 0 : i32
      %dma_wait3A_750 = tpu.memref_slice %arg8[%dma_wait3A_748, %dma_wait3A_749] : memref<8x128xi32, #tpu.memory_space<vmem>> -> memref<1x64xi32, #tpu.memory_space<vmem>>
      %dma_wait3A_751 = tpu.memref_squeeze %dma_wait3A_750 : memref<1x64xi32, #tpu.memory_space<vmem>> -> memref<64xi32, #tpu.memory_space<vmem>>
      %dma_wait3A_752 = arith.constant 0 : i32
      %dma_wait3A_753 = arith.constant 0 : i32
      %dma_wait3A_754 = tpu.memref_slice %arg14[%dma_wait3A_752, %dma_wait3A_753] : memref<10016x128xf32, #tpu.memory_space<vmem_shared>> -> memref<10016x128xf32, #tpu.memory_space<vmem_shared>>
      tpu.wait_indirect_dma semaphore(%arg21 : memref<!tpu.dma_semaphore, #tpu.memory_space<semaphore_mem>>) src(%arg12 : memref<64x128xf32, #tpu.memory_space<vmem>>) dst(%dma_wait3A_754 : memref<10016x128xf32, #tpu.memory_space<vmem_shared>>)
      %dma_start3A_755 = arith.constant 5 : i32
      %dma_start3A_756 = arith.constant 0 : i32
      %dma_start3A_757 = tpu.memref_slice %arg7[%dma_start3A_755, %dma_start3A_756] : memref<8x128xi32, #tpu.memory_space<vmem>> -> memref<1x64xi32, #tpu.memory_space<vmem>>
      %dma_start3A_758 = tpu.memref_squeeze %dma_start3A_757 : memref<1x64xi32, #tpu.memory_space<vmem>> -> memref<64xi32, #tpu.memory_space<vmem>>
      %dma_start3A_759 = arith.constant 0 : i32
      %dma_start3A_760 = arith.constant 0 : i32
      %dma_start3A_761 = tpu.memref_slice %arg2[%dma_start3A_759, %dma_start3A_760] : memref<10000x128xf32, #tpu.memory_space<hbm>> -> memref<10000x128xf32, #tpu.memory_space<hbm>>
      tpu.enqueue_indirect_dma source(%dma_start3A_761 : memref<10000x128xf32, #tpu.memory_space<hbm>>) target(%arg12 : memref<64x128xf32, #tpu.memory_space<vmem>>) offsets(%dma_start3A_758 : memref<64xi32, #tpu.memory_space<vmem>>) semaphore(%arg17 : memref<!tpu.dma_semaphore, #tpu.memory_space<semaphore_mem>>)
      %dma_start3A_762 = arith.constant 4 : i32
      %dma_start3A_763 = arith.constant 0 : i32
      %dma_start3A_764 = tpu.memref_slice %arg9[%dma_start3A_762, %dma_start3A_763] : memref<8x128xi32, #tpu.memory_space<vmem>> -> memref<1x64xi32, #tpu.memory_space<vmem>>
      %dma_start3A_765 = tpu.memref_squeeze %dma_start3A_764 : memref<1x64xi32, #tpu.memory_space<vmem>> -> memref<64xi32, #tpu.memory_space<vmem>>
      %dma_start3A_766 = arith.constant 0 : i32
      %dma_start3A_767 = arith.constant 0 : i32
      %dma_start3A_768 = tpu.memref_slice %arg14[%dma_start3A_766, %dma_start3A_767] : memref<10016x128xf32, #tpu.memory_space<vmem_shared>> -> memref<10016x128xf32, #tpu.memory_space<vmem_shared>>
      tpu.enqueue_indirect_dma source(%arg10 : memref<64x128xf32, #tpu.memory_space<vmem>>) target(%dma_start3A_768 : memref<10016x128xf32, #tpu.memory_space<vmem_shared>>) offsets(%dma_start3A_765 : memref<64xi32, #tpu.memory_space<vmem>>) semaphore(%arg19 : memref<!tpu.dma_semaphore, #tpu.memory_space<semaphore_mem>>) {add = true}
      %dma_wait3A_769 = arith.constant 0 : i32
      %dma_wait3A_770 = arith.constant 0 : i32
      %dma_wait3A_771 = tpu.memref_slice %arg6[%dma_wait3A_769, %dma_wait3A_770] : memref<8x128xi32, #tpu.memory_space<vmem>> -> memref<1x64xi32, #tpu.memory_space<vmem>>
      %dma_wait3A_772 = tpu.memref_squeeze %dma_wait3A_771 : memref<1x64xi32, #tpu.memory_space<vmem>> -> memref<64xi32, #tpu.memory_space<vmem>>
      %dma_wait3A_773 = arith.constant 0 : i32
      %dma_wait3A_774 = arith.constant 0 : i32
      %dma_wait3A_775 = tpu.memref_slice %arg2[%dma_wait3A_773, %dma_wait3A_774] : memref<10000x128xf32, #tpu.memory_space<hbm>> -> memref<10000x128xf32, #tpu.memory_space<hbm>>
      tpu.wait_indirect_dma semaphore(%arg16 : memref<!tpu.dma_semaphore, #tpu.memory_space<semaphore_mem>>) src(%dma_wait3A_775 : memref<10000x128xf32, #tpu.memory_space<hbm>>) dst(%arg11 : memref<64x128xf32, #tpu.memory_space<vmem>>)
      %dma_wait3A_776 = arith.constant 0 : i32
      %dma_wait3A_777 = arith.constant 0 : i32
      %dma_wait3A_778 = tpu.memref_slice %arg8[%dma_wait3A_776, %dma_wait3A_777] : memref<8x128xi32, #tpu.memory_space<vmem>> -> memref<1x64xi32, #tpu.memory_space<vmem>>
      %dma_wait3A_779 = tpu.memref_squeeze %dma_wait3A_778 : memref<1x64xi32, #tpu.memory_space<vmem>> -> memref<64xi32, #tpu.memory_space<vmem>>
      %dma_wait3A_780 = arith.constant 0 : i32
      %dma_wait3A_781 = arith.constant 0 : i32
      %dma_wait3A_782 = tpu.memref_slice %arg14[%dma_wait3A_780, %dma_wait3A_781] : memref<10016x128xf32, #tpu.memory_space<vmem_shared>> -> memref<10016x128xf32, #tpu.memory_space<vmem_shared>>
      tpu.wait_indirect_dma semaphore(%arg22 : memref<!tpu.dma_semaphore, #tpu.memory_space<semaphore_mem>>) src(%arg13 : memref<64x128xf32, #tpu.memory_space<vmem>>) dst(%dma_wait3A_782 : memref<10016x128xf32, #tpu.memory_space<vmem_shared>>)
      %dma_start3A_783 = arith.constant 5 : i32
      %dma_start3A_784 = arith.constant 64 : i32
      %dma_start3A_785 = tpu.memref_slice %arg7[%dma_start3A_783, %dma_start3A_784] : memref<8x128xi32, #tpu.memory_space<vmem>> -> memref<1x64xi32, #tpu.memory_space<vmem>>
      %dma_start3A_786 = tpu.memref_squeeze %dma_start3A_785 : memref<1x64xi32, #tpu.memory_space<vmem>> -> memref<64xi32, #tpu.memory_space<vmem>>
      %dma_start3A_787 = arith.constant 0 : i32
      %dma_start3A_788 = arith.constant 0 : i32
      %dma_start3A_789 = tpu.memref_slice %arg2[%dma_start3A_787, %dma_start3A_788] : memref<10000x128xf32, #tpu.memory_space<hbm>> -> memref<10000x128xf32, #tpu.memory_space<hbm>>
      tpu.enqueue_indirect_dma source(%dma_start3A_789 : memref<10000x128xf32, #tpu.memory_space<hbm>>) target(%arg13 : memref<64x128xf32, #tpu.memory_space<vmem>>) offsets(%dma_start3A_786 : memref<64xi32, #tpu.memory_space<vmem>>) semaphore(%arg18 : memref<!tpu.dma_semaphore, #tpu.memory_space<semaphore_mem>>)
      %dma_start3A_790 = arith.constant 4 : i32
      %dma_start3A_791 = arith.constant 64 : i32
      %dma_start3A_792 = tpu.memref_slice %arg9[%dma_start3A_790, %dma_start3A_791] : memref<8x128xi32, #tpu.memory_space<vmem>> -> memref<1x64xi32, #tpu.memory_space<vmem>>
      %dma_start3A_793 = tpu.memref_squeeze %dma_start3A_792 : memref<1x64xi32, #tpu.memory_space<vmem>> -> memref<64xi32, #tpu.memory_space<vmem>>
      %dma_start3A_794 = arith.constant 0 : i32
      %dma_start3A_795 = arith.constant 0 : i32
      %dma_start3A_796 = tpu.memref_slice %arg14[%dma_start3A_794, %dma_start3A_795] : memref<10016x128xf32, #tpu.memory_space<vmem_shared>> -> memref<10016x128xf32, #tpu.memory_space<vmem_shared>>
      tpu.enqueue_indirect_dma source(%arg11 : memref<64x128xf32, #tpu.memory_space<vmem>>) target(%dma_start3A_796 : memref<10016x128xf32, #tpu.memory_space<vmem_shared>>) offsets(%dma_start3A_793 : memref<64xi32, #tpu.memory_space<vmem>>) semaphore(%arg20 : memref<!tpu.dma_semaphore, #tpu.memory_space<semaphore_mem>>) {add = true}
      %dma_wait3A_797 = arith.constant 0 : i32
      %dma_wait3A_798 = arith.constant 0 : i32
      %dma_wait3A_799 = tpu.memref_slice %arg6[%dma_wait3A_797, %dma_wait3A_798] : memref<8x128xi32, #tpu.memory_space<vmem>> -> memref<1x64xi32, #tpu.memory_space<vmem>>
      %dma_wait3A_800 = tpu.memref_squeeze %dma_wait3A_799 : memref<1x64xi32, #tpu.memory_space<vmem>> -> memref<64xi32, #tpu.memory_space<vmem>>
      %dma_wait3A_801 = arith.constant 0 : i32
      %dma_wait3A_802 = arith.constant 0 : i32
      %dma_wait3A_803 = tpu.memref_slice %arg2[%dma_wait3A_801, %dma_wait3A_802] : memref<10000x128xf32, #tpu.memory_space<hbm>> -> memref<10000x128xf32, #tpu.memory_space<hbm>>
      tpu.wait_indirect_dma semaphore(%arg17 : memref<!tpu.dma_semaphore, #tpu.memory_space<semaphore_mem>>) src(%dma_wait3A_803 : memref<10000x128xf32, #tpu.memory_space<hbm>>) dst(%arg12 : memref<64x128xf32, #tpu.memory_space<vmem>>)
      %dma_wait3A_804 = arith.constant 0 : i32
      %dma_wait3A_805 = arith.constant 0 : i32
      %dma_wait3A_806 = tpu.memref_slice %arg8[%dma_wait3A_804, %dma_wait3A_805] : memref<8x128xi32, #tpu.memory_space<vmem>> -> memref<1x64xi32, #tpu.memory_space<vmem>>
      %dma_wait3A_807 = tpu.memref_squeeze %dma_wait3A_806 : memref<1x64xi32, #tpu.memory_space<vmem>> -> memref<64xi32, #tpu.memory_space<vmem>>
      %dma_wait3A_808 = arith.constant 0 : i32
      %dma_wait3A_809 = arith.constant 0 : i32
      %dma_wait3A_810 = tpu.memref_slice %arg14[%dma_wait3A_808, %dma_wait3A_809] : memref<10016x128xf32, #tpu.memory_space<vmem_shared>> -> memref<10016x128xf32, #tpu.memory_space<vmem_shared>>
      tpu.wait_indirect_dma semaphore(%arg19 : memref<!tpu.dma_semaphore, #tpu.memory_space<semaphore_mem>>) src(%arg10 : memref<64x128xf32, #tpu.memory_space<vmem>>) dst(%dma_wait3A_810 : memref<10016x128xf32, #tpu.memory_space<vmem_shared>>)
      %dma_start3A_811 = arith.constant 6 : i32
      %dma_start3A_812 = arith.constant 0 : i32
      %dma_start3A_813 = tpu.memref_slice %arg7[%dma_start3A_811, %dma_start3A_812] : memref<8x128xi32, #tpu.memory_space<vmem>> -> memref<1x64xi32, #tpu.memory_space<vmem>>
      %dma_start3A_814 = tpu.memref_squeeze %dma_start3A_813 : memref<1x64xi32, #tpu.memory_space<vmem>> -> memref<64xi32, #tpu.memory_space<vmem>>
      %dma_start3A_815 = arith.constant 0 : i32
      %dma_start3A_816 = arith.constant 0 : i32
      %dma_start3A_817 = tpu.memref_slice %arg2[%dma_start3A_815, %dma_start3A_816] : memref<10000x128xf32, #tpu.memory_space<hbm>> -> memref<10000x128xf32, #tpu.memory_space<hbm>>
      tpu.enqueue_indirect_dma source(%dma_start3A_817 : memref<10000x128xf32, #tpu.memory_space<hbm>>) target(%arg10 : memref<64x128xf32, #tpu.memory_space<vmem>>) offsets(%dma_start3A_814 : memref<64xi32, #tpu.memory_space<vmem>>) semaphore(%arg15 : memref<!tpu.dma_semaphore, #tpu.memory_space<semaphore_mem>>)
      %dma_start3A_818 = arith.constant 5 : i32
      %dma_start3A_819 = arith.constant 0 : i32
      %dma_start3A_820 = tpu.memref_slice %arg9[%dma_start3A_818, %dma_start3A_819] : memref<8x128xi32, #tpu.memory_space<vmem>> -> memref<1x64xi32, #tpu.memory_space<vmem>>
      %dma_start3A_821 = tpu.memref_squeeze %dma_start3A_820 : memref<1x64xi32, #tpu.memory_space<vmem>> -> memref<64xi32, #tpu.memory_space<vmem>>
      %dma_start3A_822 = arith.constant 0 : i32
      %dma_start3A_823 = arith.constant 0 : i32
      %dma_start3A_824 = tpu.memref_slice %arg14[%dma_start3A_822, %dma_start3A_823] : memref<10016x128xf32, #tpu.memory_space<vmem_shared>> -> memref<10016x128xf32, #tpu.memory_space<vmem_shared>>
      tpu.enqueue_indirect_dma source(%arg12 : memref<64x128xf32, #tpu.memory_space<vmem>>) target(%dma_start3A_824 : memref<10016x128xf32, #tpu.memory_space<vmem_shared>>) offsets(%dma_start3A_821 : memref<64xi32, #tpu.memory_space<vmem>>) semaphore(%arg21 : memref<!tpu.dma_semaphore, #tpu.memory_space<semaphore_mem>>) {add = true}
      %dma_wait3A_825 = arith.constant 0 : i32
      %dma_wait3A_826 = arith.constant 0 : i32
      %dma_wait3A_827 = tpu.memref_slice %arg6[%dma_wait3A_825, %dma_wait3A_826] : memref<8x128xi32, #tpu.memory_space<vmem>> -> memref<1x64xi32, #tpu.memory_space<vmem>>
      %dma_wait3A_828 = tpu.memref_squeeze %dma_wait3A_827 : memref<1x64xi32, #tpu.memory_space<vmem>> -> memref<64xi32, #tpu.memory_space<vmem>>
      %dma_wait3A_829 = arith.constant 0 : i32
      %dma_wait3A_830 = arith.constant 0 : i32
      %dma_wait3A_831 = tpu.memref_slice %arg2[%dma_wait3A_829, %dma_wait3A_830] : memref<10000x128xf32, #tpu.memory_space<hbm>> -> memref<10000x128xf32, #tpu.memory_space<hbm>>
      tpu.wait_indirect_dma semaphore(%arg18 : memref<!tpu.dma_semaphore, #tpu.memory_space<semaphore_mem>>) src(%dma_wait3A_831 : memref<10000x128xf32, #tpu.memory_space<hbm>>) dst(%arg13 : memref<64x128xf32, #tpu.memory_space<vmem>>)
      %dma_wait3A_832 = arith.constant 0 : i32
      %dma_wait3A_833 = arith.constant 0 : i32
      %dma_wait3A_834 = tpu.memref_slice %arg8[%dma_wait3A_832, %dma_wait3A_833] : memref<8x128xi32, #tpu.memory_space<vmem>> -> memref<1x64xi32, #tpu.memory_space<vmem>>
      %dma_wait3A_835 = tpu.memref_squeeze %dma_wait3A_834 : memref<1x64xi32, #tpu.memory_space<vmem>> -> memref<64xi32, #tpu.memory_space<vmem>>
      %dma_wait3A_836 = arith.constant 0 : i32
      %dma_wait3A_837 = arith.constant 0 : i32
      %dma_wait3A_838 = tpu.memref_slice %arg14[%dma_wait3A_836, %dma_wait3A_837] : memref<10016x128xf32, #tpu.memory_space<vmem_shared>> -> memref<10016x128xf32, #tpu.memory_space<vmem_shared>>
      tpu.wait_indirect_dma semaphore(%arg20 : memref<!tpu.dma_semaphore, #tpu.memory_space<semaphore_mem>>) src(%arg11 : memref<64x128xf32, #tpu.memory_space<vmem>>) dst(%dma_wait3A_838 : memref<10016x128xf32, #tpu.memory_space<vmem_shared>>)
      %dma_start3A_839 = arith.constant 6 : i32
      %dma_start3A_840 = arith.constant 64 : i32
      %dma_start3A_841 = tpu.memref_slice %arg7[%dma_start3A_839, %dma_start3A_840] : memref<8x128xi32, #tpu.memory_space<vmem>> -> memref<1x64xi32, #tpu.memory_space<vmem>>
      %dma_start3A_842 = tpu.memref_squeeze %dma_start3A_841 : memref<1x64xi32, #tpu.memory_space<vmem>> -> memref<64xi32, #tpu.memory_space<vmem>>
      %dma_start3A_843 = arith.constant 0 : i32
      %dma_start3A_844 = arith.constant 0 : i32
      %dma_start3A_845 = tpu.memref_slice %arg2[%dma_start3A_843, %dma_start3A_844] : memref<10000x128xf32, #tpu.memory_space<hbm>> -> memref<10000x128xf32, #tpu.memory_space<hbm>>
      tpu.enqueue_indirect_dma source(%dma_start3A_845 : memref<10000x128xf32, #tpu.memory_space<hbm>>) target(%arg11 : memref<64x128xf32, #tpu.memory_space<vmem>>) offsets(%dma_start3A_842 : memref<64xi32, #tpu.memory_space<vmem>>) semaphore(%arg16 : memref<!tpu.dma_semaphore, #tpu.memory_space<semaphore_mem>>)
      %dma_start3A_846 = arith.constant 5 : i32
      %dma_start3A_847 = arith.constant 64 : i32
      %dma_start3A_848 = tpu.memref_slice %arg9[%dma_start3A_846, %dma_start3A_847] : memref<8x128xi32, #tpu.memory_space<vmem>> -> memref<1x64xi32, #tpu.memory_space<vmem>>
      %dma_start3A_849 = tpu.memref_squeeze %dma_start3A_848 : memref<1x64xi32, #tpu.memory_space<vmem>> -> memref<64xi32, #tpu.memory_space<vmem>>
      %dma_start3A_850 = arith.constant 0 : i32
      %dma_start3A_851 = arith.constant 0 : i32
      %dma_start3A_852 = tpu.memref_slice %arg14[%dma_start3A_850, %dma_start3A_851] : memref<10016x128xf32, #tpu.memory_space<vmem_shared>> -> memref<10016x128xf32, #tpu.memory_space<vmem_shared>>
      tpu.enqueue_indirect_dma source(%arg13 : memref<64x128xf32, #tpu.memory_space<vmem>>) target(%dma_start3A_852 : memref<10016x128xf32, #tpu.memory_space<vmem_shared>>) offsets(%dma_start3A_849 : memref<64xi32, #tpu.memory_space<vmem>>) semaphore(%arg22 : memref<!tpu.dma_semaphore, #tpu.memory_space<semaphore_mem>>) {add = true}
      %dma_wait3A_853 = arith.constant 0 : i32
      %dma_wait3A_854 = arith.constant 0 : i32
      %dma_wait3A_855 = tpu.memref_slice %arg6[%dma_wait3A_853, %dma_wait3A_854] : memref<8x128xi32, #tpu.memory_space<vmem>> -> memref<1x64xi32, #tpu.memory_space<vmem>>
      %dma_wait3A_856 = tpu.memref_squeeze %dma_wait3A_855 : memref<1x64xi32, #tpu.memory_space<vmem>> -> memref<64xi32, #tpu.memory_space<vmem>>
      %dma_wait3A_857 = arith.constant 0 : i32
      %dma_wait3A_858 = arith.constant 0 : i32
      %dma_wait3A_859 = tpu.memref_slice %arg2[%dma_wait3A_857, %dma_wait3A_858] : memref<10000x128xf32, #tpu.memory_space<hbm>> -> memref<10000x128xf32, #tpu.memory_space<hbm>>
      tpu.wait_indirect_dma semaphore(%arg15 : memref<!tpu.dma_semaphore, #tpu.memory_space<semaphore_mem>>) src(%dma_wait3A_859 : memref<10000x128xf32, #tpu.memory_space<hbm>>) dst(%arg10 : memref<64x128xf32, #tpu.memory_space<vmem>>)
      %dma_wait3A_860 = arith.constant 0 : i32
      %dma_wait3A_861 = arith.constant 0 : i32
      %dma_wait3A_862 = tpu.memref_slice %arg8[%dma_wait3A_860, %dma_wait3A_861] : memref<8x128xi32, #tpu.memory_space<vmem>> -> memref<1x64xi32, #tpu.memory_space<vmem>>
      %dma_wait3A_863 = tpu.memref_squeeze %dma_wait3A_862 : memref<1x64xi32, #tpu.memory_space<vmem>> -> memref<64xi32, #tpu.memory_space<vmem>>
      %dma_wait3A_864 = arith.constant 0 : i32
      %dma_wait3A_865 = arith.constant 0 : i32
      %dma_wait3A_866 = tpu.memref_slice %arg14[%dma_wait3A_864, %dma_wait3A_865] : memref<10016x128xf32, #tpu.memory_space<vmem_shared>> -> memref<10016x128xf32, #tpu.memory_space<vmem_shared>>
      tpu.wait_indirect_dma semaphore(%arg21 : memref<!tpu.dma_semaphore, #tpu.memory_space<semaphore_mem>>) src(%arg12 : memref<64x128xf32, #tpu.memory_space<vmem>>) dst(%dma_wait3A_866 : memref<10016x128xf32, #tpu.memory_space<vmem_shared>>)
      %dma_start3A_867 = arith.constant 7 : i32
      %dma_start3A_868 = arith.constant 0 : i32
      %dma_start3A_869 = tpu.memref_slice %arg7[%dma_start3A_867, %dma_start3A_868] : memref<8x128xi32, #tpu.memory_space<vmem>> -> memref<1x64xi32, #tpu.memory_space<vmem>>
      %dma_start3A_870 = tpu.memref_squeeze %dma_start3A_869 : memref<1x64xi32, #tpu.memory_space<vmem>> -> memref<64xi32, #tpu.memory_space<vmem>>
      %dma_start3A_871 = arith.constant 0 : i32
      %dma_start3A_872 = arith.constant 0 : i32
      %dma_start3A_873 = tpu.memref_slice %arg2[%dma_start3A_871, %dma_start3A_872] : memref<10000x128xf32, #tpu.memory_space<hbm>> -> memref<10000x128xf32, #tpu.memory_space<hbm>>
      tpu.enqueue_indirect_dma source(%dma_start3A_873 : memref<10000x128xf32, #tpu.memory_space<hbm>>) target(%arg12 : memref<64x128xf32, #tpu.memory_space<vmem>>) offsets(%dma_start3A_870 : memref<64xi32, #tpu.memory_space<vmem>>) semaphore(%arg17 : memref<!tpu.dma_semaphore, #tpu.memory_space<semaphore_mem>>)
      %dma_start3A_874 = arith.constant 6 : i32
      %dma_start3A_875 = arith.constant 0 : i32
      %dma_start3A_876 = tpu.memref_slice %arg9[%dma_start3A_874, %dma_start3A_875] : memref<8x128xi32, #tpu.memory_space<vmem>> -> memref<1x64xi32, #tpu.memory_space<vmem>>
      %dma_start3A_877 = tpu.memref_squeeze %dma_start3A_876 : memref<1x64xi32, #tpu.memory_space<vmem>> -> memref<64xi32, #tpu.memory_space<vmem>>
      %dma_start3A_878 = arith.constant 0 : i32
      %dma_start3A_879 = arith.constant 0 : i32
      %dma_start3A_880 = tpu.memref_slice %arg14[%dma_start3A_878, %dma_start3A_879] : memref<10016x128xf32, #tpu.memory_space<vmem_shared>> -> memref<10016x128xf32, #tpu.memory_space<vmem_shared>>
      tpu.enqueue_indirect_dma source(%arg10 : memref<64x128xf32, #tpu.memory_space<vmem>>) target(%dma_start3A_880 : memref<10016x128xf32, #tpu.memory_space<vmem_shared>>) offsets(%dma_start3A_877 : memref<64xi32, #tpu.memory_space<vmem>>) semaphore(%arg19 : memref<!tpu.dma_semaphore, #tpu.memory_space<semaphore_mem>>) {add = true}
      %dma_wait3A_881 = arith.constant 0 : i32
      %dma_wait3A_882 = arith.constant 0 : i32
      %dma_wait3A_883 = tpu.memref_slice %arg6[%dma_wait3A_881, %dma_wait3A_882] : memref<8x128xi32, #tpu.memory_space<vmem>> -> memref<1x64xi32, #tpu.memory_space<vmem>>
      %dma_wait3A_884 = tpu.memref_squeeze %dma_wait3A_883 : memref<1x64xi32, #tpu.memory_space<vmem>> -> memref<64xi32, #tpu.memory_space<vmem>>
      %dma_wait3A_885 = arith.constant 0 : i32
      %dma_wait3A_886 = arith.constant 0 : i32
      %dma_wait3A_887 = tpu.memref_slice %arg2[%dma_wait3A_885, %dma_wait3A_886] : memref<10000x128xf32, #tpu.memory_space<hbm>> -> memref<10000x128xf32, #tpu.memory_space<hbm>>
      tpu.wait_indirect_dma semaphore(%arg16 : memref<!tpu.dma_semaphore, #tpu.memory_space<semaphore_mem>>) src(%dma_wait3A_887 : memref<10000x128xf32, #tpu.memory_space<hbm>>) dst(%arg11 : memref<64x128xf32, #tpu.memory_space<vmem>>)
      %dma_wait3A_888 = arith.constant 0 : i32
      %dma_wait3A_889 = arith.constant 0 : i32
      %dma_wait3A_890 = tpu.memref_slice %arg8[%dma_wait3A_888, %dma_wait3A_889] : memref<8x128xi32, #tpu.memory_space<vmem>> -> memref<1x64xi32, #tpu.memory_space<vmem>>
      %dma_wait3A_891 = tpu.memref_squeeze %dma_wait3A_890 : memref<1x64xi32, #tpu.memory_space<vmem>> -> memref<64xi32, #tpu.memory_space<vmem>>
      %dma_wait3A_892 = arith.constant 0 : i32
      %dma_wait3A_893 = arith.constant 0 : i32
      %dma_wait3A_894 = tpu.memref_slice %arg14[%dma_wait3A_892, %dma_wait3A_893] : memref<10016x128xf32, #tpu.memory_space<vmem_shared>> -> memref<10016x128xf32, #tpu.memory_space<vmem_shared>>
      tpu.wait_indirect_dma semaphore(%arg22 : memref<!tpu.dma_semaphore, #tpu.memory_space<semaphore_mem>>) src(%arg13 : memref<64x128xf32, #tpu.memory_space<vmem>>) dst(%dma_wait3A_894 : memref<10016x128xf32, #tpu.memory_space<vmem_shared>>)
      %dma_start3A_895 = arith.constant 7 : i32
      %dma_start3A_896 = arith.constant 64 : i32
      %dma_start3A_897 = tpu.memref_slice %arg7[%dma_start3A_895, %dma_start3A_896] : memref<8x128xi32, #tpu.memory_space<vmem>> -> memref<1x64xi32, #tpu.memory_space<vmem>>
      %dma_start3A_898 = tpu.memref_squeeze %dma_start3A_897 : memref<1x64xi32, #tpu.memory_space<vmem>> -> memref<64xi32, #tpu.memory_space<vmem>>
      %dma_start3A_899 = arith.constant 0 : i32
      %dma_start3A_900 = arith.constant 0 : i32
      %dma_start3A_901 = tpu.memref_slice %arg2[%dma_start3A_899, %dma_start3A_900] : memref<10000x128xf32, #tpu.memory_space<hbm>> -> memref<10000x128xf32, #tpu.memory_space<hbm>>
      tpu.enqueue_indirect_dma source(%dma_start3A_901 : memref<10000x128xf32, #tpu.memory_space<hbm>>) target(%arg13 : memref<64x128xf32, #tpu.memory_space<vmem>>) offsets(%dma_start3A_898 : memref<64xi32, #tpu.memory_space<vmem>>) semaphore(%arg18 : memref<!tpu.dma_semaphore, #tpu.memory_space<semaphore_mem>>)
      %dma_start3A_902 = arith.constant 6 : i32
      %dma_start3A_903 = arith.constant 64 : i32
      %dma_start3A_904 = tpu.memref_slice %arg9[%dma_start3A_902, %dma_start3A_903] : memref<8x128xi32, #tpu.memory_space<vmem>> -> memref<1x64xi32, #tpu.memory_space<vmem>>
      %dma_start3A_905 = tpu.memref_squeeze %dma_start3A_904 : memref<1x64xi32, #tpu.memory_space<vmem>> -> memref<64xi32, #tpu.memory_space<vmem>>
      %dma_start3A_906 = arith.constant 0 : i32
      %dma_start3A_907 = arith.constant 0 : i32
      %dma_start3A_908 = tpu.memref_slice %arg14[%dma_start3A_906, %dma_start3A_907] : memref<10016x128xf32, #tpu.memory_space<vmem_shared>> -> memref<10016x128xf32, #tpu.memory_space<vmem_shared>>
      tpu.enqueue_indirect_dma source(%arg11 : memref<64x128xf32, #tpu.memory_space<vmem>>) target(%dma_start3A_908 : memref<10016x128xf32, #tpu.memory_space<vmem_shared>>) offsets(%dma_start3A_905 : memref<64xi32, #tpu.memory_space<vmem>>) semaphore(%arg20 : memref<!tpu.dma_semaphore, #tpu.memory_space<semaphore_mem>>) {add = true}
      %dma_wait3A_909 = arith.constant 0 : i32
      %dma_wait3A_910 = arith.constant 0 : i32
      %dma_wait3A_911 = tpu.memref_slice %arg6[%dma_wait3A_909, %dma_wait3A_910] : memref<8x128xi32, #tpu.memory_space<vmem>> -> memref<1x64xi32, #tpu.memory_space<vmem>>
      %dma_wait3A_912 = tpu.memref_squeeze %dma_wait3A_911 : memref<1x64xi32, #tpu.memory_space<vmem>> -> memref<64xi32, #tpu.memory_space<vmem>>
      %dma_wait3A_913 = arith.constant 0 : i32
      %dma_wait3A_914 = arith.constant 0 : i32
      %dma_wait3A_915 = tpu.memref_slice %arg2[%dma_wait3A_913, %dma_wait3A_914] : memref<10000x128xf32, #tpu.memory_space<hbm>> -> memref<10000x128xf32, #tpu.memory_space<hbm>>
      tpu.wait_indirect_dma semaphore(%arg17 : memref<!tpu.dma_semaphore, #tpu.memory_space<semaphore_mem>>) src(%dma_wait3A_915 : memref<10000x128xf32, #tpu.memory_space<hbm>>) dst(%arg12 : memref<64x128xf32, #tpu.memory_space<vmem>>)
      %dma_wait3A_916 = arith.constant 0 : i32
      %dma_wait3A_917 = arith.constant 0 : i32
      %dma_wait3A_918 = tpu.memref_slice %arg8[%dma_wait3A_916, %dma_wait3A_917] : memref<8x128xi32, #tpu.memory_space<vmem>> -> memref<1x64xi32, #tpu.memory_space<vmem>>
      %dma_wait3A_919 = tpu.memref_squeeze %dma_wait3A_918 : memref<1x64xi32, #tpu.memory_space<vmem>> -> memref<64xi32, #tpu.memory_space<vmem>>
      %dma_wait3A_920 = arith.constant 0 : i32
      %dma_wait3A_921 = arith.constant 0 : i32
      %dma_wait3A_922 = tpu.memref_slice %arg14[%dma_wait3A_920, %dma_wait3A_921] : memref<10016x128xf32, #tpu.memory_space<vmem_shared>> -> memref<10016x128xf32, #tpu.memory_space<vmem_shared>>
      tpu.wait_indirect_dma semaphore(%arg19 : memref<!tpu.dma_semaphore, #tpu.memory_space<semaphore_mem>>) src(%arg10 : memref<64x128xf32, #tpu.memory_space<vmem>>) dst(%dma_wait3A_922 : memref<10016x128xf32, #tpu.memory_space<vmem_shared>>)
      %add3A_923 = arith.constant 1 : i32
      %add3A_924 = arith.addi %add3A_513, %add3A_923 : i32
      %lt3A_925 = arith.constant 10 : i32
      %lt3A_926 = arith.cmpi slt, %add3A_924, %lt3A_925 : i32
      %convert_element_type3A_927 = arith.extui %lt3A_926 : i1 to i32
      %cond3A_928 = arith.constant 0 : i32
      %cond3A_929 = arith.cmpi ne, %convert_element_type3A_927, %cond3A_928 : i32
      scf.if %cond3A_929 {
        %dma_wait3A_965 = arith.constant 0 : i32
        %dma_wait3A_966 = arith.constant 0 : i32
        %dma_wait3A_967 = tpu.memref_slice %arg3[%dma_wait3A_965, %dma_wait3A_966] : memref<2560x128xi32, #tpu.memory_space<hbm>> -> memref<8x128xi32, #tpu.memory_space<hbm>>
        %dma_wait3A_968 = arith.constant 0 : i32
        %dma_wait3A_969 = arith.constant 0 : i32
        %dma_wait3A_970 = tpu.memref_slice %arg3[%dma_wait3A_968, %dma_wait3A_969] : memref<2560x128xi32, #tpu.memory_space<hbm>> -> memref<8x128xi32, #tpu.memory_space<hbm>>
        tpu.wait_dma2 semaphore(%arg23 : memref<!tpu.dma_semaphore, #tpu.memory_space<semaphore_mem>>) src(%dma_wait3A_970 : memref<8x128xi32, #tpu.memory_space<hbm>>) dst(%arg6 : memref<8x128xi32, #tpu.memory_space<vmem>>)
        %dma_wait3A_971 = arith.constant 0 : i32
        %dma_wait3A_972 = arith.constant 0 : i32
        %dma_wait3A_973 = tpu.memref_slice %arg4[%dma_wait3A_971, %dma_wait3A_972] : memref<2560x128xi32, #tpu.memory_space<hbm>> -> memref<8x128xi32, #tpu.memory_space<hbm>>
        %dma_wait3A_974 = arith.constant 0 : i32
        %dma_wait3A_975 = arith.constant 0 : i32
        %dma_wait3A_976 = tpu.memref_slice %arg4[%dma_wait3A_974, %dma_wait3A_975] : memref<2560x128xi32, #tpu.memory_space<hbm>> -> memref<8x128xi32, #tpu.memory_space<hbm>>
        tpu.wait_dma2 semaphore(%arg25 : memref<!tpu.dma_semaphore, #tpu.memory_space<semaphore_mem>>) src(%dma_wait3A_976 : memref<8x128xi32, #tpu.memory_space<hbm>>) dst(%arg8 : memref<8x128xi32, #tpu.memory_space<vmem>>)
        %dma_start3A_977 = arith.constant 0 : i32
        %dma_start3A_978 = arith.constant 0 : i32
        %dma_start3A_979 = tpu.memref_slice %arg6[%dma_start3A_977, %dma_start3A_978] : memref<8x128xi32, #tpu.memory_space<vmem>> -> memref<1x64xi32, #tpu.memory_space<vmem>>
        %dma_start3A_980 = tpu.memref_squeeze %dma_start3A_979 : memref<1x64xi32, #tpu.memory_space<vmem>> -> memref<64xi32, #tpu.memory_space<vmem>>
        %dma_start3A_981 = arith.constant 0 : i32
        %dma_start3A_982 = arith.constant 0 : i32
        %dma_start3A_983 = tpu.memref_slice %arg2[%dma_start3A_981, %dma_start3A_982] : memref<10000x128xf32, #tpu.memory_space<hbm>> -> memref<10000x128xf32, #tpu.memory_space<hbm>>
        tpu.enqueue_indirect_dma source(%dma_start3A_983 : memref<10000x128xf32, #tpu.memory_space<hbm>>) target(%arg10 : memref<64x128xf32, #tpu.memory_space<vmem>>) offsets(%dma_start3A_980 : memref<64xi32, #tpu.memory_space<vmem>>) semaphore(%arg15 : memref<!tpu.dma_semaphore, #tpu.memory_space<semaphore_mem>>)
      } else {
      }
      %dma_start3A_930 = arith.constant 7 : i32
      %dma_start3A_931 = arith.constant 0 : i32
      %dma_start3A_932 = tpu.memref_slice %arg9[%dma_start3A_930, %dma_start3A_931] : memref<8x128xi32, #tpu.memory_space<vmem>> -> memref<1x64xi32, #tpu.memory_space<vmem>>
      %dma_start3A_933 = tpu.memref_squeeze %dma_start3A_932 : memref<1x64xi32, #tpu.memory_space<vmem>> -> memref<64xi32, #tpu.memory_space<vmem>>
      %dma_start3A_934 = arith.constant 0 : i32
      %dma_start3A_935 = arith.constant 0 : i32
      %dma_start3A_936 = tpu.memref_slice %arg14[%dma_start3A_934, %dma_start3A_935] : memref<10016x128xf32, #tpu.memory_space<vmem_shared>> -> memref<10016x128xf32, #tpu.memory_space<vmem_shared>>
      tpu.enqueue_indirect_dma source(%arg12 : memref<64x128xf32, #tpu.memory_space<vmem>>) target(%dma_start3A_936 : memref<10016x128xf32, #tpu.memory_space<vmem_shared>>) offsets(%dma_start3A_933 : memref<64xi32, #tpu.memory_space<vmem>>) semaphore(%arg21 : memref<!tpu.dma_semaphore, #tpu.memory_space<semaphore_mem>>) {add = true}
      %dma_wait3A_937 = arith.constant 0 : i32
      %dma_wait3A_938 = arith.constant 0 : i32
      %dma_wait3A_939 = tpu.memref_slice %arg6[%dma_wait3A_937, %dma_wait3A_938] : memref<8x128xi32, #tpu.memory_space<vmem>> -> memref<1x64xi32, #tpu.memory_space<vmem>>
      %dma_wait3A_940 = tpu.memref_squeeze %dma_wait3A_939 : memref<1x64xi32, #tpu.memory_space<vmem>> -> memref<64xi32, #tpu.memory_space<vmem>>
      %dma_wait3A_941 = arith.constant 0 : i32
      %dma_wait3A_942 = arith.constant 0 : i32
      %dma_wait3A_943 = tpu.memref_slice %arg2[%dma_wait3A_941, %dma_wait3A_942] : memref<10000x128xf32, #tpu.memory_space<hbm>> -> memref<10000x128xf32, #tpu.memory_space<hbm>>
      tpu.wait_indirect_dma semaphore(%arg18 : memref<!tpu.dma_semaphore, #tpu.memory_space<semaphore_mem>>) src(%dma_wait3A_943 : memref<10000x128xf32, #tpu.memory_space<hbm>>) dst(%arg13 : memref<64x128xf32, #tpu.memory_space<vmem>>)
      %dma_wait3A_944 = arith.constant 0 : i32
      %dma_wait3A_945 = arith.constant 0 : i32
      %dma_wait3A_946 = tpu.memref_slice %arg8[%dma_wait3A_944, %dma_wait3A_945] : memref<8x128xi32, #tpu.memory_space<vmem>> -> memref<1x64xi32, #tpu.memory_space<vmem>>
      %dma_wait3A_947 = tpu.memref_squeeze %dma_wait3A_946 : memref<1x64xi32, #tpu.memory_space<vmem>> -> memref<64xi32, #tpu.memory_space<vmem>>
      %dma_wait3A_948 = arith.constant 0 : i32
      %dma_wait3A_949 = arith.constant 0 : i32
      %dma_wait3A_950 = tpu.memref_slice %arg14[%dma_wait3A_948, %dma_wait3A_949] : memref<10016x128xf32, #tpu.memory_space<vmem_shared>> -> memref<10016x128xf32, #tpu.memory_space<vmem_shared>>
      tpu.wait_indirect_dma semaphore(%arg20 : memref<!tpu.dma_semaphore, #tpu.memory_space<semaphore_mem>>) src(%arg11 : memref<64x128xf32, #tpu.memory_space<vmem>>) dst(%dma_wait3A_950 : memref<10016x128xf32, #tpu.memory_space<vmem_shared>>)
      %add3A_951 = arith.constant 1 : i32
      %add3A_952 = arith.addi %add3A_513, %add3A_951 : i32
      %lt3A_953 = arith.constant 10 : i32
      %lt3A_954 = arith.cmpi slt, %add3A_952, %lt3A_953 : i32
      %convert_element_type3A_955 = arith.extui %lt3A_954 : i1 to i32
      %cond3A_956 = arith.constant 0 : i32
      %cond3A_957 = arith.cmpi ne, %convert_element_type3A_955, %cond3A_956 : i32
      scf.if %cond3A_957 {
        %dma_start3A_965 = arith.constant 0 : i32
        %dma_start3A_966 = arith.constant 64 : i32
        %dma_start3A_967 = tpu.memref_slice %arg6[%dma_start3A_965, %dma_start3A_966] : memref<8x128xi32, #tpu.memory_space<vmem>> -> memref<1x64xi32, #tpu.memory_space<vmem>>
        %dma_start3A_968 = tpu.memref_squeeze %dma_start3A_967 : memref<1x64xi32, #tpu.memory_space<vmem>> -> memref<64xi32, #tpu.memory_space<vmem>>
        %dma_start3A_969 = arith.constant 0 : i32
        %dma_start3A_970 = arith.constant 0 : i32
        %dma_start3A_971 = tpu.memref_slice %arg2[%dma_start3A_969, %dma_start3A_970] : memref<10000x128xf32, #tpu.memory_space<hbm>> -> memref<10000x128xf32, #tpu.memory_space<hbm>>
        tpu.enqueue_indirect_dma source(%dma_start3A_971 : memref<10000x128xf32, #tpu.memory_space<hbm>>) target(%arg11 : memref<64x128xf32, #tpu.memory_space<vmem>>) offsets(%dma_start3A_968 : memref<64xi32, #tpu.memory_space<vmem>>) semaphore(%arg16 : memref<!tpu.dma_semaphore, #tpu.memory_space<semaphore_mem>>)
      } else {
      }
      %dma_start3A_958 = arith.constant 7 : i32
      %dma_start3A_959 = arith.constant 64 : i32
      %dma_start3A_960 = tpu.memref_slice %arg9[%dma_start3A_958, %dma_start3A_959] : memref<8x128xi32, #tpu.memory_space<vmem>> -> memref<1x64xi32, #tpu.memory_space<vmem>>
      %dma_start3A_961 = tpu.memref_squeeze %dma_start3A_960 : memref<1x64xi32, #tpu.memory_space<vmem>> -> memref<64xi32, #tpu.memory_space<vmem>>
      %dma_start3A_962 = arith.constant 0 : i32
      %dma_start3A_963 = arith.constant 0 : i32
      %dma_start3A_964 = tpu.memref_slice %arg14[%dma_start3A_962, %dma_start3A_963] : memref<10016x128xf32, #tpu.memory_space<vmem_shared>> -> memref<10016x128xf32, #tpu.memory_space<vmem_shared>>
      tpu.enqueue_indirect_dma source(%arg13 : memref<64x128xf32, #tpu.memory_space<vmem>>) target(%dma_start3A_964 : memref<10016x128xf32, #tpu.memory_space<vmem_shared>>) offsets(%dma_start3A_961 : memref<64xi32, #tpu.memory_space<vmem>>) semaphore(%arg22 : memref<!tpu.dma_semaphore, #tpu.memory_space<semaphore_mem>>) {add = true}
    }
    %scan3A_30 = arith.constant 5 : i32
    %dma_wait3A = arith.constant 0 : i32
    %dma_wait3A_31 = arith.constant 0 : i32
    %dma_wait3A_32 = tpu.memref_slice %arg8[%dma_wait3A, %dma_wait3A_31] : memref<8x128xi32, #tpu.memory_space<vmem>> -> memref<1x64xi32, #tpu.memory_space<vmem>>
    %dma_wait3A_33 = tpu.memref_squeeze %dma_wait3A_32 : memref<1x64xi32, #tpu.memory_space<vmem>> -> memref<64xi32, #tpu.memory_space<vmem>>
    %dma_wait3A_34 = arith.constant 0 : i32
    %dma_wait3A_35 = arith.constant 0 : i32
    %dma_wait3A_36 = tpu.memref_slice %arg14[%dma_wait3A_34, %dma_wait3A_35] : memref<10016x128xf32, #tpu.memory_space<vmem_shared>> -> memref<10016x128xf32, #tpu.memory_space<vmem_shared>>
    tpu.wait_indirect_dma semaphore(%arg21 : memref<!tpu.dma_semaphore, #tpu.memory_space<semaphore_mem>>) src(%arg12 : memref<64x128xf32, #tpu.memory_space<vmem>>) dst(%dma_wait3A_36 : memref<10016x128xf32, #tpu.memory_space<vmem_shared>>)
    %dma_wait3A_37 = arith.constant 0 : i32
    %dma_wait3A_38 = arith.constant 0 : i32
    %dma_wait3A_39 = tpu.memref_slice %arg8[%dma_wait3A_37, %dma_wait3A_38] : memref<8x128xi32, #tpu.memory_space<vmem>> -> memref<1x64xi32, #tpu.memory_space<vmem>>
    %dma_wait3A_40 = tpu.memref_squeeze %dma_wait3A_39 : memref<1x64xi32, #tpu.memory_space<vmem>> -> memref<64xi32, #tpu.memory_space<vmem>>
    %dma_wait3A_41 = arith.constant 0 : i32
    %dma_wait3A_42 = arith.constant 0 : i32
    %dma_wait3A_43 = tpu.memref_slice %arg14[%dma_wait3A_41, %dma_wait3A_42] : memref<10016x128xf32, #tpu.memory_space<vmem_shared>> -> memref<10016x128xf32, #tpu.memory_space<vmem_shared>>
    tpu.wait_indirect_dma semaphore(%arg22 : memref<!tpu.dma_semaphore, #tpu.memory_space<semaphore_mem>>) src(%arg13 : memref<64x128xf32, #tpu.memory_space<vmem>>) dst(%dma_wait3A_43 : memref<10016x128xf32, #tpu.memory_space<vmem_shared>>)
    %barrier3A_44 = arith.constant 0 : index
    tpu.barrier barrier_id(%barrier3A_44)
    %lt3A_45 = arith.constant 15 : i32
    %lt3A_46 = arith.cmpi slt, %arg1, %lt3A_45 : i32
    %convert_element_type3A_47 = arith.extui %lt3A_46 : i1 to i32
    %cond3A_48 = arith.constant 0 : i32
    %cond3A_49 = arith.cmpi ne, %convert_element_type3A_47, %cond3A_48 : i32
    scf.if %cond3A_49 {
      %mul3A_55 = arith.constant 640 : i32
      %mul3A_56 = arith.muli %arg1, %mul3A_55 : i32
      %mul3A_57 = arith.constant 640 : i32
      %mul3A_58 = arith.muli %arg1, %mul3A_57 : i32
      "tpu.region"() ({
        %run_scoped3A = tpu.sem_alloc : memref<!tpu.dma_semaphore, #tpu.memory_space<semaphore_mem>>
        %dma_start3A_59 = arith.constant 0 : i32
        %dma_start3A_60 = tpu.memref_slice %arg5[%arg0, %mul3A_58, %dma_start3A_59] : memref<2x10000x128xf32, #tpu.memory_space<hbm>> -> memref<1x640x128xf32, #tpu.memory_space<hbm>>
        %dma_start3A_61 = tpu.memref_squeeze %dma_start3A_60 : memref<1x640x128xf32, #tpu.memory_space<hbm>> -> memref<640x128xf32, #tpu.memory_space<hbm>>
        %dma_start3A_62 = arith.constant 0 : i32
        %dma_start3A_63 = tpu.memref_slice %arg14[%mul3A_56, %dma_start3A_62] : memref<10016x128xf32, #tpu.memory_space<vmem_shared>> -> memref<640x128xf32, #tpu.memory_space<vmem_shared>>
        tpu.enqueue_dma source(%dma_start3A_63 : memref<640x128xf32, #tpu.memory_space<vmem_shared>>) target(%dma_start3A_61 : memref<640x128xf32, #tpu.memory_space<hbm>>) target_semaphore(%run_scoped3A : memref<!tpu.dma_semaphore, #tpu.memory_space<semaphore_mem>>)
        %dma_wait3A_64 = arith.constant 0 : i32
        %dma_wait3A_65 = tpu.memref_slice %arg5[%arg0, %mul3A_58, %dma_wait3A_64] : memref<2x10000x128xf32, #tpu.memory_space<hbm>> -> memref<1x640x128xf32, #tpu.memory_space<hbm>>
        %dma_wait3A_66 = tpu.memref_squeeze %dma_wait3A_65 : memref<1x640x128xf32, #tpu.memory_space<hbm>> -> memref<640x128xf32, #tpu.memory_space<hbm>>
        %dma_wait3A_67 = arith.constant 0 : i32
        %dma_wait3A_68 = tpu.memref_slice %arg14[%mul3A_56, %dma_wait3A_67] : memref<10016x128xf32, #tpu.memory_space<vmem_shared>> -> memref<640x128xf32, #tpu.memory_space<vmem_shared>>
        tpu.wait_dma2 semaphore(%run_scoped3A : memref<!tpu.dma_semaphore, #tpu.memory_space<semaphore_mem>>) src(%dma_wait3A_68 : memref<640x128xf32, #tpu.memory_space<vmem_shared>>) dst(%dma_wait3A_66 : memref<640x128xf32, #tpu.memory_space<hbm>>)
        tpu.yield
      }) : () -> ()
    } else {
    }
    %eq3A_50 = arith.constant 15 : i32
    %eq3A_51 = arith.cmpi eq, %arg1, %eq3A_50 : i32
    %convert_element_type3A_52 = arith.extui %eq3A_51 : i1 to i32
    %cond3A_53 = arith.constant 0 : i32
    %cond3A_54 = arith.cmpi ne, %convert_element_type3A_52, %cond3A_53 : i32
    scf.if %cond3A_54 {
      "tpu.region"() ({
        %run_scoped3A = tpu.sem_alloc : memref<!tpu.dma_semaphore, #tpu.memory_space<semaphore_mem>>
        %dma_start3A_55 = arith.constant 9600 : i32
        %dma_start3A_56 = arith.constant 0 : i32
        %dma_start3A_57 = tpu.memref_slice %arg5[%arg0, %dma_start3A_55, %dma_start3A_56] : memref<2x10000x128xf32, #tpu.memory_space<hbm>> -> memref<1x400x128xf32, #tpu.memory_space<hbm>>
        %dma_start3A_58 = tpu.memref_squeeze %dma_start3A_57 : memref<1x400x128xf32, #tpu.memory_space<hbm>> -> memref<400x128xf32, #tpu.memory_space<hbm>>
        %dma_start3A_59 = arith.constant 9600 : i32
        %dma_start3A_60 = arith.constant 0 : i32
        %dma_start3A_61 = tpu.memref_slice %arg14[%dma_start3A_59, %dma_start3A_60] : memref<10016x128xf32, #tpu.memory_space<vmem_shared>> -> memref<400x128xf32, #tpu.memory_space<vmem_shared>>
        tpu.enqueue_dma source(%dma_start3A_61 : memref<400x128xf32, #tpu.memory_space<vmem_shared>>) target(%dma_start3A_58 : memref<400x128xf32, #tpu.memory_space<hbm>>) target_semaphore(%run_scoped3A : memref<!tpu.dma_semaphore, #tpu.memory_space<semaphore_mem>>)
        %dma_wait3A_62 = arith.constant 9600 : i32
        %dma_wait3A_63 = arith.constant 0 : i32
        %dma_wait3A_64 = tpu.memref_slice %arg5[%arg0, %dma_wait3A_62, %dma_wait3A_63] : memref<2x10000x128xf32, #tpu.memory_space<hbm>> -> memref<1x400x128xf32, #tpu.memory_space<hbm>>
        %dma_wait3A_65 = tpu.memref_squeeze %dma_wait3A_64 : memref<1x400x128xf32, #tpu.memory_space<hbm>> -> memref<400x128xf32, #tpu.memory_space<hbm>>
        %dma_wait3A_66 = arith.constant 9600 : i32
        %dma_wait3A_67 = arith.constant 0 : i32
        %dma_wait3A_68 = tpu.memref_slice %arg14[%dma_wait3A_66, %dma_wait3A_67] : memref<10016x128xf32, #tpu.memory_space<vmem_shared>> -> memref<400x128xf32, #tpu.memory_space<vmem_shared>>
        tpu.wait_dma2 semaphore(%run_scoped3A : memref<!tpu.dma_semaphore, #tpu.memory_space<semaphore_mem>>) src(%dma_wait3A_68 : memref<400x128xf32, #tpu.memory_space<vmem_shared>>) dst(%dma_wait3A_65 : memref<400x128xf32, #tpu.memory_space<hbm>>)
        tpu.yield
      }) : () -> ()
    } else {
    }
    return
  }
}

#map = affine_map<(d0, d1) -> (0)>
#map1 = affine_map<(d0, d1) -> (0, 0)>
module attributes {stable_mosaic.version = 14 : i64} {
  func.func @_deg_kernel(%arg0: i32, %arg1: i32, %arg2: memref<10016xf32, #tpu.memory_space<hbm>>, %arg3: memref<2560x128xi32, #tpu.memory_space<hbm>>, %arg4: memref<2x10016xf32, #tpu.memory_space<hbm>>, %arg5: memref<8x128xi32, #tpu.memory_space<vmem>>, %arg6: memref<128xf32, #tpu.memory_space<vmem>>, %arg7: memref<10016xf32, #tpu.memory_space<vmem_shared>>) attributes {dimension_semantics = [#tpu.dimension_semantics<core_parallel>, #tpu.dimension_semantics<subcore_parallel>], iteration_bounds = array<i64: 2, 16>, scalar_prefetch = 0 : i64, scratch_operands = 3 : i64, tpu.core_type = #tpu.core_type<sc_vector_subcore>, window_params = [{transform_indices = #map}, {transform_indices = #map1}, {transform_indices = #map1}]} {
    %mul3A = arith.constant 2 : i32
    %mul3A_0 = arith.muli %arg1, %mul3A : i32
    %add3A = arith.addi %mul3A_0, %arg0 : i32
    %eq3A = arith.constant 0 : i32
    %eq3A_1 = arith.cmpi eq, %arg1, %eq3A : i32
    %convert_element_type3A = arith.extui %eq3A_1 : i1 to i32
    %cond3A = arith.constant 0 : i32
    %cond3A_2 = arith.cmpi ne, %convert_element_type3A, %cond3A : i32
    scf.if %cond3A_2 {
      "tpu.region"() ({
        %run_scoped3A = tpu.sem_alloc : memref<!tpu.dma_semaphore, #tpu.memory_space<semaphore_mem>>
        tpu.enqueue_dma source(%arg2 : memref<10016xf32, #tpu.memory_space<hbm>>) target(%arg7 : memref<10016xf32, #tpu.memory_space<vmem_shared>>) target_semaphore(%run_scoped3A : memref<!tpu.dma_semaphore, #tpu.memory_space<semaphore_mem>>)
        tpu.wait_dma2 semaphore(%run_scoped3A : memref<!tpu.dma_semaphore, #tpu.memory_space<semaphore_mem>>) src(%arg2 : memref<10016xf32, #tpu.memory_space<hbm>>) dst(%arg7 : memref<10016xf32, #tpu.memory_space<vmem_shared>>)
        tpu.yield
      }) : () -> ()
    } else {
    }
    "tpu.region"() ({
      %run_scoped3A = tpu.sem_alloc : memref<!tpu.dma_semaphore, #tpu.memory_space<semaphore_mem>>
      %dma_start3A = arith.constant 0 : i32
      %dma_start3A_14 = tpu.memref_slice %arg2[%dma_start3A] : memref<10016xf32, #tpu.memory_space<hbm>> -> memref<128xf32, #tpu.memory_space<hbm>>
      %dma_start3A_15 = arith.constant 0 : i32
      %dma_start3A_16 = tpu.memref_slice %arg2[%dma_start3A_15] : memref<10016xf32, #tpu.memory_space<hbm>> -> memref<128xf32, #tpu.memory_space<hbm>>
      tpu.enqueue_dma source(%dma_start3A_16 : memref<128xf32, #tpu.memory_space<hbm>>) target(%arg6 : memref<128xf32, #tpu.memory_space<vmem>>) target_semaphore(%run_scoped3A : memref<!tpu.dma_semaphore, #tpu.memory_space<semaphore_mem>>)
      %dma_wait3A = arith.constant 0 : i32
      %dma_wait3A_17 = tpu.memref_slice %arg2[%dma_wait3A] : memref<10016xf32, #tpu.memory_space<hbm>> -> memref<128xf32, #tpu.memory_space<hbm>>
      %dma_wait3A_18 = arith.constant 0 : i32
      %dma_wait3A_19 = tpu.memref_slice %arg2[%dma_wait3A_18] : memref<10016xf32, #tpu.memory_space<hbm>> -> memref<128xf32, #tpu.memory_space<hbm>>
      tpu.wait_dma2 semaphore(%run_scoped3A : memref<!tpu.dma_semaphore, #tpu.memory_space<semaphore_mem>>) src(%dma_wait3A_19 : memref<128xf32, #tpu.memory_space<hbm>>) dst(%arg6 : memref<128xf32, #tpu.memory_space<vmem>>)
      tpu.yield
    }) : () -> ()
    %barrier3A = arith.constant 0 : index
    tpu.barrier barrier_id(%barrier3A)
    %scan3A = arith.constant 0 : i32
    %scan3A_3 = arith.constant 0 : i32
    %scan3A_4 = arith.constant 10 : i32
    %scan3A_5 = arith.addi %scan3A_3, %scan3A_4 : i32
    %scan3A_6 = arith.constant 1 : i32
    scf.for %scan3A_14 = %scan3A_3 to %scan3A_5 step %scan3A_6  : i32 {
      %mul3A_15 = arith.constant 80 : i32
      %mul3A_16 = arith.muli %add3A, %mul3A_15 : i32
      %mul3A_17 = arith.constant 8 : i32
      %mul3A_18 = arith.muli %scan3A_14, %mul3A_17 : i32
      %add3A_19 = arith.addi %mul3A_16, %mul3A_18 : i32
      "tpu.region"() ({
        %run_scoped3A_27 = tpu.sem_alloc : memref<!tpu.dma_semaphore, #tpu.memory_space<semaphore_mem>>
        %dma_start3A = arith.constant 0 : i32
        %dma_start3A_28 = tpu.memref_slice %arg3[%add3A_19, %dma_start3A] : memref<2560x128xi32, #tpu.memory_space<hbm>> -> memref<8x128xi32, #tpu.memory_space<hbm>>
        %dma_start3A_29 = arith.constant 0 : i32
        %dma_start3A_30 = tpu.memref_slice %arg3[%add3A_19, %dma_start3A_29] : memref<2560x128xi32, #tpu.memory_space<hbm>> -> memref<8x128xi32, #tpu.memory_space<hbm>>
        tpu.enqueue_dma source(%dma_start3A_30 : memref<8x128xi32, #tpu.memory_space<hbm>>) target(%arg5 : memref<8x128xi32, #tpu.memory_space<vmem>>) target_semaphore(%run_scoped3A_27 : memref<!tpu.dma_semaphore, #tpu.memory_space<semaphore_mem>>)
        %dma_wait3A = arith.constant 0 : i32
        %dma_wait3A_31 = tpu.memref_slice %arg3[%add3A_19, %dma_wait3A] : memref<2560x128xi32, #tpu.memory_space<hbm>> -> memref<8x128xi32, #tpu.memory_space<hbm>>
        %dma_wait3A_32 = arith.constant 0 : i32
        %dma_wait3A_33 = tpu.memref_slice %arg3[%add3A_19, %dma_wait3A_32] : memref<2560x128xi32, #tpu.memory_space<hbm>> -> memref<8x128xi32, #tpu.memory_space<hbm>>
        tpu.wait_dma2 semaphore(%run_scoped3A_27 : memref<!tpu.dma_semaphore, #tpu.memory_space<semaphore_mem>>) src(%dma_wait3A_33 : memref<8x128xi32, #tpu.memory_space<hbm>>) dst(%arg5 : memref<8x128xi32, #tpu.memory_space<vmem>>)
        tpu.yield
      }) : () -> ()
      %run_scoped3A = arith.constant 0 : i32
      "tpu.region"() ({
        %run_scoped3A_27 = tpu.sem_alloc : memref<!tpu.dma_semaphore, #tpu.memory_space<semaphore_mem>>
        %dma_start3A = arith.constant 0 : i32
        %dma_start3A_28 = tpu.memref_slice %arg5[%run_scoped3A, %dma_start3A] : memref<8x128xi32, #tpu.memory_space<vmem>> -> memref<1x128xi32, #tpu.memory_space<vmem>>
        %dma_start3A_29 = tpu.memref_squeeze %dma_start3A_28 : memref<1x128xi32, #tpu.memory_space<vmem>> -> memref<128xi32, #tpu.memory_space<vmem>>
        %dma_start3A_30 = arith.constant 0 : i32
        %dma_start3A_31 = tpu.memref_slice %arg7[%dma_start3A_30] : memref<10016xf32, #tpu.memory_space<vmem_shared>> -> memref<10016xf32, #tpu.memory_space<vmem_shared>>
        tpu.enqueue_indirect_dma source(%arg6 : memref<128xf32, #tpu.memory_space<vmem>>) target(%dma_start3A_31 : memref<10016xf32, #tpu.memory_space<vmem_shared>>) offsets(%dma_start3A_29 : memref<128xi32, #tpu.memory_space<vmem>>) semaphore(%run_scoped3A_27 : memref<!tpu.dma_semaphore, #tpu.memory_space<semaphore_mem>>) {add = true}
        %dma_wait3A = arith.constant 0 : i32
        %dma_wait3A_32 = tpu.memref_slice %arg5[%run_scoped3A, %dma_wait3A] : memref<8x128xi32, #tpu.memory_space<vmem>> -> memref<1x128xi32, #tpu.memory_space<vmem>>
        %dma_wait3A_33 = tpu.memref_squeeze %dma_wait3A_32 : memref<1x128xi32, #tpu.memory_space<vmem>> -> memref<128xi32, #tpu.memory_space<vmem>>
        %dma_wait3A_34 = arith.constant 0 : i32
        %dma_wait3A_35 = tpu.memref_slice %arg7[%dma_wait3A_34] : memref<10016xf32, #tpu.memory_space<vmem_shared>> -> memref<10016xf32, #tpu.memory_space<vmem_shared>>
        tpu.wait_indirect_dma semaphore(%run_scoped3A_27 : memref<!tpu.dma_semaphore, #tpu.memory_space<semaphore_mem>>) src(%arg6 : memref<128xf32, #tpu.memory_space<vmem>>) dst(%dma_wait3A_35 : memref<10016xf32, #tpu.memory_space<vmem_shared>>)
        tpu.yield
      }) : () -> ()
      %run_scoped3A_20 = arith.constant 1 : i32
      "tpu.region"() ({
        %run_scoped3A_27 = tpu.sem_alloc : memref<!tpu.dma_semaphore, #tpu.memory_space<semaphore_mem>>
        %dma_start3A = arith.constant 0 : i32
        %dma_start3A_28 = tpu.memref_slice %arg5[%run_scoped3A_20, %dma_start3A] : memref<8x128xi32, #tpu.memory_space<vmem>> -> memref<1x128xi32, #tpu.memory_space<vmem>>
        %dma_start3A_29 = tpu.memref_squeeze %dma_start3A_28 : memref<1x128xi32, #tpu.memory_space<vmem>> -> memref<128xi32, #tpu.memory_space<vmem>>
        %dma_start3A_30 = arith.constant 0 : i32
        %dma_start3A_31 = tpu.memref_slice %arg7[%dma_start3A_30] : memref<10016xf32, #tpu.memory_space<vmem_shared>> -> memref<10016xf32, #tpu.memory_space<vmem_shared>>
        tpu.enqueue_indirect_dma source(%arg6 : memref<128xf32, #tpu.memory_space<vmem>>) target(%dma_start3A_31 : memref<10016xf32, #tpu.memory_space<vmem_shared>>) offsets(%dma_start3A_29 : memref<128xi32, #tpu.memory_space<vmem>>) semaphore(%run_scoped3A_27 : memref<!tpu.dma_semaphore, #tpu.memory_space<semaphore_mem>>) {add = true}
        %dma_wait3A = arith.constant 0 : i32
        %dma_wait3A_32 = tpu.memref_slice %arg5[%run_scoped3A_20, %dma_wait3A] : memref<8x128xi32, #tpu.memory_space<vmem>> -> memref<1x128xi32, #tpu.memory_space<vmem>>
        %dma_wait3A_33 = tpu.memref_squeeze %dma_wait3A_32 : memref<1x128xi32, #tpu.memory_space<vmem>> -> memref<128xi32, #tpu.memory_space<vmem>>
        %dma_wait3A_34 = arith.constant 0 : i32
        %dma_wait3A_35 = tpu.memref_slice %arg7[%dma_wait3A_34] : memref<10016xf32, #tpu.memory_space<vmem_shared>> -> memref<10016xf32, #tpu.memory_space<vmem_shared>>
        tpu.wait_indirect_dma semaphore(%run_scoped3A_27 : memref<!tpu.dma_semaphore, #tpu.memory_space<semaphore_mem>>) src(%arg6 : memref<128xf32, #tpu.memory_space<vmem>>) dst(%dma_wait3A_35 : memref<10016xf32, #tpu.memory_space<vmem_shared>>)
        tpu.yield
      }) : () -> ()
      %run_scoped3A_21 = arith.constant 2 : i32
      "tpu.region"() ({
        %run_scoped3A_27 = tpu.sem_alloc : memref<!tpu.dma_semaphore, #tpu.memory_space<semaphore_mem>>
        %dma_start3A = arith.constant 0 : i32
        %dma_start3A_28 = tpu.memref_slice %arg5[%run_scoped3A_21, %dma_start3A] : memref<8x128xi32, #tpu.memory_space<vmem>> -> memref<1x128xi32, #tpu.memory_space<vmem>>
        %dma_start3A_29 = tpu.memref_squeeze %dma_start3A_28 : memref<1x128xi32, #tpu.memory_space<vmem>> -> memref<128xi32, #tpu.memory_space<vmem>>
        %dma_start3A_30 = arith.constant 0 : i32
        %dma_start3A_31 = tpu.memref_slice %arg7[%dma_start3A_30] : memref<10016xf32, #tpu.memory_space<vmem_shared>> -> memref<10016xf32, #tpu.memory_space<vmem_shared>>
        tpu.enqueue_indirect_dma source(%arg6 : memref<128xf32, #tpu.memory_space<vmem>>) target(%dma_start3A_31 : memref<10016xf32, #tpu.memory_space<vmem_shared>>) offsets(%dma_start3A_29 : memref<128xi32, #tpu.memory_space<vmem>>) semaphore(%run_scoped3A_27 : memref<!tpu.dma_semaphore, #tpu.memory_space<semaphore_mem>>) {add = true}
        %dma_wait3A = arith.constant 0 : i32
        %dma_wait3A_32 = tpu.memref_slice %arg5[%run_scoped3A_21, %dma_wait3A] : memref<8x128xi32, #tpu.memory_space<vmem>> -> memref<1x128xi32, #tpu.memory_space<vmem>>
        %dma_wait3A_33 = tpu.memref_squeeze %dma_wait3A_32 : memref<1x128xi32, #tpu.memory_space<vmem>> -> memref<128xi32, #tpu.memory_space<vmem>>
        %dma_wait3A_34 = arith.constant 0 : i32
        %dma_wait3A_35 = tpu.memref_slice %arg7[%dma_wait3A_34] : memref<10016xf32, #tpu.memory_space<vmem_shared>> -> memref<10016xf32, #tpu.memory_space<vmem_shared>>
        tpu.wait_indirect_dma semaphore(%run_scoped3A_27 : memref<!tpu.dma_semaphore, #tpu.memory_space<semaphore_mem>>) src(%arg6 : memref<128xf32, #tpu.memory_space<vmem>>) dst(%dma_wait3A_35 : memref<10016xf32, #tpu.memory_space<vmem_shared>>)
        tpu.yield
      }) : () -> ()
      %run_scoped3A_22 = arith.constant 3 : i32
      "tpu.region"() ({
        %run_scoped3A_27 = tpu.sem_alloc : memref<!tpu.dma_semaphore, #tpu.memory_space<semaphore_mem>>
        %dma_start3A = arith.constant 0 : i32
        %dma_start3A_28 = tpu.memref_slice %arg5[%run_scoped3A_22, %dma_start3A] : memref<8x128xi32, #tpu.memory_space<vmem>> -> memref<1x128xi32, #tpu.memory_space<vmem>>
        %dma_start3A_29 = tpu.memref_squeeze %dma_start3A_28 : memref<1x128xi32, #tpu.memory_space<vmem>> -> memref<128xi32, #tpu.memory_space<vmem>>
        %dma_start3A_30 = arith.constant 0 : i32
        %dma_start3A_31 = tpu.memref_slice %arg7[%dma_start3A_30] : memref<10016xf32, #tpu.memory_space<vmem_shared>> -> memref<10016xf32, #tpu.memory_space<vmem_shared>>
        tpu.enqueue_indirect_dma source(%arg6 : memref<128xf32, #tpu.memory_space<vmem>>) target(%dma_start3A_31 : memref<10016xf32, #tpu.memory_space<vmem_shared>>) offsets(%dma_start3A_29 : memref<128xi32, #tpu.memory_space<vmem>>) semaphore(%run_scoped3A_27 : memref<!tpu.dma_semaphore, #tpu.memory_space<semaphore_mem>>) {add = true}
        %dma_wait3A = arith.constant 0 : i32
        %dma_wait3A_32 = tpu.memref_slice %arg5[%run_scoped3A_22, %dma_wait3A] : memref<8x128xi32, #tpu.memory_space<vmem>> -> memref<1x128xi32, #tpu.memory_space<vmem>>
        %dma_wait3A_33 = tpu.memref_squeeze %dma_wait3A_32 : memref<1x128xi32, #tpu.memory_space<vmem>> -> memref<128xi32, #tpu.memory_space<vmem>>
        %dma_wait3A_34 = arith.constant 0 : i32
        %dma_wait3A_35 = tpu.memref_slice %arg7[%dma_wait3A_34] : memref<10016xf32, #tpu.memory_space<vmem_shared>> -> memref<10016xf32, #tpu.memory_space<vmem_shared>>
        tpu.wait_indirect_dma semaphore(%run_scoped3A_27 : memref<!tpu.dma_semaphore, #tpu.memory_space<semaphore_mem>>) src(%arg6 : memref<128xf32, #tpu.memory_space<vmem>>) dst(%dma_wait3A_35 : memref<10016xf32, #tpu.memory_space<vmem_shared>>)
        tpu.yield
      }) : () -> ()
      %run_scoped3A_23 = arith.constant 4 : i32
      "tpu.region"() ({
        %run_scoped3A_27 = tpu.sem_alloc : memref<!tpu.dma_semaphore, #tpu.memory_space<semaphore_mem>>
        %dma_start3A = arith.constant 0 : i32
        %dma_start3A_28 = tpu.memref_slice %arg5[%run_scoped3A_23, %dma_start3A] : memref<8x128xi32, #tpu.memory_space<vmem>> -> memref<1x128xi32, #tpu.memory_space<vmem>>
        %dma_start3A_29 = tpu.memref_squeeze %dma_start3A_28 : memref<1x128xi32, #tpu.memory_space<vmem>> -> memref<128xi32, #tpu.memory_space<vmem>>
        %dma_start3A_30 = arith.constant 0 : i32
        %dma_start3A_31 = tpu.memref_slice %arg7[%dma_start3A_30] : memref<10016xf32, #tpu.memory_space<vmem_shared>> -> memref<10016xf32, #tpu.memory_space<vmem_shared>>
        tpu.enqueue_indirect_dma source(%arg6 : memref<128xf32, #tpu.memory_space<vmem>>) target(%dma_start3A_31 : memref<10016xf32, #tpu.memory_space<vmem_shared>>) offsets(%dma_start3A_29 : memref<128xi32, #tpu.memory_space<vmem>>) semaphore(%run_scoped3A_27 : memref<!tpu.dma_semaphore, #tpu.memory_space<semaphore_mem>>) {add = true}
        %dma_wait3A = arith.constant 0 : i32
        %dma_wait3A_32 = tpu.memref_slice %arg5[%run_scoped3A_23, %dma_wait3A] : memref<8x128xi32, #tpu.memory_space<vmem>> -> memref<1x128xi32, #tpu.memory_space<vmem>>
        %dma_wait3A_33 = tpu.memref_squeeze %dma_wait3A_32 : memref<1x128xi32, #tpu.memory_space<vmem>> -> memref<128xi32, #tpu.memory_space<vmem>>
        %dma_wait3A_34 = arith.constant 0 : i32
        %dma_wait3A_35 = tpu.memref_slice %arg7[%dma_wait3A_34] : memref<10016xf32, #tpu.memory_space<vmem_shared>> -> memref<10016xf32, #tpu.memory_space<vmem_shared>>
        tpu.wait_indirect_dma semaphore(%run_scoped3A_27 : memref<!tpu.dma_semaphore, #tpu.memory_space<semaphore_mem>>) src(%arg6 : memref<128xf32, #tpu.memory_space<vmem>>) dst(%dma_wait3A_35 : memref<10016xf32, #tpu.memory_space<vmem_shared>>)
        tpu.yield
      }) : () -> ()
      %run_scoped3A_24 = arith.constant 5 : i32
      "tpu.region"() ({
        %run_scoped3A_27 = tpu.sem_alloc : memref<!tpu.dma_semaphore, #tpu.memory_space<semaphore_mem>>
        %dma_start3A = arith.constant 0 : i32
        %dma_start3A_28 = tpu.memref_slice %arg5[%run_scoped3A_24, %dma_start3A] : memref<8x128xi32, #tpu.memory_space<vmem>> -> memref<1x128xi32, #tpu.memory_space<vmem>>
        %dma_start3A_29 = tpu.memref_squeeze %dma_start3A_28 : memref<1x128xi32, #tpu.memory_space<vmem>> -> memref<128xi32, #tpu.memory_space<vmem>>
        %dma_start3A_30 = arith.constant 0 : i32
        %dma_start3A_31 = tpu.memref_slice %arg7[%dma_start3A_30] : memref<10016xf32, #tpu.memory_space<vmem_shared>> -> memref<10016xf32, #tpu.memory_space<vmem_shared>>
        tpu.enqueue_indirect_dma source(%arg6 : memref<128xf32, #tpu.memory_space<vmem>>) target(%dma_start3A_31 : memref<10016xf32, #tpu.memory_space<vmem_shared>>) offsets(%dma_start3A_29 : memref<128xi32, #tpu.memory_space<vmem>>) semaphore(%run_scoped3A_27 : memref<!tpu.dma_semaphore, #tpu.memory_space<semaphore_mem>>) {add = true}
        %dma_wait3A = arith.constant 0 : i32
        %dma_wait3A_32 = tpu.memref_slice %arg5[%run_scoped3A_24, %dma_wait3A] : memref<8x128xi32, #tpu.memory_space<vmem>> -> memref<1x128xi32, #tpu.memory_space<vmem>>
        %dma_wait3A_33 = tpu.memref_squeeze %dma_wait3A_32 : memref<1x128xi32, #tpu.memory_space<vmem>> -> memref<128xi32, #tpu.memory_space<vmem>>
        %dma_wait3A_34 = arith.constant 0 : i32
        %dma_wait3A_35 = tpu.memref_slice %arg7[%dma_wait3A_34] : memref<10016xf32, #tpu.memory_space<vmem_shared>> -> memref<10016xf32, #tpu.memory_space<vmem_shared>>
        tpu.wait_indirect_dma semaphore(%run_scoped3A_27 : memref<!tpu.dma_semaphore, #tpu.memory_space<semaphore_mem>>) src(%arg6 : memref<128xf32, #tpu.memory_space<vmem>>) dst(%dma_wait3A_35 : memref<10016xf32, #tpu.memory_space<vmem_shared>>)
        tpu.yield
      }) : () -> ()
      %run_scoped3A_25 = arith.constant 6 : i32
      "tpu.region"() ({
        %run_scoped3A_27 = tpu.sem_alloc : memref<!tpu.dma_semaphore, #tpu.memory_space<semaphore_mem>>
        %dma_start3A = arith.constant 0 : i32
        %dma_start3A_28 = tpu.memref_slice %arg5[%run_scoped3A_25, %dma_start3A] : memref<8x128xi32, #tpu.memory_space<vmem>> -> memref<1x128xi32, #tpu.memory_space<vmem>>
        %dma_start3A_29 = tpu.memref_squeeze %dma_start3A_28 : memref<1x128xi32, #tpu.memory_space<vmem>> -> memref<128xi32, #tpu.memory_space<vmem>>
        %dma_start3A_30 = arith.constant 0 : i32
        %dma_start3A_31 = tpu.memref_slice %arg7[%dma_start3A_30] : memref<10016xf32, #tpu.memory_space<vmem_shared>> -> memref<10016xf32, #tpu.memory_space<vmem_shared>>
        tpu.enqueue_indirect_dma source(%arg6 : memref<128xf32, #tpu.memory_space<vmem>>) target(%dma_start3A_31 : memref<10016xf32, #tpu.memory_space<vmem_shared>>) offsets(%dma_start3A_29 : memref<128xi32, #tpu.memory_space<vmem>>) semaphore(%run_scoped3A_27 : memref<!tpu.dma_semaphore, #tpu.memory_space<semaphore_mem>>) {add = true}
        %dma_wait3A = arith.constant 0 : i32
        %dma_wait3A_32 = tpu.memref_slice %arg5[%run_scoped3A_25, %dma_wait3A] : memref<8x128xi32, #tpu.memory_space<vmem>> -> memref<1x128xi32, #tpu.memory_space<vmem>>
        %dma_wait3A_33 = tpu.memref_squeeze %dma_wait3A_32 : memref<1x128xi32, #tpu.memory_space<vmem>> -> memref<128xi32, #tpu.memory_space<vmem>>
        %dma_wait3A_34 = arith.constant 0 : i32
        %dma_wait3A_35 = tpu.memref_slice %arg7[%dma_wait3A_34] : memref<10016xf32, #tpu.memory_space<vmem_shared>> -> memref<10016xf32, #tpu.memory_space<vmem_shared>>
        tpu.wait_indirect_dma semaphore(%run_scoped3A_27 : memref<!tpu.dma_semaphore, #tpu.memory_space<semaphore_mem>>) src(%arg6 : memref<128xf32, #tpu.memory_space<vmem>>) dst(%dma_wait3A_35 : memref<10016xf32, #tpu.memory_space<vmem_shared>>)
        tpu.yield
      }) : () -> ()
      %run_scoped3A_26 = arith.constant 7 : i32
      "tpu.region"() ({
        %run_scoped3A_27 = tpu.sem_alloc : memref<!tpu.dma_semaphore, #tpu.memory_space<semaphore_mem>>
        %dma_start3A = arith.constant 0 : i32
        %dma_start3A_28 = tpu.memref_slice %arg5[%run_scoped3A_26, %dma_start3A] : memref<8x128xi32, #tpu.memory_space<vmem>> -> memref<1x128xi32, #tpu.memory_space<vmem>>
        %dma_start3A_29 = tpu.memref_squeeze %dma_start3A_28 : memref<1x128xi32, #tpu.memory_space<vmem>> -> memref<128xi32, #tpu.memory_space<vmem>>
        %dma_start3A_30 = arith.constant 0 : i32
        %dma_start3A_31 = tpu.memref_slice %arg7[%dma_start3A_30] : memref<10016xf32, #tpu.memory_space<vmem_shared>> -> memref<10016xf32, #tpu.memory_space<vmem_shared>>
        tpu.enqueue_indirect_dma source(%arg6 : memref<128xf32, #tpu.memory_space<vmem>>) target(%dma_start3A_31 : memref<10016xf32, #tpu.memory_space<vmem_shared>>) offsets(%dma_start3A_29 : memref<128xi32, #tpu.memory_space<vmem>>) semaphore(%run_scoped3A_27 : memref<!tpu.dma_semaphore, #tpu.memory_space<semaphore_mem>>) {add = true}
        %dma_wait3A = arith.constant 0 : i32
        %dma_wait3A_32 = tpu.memref_slice %arg5[%run_scoped3A_26, %dma_wait3A] : memref<8x128xi32, #tpu.memory_space<vmem>> -> memref<1x128xi32, #tpu.memory_space<vmem>>
        %dma_wait3A_33 = tpu.memref_squeeze %dma_wait3A_32 : memref<1x128xi32, #tpu.memory_space<vmem>> -> memref<128xi32, #tpu.memory_space<vmem>>
        %dma_wait3A_34 = arith.constant 0 : i32
        %dma_wait3A_35 = tpu.memref_slice %arg7[%dma_wait3A_34] : memref<10016xf32, #tpu.memory_space<vmem_shared>> -> memref<10016xf32, #tpu.memory_space<vmem_shared>>
        tpu.wait_indirect_dma semaphore(%run_scoped3A_27 : memref<!tpu.dma_semaphore, #tpu.memory_space<semaphore_mem>>) src(%arg6 : memref<128xf32, #tpu.memory_space<vmem>>) dst(%dma_wait3A_35 : memref<10016xf32, #tpu.memory_space<vmem_shared>>)
        tpu.yield
      }) : () -> ()
    }
    %scan3A_7 = arith.constant 10 : i32
    %barrier3A_8 = arith.constant 0 : index
    tpu.barrier barrier_id(%barrier3A_8)
    %eq3A_9 = arith.constant 0 : i32
    %eq3A_10 = arith.cmpi eq, %arg1, %eq3A_9 : i32
    %convert_element_type3A_11 = arith.extui %eq3A_10 : i1 to i32
    %cond3A_12 = arith.constant 0 : i32
    %cond3A_13 = arith.cmpi ne, %convert_element_type3A_11, %cond3A_12 : i32
    scf.if %cond3A_13 {
      "tpu.region"() ({
        %run_scoped3A = tpu.sem_alloc : memref<!tpu.dma_semaphore, #tpu.memory_space<semaphore_mem>>
        %dma_start3A = arith.constant 0 : i32
        %dma_start3A_14 = tpu.memref_slice %arg4[%arg0, %dma_start3A] : memref<2x10016xf32, #tpu.memory_space<hbm>> -> memref<1x10016xf32, #tpu.memory_space<hbm>>
        %dma_start3A_15 = tpu.memref_squeeze %dma_start3A_14 : memref<1x10016xf32, #tpu.memory_space<hbm>> -> memref<10016xf32, #tpu.memory_space<hbm>>
        tpu.enqueue_dma source(%arg7 : memref<10016xf32, #tpu.memory_space<vmem_shared>>) target(%dma_start3A_15 : memref<10016xf32, #tpu.memory_space<hbm>>) target_semaphore(%run_scoped3A : memref<!tpu.dma_semaphore, #tpu.memory_space<semaphore_mem>>)
        %dma_wait3A = arith.constant 0 : i32
        %dma_wait3A_16 = tpu.memref_slice %arg4[%arg0, %dma_wait3A] : memref<2x10016xf32, #tpu.memory_space<hbm>> -> memref<1x10016xf32, #tpu.memory_space<hbm>>
        %dma_wait3A_17 = tpu.memref_squeeze %dma_wait3A_16 : memref<1x10016xf32, #tpu.memory_space<hbm>> -> memref<10016xf32, #tpu.memory_space<hbm>>
        tpu.wait_dma2 semaphore(%run_scoped3A : memref<!tpu.dma_semaphore, #tpu.memory_space<semaphore_mem>>) src(%arg7 : memref<10016xf32, #tpu.memory_space<vmem_shared>>) dst(%dma_wait3A_17 : memref<10016xf32, #tpu.memory_space<hbm>>)
        tpu.yield
      }) : () -> ()
    } else {
    }
    return
  }
}

#map = affine_map<(d0, d1) -> (0, 0)>
#map1 = affine_map<(d0, d1) -> (0, 0, 0)>
module attributes {stable_mosaic.version = 14 : i64} {
  func.func @agg(%arg0: i32, %arg1: i32, %arg2: memref<20000x128xf32, #tpu.memory_space<hbm>>, %arg3: memref<2x2560x128xi32, #tpu.memory_space<hbm>>, %arg4: memref<2560x128xi32, #tpu.memory_space<hbm>>, %arg5: memref<20000x128xf32, #tpu.memory_space<hbm>>, %arg6: memref<8x128xi32, #tpu.memory_space<vmem>>, %arg7: memref<8x128xi32, #tpu.memory_space<vmem>>, %arg8: memref<8x128xi32, #tpu.memory_space<vmem>>, %arg9: memref<8x128xi32, #tpu.memory_space<vmem>>, %arg10: memref<64x128xf32, #tpu.memory_space<vmem>>, %arg11: memref<64x128xf32, #tpu.memory_space<vmem>>, %arg12: memref<64x128xf32, #tpu.memory_space<vmem>>, %arg13: memref<64x128xf32, #tpu.memory_space<vmem>>, %arg14: memref<10016x128xf32, #tpu.memory_space<vmem_shared>>, %arg15: memref<!tpu.dma_semaphore, #tpu.memory_space<semaphore_mem>>, %arg16: memref<!tpu.dma_semaphore, #tpu.memory_space<semaphore_mem>>, %arg17: memref<!tpu.dma_semaphore, #tpu.memory_space<semaphore_mem>>, %arg18: memref<!tpu.dma_semaphore, #tpu.memory_space<semaphore_mem>>, %arg19: memref<!tpu.dma_semaphore, #tpu.memory_space<semaphore_mem>>, %arg20: memref<!tpu.dma_semaphore, #tpu.memory_space<semaphore_mem>>, %arg21: memref<!tpu.dma_semaphore, #tpu.memory_space<semaphore_mem>>, %arg22: memref<!tpu.dma_semaphore, #tpu.memory_space<semaphore_mem>>, %arg23: memref<!tpu.dma_semaphore, #tpu.memory_space<semaphore_mem>>, %arg24: memref<!tpu.dma_semaphore, #tpu.memory_space<semaphore_mem>>, %arg25: memref<!tpu.dma_semaphore, #tpu.memory_space<semaphore_mem>>, %arg26: memref<!tpu.dma_semaphore, #tpu.memory_space<semaphore_mem>>) attributes {dimension_semantics = [#tpu.dimension_semantics<core_parallel>, #tpu.dimension_semantics<subcore_parallel>], iteration_bounds = array<i64: 2, 16>, scalar_prefetch = 0 : i64, scratch_operands = 21 : i64, tpu.core_type = #tpu.core_type<sc_vector_subcore>, window_params = [{transform_indices = #map}, {transform_indices = #map1}, {transform_indices = #map}, {transform_indices = #map}]} {
    %lt3A = arith.constant 15 : i32
    %lt3A_0 = arith.cmpi slt, %arg1, %lt3A : i32
    %convert_element_type3A = arith.extui %lt3A_0 : i1 to i32
    %cond3A = arith.constant 0 : i32
    %cond3A_1 = arith.cmpi ne, %convert_element_type3A, %cond3A : i32
    scf.if %cond3A_1 {
      %mul3A_52 = arith.constant 10000 : i32
      %mul3A_53 = arith.muli %arg0, %mul3A_52 : i32
      %mul3A_54 = arith.constant 640 : i32
      %mul3A_55 = arith.muli %arg1, %mul3A_54 : i32
      %add3A_56 = arith.addi %mul3A_53, %mul3A_55 : i32
      %mul3A_57 = arith.constant 640 : i32
      %mul3A_58 = arith.muli %arg1, %mul3A_57 : i32
      "tpu.region"() ({
        %run_scoped3A = tpu.sem_alloc : memref<!tpu.dma_semaphore, #tpu.memory_space<semaphore_mem>>
        %dma_start3A_59 = arith.constant 0 : i32
        %dma_start3A_60 = tpu.memref_slice %arg14[%mul3A_58, %dma_start3A_59] : memref<10016x128xf32, #tpu.memory_space<vmem_shared>> -> memref<640x128xf32, #tpu.memory_space<vmem_shared>>
        %dma_start3A_61 = arith.constant 0 : i32
        %dma_start3A_62 = tpu.memref_slice %arg2[%add3A_56, %dma_start3A_61] : memref<20000x128xf32, #tpu.memory_space<hbm>> -> memref<640x128xf32, #tpu.memory_space<hbm>>
        tpu.enqueue_dma source(%dma_start3A_62 : memref<640x128xf32, #tpu.memory_space<hbm>>) target(%dma_start3A_60 : memref<640x128xf32, #tpu.memory_space<vmem_shared>>) target_semaphore(%run_scoped3A : memref<!tpu.dma_semaphore, #tpu.memory_space<semaphore_mem>>)
        %dma_wait3A_63 = arith.constant 0 : i32
        %dma_wait3A_64 = tpu.memref_slice %arg14[%mul3A_58, %dma_wait3A_63] : memref<10016x128xf32, #tpu.memory_space<vmem_shared>> -> memref<640x128xf32, #tpu.memory_space<vmem_shared>>
        %dma_wait3A_65 = arith.constant 0 : i32
        %dma_wait3A_66 = tpu.memref_slice %arg2[%add3A_56, %dma_wait3A_65] : memref<20000x128xf32, #tpu.memory_space<hbm>> -> memref<640x128xf32, #tpu.memory_space<hbm>>
        tpu.wait_dma2 semaphore(%run_scoped3A : memref<!tpu.dma_semaphore, #tpu.memory_space<semaphore_mem>>) src(%dma_wait3A_66 : memref<640x128xf32, #tpu.memory_space<hbm>>) dst(%dma_wait3A_64 : memref<640x128xf32, #tpu.memory_space<vmem_shared>>)
        tpu.yield
      }) : () -> ()
    } else {
    }
    %eq3A = arith.constant 15 : i32
    %eq3A_2 = arith.cmpi eq, %arg1, %eq3A : i32
    %convert_element_type3A_3 = arith.extui %eq3A_2 : i1 to i32
    %cond3A_4 = arith.constant 0 : i32
    %cond3A_5 = arith.cmpi ne, %convert_element_type3A_3, %cond3A_4 : i32
    scf.if %cond3A_5 {
      %mul3A_52 = arith.constant 10000 : i32
      %mul3A_53 = arith.muli %arg0, %mul3A_52 : i32
      %add3A_54 = arith.constant 9600 : i32
      %add3A_55 = arith.addi %mul3A_53, %add3A_54 : i32
      "tpu.region"() ({
        %run_scoped3A = tpu.sem_alloc : memref<!tpu.dma_semaphore, #tpu.memory_space<semaphore_mem>>
        %dma_start3A_56 = arith.constant 9600 : i32
        %dma_start3A_57 = arith.constant 0 : i32
        %dma_start3A_58 = tpu.memref_slice %arg14[%dma_start3A_56, %dma_start3A_57] : memref<10016x128xf32, #tpu.memory_space<vmem_shared>> -> memref<400x128xf32, #tpu.memory_space<vmem_shared>>
        %dma_start3A_59 = arith.constant 0 : i32
        %dma_start3A_60 = tpu.memref_slice %arg2[%add3A_55, %dma_start3A_59] : memref<20000x128xf32, #tpu.memory_space<hbm>> -> memref<400x128xf32, #tpu.memory_space<hbm>>
        tpu.enqueue_dma source(%dma_start3A_60 : memref<400x128xf32, #tpu.memory_space<hbm>>) target(%dma_start3A_58 : memref<400x128xf32, #tpu.memory_space<vmem_shared>>) target_semaphore(%run_scoped3A : memref<!tpu.dma_semaphore, #tpu.memory_space<semaphore_mem>>)
        %dma_wait3A_61 = arith.constant 9600 : i32
        %dma_wait3A_62 = arith.constant 0 : i32
        %dma_wait3A_63 = tpu.memref_slice %arg14[%dma_wait3A_61, %dma_wait3A_62] : memref<10016x128xf32, #tpu.memory_space<vmem_shared>> -> memref<400x128xf32, #tpu.memory_space<vmem_shared>>
        %dma_wait3A_64 = arith.constant 0 : i32
        %dma_wait3A_65 = tpu.memref_slice %arg2[%add3A_55, %dma_wait3A_64] : memref<20000x128xf32, #tpu.memory_space<hbm>> -> memref<400x128xf32, #tpu.memory_space<hbm>>
        tpu.wait_dma2 semaphore(%run_scoped3A : memref<!tpu.dma_semaphore, #tpu.memory_space<semaphore_mem>>) src(%dma_wait3A_65 : memref<400x128xf32, #tpu.memory_space<hbm>>) dst(%dma_wait3A_63 : memref<400x128xf32, #tpu.memory_space<vmem_shared>>)
        tpu.yield
      }) : () -> ()
    } else {
    }
    %barrier3A = arith.constant 0 : index
    tpu.barrier barrier_id(%barrier3A)
    %mul3A = arith.constant 160 : i32
    %mul3A_6 = arith.muli %arg1, %mul3A : i32
    %add3A = arith.constant 0 : i32
    %add3A_7 = arith.addi %mul3A_6, %add3A : i32
    %add3A_8 = arith.constant 0 : i32
    %add3A_9 = arith.addi %mul3A_6, %add3A_8 : i32
    "tpu.region"() ({
      %run_scoped3A = tpu.sem_alloc : memref<!tpu.dma_semaphore, #tpu.memory_space<semaphore_mem>>
      %dma_start3A_52 = arith.constant 0 : i32
      %dma_start3A_53 = arith.constant 0 : i32
      %dma_start3A_54 = tpu.memref_slice %arg3[%arg0, %dma_start3A_52, %dma_start3A_53] : memref<2x2560x128xi32, #tpu.memory_space<hbm>> -> memref<1x2560x128xi32, #tpu.memory_space<hbm>>
      %dma_start3A_55 = tpu.memref_squeeze %dma_start3A_54 : memref<1x2560x128xi32, #tpu.memory_space<hbm>> -> memref<2560x128xi32, #tpu.memory_space<hbm>>
      %dma_start3A_56 = arith.constant 0 : i32
      %dma_start3A_57 = tpu.memref_slice %dma_start3A_55[%add3A_7, %dma_start3A_56] : memref<2560x128xi32, #tpu.memory_space<hbm>> -> memref<8x128xi32, #tpu.memory_space<hbm>>
      %dma_start3A_58 = arith.constant 0 : i32
      %dma_start3A_59 = arith.constant 0 : i32
      %dma_start3A_60 = tpu.memref_slice %arg3[%arg0, %dma_start3A_58, %dma_start3A_59] : memref<2x2560x128xi32, #tpu.memory_space<hbm>> -> memref<1x2560x128xi32, #tpu.memory_space<hbm>>
      %dma_start3A_61 = tpu.memref_squeeze %dma_start3A_60 : memref<1x2560x128xi32, #tpu.memory_space<hbm>> -> memref<2560x128xi32, #tpu.memory_space<hbm>>
      %dma_start3A_62 = arith.constant 0 : i32
      %dma_start3A_63 = tpu.memref_slice %dma_start3A_61[%add3A_7, %dma_start3A_62] : memref<2560x128xi32, #tpu.memory_space<hbm>> -> memref<8x128xi32, #tpu.memory_space<hbm>>
      tpu.enqueue_dma source(%dma_start3A_63 : memref<8x128xi32, #tpu.memory_space<hbm>>) target(%arg6 : memref<8x128xi32, #tpu.memory_space<vmem>>) target_semaphore(%run_scoped3A : memref<!tpu.dma_semaphore, #tpu.memory_space<semaphore_mem>>)
      %dma_wait3A_64 = arith.constant 0 : i32
      %dma_wait3A_65 = arith.constant 0 : i32
      %dma_wait3A_66 = tpu.memref_slice %arg3[%arg0, %dma_wait3A_64, %dma_wait3A_65] : memref<2x2560x128xi32, #tpu.memory_space<hbm>> -> memref<1x2560x128xi32, #tpu.memory_space<hbm>>
      %dma_wait3A_67 = tpu.memref_squeeze %dma_wait3A_66 : memref<1x2560x128xi32, #tpu.memory_space<hbm>> -> memref<2560x128xi32, #tpu.memory_space<hbm>>
      %dma_wait3A_68 = arith.constant 0 : i32
      %dma_wait3A_69 = tpu.memref_slice %dma_wait3A_67[%add3A_7, %dma_wait3A_68] : memref<2560x128xi32, #tpu.memory_space<hbm>> -> memref<8x128xi32, #tpu.memory_space<hbm>>
      %dma_wait3A_70 = arith.constant 0 : i32
      %dma_wait3A_71 = arith.constant 0 : i32
      %dma_wait3A_72 = tpu.memref_slice %arg3[%arg0, %dma_wait3A_70, %dma_wait3A_71] : memref<2x2560x128xi32, #tpu.memory_space<hbm>> -> memref<1x2560x128xi32, #tpu.memory_space<hbm>>
      %dma_wait3A_73 = tpu.memref_squeeze %dma_wait3A_72 : memref<1x2560x128xi32, #tpu.memory_space<hbm>> -> memref<2560x128xi32, #tpu.memory_space<hbm>>
      %dma_wait3A_74 = arith.constant 0 : i32
      %dma_wait3A_75 = tpu.memref_slice %dma_wait3A_73[%add3A_7, %dma_wait3A_74] : memref<2560x128xi32, #tpu.memory_space<hbm>> -> memref<8x128xi32, #tpu.memory_space<hbm>>
      tpu.wait_dma2 semaphore(%run_scoped3A : memref<!tpu.dma_semaphore, #tpu.memory_space<semaphore_mem>>) src(%dma_wait3A_75 : memref<8x128xi32, #tpu.memory_space<hbm>>) dst(%arg6 : memref<8x128xi32, #tpu.memory_space<vmem>>)
      tpu.yield
    }) : () -> ()
    "tpu.region"() ({
      %run_scoped3A = tpu.sem_alloc : memref<!tpu.dma_semaphore, #tpu.memory_space<semaphore_mem>>
      %dma_start3A_52 = arith.constant 0 : i32
      %dma_start3A_53 = tpu.memref_slice %arg4[%add3A_9, %dma_start3A_52] : memref<2560x128xi32, #tpu.memory_space<hbm>> -> memref<8x128xi32, #tpu.memory_space<hbm>>
      %dma_start3A_54 = arith.constant 0 : i32
      %dma_start3A_55 = tpu.memref_slice %arg4[%add3A_9, %dma_start3A_54] : memref<2560x128xi32, #tpu.memory_space<hbm>> -> memref<8x128xi32, #tpu.memory_space<hbm>>
      tpu.enqueue_dma source(%dma_start3A_55 : memref<8x128xi32, #tpu.memory_space<hbm>>) target(%arg8 : memref<8x128xi32, #tpu.memory_space<vmem>>) target_semaphore(%run_scoped3A : memref<!tpu.dma_semaphore, #tpu.memory_space<semaphore_mem>>)
      %dma_wait3A_56 = arith.constant 0 : i32
      %dma_wait3A_57 = tpu.memref_slice %arg4[%add3A_9, %dma_wait3A_56] : memref<2560x128xi32, #tpu.memory_space<hbm>> -> memref<8x128xi32, #tpu.memory_space<hbm>>
      %dma_wait3A_58 = arith.constant 0 : i32
      %dma_wait3A_59 = tpu.memref_slice %arg4[%add3A_9, %dma_wait3A_58] : memref<2560x128xi32, #tpu.memory_space<hbm>> -> memref<8x128xi32, #tpu.memory_space<hbm>>
      tpu.wait_dma2 semaphore(%run_scoped3A : memref<!tpu.dma_semaphore, #tpu.memory_space<semaphore_mem>>) src(%dma_wait3A_59 : memref<8x128xi32, #tpu.memory_space<hbm>>) dst(%arg8 : memref<8x128xi32, #tpu.memory_space<vmem>>)
      tpu.yield
    }) : () -> ()
    %dma_start3A = arith.constant 0 : i32
    %dma_start3A_10 = arith.constant 0 : i32
    %dma_start3A_11 = tpu.memref_slice %arg6[%dma_start3A, %dma_start3A_10] : memref<8x128xi32, #tpu.memory_space<vmem>> -> memref<1x64xi32, #tpu.memory_space<vmem>>
    %dma_start3A_12 = tpu.memref_squeeze %dma_start3A_11 : memref<1x64xi32, #tpu.memory_space<vmem>> -> memref<64xi32, #tpu.memory_space<vmem>>
    %dma_start3A_13 = arith.constant 0 : i32
    %dma_start3A_14 = arith.constant 0 : i32
    %dma_start3A_15 = tpu.memref_slice %arg2[%dma_start3A_13, %dma_start3A_14] : memref<20000x128xf32, #tpu.memory_space<hbm>> -> memref<20000x128xf32, #tpu.memory_space<hbm>>
    tpu.enqueue_indirect_dma source(%dma_start3A_15 : memref<20000x128xf32, #tpu.memory_space<hbm>>) target(%arg10 : memref<64x128xf32, #tpu.memory_space<vmem>>) offsets(%dma_start3A_12 : memref<64xi32, #tpu.memory_space<vmem>>) semaphore(%arg15 : memref<!tpu.dma_semaphore, #tpu.memory_space<semaphore_mem>>)
    %dma_start3A_16 = arith.constant 0 : i32
    %dma_start3A_17 = arith.constant 64 : i32
    %dma_start3A_18 = tpu.memref_slice %arg6[%dma_start3A_16, %dma_start3A_17] : memref<8x128xi32, #tpu.memory_space<vmem>> -> memref<1x64xi32, #tpu.memory_space<vmem>>
    %dma_start3A_19 = tpu.memref_squeeze %dma_start3A_18 : memref<1x64xi32, #tpu.memory_space<vmem>> -> memref<64xi32, #tpu.memory_space<vmem>>
    %dma_start3A_20 = arith.constant 0 : i32
    %dma_start3A_21 = arith.constant 0 : i32
    %dma_start3A_22 = tpu.memref_slice %arg2[%dma_start3A_20, %dma_start3A_21] : memref<20000x128xf32, #tpu.memory_space<hbm>> -> memref<20000x128xf32, #tpu.memory_space<hbm>>
    tpu.enqueue_indirect_dma source(%dma_start3A_22 : memref<20000x128xf32, #tpu.memory_space<hbm>>) target(%arg11 : memref<64x128xf32, #tpu.memory_space<vmem>>) offsets(%dma_start3A_19 : memref<64xi32, #tpu.memory_space<vmem>>) semaphore(%arg16 : memref<!tpu.dma_semaphore, #tpu.memory_space<semaphore_mem>>)
    %scan3A = arith.constant 0 : i32
    %scan3A_23 = arith.constant 0 : i32
    %scan3A_24 = arith.constant 10 : i32
    %scan3A_25 = arith.addi %scan3A_23, %scan3A_24 : i32
    %scan3A_26 = arith.constant 1 : i32
    scf.for %scan3A_52 = %scan3A_23 to %scan3A_25 step %scan3A_26  : i32 {
      %mul3A_53 = arith.constant 2 : i32
      %mul3A_54 = arith.muli %mul3A_53, %scan3A_52 : i32
      %add3A_55 = arith.constant 0 : i32
      %add3A_56 = arith.addi %mul3A_54, %add3A_55 : i32
      %dma_wait3A_57 = arith.constant 0 : i32
      %dma_wait3A_58 = arith.constant 0 : i32
      %dma_wait3A_59 = tpu.memref_slice %arg6[%dma_wait3A_57, %dma_wait3A_58] : memref<8x128xi32, #tpu.memory_space<vmem>> -> memref<1x64xi32, #tpu.memory_space<vmem>>
      %dma_wait3A_60 = tpu.memref_squeeze %dma_wait3A_59 : memref<1x64xi32, #tpu.memory_space<vmem>> -> memref<64xi32, #tpu.memory_space<vmem>>
      %dma_wait3A_61 = arith.constant 0 : i32
      %dma_wait3A_62 = arith.constant 0 : i32
      %dma_wait3A_63 = tpu.memref_slice %arg2[%dma_wait3A_61, %dma_wait3A_62] : memref<20000x128xf32, #tpu.memory_space<hbm>> -> memref<20000x128xf32, #tpu.memory_space<hbm>>
      tpu.wait_indirect_dma semaphore(%arg15 : memref<!tpu.dma_semaphore, #tpu.memory_space<semaphore_mem>>) src(%dma_wait3A_63 : memref<20000x128xf32, #tpu.memory_space<hbm>>) dst(%arg10 : memref<64x128xf32, #tpu.memory_space<vmem>>)
      %gt3A = arith.constant 0 : i32
      %gt3A_64 = arith.cmpi sgt, %add3A_56, %gt3A : i32
      %convert_element_type3A_65 = arith.extui %gt3A_64 : i1 to i32
      %cond3A_66 = arith.constant 0 : i32
      %cond3A_67 = arith.cmpi ne, %convert_element_type3A_65, %cond3A_66 : i32
      scf.if %cond3A_67 {
        %dma_wait3A_962 = arith.constant 0 : i32
        %dma_wait3A_963 = arith.constant 0 : i32
        %dma_wait3A_964 = tpu.memref_slice %arg8[%dma_wait3A_962, %dma_wait3A_963] : memref<8x128xi32, #tpu.memory_space<vmem>> -> memref<1x64xi32, #tpu.memory_space<vmem>>
        %dma_wait3A_965 = tpu.memref_squeeze %dma_wait3A_964 : memref<1x64xi32, #tpu.memory_space<vmem>> -> memref<64xi32, #tpu.memory_space<vmem>>
        %dma_wait3A_966 = arith.constant 0 : i32
        %dma_wait3A_967 = arith.constant 0 : i32
        %dma_wait3A_968 = tpu.memref_slice %arg14[%dma_wait3A_966, %dma_wait3A_967] : memref<10016x128xf32, #tpu.memory_space<vmem_shared>> -> memref<10016x128xf32, #tpu.memory_space<vmem_shared>>
        tpu.wait_indirect_dma semaphore(%arg21 : memref<!tpu.dma_semaphore, #tpu.memory_space<semaphore_mem>>) src(%arg12 : memref<64x128xf32, #tpu.memory_space<vmem>>) dst(%dma_wait3A_968 : memref<10016x128xf32, #tpu.memory_space<vmem_shared>>)
      } else {
      }
      %dma_start3A_68 = arith.constant 1 : i32
      %dma_start3A_69 = arith.constant 0 : i32
      %dma_start3A_70 = tpu.memref_slice %arg6[%dma_start3A_68, %dma_start3A_69] : memref<8x128xi32, #tpu.memory_space<vmem>> -> memref<1x64xi32, #tpu.memory_space<vmem>>
      %dma_start3A_71 = tpu.memref_squeeze %dma_start3A_70 : memref<1x64xi32, #tpu.memory_space<vmem>> -> memref<64xi32, #tpu.memory_space<vmem>>
      %dma_start3A_72 = arith.constant 0 : i32
      %dma_start3A_73 = arith.constant 0 : i32
      %dma_start3A_74 = tpu.memref_slice %arg2[%dma_start3A_72, %dma_start3A_73] : memref<20000x128xf32, #tpu.memory_space<hbm>> -> memref<20000x128xf32, #tpu.memory_space<hbm>>
      tpu.enqueue_indirect_dma source(%dma_start3A_74 : memref<20000x128xf32, #tpu.memory_space<hbm>>) target(%arg12 : memref<64x128xf32, #tpu.memory_space<vmem>>) offsets(%dma_start3A_71 : memref<64xi32, #tpu.memory_space<vmem>>) semaphore(%arg17 : memref<!tpu.dma_semaphore, #tpu.memory_space<semaphore_mem>>)
      %dma_start3A_75 = arith.constant 0 : i32
      %dma_start3A_76 = arith.constant 0 : i32
      %dma_start3A_77 = tpu.memref_slice %arg8[%dma_start3A_75, %dma_start3A_76] : memref<8x128xi32, #tpu.memory_space<vmem>> -> memref<1x64xi32, #tpu.memory_space<vmem>>
      %dma_start3A_78 = tpu.memref_squeeze %dma_start3A_77 : memref<1x64xi32, #tpu.memory_space<vmem>> -> memref<64xi32, #tpu.memory_space<vmem>>
      %dma_start3A_79 = arith.constant 0 : i32
      %dma_start3A_80 = arith.constant 0 : i32
      %dma_start3A_81 = tpu.memref_slice %arg14[%dma_start3A_79, %dma_start3A_80] : memref<10016x128xf32, #tpu.memory_space<vmem_shared>> -> memref<10016x128xf32, #tpu.memory_space<vmem_shared>>
      tpu.enqueue_indirect_dma source(%arg10 : memref<64x128xf32, #tpu.memory_space<vmem>>) target(%dma_start3A_81 : memref<10016x128xf32, #tpu.memory_space<vmem_shared>>) offsets(%dma_start3A_78 : memref<64xi32, #tpu.memory_space<vmem>>) semaphore(%arg19 : memref<!tpu.dma_semaphore, #tpu.memory_space<semaphore_mem>>) {add = true}
      %dma_wait3A_82 = arith.constant 0 : i32
      %dma_wait3A_83 = arith.constant 0 : i32
      %dma_wait3A_84 = tpu.memref_slice %arg6[%dma_wait3A_82, %dma_wait3A_83] : memref<8x128xi32, #tpu.memory_space<vmem>> -> memref<1x64xi32, #tpu.memory_space<vmem>>
      %dma_wait3A_85 = tpu.memref_squeeze %dma_wait3A_84 : memref<1x64xi32, #tpu.memory_space<vmem>> -> memref<64xi32, #tpu.memory_space<vmem>>
      %dma_wait3A_86 = arith.constant 0 : i32
      %dma_wait3A_87 = arith.constant 0 : i32
      %dma_wait3A_88 = tpu.memref_slice %arg2[%dma_wait3A_86, %dma_wait3A_87] : memref<20000x128xf32, #tpu.memory_space<hbm>> -> memref<20000x128xf32, #tpu.memory_space<hbm>>
      tpu.wait_indirect_dma semaphore(%arg16 : memref<!tpu.dma_semaphore, #tpu.memory_space<semaphore_mem>>) src(%dma_wait3A_88 : memref<20000x128xf32, #tpu.memory_space<hbm>>) dst(%arg11 : memref<64x128xf32, #tpu.memory_space<vmem>>)
      %gt3A_89 = arith.constant 0 : i32
      %gt3A_90 = arith.cmpi sgt, %add3A_56, %gt3A_89 : i32
      %convert_element_type3A_91 = arith.extui %gt3A_90 : i1 to i32
      %cond3A_92 = arith.constant 0 : i32
      %cond3A_93 = arith.cmpi ne, %convert_element_type3A_91, %cond3A_92 : i32
      scf.if %cond3A_93 {
        %dma_wait3A_962 = arith.constant 0 : i32
        %dma_wait3A_963 = arith.constant 0 : i32
        %dma_wait3A_964 = tpu.memref_slice %arg8[%dma_wait3A_962, %dma_wait3A_963] : memref<8x128xi32, #tpu.memory_space<vmem>> -> memref<1x64xi32, #tpu.memory_space<vmem>>
        %dma_wait3A_965 = tpu.memref_squeeze %dma_wait3A_964 : memref<1x64xi32, #tpu.memory_space<vmem>> -> memref<64xi32, #tpu.memory_space<vmem>>
        %dma_wait3A_966 = arith.constant 0 : i32
        %dma_wait3A_967 = arith.constant 0 : i32
        %dma_wait3A_968 = tpu.memref_slice %arg14[%dma_wait3A_966, %dma_wait3A_967] : memref<10016x128xf32, #tpu.memory_space<vmem_shared>> -> memref<10016x128xf32, #tpu.memory_space<vmem_shared>>
        tpu.wait_indirect_dma semaphore(%arg22 : memref<!tpu.dma_semaphore, #tpu.memory_space<semaphore_mem>>) src(%arg13 : memref<64x128xf32, #tpu.memory_space<vmem>>) dst(%dma_wait3A_968 : memref<10016x128xf32, #tpu.memory_space<vmem_shared>>)
      } else {
      }
      %dma_start3A_94 = arith.constant 1 : i32
      %dma_start3A_95 = arith.constant 64 : i32
      %dma_start3A_96 = tpu.memref_slice %arg6[%dma_start3A_94, %dma_start3A_95] : memref<8x128xi32, #tpu.memory_space<vmem>> -> memref<1x64xi32, #tpu.memory_space<vmem>>
      %dma_start3A_97 = tpu.memref_squeeze %dma_start3A_96 : memref<1x64xi32, #tpu.memory_space<vmem>> -> memref<64xi32, #tpu.memory_space<vmem>>
      %dma_start3A_98 = arith.constant 0 : i32
      %dma_start3A_99 = arith.constant 0 : i32
      %dma_start3A_100 = tpu.memref_slice %arg2[%dma_start3A_98, %dma_start3A_99] : memref<20000x128xf32, #tpu.memory_space<hbm>> -> memref<20000x128xf32, #tpu.memory_space<hbm>>
      tpu.enqueue_indirect_dma source(%dma_start3A_100 : memref<20000x128xf32, #tpu.memory_space<hbm>>) target(%arg13 : memref<64x128xf32, #tpu.memory_space<vmem>>) offsets(%dma_start3A_97 : memref<64xi32, #tpu.memory_space<vmem>>) semaphore(%arg18 : memref<!tpu.dma_semaphore, #tpu.memory_space<semaphore_mem>>)
      %dma_start3A_101 = arith.constant 0 : i32
      %dma_start3A_102 = arith.constant 64 : i32
      %dma_start3A_103 = tpu.memref_slice %arg8[%dma_start3A_101, %dma_start3A_102] : memref<8x128xi32, #tpu.memory_space<vmem>> -> memref<1x64xi32, #tpu.memory_space<vmem>>
      %dma_start3A_104 = tpu.memref_squeeze %dma_start3A_103 : memref<1x64xi32, #tpu.memory_space<vmem>> -> memref<64xi32, #tpu.memory_space<vmem>>
      %dma_start3A_105 = arith.constant 0 : i32
      %dma_start3A_106 = arith.constant 0 : i32
      %dma_start3A_107 = tpu.memref_slice %arg14[%dma_start3A_105, %dma_start3A_106] : memref<10016x128xf32, #tpu.memory_space<vmem_shared>> -> memref<10016x128xf32, #tpu.memory_space<vmem_shared>>
      tpu.enqueue_indirect_dma source(%arg11 : memref<64x128xf32, #tpu.memory_space<vmem>>) target(%dma_start3A_107 : memref<10016x128xf32, #tpu.memory_space<vmem_shared>>) offsets(%dma_start3A_104 : memref<64xi32, #tpu.memory_space<vmem>>) semaphore(%arg20 : memref<!tpu.dma_semaphore, #tpu.memory_space<semaphore_mem>>) {add = true}
      %dma_wait3A_108 = arith.constant 0 : i32
      %dma_wait3A_109 = arith.constant 0 : i32
      %dma_wait3A_110 = tpu.memref_slice %arg6[%dma_wait3A_108, %dma_wait3A_109] : memref<8x128xi32, #tpu.memory_space<vmem>> -> memref<1x64xi32, #tpu.memory_space<vmem>>
      %dma_wait3A_111 = tpu.memref_squeeze %dma_wait3A_110 : memref<1x64xi32, #tpu.memory_space<vmem>> -> memref<64xi32, #tpu.memory_space<vmem>>
      %dma_wait3A_112 = arith.constant 0 : i32
      %dma_wait3A_113 = arith.constant 0 : i32
      %dma_wait3A_114 = tpu.memref_slice %arg2[%dma_wait3A_112, %dma_wait3A_113] : memref<20000x128xf32, #tpu.memory_space<hbm>> -> memref<20000x128xf32, #tpu.memory_space<hbm>>
      tpu.wait_indirect_dma semaphore(%arg17 : memref<!tpu.dma_semaphore, #tpu.memory_space<semaphore_mem>>) src(%dma_wait3A_114 : memref<20000x128xf32, #tpu.memory_space<hbm>>) dst(%arg12 : memref<64x128xf32, #tpu.memory_space<vmem>>)
      %dma_wait3A_115 = arith.constant 0 : i32
      %dma_wait3A_116 = arith.constant 0 : i32
      %dma_wait3A_117 = tpu.memref_slice %arg8[%dma_wait3A_115, %dma_wait3A_116] : memref<8x128xi32, #tpu.memory_space<vmem>> -> memref<1x64xi32, #tpu.memory_space<vmem>>
      %dma_wait3A_118 = tpu.memref_squeeze %dma_wait3A_117 : memref<1x64xi32, #tpu.memory_space<vmem>> -> memref<64xi32, #tpu.memory_space<vmem>>
      %dma_wait3A_119 = arith.constant 0 : i32
      %dma_wait3A_120 = arith.constant 0 : i32
      %dma_wait3A_121 = tpu.memref_slice %arg14[%dma_wait3A_119, %dma_wait3A_120] : memref<10016x128xf32, #tpu.memory_space<vmem_shared>> -> memref<10016x128xf32, #tpu.memory_space<vmem_shared>>
      tpu.wait_indirect_dma semaphore(%arg19 : memref<!tpu.dma_semaphore, #tpu.memory_space<semaphore_mem>>) src(%arg10 : memref<64x128xf32, #tpu.memory_space<vmem>>) dst(%dma_wait3A_121 : memref<10016x128xf32, #tpu.memory_space<vmem_shared>>)
      %dma_start3A_122 = arith.constant 2 : i32
      %dma_start3A_123 = arith.constant 0 : i32
      %dma_start3A_124 = tpu.memref_slice %arg6[%dma_start3A_122, %dma_start3A_123] : memref<8x128xi32, #tpu.memory_space<vmem>> -> memref<1x64xi32, #tpu.memory_space<vmem>>
      %dma_start3A_125 = tpu.memref_squeeze %dma_start3A_124 : memref<1x64xi32, #tpu.memory_space<vmem>> -> memref<64xi32, #tpu.memory_space<vmem>>
      %dma_start3A_126 = arith.constant 0 : i32
      %dma_start3A_127 = arith.constant 0 : i32
      %dma_start3A_128 = tpu.memref_slice %arg2[%dma_start3A_126, %dma_start3A_127] : memref<20000x128xf32, #tpu.memory_space<hbm>> -> memref<20000x128xf32, #tpu.memory_space<hbm>>
      tpu.enqueue_indirect_dma source(%dma_start3A_128 : memref<20000x128xf32, #tpu.memory_space<hbm>>) target(%arg10 : memref<64x128xf32, #tpu.memory_space<vmem>>) offsets(%dma_start3A_125 : memref<64xi32, #tpu.memory_space<vmem>>) semaphore(%arg15 : memref<!tpu.dma_semaphore, #tpu.memory_space<semaphore_mem>>)
      %dma_start3A_129 = arith.constant 1 : i32
      %dma_start3A_130 = arith.constant 0 : i32
      %dma_start3A_131 = tpu.memref_slice %arg8[%dma_start3A_129, %dma_start3A_130] : memref<8x128xi32, #tpu.memory_space<vmem>> -> memref<1x64xi32, #tpu.memory_space<vmem>>
      %dma_start3A_132 = tpu.memref_squeeze %dma_start3A_131 : memref<1x64xi32, #tpu.memory_space<vmem>> -> memref<64xi32, #tpu.memory_space<vmem>>
      %dma_start3A_133 = arith.constant 0 : i32
      %dma_start3A_134 = arith.constant 0 : i32
      %dma_start3A_135 = tpu.memref_slice %arg14[%dma_start3A_133, %dma_start3A_134] : memref<10016x128xf32, #tpu.memory_space<vmem_shared>> -> memref<10016x128xf32, #tpu.memory_space<vmem_shared>>
      tpu.enqueue_indirect_dma source(%arg12 : memref<64x128xf32, #tpu.memory_space<vmem>>) target(%dma_start3A_135 : memref<10016x128xf32, #tpu.memory_space<vmem_shared>>) offsets(%dma_start3A_132 : memref<64xi32, #tpu.memory_space<vmem>>) semaphore(%arg21 : memref<!tpu.dma_semaphore, #tpu.memory_space<semaphore_mem>>) {add = true}
      %dma_wait3A_136 = arith.constant 0 : i32
      %dma_wait3A_137 = arith.constant 0 : i32
      %dma_wait3A_138 = tpu.memref_slice %arg6[%dma_wait3A_136, %dma_wait3A_137] : memref<8x128xi32, #tpu.memory_space<vmem>> -> memref<1x64xi32, #tpu.memory_space<vmem>>
      %dma_wait3A_139 = tpu.memref_squeeze %dma_wait3A_138 : memref<1x64xi32, #tpu.memory_space<vmem>> -> memref<64xi32, #tpu.memory_space<vmem>>
      %dma_wait3A_140 = arith.constant 0 : i32
      %dma_wait3A_141 = arith.constant 0 : i32
      %dma_wait3A_142 = tpu.memref_slice %arg2[%dma_wait3A_140, %dma_wait3A_141] : memref<20000x128xf32, #tpu.memory_space<hbm>> -> memref<20000x128xf32, #tpu.memory_space<hbm>>
      tpu.wait_indirect_dma semaphore(%arg18 : memref<!tpu.dma_semaphore, #tpu.memory_space<semaphore_mem>>) src(%dma_wait3A_142 : memref<20000x128xf32, #tpu.memory_space<hbm>>) dst(%arg13 : memref<64x128xf32, #tpu.memory_space<vmem>>)
      %dma_wait3A_143 = arith.constant 0 : i32
      %dma_wait3A_144 = arith.constant 0 : i32
      %dma_wait3A_145 = tpu.memref_slice %arg8[%dma_wait3A_143, %dma_wait3A_144] : memref<8x128xi32, #tpu.memory_space<vmem>> -> memref<1x64xi32, #tpu.memory_space<vmem>>
      %dma_wait3A_146 = tpu.memref_squeeze %dma_wait3A_145 : memref<1x64xi32, #tpu.memory_space<vmem>> -> memref<64xi32, #tpu.memory_space<vmem>>
      %dma_wait3A_147 = arith.constant 0 : i32
      %dma_wait3A_148 = arith.constant 0 : i32
      %dma_wait3A_149 = tpu.memref_slice %arg14[%dma_wait3A_147, %dma_wait3A_148] : memref<10016x128xf32, #tpu.memory_space<vmem_shared>> -> memref<10016x128xf32, #tpu.memory_space<vmem_shared>>
      tpu.wait_indirect_dma semaphore(%arg20 : memref<!tpu.dma_semaphore, #tpu.memory_space<semaphore_mem>>) src(%arg11 : memref<64x128xf32, #tpu.memory_space<vmem>>) dst(%dma_wait3A_149 : memref<10016x128xf32, #tpu.memory_space<vmem_shared>>)
      %dma_start3A_150 = arith.constant 2 : i32
      %dma_start3A_151 = arith.constant 64 : i32
      %dma_start3A_152 = tpu.memref_slice %arg6[%dma_start3A_150, %dma_start3A_151] : memref<8x128xi32, #tpu.memory_space<vmem>> -> memref<1x64xi32, #tpu.memory_space<vmem>>
      %dma_start3A_153 = tpu.memref_squeeze %dma_start3A_152 : memref<1x64xi32, #tpu.memory_space<vmem>> -> memref<64xi32, #tpu.memory_space<vmem>>
      %dma_start3A_154 = arith.constant 0 : i32
      %dma_start3A_155 = arith.constant 0 : i32
      %dma_start3A_156 = tpu.memref_slice %arg2[%dma_start3A_154, %dma_start3A_155] : memref<20000x128xf32, #tpu.memory_space<hbm>> -> memref<20000x128xf32, #tpu.memory_space<hbm>>
      tpu.enqueue_indirect_dma source(%dma_start3A_156 : memref<20000x128xf32, #tpu.memory_space<hbm>>) target(%arg11 : memref<64x128xf32, #tpu.memory_space<vmem>>) offsets(%dma_start3A_153 : memref<64xi32, #tpu.memory_space<vmem>>) semaphore(%arg16 : memref<!tpu.dma_semaphore, #tpu.memory_space<semaphore_mem>>)
      %dma_start3A_157 = arith.constant 1 : i32
      %dma_start3A_158 = arith.constant 64 : i32
      %dma_start3A_159 = tpu.memref_slice %arg8[%dma_start3A_157, %dma_start3A_158] : memref<8x128xi32, #tpu.memory_space<vmem>> -> memref<1x64xi32, #tpu.memory_space<vmem>>
      %dma_start3A_160 = tpu.memref_squeeze %dma_start3A_159 : memref<1x64xi32, #tpu.memory_space<vmem>> -> memref<64xi32, #tpu.memory_space<vmem>>
      %dma_start3A_161 = arith.constant 0 : i32
      %dma_start3A_162 = arith.constant 0 : i32
      %dma_start3A_163 = tpu.memref_slice %arg14[%dma_start3A_161, %dma_start3A_162] : memref<10016x128xf32, #tpu.memory_space<vmem_shared>> -> memref<10016x128xf32, #tpu.memory_space<vmem_shared>>
      tpu.enqueue_indirect_dma source(%arg13 : memref<64x128xf32, #tpu.memory_space<vmem>>) target(%dma_start3A_163 : memref<10016x128xf32, #tpu.memory_space<vmem_shared>>) offsets(%dma_start3A_160 : memref<64xi32, #tpu.memory_space<vmem>>) semaphore(%arg22 : memref<!tpu.dma_semaphore, #tpu.memory_space<semaphore_mem>>) {add = true}
      %dma_wait3A_164 = arith.constant 0 : i32
      %dma_wait3A_165 = arith.constant 0 : i32
      %dma_wait3A_166 = tpu.memref_slice %arg6[%dma_wait3A_164, %dma_wait3A_165] : memref<8x128xi32, #tpu.memory_space<vmem>> -> memref<1x64xi32, #tpu.memory_space<vmem>>
      %dma_wait3A_167 = tpu.memref_squeeze %dma_wait3A_166 : memref<1x64xi32, #tpu.memory_space<vmem>> -> memref<64xi32, #tpu.memory_space<vmem>>
      %dma_wait3A_168 = arith.constant 0 : i32
      %dma_wait3A_169 = arith.constant 0 : i32
      %dma_wait3A_170 = tpu.memref_slice %arg2[%dma_wait3A_168, %dma_wait3A_169] : memref<20000x128xf32, #tpu.memory_space<hbm>> -> memref<20000x128xf32, #tpu.memory_space<hbm>>
      tpu.wait_indirect_dma semaphore(%arg15 : memref<!tpu.dma_semaphore, #tpu.memory_space<semaphore_mem>>) src(%dma_wait3A_170 : memref<20000x128xf32, #tpu.memory_space<hbm>>) dst(%arg10 : memref<64x128xf32, #tpu.memory_space<vmem>>)
      %dma_wait3A_171 = arith.constant 0 : i32
      %dma_wait3A_172 = arith.constant 0 : i32
      %dma_wait3A_173 = tpu.memref_slice %arg8[%dma_wait3A_171, %dma_wait3A_172] : memref<8x128xi32, #tpu.memory_space<vmem>> -> memref<1x64xi32, #tpu.memory_space<vmem>>
      %dma_wait3A_174 = tpu.memref_squeeze %dma_wait3A_173 : memref<1x64xi32, #tpu.memory_space<vmem>> -> memref<64xi32, #tpu.memory_space<vmem>>
      %dma_wait3A_175 = arith.constant 0 : i32
      %dma_wait3A_176 = arith.constant 0 : i32
      %dma_wait3A_177 = tpu.memref_slice %arg14[%dma_wait3A_175, %dma_wait3A_176] : memref<10016x128xf32, #tpu.memory_space<vmem_shared>> -> memref<10016x128xf32, #tpu.memory_space<vmem_shared>>
      tpu.wait_indirect_dma semaphore(%arg21 : memref<!tpu.dma_semaphore, #tpu.memory_space<semaphore_mem>>) src(%arg12 : memref<64x128xf32, #tpu.memory_space<vmem>>) dst(%dma_wait3A_177 : memref<10016x128xf32, #tpu.memory_space<vmem_shared>>)
      %dma_start3A_178 = arith.constant 3 : i32
      %dma_start3A_179 = arith.constant 0 : i32
      %dma_start3A_180 = tpu.memref_slice %arg6[%dma_start3A_178, %dma_start3A_179] : memref<8x128xi32, #tpu.memory_space<vmem>> -> memref<1x64xi32, #tpu.memory_space<vmem>>
      %dma_start3A_181 = tpu.memref_squeeze %dma_start3A_180 : memref<1x64xi32, #tpu.memory_space<vmem>> -> memref<64xi32, #tpu.memory_space<vmem>>
      %dma_start3A_182 = arith.constant 0 : i32
      %dma_start3A_183 = arith.constant 0 : i32
      %dma_start3A_184 = tpu.memref_slice %arg2[%dma_start3A_182, %dma_start3A_183] : memref<20000x128xf32, #tpu.memory_space<hbm>> -> memref<20000x128xf32, #tpu.memory_space<hbm>>
      tpu.enqueue_indirect_dma source(%dma_start3A_184 : memref<20000x128xf32, #tpu.memory_space<hbm>>) target(%arg12 : memref<64x128xf32, #tpu.memory_space<vmem>>) offsets(%dma_start3A_181 : memref<64xi32, #tpu.memory_space<vmem>>) semaphore(%arg17 : memref<!tpu.dma_semaphore, #tpu.memory_space<semaphore_mem>>)
      %add3A_185 = arith.constant 1 : i32
      %add3A_186 = arith.addi %add3A_56, %add3A_185 : i32
      %lt3A_187 = arith.constant 20 : i32
      %lt3A_188 = arith.cmpi slt, %add3A_186, %lt3A_187 : i32
      %convert_element_type3A_189 = arith.extui %lt3A_188 : i1 to i32
      %cond3A_190 = arith.constant 0 : i32
      %cond3A_191 = arith.cmpi ne, %convert_element_type3A_189, %cond3A_190 : i32
      scf.if %cond3A_191 {
        %add3A_962 = arith.constant 1 : i32
        %add3A_963 = arith.addi %add3A_56, %add3A_962 : i32
        %mul3A_964 = arith.constant 8 : i32
        %mul3A_965 = arith.muli %add3A_963, %mul3A_964 : i32
        %add3A_966 = arith.addi %mul3A_6, %mul3A_965 : i32
        %mul3A_967 = arith.constant 8 : i32
        %mul3A_968 = arith.muli %add3A_963, %mul3A_967 : i32
        %add3A_969 = arith.addi %mul3A_6, %mul3A_968 : i32
        %dma_start3A_970 = arith.constant 0 : i32
        %dma_start3A_971 = arith.constant 0 : i32
        %dma_start3A_972 = tpu.memref_slice %arg3[%arg0, %dma_start3A_970, %dma_start3A_971] : memref<2x2560x128xi32, #tpu.memory_space<hbm>> -> memref<1x2560x128xi32, #tpu.memory_space<hbm>>
        %dma_start3A_973 = tpu.memref_squeeze %dma_start3A_972 : memref<1x2560x128xi32, #tpu.memory_space<hbm>> -> memref<2560x128xi32, #tpu.memory_space<hbm>>
        %dma_start3A_974 = arith.constant 0 : i32
        %dma_start3A_975 = tpu.memref_slice %dma_start3A_973[%add3A_966, %dma_start3A_974] : memref<2560x128xi32, #tpu.memory_space<hbm>> -> memref<8x128xi32, #tpu.memory_space<hbm>>
        %dma_start3A_976 = arith.constant 0 : i32
        %dma_start3A_977 = arith.constant 0 : i32
        %dma_start3A_978 = tpu.memref_slice %arg3[%arg0, %dma_start3A_976, %dma_start3A_977] : memref<2x2560x128xi32, #tpu.memory_space<hbm>> -> memref<1x2560x128xi32, #tpu.memory_space<hbm>>
        %dma_start3A_979 = tpu.memref_squeeze %dma_start3A_978 : memref<1x2560x128xi32, #tpu.memory_space<hbm>> -> memref<2560x128xi32, #tpu.memory_space<hbm>>
        %dma_start3A_980 = arith.constant 0 : i32
        %dma_start3A_981 = tpu.memref_slice %dma_start3A_979[%add3A_966, %dma_start3A_980] : memref<2560x128xi32, #tpu.memory_space<hbm>> -> memref<8x128xi32, #tpu.memory_space<hbm>>
        tpu.enqueue_dma source(%dma_start3A_981 : memref<8x128xi32, #tpu.memory_space<hbm>>) target(%arg7 : memref<8x128xi32, #tpu.memory_space<vmem>>) target_semaphore(%arg24 : memref<!tpu.dma_semaphore, #tpu.memory_space<semaphore_mem>>)
        %dma_start3A_982 = arith.constant 0 : i32
        %dma_start3A_983 = tpu.memref_slice %arg4[%add3A_969, %dma_start3A_982] : memref<2560x128xi32, #tpu.memory_space<hbm>> -> memref<8x128xi32, #tpu.memory_space<hbm>>
        %dma_start3A_984 = arith.constant 0 : i32
        %dma_start3A_985 = tpu.memref_slice %arg4[%add3A_969, %dma_start3A_984] : memref<2560x128xi32, #tpu.memory_space<hbm>> -> memref<8x128xi32, #tpu.memory_space<hbm>>
        tpu.enqueue_dma source(%dma_start3A_985 : memref<8x128xi32, #tpu.memory_space<hbm>>) target(%arg9 : memref<8x128xi32, #tpu.memory_space<vmem>>) target_semaphore(%arg26 : memref<!tpu.dma_semaphore, #tpu.memory_space<semaphore_mem>>)
      } else {
      }
      %dma_start3A_192 = arith.constant 2 : i32
      %dma_start3A_193 = arith.constant 0 : i32
      %dma_start3A_194 = tpu.memref_slice %arg8[%dma_start3A_192, %dma_start3A_193] : memref<8x128xi32, #tpu.memory_space<vmem>> -> memref<1x64xi32, #tpu.memory_space<vmem>>
      %dma_start3A_195 = tpu.memref_squeeze %dma_start3A_194 : memref<1x64xi32, #tpu.memory_space<vmem>> -> memref<64xi32, #tpu.memory_space<vmem>>
      %dma_start3A_196 = arith.constant 0 : i32
      %dma_start3A_197 = arith.constant 0 : i32
      %dma_start3A_198 = tpu.memref_slice %arg14[%dma_start3A_196, %dma_start3A_197] : memref<10016x128xf32, #tpu.memory_space<vmem_shared>> -> memref<10016x128xf32, #tpu.memory_space<vmem_shared>>
      tpu.enqueue_indirect_dma source(%arg10 : memref<64x128xf32, #tpu.memory_space<vmem>>) target(%dma_start3A_198 : memref<10016x128xf32, #tpu.memory_space<vmem_shared>>) offsets(%dma_start3A_195 : memref<64xi32, #tpu.memory_space<vmem>>) semaphore(%arg19 : memref<!tpu.dma_semaphore, #tpu.memory_space<semaphore_mem>>) {add = true}
      %dma_wait3A_199 = arith.constant 0 : i32
      %dma_wait3A_200 = arith.constant 0 : i32
      %dma_wait3A_201 = tpu.memref_slice %arg6[%dma_wait3A_199, %dma_wait3A_200] : memref<8x128xi32, #tpu.memory_space<vmem>> -> memref<1x64xi32, #tpu.memory_space<vmem>>
      %dma_wait3A_202 = tpu.memref_squeeze %dma_wait3A_201 : memref<1x64xi32, #tpu.memory_space<vmem>> -> memref<64xi32, #tpu.memory_space<vmem>>
      %dma_wait3A_203 = arith.constant 0 : i32
      %dma_wait3A_204 = arith.constant 0 : i32
      %dma_wait3A_205 = tpu.memref_slice %arg2[%dma_wait3A_203, %dma_wait3A_204] : memref<20000x128xf32, #tpu.memory_space<hbm>> -> memref<20000x128xf32, #tpu.memory_space<hbm>>
      tpu.wait_indirect_dma semaphore(%arg16 : memref<!tpu.dma_semaphore, #tpu.memory_space<semaphore_mem>>) src(%dma_wait3A_205 : memref<20000x128xf32, #tpu.memory_space<hbm>>) dst(%arg11 : memref<64x128xf32, #tpu.memory_space<vmem>>)
      %dma_wait3A_206 = arith.constant 0 : i32
      %dma_wait3A_207 = arith.constant 0 : i32
      %dma_wait3A_208 = tpu.memref_slice %arg8[%dma_wait3A_206, %dma_wait3A_207] : memref<8x128xi32, #tpu.memory_space<vmem>> -> memref<1x64xi32, #tpu.memory_space<vmem>>
      %dma_wait3A_209 = tpu.memref_squeeze %dma_wait3A_208 : memref<1x64xi32, #tpu.memory_space<vmem>> -> memref<64xi32, #tpu.memory_space<vmem>>
      %dma_wait3A_210 = arith.constant 0 : i32
      %dma_wait3A_211 = arith.constant 0 : i32
      %dma_wait3A_212 = tpu.memref_slice %arg14[%dma_wait3A_210, %dma_wait3A_211] : memref<10016x128xf32, #tpu.memory_space<vmem_shared>> -> memref<10016x128xf32, #tpu.memory_space<vmem_shared>>
      tpu.wait_indirect_dma semaphore(%arg22 : memref<!tpu.dma_semaphore, #tpu.memory_space<semaphore_mem>>) src(%arg13 : memref<64x128xf32, #tpu.memory_space<vmem>>) dst(%dma_wait3A_212 : memref<10016x128xf32, #tpu.memory_space<vmem_shared>>)
      %dma_start3A_213 = arith.constant 3 : i32
      %dma_start3A_214 = arith.constant 64 : i32
      %dma_start3A_215 = tpu.memref_slice %arg6[%dma_start3A_213, %dma_start3A_214] : memref<8x128xi32, #tpu.memory_space<vmem>> -> memref<1x64xi32, #tpu.memory_space<vmem>>
      %dma_start3A_216 = tpu.memref_squeeze %dma_start3A_215 : memref<1x64xi32, #tpu.memory_space<vmem>> -> memref<64xi32, #tpu.memory_space<vmem>>
      %dma_start3A_217 = arith.constant 0 : i32
      %dma_start3A_218 = arith.constant 0 : i32
      %dma_start3A_219 = tpu.memref_slice %arg2[%dma_start3A_217, %dma_start3A_218] : memref<20000x128xf32, #tpu.memory_space<hbm>> -> memref<20000x128xf32, #tpu.memory_space<hbm>>
      tpu.enqueue_indirect_dma source(%dma_start3A_219 : memref<20000x128xf32, #tpu.memory_space<hbm>>) target(%arg13 : memref<64x128xf32, #tpu.memory_space<vmem>>) offsets(%dma_start3A_216 : memref<64xi32, #tpu.memory_space<vmem>>) semaphore(%arg18 : memref<!tpu.dma_semaphore, #tpu.memory_space<semaphore_mem>>)
      %dma_start3A_220 = arith.constant 2 : i32
      %dma_start3A_221 = arith.constant 64 : i32
      %dma_start3A_222 = tpu.memref_slice %arg8[%dma_start3A_220, %dma_start3A_221] : memref<8x128xi32, #tpu.memory_space<vmem>> -> memref<1x64xi32, #tpu.memory_space<vmem>>
      %dma_start3A_223 = tpu.memref_squeeze %dma_start3A_222 : memref<1x64xi32, #tpu.memory_space<vmem>> -> memref<64xi32, #tpu.memory_space<vmem>>
      %dma_start3A_224 = arith.constant 0 : i32
      %dma_start3A_225 = arith.constant 0 : i32
      %dma_start3A_226 = tpu.memref_slice %arg14[%dma_start3A_224, %dma_start3A_225] : memref<10016x128xf32, #tpu.memory_space<vmem_shared>> -> memref<10016x128xf32, #tpu.memory_space<vmem_shared>>
      tpu.enqueue_indirect_dma source(%arg11 : memref<64x128xf32, #tpu.memory_space<vmem>>) target(%dma_start3A_226 : memref<10016x128xf32, #tpu.memory_space<vmem_shared>>) offsets(%dma_start3A_223 : memref<64xi32, #tpu.memory_space<vmem>>) semaphore(%arg20 : memref<!tpu.dma_semaphore, #tpu.memory_space<semaphore_mem>>) {add = true}
      %dma_wait3A_227 = arith.constant 0 : i32
      %dma_wait3A_228 = arith.constant 0 : i32
      %dma_wait3A_229 = tpu.memref_slice %arg6[%dma_wait3A_227, %dma_wait3A_228] : memref<8x128xi32, #tpu.memory_space<vmem>> -> memref<1x64xi32, #tpu.memory_space<vmem>>
      %dma_wait3A_230 = tpu.memref_squeeze %dma_wait3A_229 : memref<1x64xi32, #tpu.memory_space<vmem>> -> memref<64xi32, #tpu.memory_space<vmem>>
      %dma_wait3A_231 = arith.constant 0 : i32
      %dma_wait3A_232 = arith.constant 0 : i32
      %dma_wait3A_233 = tpu.memref_slice %arg2[%dma_wait3A_231, %dma_wait3A_232] : memref<20000x128xf32, #tpu.memory_space<hbm>> -> memref<20000x128xf32, #tpu.memory_space<hbm>>
      tpu.wait_indirect_dma semaphore(%arg17 : memref<!tpu.dma_semaphore, #tpu.memory_space<semaphore_mem>>) src(%dma_wait3A_233 : memref<20000x128xf32, #tpu.memory_space<hbm>>) dst(%arg12 : memref<64x128xf32, #tpu.memory_space<vmem>>)
      %dma_wait3A_234 = arith.constant 0 : i32
      %dma_wait3A_235 = arith.constant 0 : i32
      %dma_wait3A_236 = tpu.memref_slice %arg8[%dma_wait3A_234, %dma_wait3A_235] : memref<8x128xi32, #tpu.memory_space<vmem>> -> memref<1x64xi32, #tpu.memory_space<vmem>>
      %dma_wait3A_237 = tpu.memref_squeeze %dma_wait3A_236 : memref<1x64xi32, #tpu.memory_space<vmem>> -> memref<64xi32, #tpu.memory_space<vmem>>
      %dma_wait3A_238 = arith.constant 0 : i32
      %dma_wait3A_239 = arith.constant 0 : i32
      %dma_wait3A_240 = tpu.memref_slice %arg14[%dma_wait3A_238, %dma_wait3A_239] : memref<10016x128xf32, #tpu.memory_space<vmem_shared>> -> memref<10016x128xf32, #tpu.memory_space<vmem_shared>>
      tpu.wait_indirect_dma semaphore(%arg19 : memref<!tpu.dma_semaphore, #tpu.memory_space<semaphore_mem>>) src(%arg10 : memref<64x128xf32, #tpu.memory_space<vmem>>) dst(%dma_wait3A_240 : memref<10016x128xf32, #tpu.memory_space<vmem_shared>>)
      %dma_start3A_241 = arith.constant 4 : i32
      %dma_start3A_242 = arith.constant 0 : i32
      %dma_start3A_243 = tpu.memref_slice %arg6[%dma_start3A_241, %dma_start3A_242] : memref<8x128xi32, #tpu.memory_space<vmem>> -> memref<1x64xi32, #tpu.memory_space<vmem>>
      %dma_start3A_244 = tpu.memref_squeeze %dma_start3A_243 : memref<1x64xi32, #tpu.memory_space<vmem>> -> memref<64xi32, #tpu.memory_space<vmem>>
      %dma_start3A_245 = arith.constant 0 : i32
      %dma_start3A_246 = arith.constant 0 : i32
      %dma_start3A_247 = tpu.memref_slice %arg2[%dma_start3A_245, %dma_start3A_246] : memref<20000x128xf32, #tpu.memory_space<hbm>> -> memref<20000x128xf32, #tpu.memory_space<hbm>>
      tpu.enqueue_indirect_dma source(%dma_start3A_247 : memref<20000x128xf32, #tpu.memory_space<hbm>>) target(%arg10 : memref<64x128xf32, #tpu.memory_space<vmem>>) offsets(%dma_start3A_244 : memref<64xi32, #tpu.memory_space<vmem>>) semaphore(%arg15 : memref<!tpu.dma_semaphore, #tpu.memory_space<semaphore_mem>>)
      %dma_start3A_248 = arith.constant 3 : i32
      %dma_start3A_249 = arith.constant 0 : i32
      %dma_start3A_250 = tpu.memref_slice %arg8[%dma_start3A_248, %dma_start3A_249] : memref<8x128xi32, #tpu.memory_space<vmem>> -> memref<1x64xi32, #tpu.memory_space<vmem>>
      %dma_start3A_251 = tpu.memref_squeeze %dma_start3A_250 : memref<1x64xi32, #tpu.memory_space<vmem>> -> memref<64xi32, #tpu.memory_space<vmem>>
      %dma_start3A_252 = arith.constant 0 : i32
      %dma_start3A_253 = arith.constant 0 : i32
      %dma_start3A_254 = tpu.memref_slice %arg14[%dma_start3A_252, %dma_start3A_253] : memref<10016x128xf32, #tpu.memory_space<vmem_shared>> -> memref<10016x128xf32, #tpu.memory_space<vmem_shared>>
      tpu.enqueue_indirect_dma source(%arg12 : memref<64x128xf32, #tpu.memory_space<vmem>>) target(%dma_start3A_254 : memref<10016x128xf32, #tpu.memory_space<vmem_shared>>) offsets(%dma_start3A_251 : memref<64xi32, #tpu.memory_space<vmem>>) semaphore(%arg21 : memref<!tpu.dma_semaphore, #tpu.memory_space<semaphore_mem>>) {add = true}
      %dma_wait3A_255 = arith.constant 0 : i32
      %dma_wait3A_256 = arith.constant 0 : i32
      %dma_wait3A_257 = tpu.memref_slice %arg6[%dma_wait3A_255, %dma_wait3A_256] : memref<8x128xi32, #tpu.memory_space<vmem>> -> memref<1x64xi32, #tpu.memory_space<vmem>>
      %dma_wait3A_258 = tpu.memref_squeeze %dma_wait3A_257 : memref<1x64xi32, #tpu.memory_space<vmem>> -> memref<64xi32, #tpu.memory_space<vmem>>
      %dma_wait3A_259 = arith.constant 0 : i32
      %dma_wait3A_260 = arith.constant 0 : i32
      %dma_wait3A_261 = tpu.memref_slice %arg2[%dma_wait3A_259, %dma_wait3A_260] : memref<20000x128xf32, #tpu.memory_space<hbm>> -> memref<20000x128xf32, #tpu.memory_space<hbm>>
      tpu.wait_indirect_dma semaphore(%arg18 : memref<!tpu.dma_semaphore, #tpu.memory_space<semaphore_mem>>) src(%dma_wait3A_261 : memref<20000x128xf32, #tpu.memory_space<hbm>>) dst(%arg13 : memref<64x128xf32, #tpu.memory_space<vmem>>)
      %dma_wait3A_262 = arith.constant 0 : i32
      %dma_wait3A_263 = arith.constant 0 : i32
      %dma_wait3A_264 = tpu.memref_slice %arg8[%dma_wait3A_262, %dma_wait3A_263] : memref<8x128xi32, #tpu.memory_space<vmem>> -> memref<1x64xi32, #tpu.memory_space<vmem>>
      %dma_wait3A_265 = tpu.memref_squeeze %dma_wait3A_264 : memref<1x64xi32, #tpu.memory_space<vmem>> -> memref<64xi32, #tpu.memory_space<vmem>>
      %dma_wait3A_266 = arith.constant 0 : i32
      %dma_wait3A_267 = arith.constant 0 : i32
      %dma_wait3A_268 = tpu.memref_slice %arg14[%dma_wait3A_266, %dma_wait3A_267] : memref<10016x128xf32, #tpu.memory_space<vmem_shared>> -> memref<10016x128xf32, #tpu.memory_space<vmem_shared>>
      tpu.wait_indirect_dma semaphore(%arg20 : memref<!tpu.dma_semaphore, #tpu.memory_space<semaphore_mem>>) src(%arg11 : memref<64x128xf32, #tpu.memory_space<vmem>>) dst(%dma_wait3A_268 : memref<10016x128xf32, #tpu.memory_space<vmem_shared>>)
      %dma_start3A_269 = arith.constant 4 : i32
      %dma_start3A_270 = arith.constant 64 : i32
      %dma_start3A_271 = tpu.memref_slice %arg6[%dma_start3A_269, %dma_start3A_270] : memref<8x128xi32, #tpu.memory_space<vmem>> -> memref<1x64xi32, #tpu.memory_space<vmem>>
      %dma_start3A_272 = tpu.memref_squeeze %dma_start3A_271 : memref<1x64xi32, #tpu.memory_space<vmem>> -> memref<64xi32, #tpu.memory_space<vmem>>
      %dma_start3A_273 = arith.constant 0 : i32
      %dma_start3A_274 = arith.constant 0 : i32
      %dma_start3A_275 = tpu.memref_slice %arg2[%dma_start3A_273, %dma_start3A_274] : memref<20000x128xf32, #tpu.memory_space<hbm>> -> memref<20000x128xf32, #tpu.memory_space<hbm>>
      tpu.enqueue_indirect_dma source(%dma_start3A_275 : memref<20000x128xf32, #tpu.memory_space<hbm>>) target(%arg11 : memref<64x128xf32, #tpu.memory_space<vmem>>) offsets(%dma_start3A_272 : memref<64xi32, #tpu.memory_space<vmem>>) semaphore(%arg16 : memref<!tpu.dma_semaphore, #tpu.memory_space<semaphore_mem>>)
      %dma_start3A_276 = arith.constant 3 : i32
      %dma_start3A_277 = arith.constant 64 : i32
      %dma_start3A_278 = tpu.memref_slice %arg8[%dma_start3A_276, %dma_start3A_277] : memref<8x128xi32, #tpu.memory_space<vmem>> -> memref<1x64xi32, #tpu.memory_space<vmem>>
      %dma_start3A_279 = tpu.memref_squeeze %dma_start3A_278 : memref<1x64xi32, #tpu.memory_space<vmem>> -> memref<64xi32, #tpu.memory_space<vmem>>
      %dma_start3A_280 = arith.constant 0 : i32
      %dma_start3A_281 = arith.constant 0 : i32
      %dma_start3A_282 = tpu.memref_slice %arg14[%dma_start3A_280, %dma_start3A_281] : memref<10016x128xf32, #tpu.memory_space<vmem_shared>> -> memref<10016x128xf32, #tpu.memory_space<vmem_shared>>
      tpu.enqueue_indirect_dma source(%arg13 : memref<64x128xf32, #tpu.memory_space<vmem>>) target(%dma_start3A_282 : memref<10016x128xf32, #tpu.memory_space<vmem_shared>>) offsets(%dma_start3A_279 : memref<64xi32, #tpu.memory_space<vmem>>) semaphore(%arg22 : memref<!tpu.dma_semaphore, #tpu.memory_space<semaphore_mem>>) {add = true}
      %dma_wait3A_283 = arith.constant 0 : i32
      %dma_wait3A_284 = arith.constant 0 : i32
      %dma_wait3A_285 = tpu.memref_slice %arg6[%dma_wait3A_283, %dma_wait3A_284] : memref<8x128xi32, #tpu.memory_space<vmem>> -> memref<1x64xi32, #tpu.memory_space<vmem>>
      %dma_wait3A_286 = tpu.memref_squeeze %dma_wait3A_285 : memref<1x64xi32, #tpu.memory_space<vmem>> -> memref<64xi32, #tpu.memory_space<vmem>>
      %dma_wait3A_287 = arith.constant 0 : i32
      %dma_wait3A_288 = arith.constant 0 : i32
      %dma_wait3A_289 = tpu.memref_slice %arg2[%dma_wait3A_287, %dma_wait3A_288] : memref<20000x128xf32, #tpu.memory_space<hbm>> -> memref<20000x128xf32, #tpu.memory_space<hbm>>
      tpu.wait_indirect_dma semaphore(%arg15 : memref<!tpu.dma_semaphore, #tpu.memory_space<semaphore_mem>>) src(%dma_wait3A_289 : memref<20000x128xf32, #tpu.memory_space<hbm>>) dst(%arg10 : memref<64x128xf32, #tpu.memory_space<vmem>>)
      %dma_wait3A_290 = arith.constant 0 : i32
      %dma_wait3A_291 = arith.constant 0 : i32
      %dma_wait3A_292 = tpu.memref_slice %arg8[%dma_wait3A_290, %dma_wait3A_291] : memref<8x128xi32, #tpu.memory_space<vmem>> -> memref<1x64xi32, #tpu.memory_space<vmem>>
      %dma_wait3A_293 = tpu.memref_squeeze %dma_wait3A_292 : memref<1x64xi32, #tpu.memory_space<vmem>> -> memref<64xi32, #tpu.memory_space<vmem>>
      %dma_wait3A_294 = arith.constant 0 : i32
      %dma_wait3A_295 = arith.constant 0 : i32
      %dma_wait3A_296 = tpu.memref_slice %arg14[%dma_wait3A_294, %dma_wait3A_295] : memref<10016x128xf32, #tpu.memory_space<vmem_shared>> -> memref<10016x128xf32, #tpu.memory_space<vmem_shared>>
      tpu.wait_indirect_dma semaphore(%arg21 : memref<!tpu.dma_semaphore, #tpu.memory_space<semaphore_mem>>) src(%arg12 : memref<64x128xf32, #tpu.memory_space<vmem>>) dst(%dma_wait3A_296 : memref<10016x128xf32, #tpu.memory_space<vmem_shared>>)
      %dma_start3A_297 = arith.constant 5 : i32
      %dma_start3A_298 = arith.constant 0 : i32
      %dma_start3A_299 = tpu.memref_slice %arg6[%dma_start3A_297, %dma_start3A_298] : memref<8x128xi32, #tpu.memory_space<vmem>> -> memref<1x64xi32, #tpu.memory_space<vmem>>
      %dma_start3A_300 = tpu.memref_squeeze %dma_start3A_299 : memref<1x64xi32, #tpu.memory_space<vmem>> -> memref<64xi32, #tpu.memory_space<vmem>>
      %dma_start3A_301 = arith.constant 0 : i32
      %dma_start3A_302 = arith.constant 0 : i32
      %dma_start3A_303 = tpu.memref_slice %arg2[%dma_start3A_301, %dma_start3A_302] : memref<20000x128xf32, #tpu.memory_space<hbm>> -> memref<20000x128xf32, #tpu.memory_space<hbm>>
      tpu.enqueue_indirect_dma source(%dma_start3A_303 : memref<20000x128xf32, #tpu.memory_space<hbm>>) target(%arg12 : memref<64x128xf32, #tpu.memory_space<vmem>>) offsets(%dma_start3A_300 : memref<64xi32, #tpu.memory_space<vmem>>) semaphore(%arg17 : memref<!tpu.dma_semaphore, #tpu.memory_space<semaphore_mem>>)
      %dma_start3A_304 = arith.constant 4 : i32
      %dma_start3A_305 = arith.constant 0 : i32
      %dma_start3A_306 = tpu.memref_slice %arg8[%dma_start3A_304, %dma_start3A_305] : memref<8x128xi32, #tpu.memory_space<vmem>> -> memref<1x64xi32, #tpu.memory_space<vmem>>
      %dma_start3A_307 = tpu.memref_squeeze %dma_start3A_306 : memref<1x64xi32, #tpu.memory_space<vmem>> -> memref<64xi32, #tpu.memory_space<vmem>>
      %dma_start3A_308 = arith.constant 0 : i32
      %dma_start3A_309 = arith.constant 0 : i32
      %dma_start3A_310 = tpu.memref_slice %arg14[%dma_start3A_308, %dma_start3A_309] : memref<10016x128xf32, #tpu.memory_space<vmem_shared>> -> memref<10016x128xf32, #tpu.memory_space<vmem_shared>>
      tpu.enqueue_indirect_dma source(%arg10 : memref<64x128xf32, #tpu.memory_space<vmem>>) target(%dma_start3A_310 : memref<10016x128xf32, #tpu.memory_space<vmem_shared>>) offsets(%dma_start3A_307 : memref<64xi32, #tpu.memory_space<vmem>>) semaphore(%arg19 : memref<!tpu.dma_semaphore, #tpu.memory_space<semaphore_mem>>) {add = true}
      %dma_wait3A_311 = arith.constant 0 : i32
      %dma_wait3A_312 = arith.constant 0 : i32
      %dma_wait3A_313 = tpu.memref_slice %arg6[%dma_wait3A_311, %dma_wait3A_312] : memref<8x128xi32, #tpu.memory_space<vmem>> -> memref<1x64xi32, #tpu.memory_space<vmem>>
      %dma_wait3A_314 = tpu.memref_squeeze %dma_wait3A_313 : memref<1x64xi32, #tpu.memory_space<vmem>> -> memref<64xi32, #tpu.memory_space<vmem>>
      %dma_wait3A_315 = arith.constant 0 : i32
      %dma_wait3A_316 = arith.constant 0 : i32
      %dma_wait3A_317 = tpu.memref_slice %arg2[%dma_wait3A_315, %dma_wait3A_316] : memref<20000x128xf32, #tpu.memory_space<hbm>> -> memref<20000x128xf32, #tpu.memory_space<hbm>>
      tpu.wait_indirect_dma semaphore(%arg16 : memref<!tpu.dma_semaphore, #tpu.memory_space<semaphore_mem>>) src(%dma_wait3A_317 : memref<20000x128xf32, #tpu.memory_space<hbm>>) dst(%arg11 : memref<64x128xf32, #tpu.memory_space<vmem>>)
      %dma_wait3A_318 = arith.constant 0 : i32
      %dma_wait3A_319 = arith.constant 0 : i32
      %dma_wait3A_320 = tpu.memref_slice %arg8[%dma_wait3A_318, %dma_wait3A_319] : memref<8x128xi32, #tpu.memory_space<vmem>> -> memref<1x64xi32, #tpu.memory_space<vmem>>
      %dma_wait3A_321 = tpu.memref_squeeze %dma_wait3A_320 : memref<1x64xi32, #tpu.memory_space<vmem>> -> memref<64xi32, #tpu.memory_space<vmem>>
      %dma_wait3A_322 = arith.constant 0 : i32
      %dma_wait3A_323 = arith.constant 0 : i32
      %dma_wait3A_324 = tpu.memref_slice %arg14[%dma_wait3A_322, %dma_wait3A_323] : memref<10016x128xf32, #tpu.memory_space<vmem_shared>> -> memref<10016x128xf32, #tpu.memory_space<vmem_shared>>
      tpu.wait_indirect_dma semaphore(%arg22 : memref<!tpu.dma_semaphore, #tpu.memory_space<semaphore_mem>>) src(%arg13 : memref<64x128xf32, #tpu.memory_space<vmem>>) dst(%dma_wait3A_324 : memref<10016x128xf32, #tpu.memory_space<vmem_shared>>)
      %dma_start3A_325 = arith.constant 5 : i32
      %dma_start3A_326 = arith.constant 64 : i32
      %dma_start3A_327 = tpu.memref_slice %arg6[%dma_start3A_325, %dma_start3A_326] : memref<8x128xi32, #tpu.memory_space<vmem>> -> memref<1x64xi32, #tpu.memory_space<vmem>>
      %dma_start3A_328 = tpu.memref_squeeze %dma_start3A_327 : memref<1x64xi32, #tpu.memory_space<vmem>> -> memref<64xi32, #tpu.memory_space<vmem>>
      %dma_start3A_329 = arith.constant 0 : i32
      %dma_start3A_330 = arith.constant 0 : i32
      %dma_start3A_331 = tpu.memref_slice %arg2[%dma_start3A_329, %dma_start3A_330] : memref<20000x128xf32, #tpu.memory_space<hbm>> -> memref<20000x128xf32, #tpu.memory_space<hbm>>
      tpu.enqueue_indirect_dma source(%dma_start3A_331 : memref<20000x128xf32, #tpu.memory_space<hbm>>) target(%arg13 : memref<64x128xf32, #tpu.memory_space<vmem>>) offsets(%dma_start3A_328 : memref<64xi32, #tpu.memory_space<vmem>>) semaphore(%arg18 : memref<!tpu.dma_semaphore, #tpu.memory_space<semaphore_mem>>)
      %dma_start3A_332 = arith.constant 4 : i32
      %dma_start3A_333 = arith.constant 64 : i32
      %dma_start3A_334 = tpu.memref_slice %arg8[%dma_start3A_332, %dma_start3A_333] : memref<8x128xi32, #tpu.memory_space<vmem>> -> memref<1x64xi32, #tpu.memory_space<vmem>>
      %dma_start3A_335 = tpu.memref_squeeze %dma_start3A_334 : memref<1x64xi32, #tpu.memory_space<vmem>> -> memref<64xi32, #tpu.memory_space<vmem>>
      %dma_start3A_336 = arith.constant 0 : i32
      %dma_start3A_337 = arith.constant 0 : i32
      %dma_start3A_338 = tpu.memref_slice %arg14[%dma_start3A_336, %dma_start3A_337] : memref<10016x128xf32, #tpu.memory_space<vmem_shared>> -> memref<10016x128xf32, #tpu.memory_space<vmem_shared>>
      tpu.enqueue_indirect_dma source(%arg11 : memref<64x128xf32, #tpu.memory_space<vmem>>) target(%dma_start3A_338 : memref<10016x128xf32, #tpu.memory_space<vmem_shared>>) offsets(%dma_start3A_335 : memref<64xi32, #tpu.memory_space<vmem>>) semaphore(%arg20 : memref<!tpu.dma_semaphore, #tpu.memory_space<semaphore_mem>>) {add = true}
      %dma_wait3A_339 = arith.constant 0 : i32
      %dma_wait3A_340 = arith.constant 0 : i32
      %dma_wait3A_341 = tpu.memref_slice %arg6[%dma_wait3A_339, %dma_wait3A_340] : memref<8x128xi32, #tpu.memory_space<vmem>> -> memref<1x64xi32, #tpu.memory_space<vmem>>
      %dma_wait3A_342 = tpu.memref_squeeze %dma_wait3A_341 : memref<1x64xi32, #tpu.memory_space<vmem>> -> memref<64xi32, #tpu.memory_space<vmem>>
      %dma_wait3A_343 = arith.constant 0 : i32
      %dma_wait3A_344 = arith.constant 0 : i32
      %dma_wait3A_345 = tpu.memref_slice %arg2[%dma_wait3A_343, %dma_wait3A_344] : memref<20000x128xf32, #tpu.memory_space<hbm>> -> memref<20000x128xf32, #tpu.memory_space<hbm>>
      tpu.wait_indirect_dma semaphore(%arg17 : memref<!tpu.dma_semaphore, #tpu.memory_space<semaphore_mem>>) src(%dma_wait3A_345 : memref<20000x128xf32, #tpu.memory_space<hbm>>) dst(%arg12 : memref<64x128xf32, #tpu.memory_space<vmem>>)
      %dma_wait3A_346 = arith.constant 0 : i32
      %dma_wait3A_347 = arith.constant 0 : i32
      %dma_wait3A_348 = tpu.memref_slice %arg8[%dma_wait3A_346, %dma_wait3A_347] : memref<8x128xi32, #tpu.memory_space<vmem>> -> memref<1x64xi32, #tpu.memory_space<vmem>>
      %dma_wait3A_349 = tpu.memref_squeeze %dma_wait3A_348 : memref<1x64xi32, #tpu.memory_space<vmem>> -> memref<64xi32, #tpu.memory_space<vmem>>
      %dma_wait3A_350 = arith.constant 0 : i32
      %dma_wait3A_351 = arith.constant 0 : i32
      %dma_wait3A_352 = tpu.memref_slice %arg14[%dma_wait3A_350, %dma_wait3A_351] : memref<10016x128xf32, #tpu.memory_space<vmem_shared>> -> memref<10016x128xf32, #tpu.memory_space<vmem_shared>>
      tpu.wait_indirect_dma semaphore(%arg19 : memref<!tpu.dma_semaphore, #tpu.memory_space<semaphore_mem>>) src(%arg10 : memref<64x128xf32, #tpu.memory_space<vmem>>) dst(%dma_wait3A_352 : memref<10016x128xf32, #tpu.memory_space<vmem_shared>>)
      %dma_start3A_353 = arith.constant 6 : i32
      %dma_start3A_354 = arith.constant 0 : i32
      %dma_start3A_355 = tpu.memref_slice %arg6[%dma_start3A_353, %dma_start3A_354] : memref<8x128xi32, #tpu.memory_space<vmem>> -> memref<1x64xi32, #tpu.memory_space<vmem>>
      %dma_start3A_356 = tpu.memref_squeeze %dma_start3A_355 : memref<1x64xi32, #tpu.memory_space<vmem>> -> memref<64xi32, #tpu.memory_space<vmem>>
      %dma_start3A_357 = arith.constant 0 : i32
      %dma_start3A_358 = arith.constant 0 : i32
      %dma_start3A_359 = tpu.memref_slice %arg2[%dma_start3A_357, %dma_start3A_358] : memref<20000x128xf32, #tpu.memory_space<hbm>> -> memref<20000x128xf32, #tpu.memory_space<hbm>>
      tpu.enqueue_indirect_dma source(%dma_start3A_359 : memref<20000x128xf32, #tpu.memory_space<hbm>>) target(%arg10 : memref<64x128xf32, #tpu.memory_space<vmem>>) offsets(%dma_start3A_356 : memref<64xi32, #tpu.memory_space<vmem>>) semaphore(%arg15 : memref<!tpu.dma_semaphore, #tpu.memory_space<semaphore_mem>>)
      %dma_start3A_360 = arith.constant 5 : i32
      %dma_start3A_361 = arith.constant 0 : i32
      %dma_start3A_362 = tpu.memref_slice %arg8[%dma_start3A_360, %dma_start3A_361] : memref<8x128xi32, #tpu.memory_space<vmem>> -> memref<1x64xi32, #tpu.memory_space<vmem>>
      %dma_start3A_363 = tpu.memref_squeeze %dma_start3A_362 : memref<1x64xi32, #tpu.memory_space<vmem>> -> memref<64xi32, #tpu.memory_space<vmem>>
      %dma_start3A_364 = arith.constant 0 : i32
      %dma_start3A_365 = arith.constant 0 : i32
      %dma_start3A_366 = tpu.memref_slice %arg14[%dma_start3A_364, %dma_start3A_365] : memref<10016x128xf32, #tpu.memory_space<vmem_shared>> -> memref<10016x128xf32, #tpu.memory_space<vmem_shared>>
      tpu.enqueue_indirect_dma source(%arg12 : memref<64x128xf32, #tpu.memory_space<vmem>>) target(%dma_start3A_366 : memref<10016x128xf32, #tpu.memory_space<vmem_shared>>) offsets(%dma_start3A_363 : memref<64xi32, #tpu.memory_space<vmem>>) semaphore(%arg21 : memref<!tpu.dma_semaphore, #tpu.memory_space<semaphore_mem>>) {add = true}
      %dma_wait3A_367 = arith.constant 0 : i32
      %dma_wait3A_368 = arith.constant 0 : i32
      %dma_wait3A_369 = tpu.memref_slice %arg6[%dma_wait3A_367, %dma_wait3A_368] : memref<8x128xi32, #tpu.memory_space<vmem>> -> memref<1x64xi32, #tpu.memory_space<vmem>>
      %dma_wait3A_370 = tpu.memref_squeeze %dma_wait3A_369 : memref<1x64xi32, #tpu.memory_space<vmem>> -> memref<64xi32, #tpu.memory_space<vmem>>
      %dma_wait3A_371 = arith.constant 0 : i32
      %dma_wait3A_372 = arith.constant 0 : i32
      %dma_wait3A_373 = tpu.memref_slice %arg2[%dma_wait3A_371, %dma_wait3A_372] : memref<20000x128xf32, #tpu.memory_space<hbm>> -> memref<20000x128xf32, #tpu.memory_space<hbm>>
      tpu.wait_indirect_dma semaphore(%arg18 : memref<!tpu.dma_semaphore, #tpu.memory_space<semaphore_mem>>) src(%dma_wait3A_373 : memref<20000x128xf32, #tpu.memory_space<hbm>>) dst(%arg13 : memref<64x128xf32, #tpu.memory_space<vmem>>)
      %dma_wait3A_374 = arith.constant 0 : i32
      %dma_wait3A_375 = arith.constant 0 : i32
      %dma_wait3A_376 = tpu.memref_slice %arg8[%dma_wait3A_374, %dma_wait3A_375] : memref<8x128xi32, #tpu.memory_space<vmem>> -> memref<1x64xi32, #tpu.memory_space<vmem>>
      %dma_wait3A_377 = tpu.memref_squeeze %dma_wait3A_376 : memref<1x64xi32, #tpu.memory_space<vmem>> -> memref<64xi32, #tpu.memory_space<vmem>>
      %dma_wait3A_378 = arith.constant 0 : i32
      %dma_wait3A_379 = arith.constant 0 : i32
      %dma_wait3A_380 = tpu.memref_slice %arg14[%dma_wait3A_378, %dma_wait3A_379] : memref<10016x128xf32, #tpu.memory_space<vmem_shared>> -> memref<10016x128xf32, #tpu.memory_space<vmem_shared>>
      tpu.wait_indirect_dma semaphore(%arg20 : memref<!tpu.dma_semaphore, #tpu.memory_space<semaphore_mem>>) src(%arg11 : memref<64x128xf32, #tpu.memory_space<vmem>>) dst(%dma_wait3A_380 : memref<10016x128xf32, #tpu.memory_space<vmem_shared>>)
      %dma_start3A_381 = arith.constant 6 : i32
      %dma_start3A_382 = arith.constant 64 : i32
      %dma_start3A_383 = tpu.memref_slice %arg6[%dma_start3A_381, %dma_start3A_382] : memref<8x128xi32, #tpu.memory_space<vmem>> -> memref<1x64xi32, #tpu.memory_space<vmem>>
      %dma_start3A_384 = tpu.memref_squeeze %dma_start3A_383 : memref<1x64xi32, #tpu.memory_space<vmem>> -> memref<64xi32, #tpu.memory_space<vmem>>
      %dma_start3A_385 = arith.constant 0 : i32
      %dma_start3A_386 = arith.constant 0 : i32
      %dma_start3A_387 = tpu.memref_slice %arg2[%dma_start3A_385, %dma_start3A_386] : memref<20000x128xf32, #tpu.memory_space<hbm>> -> memref<20000x128xf32, #tpu.memory_space<hbm>>
      tpu.enqueue_indirect_dma source(%dma_start3A_387 : memref<20000x128xf32, #tpu.memory_space<hbm>>) target(%arg11 : memref<64x128xf32, #tpu.memory_space<vmem>>) offsets(%dma_start3A_384 : memref<64xi32, #tpu.memory_space<vmem>>) semaphore(%arg16 : memref<!tpu.dma_semaphore, #tpu.memory_space<semaphore_mem>>)
      %dma_start3A_388 = arith.constant 5 : i32
      %dma_start3A_389 = arith.constant 64 : i32
      %dma_start3A_390 = tpu.memref_slice %arg8[%dma_start3A_388, %dma_start3A_389] : memref<8x128xi32, #tpu.memory_space<vmem>> -> memref<1x64xi32, #tpu.memory_space<vmem>>
      %dma_start3A_391 = tpu.memref_squeeze %dma_start3A_390 : memref<1x64xi32, #tpu.memory_space<vmem>> -> memref<64xi32, #tpu.memory_space<vmem>>
      %dma_start3A_392 = arith.constant 0 : i32
      %dma_start3A_393 = arith.constant 0 : i32
      %dma_start3A_394 = tpu.memref_slice %arg14[%dma_start3A_392, %dma_start3A_393] : memref<10016x128xf32, #tpu.memory_space<vmem_shared>> -> memref<10016x128xf32, #tpu.memory_space<vmem_shared>>
      tpu.enqueue_indirect_dma source(%arg13 : memref<64x128xf32, #tpu.memory_space<vmem>>) target(%dma_start3A_394 : memref<10016x128xf32, #tpu.memory_space<vmem_shared>>) offsets(%dma_start3A_391 : memref<64xi32, #tpu.memory_space<vmem>>) semaphore(%arg22 : memref<!tpu.dma_semaphore, #tpu.memory_space<semaphore_mem>>) {add = true}
      %dma_wait3A_395 = arith.constant 0 : i32
      %dma_wait3A_396 = arith.constant 0 : i32
      %dma_wait3A_397 = tpu.memref_slice %arg6[%dma_wait3A_395, %dma_wait3A_396] : memref<8x128xi32, #tpu.memory_space<vmem>> -> memref<1x64xi32, #tpu.memory_space<vmem>>
      %dma_wait3A_398 = tpu.memref_squeeze %dma_wait3A_397 : memref<1x64xi32, #tpu.memory_space<vmem>> -> memref<64xi32, #tpu.memory_space<vmem>>
      %dma_wait3A_399 = arith.constant 0 : i32
      %dma_wait3A_400 = arith.constant 0 : i32
      %dma_wait3A_401 = tpu.memref_slice %arg2[%dma_wait3A_399, %dma_wait3A_400] : memref<20000x128xf32, #tpu.memory_space<hbm>> -> memref<20000x128xf32, #tpu.memory_space<hbm>>
      tpu.wait_indirect_dma semaphore(%arg15 : memref<!tpu.dma_semaphore, #tpu.memory_space<semaphore_mem>>) src(%dma_wait3A_401 : memref<20000x128xf32, #tpu.memory_space<hbm>>) dst(%arg10 : memref<64x128xf32, #tpu.memory_space<vmem>>)
      %dma_wait3A_402 = arith.constant 0 : i32
      %dma_wait3A_403 = arith.constant 0 : i32
      %dma_wait3A_404 = tpu.memref_slice %arg8[%dma_wait3A_402, %dma_wait3A_403] : memref<8x128xi32, #tpu.memory_space<vmem>> -> memref<1x64xi32, #tpu.memory_space<vmem>>
      %dma_wait3A_405 = tpu.memref_squeeze %dma_wait3A_404 : memref<1x64xi32, #tpu.memory_space<vmem>> -> memref<64xi32, #tpu.memory_space<vmem>>
      %dma_wait3A_406 = arith.constant 0 : i32
      %dma_wait3A_407 = arith.constant 0 : i32
      %dma_wait3A_408 = tpu.memref_slice %arg14[%dma_wait3A_406, %dma_wait3A_407] : memref<10016x128xf32, #tpu.memory_space<vmem_shared>> -> memref<10016x128xf32, #tpu.memory_space<vmem_shared>>
      tpu.wait_indirect_dma semaphore(%arg21 : memref<!tpu.dma_semaphore, #tpu.memory_space<semaphore_mem>>) src(%arg12 : memref<64x128xf32, #tpu.memory_space<vmem>>) dst(%dma_wait3A_408 : memref<10016x128xf32, #tpu.memory_space<vmem_shared>>)
      %dma_start3A_409 = arith.constant 7 : i32
      %dma_start3A_410 = arith.constant 0 : i32
      %dma_start3A_411 = tpu.memref_slice %arg6[%dma_start3A_409, %dma_start3A_410] : memref<8x128xi32, #tpu.memory_space<vmem>> -> memref<1x64xi32, #tpu.memory_space<vmem>>
      %dma_start3A_412 = tpu.memref_squeeze %dma_start3A_411 : memref<1x64xi32, #tpu.memory_space<vmem>> -> memref<64xi32, #tpu.memory_space<vmem>>
      %dma_start3A_413 = arith.constant 0 : i32
      %dma_start3A_414 = arith.constant 0 : i32
      %dma_start3A_415 = tpu.memref_slice %arg2[%dma_start3A_413, %dma_start3A_414] : memref<20000x128xf32, #tpu.memory_space<hbm>> -> memref<20000x128xf32, #tpu.memory_space<hbm>>
      tpu.enqueue_indirect_dma source(%dma_start3A_415 : memref<20000x128xf32, #tpu.memory_space<hbm>>) target(%arg12 : memref<64x128xf32, #tpu.memory_space<vmem>>) offsets(%dma_start3A_412 : memref<64xi32, #tpu.memory_space<vmem>>) semaphore(%arg17 : memref<!tpu.dma_semaphore, #tpu.memory_space<semaphore_mem>>)
      %dma_start3A_416 = arith.constant 6 : i32
      %dma_start3A_417 = arith.constant 0 : i32
      %dma_start3A_418 = tpu.memref_slice %arg8[%dma_start3A_416, %dma_start3A_417] : memref<8x128xi32, #tpu.memory_space<vmem>> -> memref<1x64xi32, #tpu.memory_space<vmem>>
      %dma_start3A_419 = tpu.memref_squeeze %dma_start3A_418 : memref<1x64xi32, #tpu.memory_space<vmem>> -> memref<64xi32, #tpu.memory_space<vmem>>
      %dma_start3A_420 = arith.constant 0 : i32
      %dma_start3A_421 = arith.constant 0 : i32
      %dma_start3A_422 = tpu.memref_slice %arg14[%dma_start3A_420, %dma_start3A_421] : memref<10016x128xf32, #tpu.memory_space<vmem_shared>> -> memref<10016x128xf32, #tpu.memory_space<vmem_shared>>
      tpu.enqueue_indirect_dma source(%arg10 : memref<64x128xf32, #tpu.memory_space<vmem>>) target(%dma_start3A_422 : memref<10016x128xf32, #tpu.memory_space<vmem_shared>>) offsets(%dma_start3A_419 : memref<64xi32, #tpu.memory_space<vmem>>) semaphore(%arg19 : memref<!tpu.dma_semaphore, #tpu.memory_space<semaphore_mem>>) {add = true}
      %dma_wait3A_423 = arith.constant 0 : i32
      %dma_wait3A_424 = arith.constant 0 : i32
      %dma_wait3A_425 = tpu.memref_slice %arg6[%dma_wait3A_423, %dma_wait3A_424] : memref<8x128xi32, #tpu.memory_space<vmem>> -> memref<1x64xi32, #tpu.memory_space<vmem>>
      %dma_wait3A_426 = tpu.memref_squeeze %dma_wait3A_425 : memref<1x64xi32, #tpu.memory_space<vmem>> -> memref<64xi32, #tpu.memory_space<vmem>>
      %dma_wait3A_427 = arith.constant 0 : i32
      %dma_wait3A_428 = arith.constant 0 : i32
      %dma_wait3A_429 = tpu.memref_slice %arg2[%dma_wait3A_427, %dma_wait3A_428] : memref<20000x128xf32, #tpu.memory_space<hbm>> -> memref<20000x128xf32, #tpu.memory_space<hbm>>
      tpu.wait_indirect_dma semaphore(%arg16 : memref<!tpu.dma_semaphore, #tpu.memory_space<semaphore_mem>>) src(%dma_wait3A_429 : memref<20000x128xf32, #tpu.memory_space<hbm>>) dst(%arg11 : memref<64x128xf32, #tpu.memory_space<vmem>>)
      %dma_wait3A_430 = arith.constant 0 : i32
      %dma_wait3A_431 = arith.constant 0 : i32
      %dma_wait3A_432 = tpu.memref_slice %arg8[%dma_wait3A_430, %dma_wait3A_431] : memref<8x128xi32, #tpu.memory_space<vmem>> -> memref<1x64xi32, #tpu.memory_space<vmem>>
      %dma_wait3A_433 = tpu.memref_squeeze %dma_wait3A_432 : memref<1x64xi32, #tpu.memory_space<vmem>> -> memref<64xi32, #tpu.memory_space<vmem>>
      %dma_wait3A_434 = arith.constant 0 : i32
      %dma_wait3A_435 = arith.constant 0 : i32
      %dma_wait3A_436 = tpu.memref_slice %arg14[%dma_wait3A_434, %dma_wait3A_435] : memref<10016x128xf32, #tpu.memory_space<vmem_shared>> -> memref<10016x128xf32, #tpu.memory_space<vmem_shared>>
      tpu.wait_indirect_dma semaphore(%arg22 : memref<!tpu.dma_semaphore, #tpu.memory_space<semaphore_mem>>) src(%arg13 : memref<64x128xf32, #tpu.memory_space<vmem>>) dst(%dma_wait3A_436 : memref<10016x128xf32, #tpu.memory_space<vmem_shared>>)
      %dma_start3A_437 = arith.constant 7 : i32
      %dma_start3A_438 = arith.constant 64 : i32
      %dma_start3A_439 = tpu.memref_slice %arg6[%dma_start3A_437, %dma_start3A_438] : memref<8x128xi32, #tpu.memory_space<vmem>> -> memref<1x64xi32, #tpu.memory_space<vmem>>
      %dma_start3A_440 = tpu.memref_squeeze %dma_start3A_439 : memref<1x64xi32, #tpu.memory_space<vmem>> -> memref<64xi32, #tpu.memory_space<vmem>>
      %dma_start3A_441 = arith.constant 0 : i32
      %dma_start3A_442 = arith.constant 0 : i32
      %dma_start3A_443 = tpu.memref_slice %arg2[%dma_start3A_441, %dma_start3A_442] : memref<20000x128xf32, #tpu.memory_space<hbm>> -> memref<20000x128xf32, #tpu.memory_space<hbm>>
      tpu.enqueue_indirect_dma source(%dma_start3A_443 : memref<20000x128xf32, #tpu.memory_space<hbm>>) target(%arg13 : memref<64x128xf32, #tpu.memory_space<vmem>>) offsets(%dma_start3A_440 : memref<64xi32, #tpu.memory_space<vmem>>) semaphore(%arg18 : memref<!tpu.dma_semaphore, #tpu.memory_space<semaphore_mem>>)
      %dma_start3A_444 = arith.constant 6 : i32
      %dma_start3A_445 = arith.constant 64 : i32
      %dma_start3A_446 = tpu.memref_slice %arg8[%dma_start3A_444, %dma_start3A_445] : memref<8x128xi32, #tpu.memory_space<vmem>> -> memref<1x64xi32, #tpu.memory_space<vmem>>
      %dma_start3A_447 = tpu.memref_squeeze %dma_start3A_446 : memref<1x64xi32, #tpu.memory_space<vmem>> -> memref<64xi32, #tpu.memory_space<vmem>>
      %dma_start3A_448 = arith.constant 0 : i32
      %dma_start3A_449 = arith.constant 0 : i32
      %dma_start3A_450 = tpu.memref_slice %arg14[%dma_start3A_448, %dma_start3A_449] : memref<10016x128xf32, #tpu.memory_space<vmem_shared>> -> memref<10016x128xf32, #tpu.memory_space<vmem_shared>>
      tpu.enqueue_indirect_dma source(%arg11 : memref<64x128xf32, #tpu.memory_space<vmem>>) target(%dma_start3A_450 : memref<10016x128xf32, #tpu.memory_space<vmem_shared>>) offsets(%dma_start3A_447 : memref<64xi32, #tpu.memory_space<vmem>>) semaphore(%arg20 : memref<!tpu.dma_semaphore, #tpu.memory_space<semaphore_mem>>) {add = true}
      %dma_wait3A_451 = arith.constant 0 : i32
      %dma_wait3A_452 = arith.constant 0 : i32
      %dma_wait3A_453 = tpu.memref_slice %arg6[%dma_wait3A_451, %dma_wait3A_452] : memref<8x128xi32, #tpu.memory_space<vmem>> -> memref<1x64xi32, #tpu.memory_space<vmem>>
      %dma_wait3A_454 = tpu.memref_squeeze %dma_wait3A_453 : memref<1x64xi32, #tpu.memory_space<vmem>> -> memref<64xi32, #tpu.memory_space<vmem>>
      %dma_wait3A_455 = arith.constant 0 : i32
      %dma_wait3A_456 = arith.constant 0 : i32
      %dma_wait3A_457 = tpu.memref_slice %arg2[%dma_wait3A_455, %dma_wait3A_456] : memref<20000x128xf32, #tpu.memory_space<hbm>> -> memref<20000x128xf32, #tpu.memory_space<hbm>>
      tpu.wait_indirect_dma semaphore(%arg17 : memref<!tpu.dma_semaphore, #tpu.memory_space<semaphore_mem>>) src(%dma_wait3A_457 : memref<20000x128xf32, #tpu.memory_space<hbm>>) dst(%arg12 : memref<64x128xf32, #tpu.memory_space<vmem>>)
      %dma_wait3A_458 = arith.constant 0 : i32
      %dma_wait3A_459 = arith.constant 0 : i32
      %dma_wait3A_460 = tpu.memref_slice %arg8[%dma_wait3A_458, %dma_wait3A_459] : memref<8x128xi32, #tpu.memory_space<vmem>> -> memref<1x64xi32, #tpu.memory_space<vmem>>
      %dma_wait3A_461 = tpu.memref_squeeze %dma_wait3A_460 : memref<1x64xi32, #tpu.memory_space<vmem>> -> memref<64xi32, #tpu.memory_space<vmem>>
      %dma_wait3A_462 = arith.constant 0 : i32
      %dma_wait3A_463 = arith.constant 0 : i32
      %dma_wait3A_464 = tpu.memref_slice %arg14[%dma_wait3A_462, %dma_wait3A_463] : memref<10016x128xf32, #tpu.memory_space<vmem_shared>> -> memref<10016x128xf32, #tpu.memory_space<vmem_shared>>
      tpu.wait_indirect_dma semaphore(%arg19 : memref<!tpu.dma_semaphore, #tpu.memory_space<semaphore_mem>>) src(%arg10 : memref<64x128xf32, #tpu.memory_space<vmem>>) dst(%dma_wait3A_464 : memref<10016x128xf32, #tpu.memory_space<vmem_shared>>)
      %add3A_465 = arith.constant 1 : i32
      %add3A_466 = arith.addi %add3A_56, %add3A_465 : i32
      %lt3A_467 = arith.constant 20 : i32
      %lt3A_468 = arith.cmpi slt, %add3A_466, %lt3A_467 : i32
      %convert_element_type3A_469 = arith.extui %lt3A_468 : i1 to i32
      %cond3A_470 = arith.constant 0 : i32
      %cond3A_471 = arith.cmpi ne, %convert_element_type3A_469, %cond3A_470 : i32
      scf.if %cond3A_471 {
        %dma_wait3A_962 = arith.constant 0 : i32
        %dma_wait3A_963 = arith.constant 0 : i32
        %dma_wait3A_964 = tpu.memref_slice %arg3[%arg0, %dma_wait3A_962, %dma_wait3A_963] : memref<2x2560x128xi32, #tpu.memory_space<hbm>> -> memref<1x2560x128xi32, #tpu.memory_space<hbm>>
        %dma_wait3A_965 = tpu.memref_squeeze %dma_wait3A_964 : memref<1x2560x128xi32, #tpu.memory_space<hbm>> -> memref<2560x128xi32, #tpu.memory_space<hbm>>
        %dma_wait3A_966 = arith.constant 0 : i32
        %dma_wait3A_967 = arith.constant 0 : i32
        %dma_wait3A_968 = tpu.memref_slice %dma_wait3A_965[%dma_wait3A_966, %dma_wait3A_967] : memref<2560x128xi32, #tpu.memory_space<hbm>> -> memref<8x128xi32, #tpu.memory_space<hbm>>
        %dma_wait3A_969 = arith.constant 0 : i32
        %dma_wait3A_970 = arith.constant 0 : i32
        %dma_wait3A_971 = tpu.memref_slice %arg3[%arg0, %dma_wait3A_969, %dma_wait3A_970] : memref<2x2560x128xi32, #tpu.memory_space<hbm>> -> memref<1x2560x128xi32, #tpu.memory_space<hbm>>
        %dma_wait3A_972 = tpu.memref_squeeze %dma_wait3A_971 : memref<1x2560x128xi32, #tpu.memory_space<hbm>> -> memref<2560x128xi32, #tpu.memory_space<hbm>>
        %dma_wait3A_973 = arith.constant 0 : i32
        %dma_wait3A_974 = arith.constant 0 : i32
        %dma_wait3A_975 = tpu.memref_slice %dma_wait3A_972[%dma_wait3A_973, %dma_wait3A_974] : memref<2560x128xi32, #tpu.memory_space<hbm>> -> memref<8x128xi32, #tpu.memory_space<hbm>>
        tpu.wait_dma2 semaphore(%arg24 : memref<!tpu.dma_semaphore, #tpu.memory_space<semaphore_mem>>) src(%dma_wait3A_975 : memref<8x128xi32, #tpu.memory_space<hbm>>) dst(%arg7 : memref<8x128xi32, #tpu.memory_space<vmem>>)
        %dma_wait3A_976 = arith.constant 0 : i32
        %dma_wait3A_977 = arith.constant 0 : i32
        %dma_wait3A_978 = tpu.memref_slice %arg4[%dma_wait3A_976, %dma_wait3A_977] : memref<2560x128xi32, #tpu.memory_space<hbm>> -> memref<8x128xi32, #tpu.memory_space<hbm>>
        %dma_wait3A_979 = arith.constant 0 : i32
        %dma_wait3A_980 = arith.constant 0 : i32
        %dma_wait3A_981 = tpu.memref_slice %arg4[%dma_wait3A_979, %dma_wait3A_980] : memref<2560x128xi32, #tpu.memory_space<hbm>> -> memref<8x128xi32, #tpu.memory_space<hbm>>
        tpu.wait_dma2 semaphore(%arg26 : memref<!tpu.dma_semaphore, #tpu.memory_space<semaphore_mem>>) src(%dma_wait3A_981 : memref<8x128xi32, #tpu.memory_space<hbm>>) dst(%arg9 : memref<8x128xi32, #tpu.memory_space<vmem>>)
        %dma_start3A_982 = arith.constant 0 : i32
        %dma_start3A_983 = arith.constant 0 : i32
        %dma_start3A_984 = tpu.memref_slice %arg7[%dma_start3A_982, %dma_start3A_983] : memref<8x128xi32, #tpu.memory_space<vmem>> -> memref<1x64xi32, #tpu.memory_space<vmem>>
        %dma_start3A_985 = tpu.memref_squeeze %dma_start3A_984 : memref<1x64xi32, #tpu.memory_space<vmem>> -> memref<64xi32, #tpu.memory_space<vmem>>
        %dma_start3A_986 = arith.constant 0 : i32
        %dma_start3A_987 = arith.constant 0 : i32
        %dma_start3A_988 = tpu.memref_slice %arg2[%dma_start3A_986, %dma_start3A_987] : memref<20000x128xf32, #tpu.memory_space<hbm>> -> memref<20000x128xf32, #tpu.memory_space<hbm>>
        tpu.enqueue_indirect_dma source(%dma_start3A_988 : memref<20000x128xf32, #tpu.memory_space<hbm>>) target(%arg10 : memref<64x128xf32, #tpu.memory_space<vmem>>) offsets(%dma_start3A_985 : memref<64xi32, #tpu.memory_space<vmem>>) semaphore(%arg15 : memref<!tpu.dma_semaphore, #tpu.memory_space<semaphore_mem>>)
      } else {
      }
      %dma_start3A_472 = arith.constant 7 : i32
      %dma_start3A_473 = arith.constant 0 : i32
      %dma_start3A_474 = tpu.memref_slice %arg8[%dma_start3A_472, %dma_start3A_473] : memref<8x128xi32, #tpu.memory_space<vmem>> -> memref<1x64xi32, #tpu.memory_space<vmem>>
      %dma_start3A_475 = tpu.memref_squeeze %dma_start3A_474 : memref<1x64xi32, #tpu.memory_space<vmem>> -> memref<64xi32, #tpu.memory_space<vmem>>
      %dma_start3A_476 = arith.constant 0 : i32
      %dma_start3A_477 = arith.constant 0 : i32
      %dma_start3A_478 = tpu.memref_slice %arg14[%dma_start3A_476, %dma_start3A_477] : memref<10016x128xf32, #tpu.memory_space<vmem_shared>> -> memref<10016x128xf32, #tpu.memory_space<vmem_shared>>
      tpu.enqueue_indirect_dma source(%arg12 : memref<64x128xf32, #tpu.memory_space<vmem>>) target(%dma_start3A_478 : memref<10016x128xf32, #tpu.memory_space<vmem_shared>>) offsets(%dma_start3A_475 : memref<64xi32, #tpu.memory_space<vmem>>) semaphore(%arg21 : memref<!tpu.dma_semaphore, #tpu.memory_space<semaphore_mem>>) {add = true}
      %dma_wait3A_479 = arith.constant 0 : i32
      %dma_wait3A_480 = arith.constant 0 : i32
      %dma_wait3A_481 = tpu.memref_slice %arg6[%dma_wait3A_479, %dma_wait3A_480] : memref<8x128xi32, #tpu.memory_space<vmem>> -> memref<1x64xi32, #tpu.memory_space<vmem>>
      %dma_wait3A_482 = tpu.memref_squeeze %dma_wait3A_481 : memref<1x64xi32, #tpu.memory_space<vmem>> -> memref<64xi32, #tpu.memory_space<vmem>>
      %dma_wait3A_483 = arith.constant 0 : i32
      %dma_wait3A_484 = arith.constant 0 : i32
      %dma_wait3A_485 = tpu.memref_slice %arg2[%dma_wait3A_483, %dma_wait3A_484] : memref<20000x128xf32, #tpu.memory_space<hbm>> -> memref<20000x128xf32, #tpu.memory_space<hbm>>
      tpu.wait_indirect_dma semaphore(%arg18 : memref<!tpu.dma_semaphore, #tpu.memory_space<semaphore_mem>>) src(%dma_wait3A_485 : memref<20000x128xf32, #tpu.memory_space<hbm>>) dst(%arg13 : memref<64x128xf32, #tpu.memory_space<vmem>>)
      %dma_wait3A_486 = arith.constant 0 : i32
      %dma_wait3A_487 = arith.constant 0 : i32
      %dma_wait3A_488 = tpu.memref_slice %arg8[%dma_wait3A_486, %dma_wait3A_487] : memref<8x128xi32, #tpu.memory_space<vmem>> -> memref<1x64xi32, #tpu.memory_space<vmem>>
      %dma_wait3A_489 = tpu.memref_squeeze %dma_wait3A_488 : memref<1x64xi32, #tpu.memory_space<vmem>> -> memref<64xi32, #tpu.memory_space<vmem>>
      %dma_wait3A_490 = arith.constant 0 : i32
      %dma_wait3A_491 = arith.constant 0 : i32
      %dma_wait3A_492 = tpu.memref_slice %arg14[%dma_wait3A_490, %dma_wait3A_491] : memref<10016x128xf32, #tpu.memory_space<vmem_shared>> -> memref<10016x128xf32, #tpu.memory_space<vmem_shared>>
      tpu.wait_indirect_dma semaphore(%arg20 : memref<!tpu.dma_semaphore, #tpu.memory_space<semaphore_mem>>) src(%arg11 : memref<64x128xf32, #tpu.memory_space<vmem>>) dst(%dma_wait3A_492 : memref<10016x128xf32, #tpu.memory_space<vmem_shared>>)
      %add3A_493 = arith.constant 1 : i32
      %add3A_494 = arith.addi %add3A_56, %add3A_493 : i32
      %lt3A_495 = arith.constant 20 : i32
      %lt3A_496 = arith.cmpi slt, %add3A_494, %lt3A_495 : i32
      %convert_element_type3A_497 = arith.extui %lt3A_496 : i1 to i32
      %cond3A_498 = arith.constant 0 : i32
      %cond3A_499 = arith.cmpi ne, %convert_element_type3A_497, %cond3A_498 : i32
      scf.if %cond3A_499 {
        %dma_start3A_962 = arith.constant 0 : i32
        %dma_start3A_963 = arith.constant 64 : i32
        %dma_start3A_964 = tpu.memref_slice %arg7[%dma_start3A_962, %dma_start3A_963] : memref<8x128xi32, #tpu.memory_space<vmem>> -> memref<1x64xi32, #tpu.memory_space<vmem>>
        %dma_start3A_965 = tpu.memref_squeeze %dma_start3A_964 : memref<1x64xi32, #tpu.memory_space<vmem>> -> memref<64xi32, #tpu.memory_space<vmem>>
        %dma_start3A_966 = arith.constant 0 : i32
        %dma_start3A_967 = arith.constant 0 : i32
        %dma_start3A_968 = tpu.memref_slice %arg2[%dma_start3A_966, %dma_start3A_967] : memref<20000x128xf32, #tpu.memory_space<hbm>> -> memref<20000x128xf32, #tpu.memory_space<hbm>>
        tpu.enqueue_indirect_dma source(%dma_start3A_968 : memref<20000x128xf32, #tpu.memory_space<hbm>>) target(%arg11 : memref<64x128xf32, #tpu.memory_space<vmem>>) offsets(%dma_start3A_965 : memref<64xi32, #tpu.memory_space<vmem>>) semaphore(%arg16 : memref<!tpu.dma_semaphore, #tpu.memory_space<semaphore_mem>>)
      } else {
      }
      %dma_start3A_500 = arith.constant 7 : i32
      %dma_start3A_501 = arith.constant 64 : i32
      %dma_start3A_502 = tpu.memref_slice %arg8[%dma_start3A_500, %dma_start3A_501] : memref<8x128xi32, #tpu.memory_space<vmem>> -> memref<1x64xi32, #tpu.memory_space<vmem>>
      %dma_start3A_503 = tpu.memref_squeeze %dma_start3A_502 : memref<1x64xi32, #tpu.memory_space<vmem>> -> memref<64xi32, #tpu.memory_space<vmem>>
      %dma_start3A_504 = arith.constant 0 : i32
      %dma_start3A_505 = arith.constant 0 : i32
      %dma_start3A_506 = tpu.memref_slice %arg14[%dma_start3A_504, %dma_start3A_505] : memref<10016x128xf32, #tpu.memory_space<vmem_shared>> -> memref<10016x128xf32, #tpu.memory_space<vmem_shared>>
      tpu.enqueue_indirect_dma source(%arg13 : memref<64x128xf32, #tpu.memory_space<vmem>>) target(%dma_start3A_506 : memref<10016x128xf32, #tpu.memory_space<vmem_shared>>) offsets(%dma_start3A_503 : memref<64xi32, #tpu.memory_space<vmem>>) semaphore(%arg22 : memref<!tpu.dma_semaphore, #tpu.memory_space<semaphore_mem>>) {add = true}
      %mul3A_507 = arith.constant 2 : i32
      %mul3A_508 = arith.muli %mul3A_507, %scan3A_52 : i32
      %add3A_509 = arith.constant 1 : i32
      %add3A_510 = arith.addi %mul3A_508, %add3A_509 : i32
      %dma_wait3A_511 = arith.constant 0 : i32
      %dma_wait3A_512 = arith.constant 0 : i32
      %dma_wait3A_513 = tpu.memref_slice %arg6[%dma_wait3A_511, %dma_wait3A_512] : memref<8x128xi32, #tpu.memory_space<vmem>> -> memref<1x64xi32, #tpu.memory_space<vmem>>
      %dma_wait3A_514 = tpu.memref_squeeze %dma_wait3A_513 : memref<1x64xi32, #tpu.memory_space<vmem>> -> memref<64xi32, #tpu.memory_space<vmem>>
      %dma_wait3A_515 = arith.constant 0 : i32
      %dma_wait3A_516 = arith.constant 0 : i32
      %dma_wait3A_517 = tpu.memref_slice %arg2[%dma_wait3A_515, %dma_wait3A_516] : memref<20000x128xf32, #tpu.memory_space<hbm>> -> memref<20000x128xf32, #tpu.memory_space<hbm>>
      tpu.wait_indirect_dma semaphore(%arg15 : memref<!tpu.dma_semaphore, #tpu.memory_space<semaphore_mem>>) src(%dma_wait3A_517 : memref<20000x128xf32, #tpu.memory_space<hbm>>) dst(%arg10 : memref<64x128xf32, #tpu.memory_space<vmem>>)
      %gt3A_518 = arith.constant 0 : i32
      %gt3A_519 = arith.cmpi sgt, %add3A_510, %gt3A_518 : i32
      %convert_element_type3A_520 = arith.extui %gt3A_519 : i1 to i32
      %cond3A_521 = arith.constant 0 : i32
      %cond3A_522 = arith.cmpi ne, %convert_element_type3A_520, %cond3A_521 : i32
      scf.if %cond3A_522 {
        %dma_wait3A_962 = arith.constant 0 : i32
        %dma_wait3A_963 = arith.constant 0 : i32
        %dma_wait3A_964 = tpu.memref_slice %arg8[%dma_wait3A_962, %dma_wait3A_963] : memref<8x128xi32, #tpu.memory_space<vmem>> -> memref<1x64xi32, #tpu.memory_space<vmem>>
        %dma_wait3A_965 = tpu.memref_squeeze %dma_wait3A_964 : memref<1x64xi32, #tpu.memory_space<vmem>> -> memref<64xi32, #tpu.memory_space<vmem>>
        %dma_wait3A_966 = arith.constant 0 : i32
        %dma_wait3A_967 = arith.constant 0 : i32
        %dma_wait3A_968 = tpu.memref_slice %arg14[%dma_wait3A_966, %dma_wait3A_967] : memref<10016x128xf32, #tpu.memory_space<vmem_shared>> -> memref<10016x128xf32, #tpu.memory_space<vmem_shared>>
        tpu.wait_indirect_dma semaphore(%arg21 : memref<!tpu.dma_semaphore, #tpu.memory_space<semaphore_mem>>) src(%arg12 : memref<64x128xf32, #tpu.memory_space<vmem>>) dst(%dma_wait3A_968 : memref<10016x128xf32, #tpu.memory_space<vmem_shared>>)
      } else {
      }
      %dma_start3A_523 = arith.constant 1 : i32
      %dma_start3A_524 = arith.constant 0 : i32
      %dma_start3A_525 = tpu.memref_slice %arg7[%dma_start3A_523, %dma_start3A_524] : memref<8x128xi32, #tpu.memory_space<vmem>> -> memref<1x64xi32, #tpu.memory_space<vmem>>
      %dma_start3A_526 = tpu.memref_squeeze %dma_start3A_525 : memref<1x64xi32, #tpu.memory_space<vmem>> -> memref<64xi32, #tpu.memory_space<vmem>>
      %dma_start3A_527 = arith.constant 0 : i32
      %dma_start3A_528 = arith.constant 0 : i32
      %dma_start3A_529 = tpu.memref_slice %arg2[%dma_start3A_527, %dma_start3A_528] : memref<20000x128xf32, #tpu.memory_space<hbm>> -> memref<20000x128xf32, #tpu.memory_space<hbm>>
      tpu.enqueue_indirect_dma source(%dma_start3A_529 : memref<20000x128xf32, #tpu.memory_space<hbm>>) target(%arg12 : memref<64x128xf32, #tpu.memory_space<vmem>>) offsets(%dma_start3A_526 : memref<64xi32, #tpu.memory_space<vmem>>) semaphore(%arg17 : memref<!tpu.dma_semaphore, #tpu.memory_space<semaphore_mem>>)
      %dma_start3A_530 = arith.constant 0 : i32
      %dma_start3A_531 = arith.constant 0 : i32
      %dma_start3A_532 = tpu.memref_slice %arg9[%dma_start3A_530, %dma_start3A_531] : memref<8x128xi32, #tpu.memory_space<vmem>> -> memref<1x64xi32, #tpu.memory_space<vmem>>
      %dma_start3A_533 = tpu.memref_squeeze %dma_start3A_532 : memref<1x64xi32, #tpu.memory_space<vmem>> -> memref<64xi32, #tpu.memory_space<vmem>>
      %dma_start3A_534 = arith.constant 0 : i32
      %dma_start3A_535 = arith.constant 0 : i32
      %dma_start3A_536 = tpu.memref_slice %arg14[%dma_start3A_534, %dma_start3A_535] : memref<10016x128xf32, #tpu.memory_space<vmem_shared>> -> memref<10016x128xf32, #tpu.memory_space<vmem_shared>>
      tpu.enqueue_indirect_dma source(%arg10 : memref<64x128xf32, #tpu.memory_space<vmem>>) target(%dma_start3A_536 : memref<10016x128xf32, #tpu.memory_space<vmem_shared>>) offsets(%dma_start3A_533 : memref<64xi32, #tpu.memory_space<vmem>>) semaphore(%arg19 : memref<!tpu.dma_semaphore, #tpu.memory_space<semaphore_mem>>) {add = true}
      %dma_wait3A_537 = arith.constant 0 : i32
      %dma_wait3A_538 = arith.constant 0 : i32
      %dma_wait3A_539 = tpu.memref_slice %arg6[%dma_wait3A_537, %dma_wait3A_538] : memref<8x128xi32, #tpu.memory_space<vmem>> -> memref<1x64xi32, #tpu.memory_space<vmem>>
      %dma_wait3A_540 = tpu.memref_squeeze %dma_wait3A_539 : memref<1x64xi32, #tpu.memory_space<vmem>> -> memref<64xi32, #tpu.memory_space<vmem>>
      %dma_wait3A_541 = arith.constant 0 : i32
      %dma_wait3A_542 = arith.constant 0 : i32
      %dma_wait3A_543 = tpu.memref_slice %arg2[%dma_wait3A_541, %dma_wait3A_542] : memref<20000x128xf32, #tpu.memory_space<hbm>> -> memref<20000x128xf32, #tpu.memory_space<hbm>>
      tpu.wait_indirect_dma semaphore(%arg16 : memref<!tpu.dma_semaphore, #tpu.memory_space<semaphore_mem>>) src(%dma_wait3A_543 : memref<20000x128xf32, #tpu.memory_space<hbm>>) dst(%arg11 : memref<64x128xf32, #tpu.memory_space<vmem>>)
      %gt3A_544 = arith.constant 0 : i32
      %gt3A_545 = arith.cmpi sgt, %add3A_510, %gt3A_544 : i32
      %convert_element_type3A_546 = arith.extui %gt3A_545 : i1 to i32
      %cond3A_547 = arith.constant 0 : i32
      %cond3A_548 = arith.cmpi ne, %convert_element_type3A_546, %cond3A_547 : i32
      scf.if %cond3A_548 {
        %dma_wait3A_962 = arith.constant 0 : i32
        %dma_wait3A_963 = arith.constant 0 : i32
        %dma_wait3A_964 = tpu.memref_slice %arg8[%dma_wait3A_962, %dma_wait3A_963] : memref<8x128xi32, #tpu.memory_space<vmem>> -> memref<1x64xi32, #tpu.memory_space<vmem>>
        %dma_wait3A_965 = tpu.memref_squeeze %dma_wait3A_964 : memref<1x64xi32, #tpu.memory_space<vmem>> -> memref<64xi32, #tpu.memory_space<vmem>>
        %dma_wait3A_966 = arith.constant 0 : i32
        %dma_wait3A_967 = arith.constant 0 : i32
        %dma_wait3A_968 = tpu.memref_slice %arg14[%dma_wait3A_966, %dma_wait3A_967] : memref<10016x128xf32, #tpu.memory_space<vmem_shared>> -> memref<10016x128xf32, #tpu.memory_space<vmem_shared>>
        tpu.wait_indirect_dma semaphore(%arg22 : memref<!tpu.dma_semaphore, #tpu.memory_space<semaphore_mem>>) src(%arg13 : memref<64x128xf32, #tpu.memory_space<vmem>>) dst(%dma_wait3A_968 : memref<10016x128xf32, #tpu.memory_space<vmem_shared>>)
      } else {
      }
      %dma_start3A_549 = arith.constant 1 : i32
      %dma_start3A_550 = arith.constant 64 : i32
      %dma_start3A_551 = tpu.memref_slice %arg7[%dma_start3A_549, %dma_start3A_550] : memref<8x128xi32, #tpu.memory_space<vmem>> -> memref<1x64xi32, #tpu.memory_space<vmem>>
      %dma_start3A_552 = tpu.memref_squeeze %dma_start3A_551 : memref<1x64xi32, #tpu.memory_space<vmem>> -> memref<64xi32, #tpu.memory_space<vmem>>
      %dma_start3A_553 = arith.constant 0 : i32
      %dma_start3A_554 = arith.constant 0 : i32
      %dma_start3A_555 = tpu.memref_slice %arg2[%dma_start3A_553, %dma_start3A_554] : memref<20000x128xf32, #tpu.memory_space<hbm>> -> memref<20000x128xf32, #tpu.memory_space<hbm>>
      tpu.enqueue_indirect_dma source(%dma_start3A_555 : memref<20000x128xf32, #tpu.memory_space<hbm>>) target(%arg13 : memref<64x128xf32, #tpu.memory_space<vmem>>) offsets(%dma_start3A_552 : memref<64xi32, #tpu.memory_space<vmem>>) semaphore(%arg18 : memref<!tpu.dma_semaphore, #tpu.memory_space<semaphore_mem>>)
      %dma_start3A_556 = arith.constant 0 : i32
      %dma_start3A_557 = arith.constant 64 : i32
      %dma_start3A_558 = tpu.memref_slice %arg9[%dma_start3A_556, %dma_start3A_557] : memref<8x128xi32, #tpu.memory_space<vmem>> -> memref<1x64xi32, #tpu.memory_space<vmem>>
      %dma_start3A_559 = tpu.memref_squeeze %dma_start3A_558 : memref<1x64xi32, #tpu.memory_space<vmem>> -> memref<64xi32, #tpu.memory_space<vmem>>
      %dma_start3A_560 = arith.constant 0 : i32
      %dma_start3A_561 = arith.constant 0 : i32
      %dma_start3A_562 = tpu.memref_slice %arg14[%dma_start3A_560, %dma_start3A_561] : memref<10016x128xf32, #tpu.memory_space<vmem_shared>> -> memref<10016x128xf32, #tpu.memory_space<vmem_shared>>
      tpu.enqueue_indirect_dma source(%arg11 : memref<64x128xf32, #tpu.memory_space<vmem>>) target(%dma_start3A_562 : memref<10016x128xf32, #tpu.memory_space<vmem_shared>>) offsets(%dma_start3A_559 : memref<64xi32, #tpu.memory_space<vmem>>) semaphore(%arg20 : memref<!tpu.dma_semaphore, #tpu.memory_space<semaphore_mem>>) {add = true}
      %dma_wait3A_563 = arith.constant 0 : i32
      %dma_wait3A_564 = arith.constant 0 : i32
      %dma_wait3A_565 = tpu.memref_slice %arg6[%dma_wait3A_563, %dma_wait3A_564] : memref<8x128xi32, #tpu.memory_space<vmem>> -> memref<1x64xi32, #tpu.memory_space<vmem>>
      %dma_wait3A_566 = tpu.memref_squeeze %dma_wait3A_565 : memref<1x64xi32, #tpu.memory_space<vmem>> -> memref<64xi32, #tpu.memory_space<vmem>>
      %dma_wait3A_567 = arith.constant 0 : i32
      %dma_wait3A_568 = arith.constant 0 : i32
      %dma_wait3A_569 = tpu.memref_slice %arg2[%dma_wait3A_567, %dma_wait3A_568] : memref<20000x128xf32, #tpu.memory_space<hbm>> -> memref<20000x128xf32, #tpu.memory_space<hbm>>
      tpu.wait_indirect_dma semaphore(%arg17 : memref<!tpu.dma_semaphore, #tpu.memory_space<semaphore_mem>>) src(%dma_wait3A_569 : memref<20000x128xf32, #tpu.memory_space<hbm>>) dst(%arg12 : memref<64x128xf32, #tpu.memory_space<vmem>>)
      %dma_wait3A_570 = arith.constant 0 : i32
      %dma_wait3A_571 = arith.constant 0 : i32
      %dma_wait3A_572 = tpu.memref_slice %arg8[%dma_wait3A_570, %dma_wait3A_571] : memref<8x128xi32, #tpu.memory_space<vmem>> -> memref<1x64xi32, #tpu.memory_space<vmem>>
      %dma_wait3A_573 = tpu.memref_squeeze %dma_wait3A_572 : memref<1x64xi32, #tpu.memory_space<vmem>> -> memref<64xi32, #tpu.memory_space<vmem>>
      %dma_wait3A_574 = arith.constant 0 : i32
      %dma_wait3A_575 = arith.constant 0 : i32
      %dma_wait3A_576 = tpu.memref_slice %arg14[%dma_wait3A_574, %dma_wait3A_575] : memref<10016x128xf32, #tpu.memory_space<vmem_shared>> -> memref<10016x128xf32, #tpu.memory_space<vmem_shared>>
      tpu.wait_indirect_dma semaphore(%arg19 : memref<!tpu.dma_semaphore, #tpu.memory_space<semaphore_mem>>) src(%arg10 : memref<64x128xf32, #tpu.memory_space<vmem>>) dst(%dma_wait3A_576 : memref<10016x128xf32, #tpu.memory_space<vmem_shared>>)
      %dma_start3A_577 = arith.constant 2 : i32
      %dma_start3A_578 = arith.constant 0 : i32
      %dma_start3A_579 = tpu.memref_slice %arg7[%dma_start3A_577, %dma_start3A_578] : memref<8x128xi32, #tpu.memory_space<vmem>> -> memref<1x64xi32, #tpu.memory_space<vmem>>
      %dma_start3A_580 = tpu.memref_squeeze %dma_start3A_579 : memref<1x64xi32, #tpu.memory_space<vmem>> -> memref<64xi32, #tpu.memory_space<vmem>>
      %dma_start3A_581 = arith.constant 0 : i32
      %dma_start3A_582 = arith.constant 0 : i32
      %dma_start3A_583 = tpu.memref_slice %arg2[%dma_start3A_581, %dma_start3A_582] : memref<20000x128xf32, #tpu.memory_space<hbm>> -> memref<20000x128xf32, #tpu.memory_space<hbm>>
      tpu.enqueue_indirect_dma source(%dma_start3A_583 : memref<20000x128xf32, #tpu.memory_space<hbm>>) target(%arg10 : memref<64x128xf32, #tpu.memory_space<vmem>>) offsets(%dma_start3A_580 : memref<64xi32, #tpu.memory_space<vmem>>) semaphore(%arg15 : memref<!tpu.dma_semaphore, #tpu.memory_space<semaphore_mem>>)
      %dma_start3A_584 = arith.constant 1 : i32
      %dma_start3A_585 = arith.constant 0 : i32
      %dma_start3A_586 = tpu.memref_slice %arg9[%dma_start3A_584, %dma_start3A_585] : memref<8x128xi32, #tpu.memory_space<vmem>> -> memref<1x64xi32, #tpu.memory_space<vmem>>
      %dma_start3A_587 = tpu.memref_squeeze %dma_start3A_586 : memref<1x64xi32, #tpu.memory_space<vmem>> -> memref<64xi32, #tpu.memory_space<vmem>>
      %dma_start3A_588 = arith.constant 0 : i32
      %dma_start3A_589 = arith.constant 0 : i32
      %dma_start3A_590 = tpu.memref_slice %arg14[%dma_start3A_588, %dma_start3A_589] : memref<10016x128xf32, #tpu.memory_space<vmem_shared>> -> memref<10016x128xf32, #tpu.memory_space<vmem_shared>>
      tpu.enqueue_indirect_dma source(%arg12 : memref<64x128xf32, #tpu.memory_space<vmem>>) target(%dma_start3A_590 : memref<10016x128xf32, #tpu.memory_space<vmem_shared>>) offsets(%dma_start3A_587 : memref<64xi32, #tpu.memory_space<vmem>>) semaphore(%arg21 : memref<!tpu.dma_semaphore, #tpu.memory_space<semaphore_mem>>) {add = true}
      %dma_wait3A_591 = arith.constant 0 : i32
      %dma_wait3A_592 = arith.constant 0 : i32
      %dma_wait3A_593 = tpu.memref_slice %arg6[%dma_wait3A_591, %dma_wait3A_592] : memref<8x128xi32, #tpu.memory_space<vmem>> -> memref<1x64xi32, #tpu.memory_space<vmem>>
      %dma_wait3A_594 = tpu.memref_squeeze %dma_wait3A_593 : memref<1x64xi32, #tpu.memory_space<vmem>> -> memref<64xi32, #tpu.memory_space<vmem>>
      %dma_wait3A_595 = arith.constant 0 : i32
      %dma_wait3A_596 = arith.constant 0 : i32
      %dma_wait3A_597 = tpu.memref_slice %arg2[%dma_wait3A_595, %dma_wait3A_596] : memref<20000x128xf32, #tpu.memory_space<hbm>> -> memref<20000x128xf32, #tpu.memory_space<hbm>>
      tpu.wait_indirect_dma semaphore(%arg18 : memref<!tpu.dma_semaphore, #tpu.memory_space<semaphore_mem>>) src(%dma_wait3A_597 : memref<20000x128xf32, #tpu.memory_space<hbm>>) dst(%arg13 : memref<64x128xf32, #tpu.memory_space<vmem>>)
      %dma_wait3A_598 = arith.constant 0 : i32
      %dma_wait3A_599 = arith.constant 0 : i32
      %dma_wait3A_600 = tpu.memref_slice %arg8[%dma_wait3A_598, %dma_wait3A_599] : memref<8x128xi32, #tpu.memory_space<vmem>> -> memref<1x64xi32, #tpu.memory_space<vmem>>
      %dma_wait3A_601 = tpu.memref_squeeze %dma_wait3A_600 : memref<1x64xi32, #tpu.memory_space<vmem>> -> memref<64xi32, #tpu.memory_space<vmem>>
      %dma_wait3A_602 = arith.constant 0 : i32
      %dma_wait3A_603 = arith.constant 0 : i32
      %dma_wait3A_604 = tpu.memref_slice %arg14[%dma_wait3A_602, %dma_wait3A_603] : memref<10016x128xf32, #tpu.memory_space<vmem_shared>> -> memref<10016x128xf32, #tpu.memory_space<vmem_shared>>
      tpu.wait_indirect_dma semaphore(%arg20 : memref<!tpu.dma_semaphore, #tpu.memory_space<semaphore_mem>>) src(%arg11 : memref<64x128xf32, #tpu.memory_space<vmem>>) dst(%dma_wait3A_604 : memref<10016x128xf32, #tpu.memory_space<vmem_shared>>)
      %dma_start3A_605 = arith.constant 2 : i32
      %dma_start3A_606 = arith.constant 64 : i32
      %dma_start3A_607 = tpu.memref_slice %arg7[%dma_start3A_605, %dma_start3A_606] : memref<8x128xi32, #tpu.memory_space<vmem>> -> memref<1x64xi32, #tpu.memory_space<vmem>>
      %dma_start3A_608 = tpu.memref_squeeze %dma_start3A_607 : memref<1x64xi32, #tpu.memory_space<vmem>> -> memref<64xi32, #tpu.memory_space<vmem>>
      %dma_start3A_609 = arith.constant 0 : i32
      %dma_start3A_610 = arith.constant 0 : i32
      %dma_start3A_611 = tpu.memref_slice %arg2[%dma_start3A_609, %dma_start3A_610] : memref<20000x128xf32, #tpu.memory_space<hbm>> -> memref<20000x128xf32, #tpu.memory_space<hbm>>
      tpu.enqueue_indirect_dma source(%dma_start3A_611 : memref<20000x128xf32, #tpu.memory_space<hbm>>) target(%arg11 : memref<64x128xf32, #tpu.memory_space<vmem>>) offsets(%dma_start3A_608 : memref<64xi32, #tpu.memory_space<vmem>>) semaphore(%arg16 : memref<!tpu.dma_semaphore, #tpu.memory_space<semaphore_mem>>)
      %dma_start3A_612 = arith.constant 1 : i32
      %dma_start3A_613 = arith.constant 64 : i32
      %dma_start3A_614 = tpu.memref_slice %arg9[%dma_start3A_612, %dma_start3A_613] : memref<8x128xi32, #tpu.memory_space<vmem>> -> memref<1x64xi32, #tpu.memory_space<vmem>>
      %dma_start3A_615 = tpu.memref_squeeze %dma_start3A_614 : memref<1x64xi32, #tpu.memory_space<vmem>> -> memref<64xi32, #tpu.memory_space<vmem>>
      %dma_start3A_616 = arith.constant 0 : i32
      %dma_start3A_617 = arith.constant 0 : i32
      %dma_start3A_618 = tpu.memref_slice %arg14[%dma_start3A_616, %dma_start3A_617] : memref<10016x128xf32, #tpu.memory_space<vmem_shared>> -> memref<10016x128xf32, #tpu.memory_space<vmem_shared>>
      tpu.enqueue_indirect_dma source(%arg13 : memref<64x128xf32, #tpu.memory_space<vmem>>) target(%dma_start3A_618 : memref<10016x128xf32, #tpu.memory_space<vmem_shared>>) offsets(%dma_start3A_615 : memref<64xi32, #tpu.memory_space<vmem>>) semaphore(%arg22 : memref<!tpu.dma_semaphore, #tpu.memory_space<semaphore_mem>>) {add = true}
      %dma_wait3A_619 = arith.constant 0 : i32
      %dma_wait3A_620 = arith.constant 0 : i32
      %dma_wait3A_621 = tpu.memref_slice %arg6[%dma_wait3A_619, %dma_wait3A_620] : memref<8x128xi32, #tpu.memory_space<vmem>> -> memref<1x64xi32, #tpu.memory_space<vmem>>
      %dma_wait3A_622 = tpu.memref_squeeze %dma_wait3A_621 : memref<1x64xi32, #tpu.memory_space<vmem>> -> memref<64xi32, #tpu.memory_space<vmem>>
      %dma_wait3A_623 = arith.constant 0 : i32
      %dma_wait3A_624 = arith.constant 0 : i32
      %dma_wait3A_625 = tpu.memref_slice %arg2[%dma_wait3A_623, %dma_wait3A_624] : memref<20000x128xf32, #tpu.memory_space<hbm>> -> memref<20000x128xf32, #tpu.memory_space<hbm>>
      tpu.wait_indirect_dma semaphore(%arg15 : memref<!tpu.dma_semaphore, #tpu.memory_space<semaphore_mem>>) src(%dma_wait3A_625 : memref<20000x128xf32, #tpu.memory_space<hbm>>) dst(%arg10 : memref<64x128xf32, #tpu.memory_space<vmem>>)
      %dma_wait3A_626 = arith.constant 0 : i32
      %dma_wait3A_627 = arith.constant 0 : i32
      %dma_wait3A_628 = tpu.memref_slice %arg8[%dma_wait3A_626, %dma_wait3A_627] : memref<8x128xi32, #tpu.memory_space<vmem>> -> memref<1x64xi32, #tpu.memory_space<vmem>>
      %dma_wait3A_629 = tpu.memref_squeeze %dma_wait3A_628 : memref<1x64xi32, #tpu.memory_space<vmem>> -> memref<64xi32, #tpu.memory_space<vmem>>
      %dma_wait3A_630 = arith.constant 0 : i32
      %dma_wait3A_631 = arith.constant 0 : i32
      %dma_wait3A_632 = tpu.memref_slice %arg14[%dma_wait3A_630, %dma_wait3A_631] : memref<10016x128xf32, #tpu.memory_space<vmem_shared>> -> memref<10016x128xf32, #tpu.memory_space<vmem_shared>>
      tpu.wait_indirect_dma semaphore(%arg21 : memref<!tpu.dma_semaphore, #tpu.memory_space<semaphore_mem>>) src(%arg12 : memref<64x128xf32, #tpu.memory_space<vmem>>) dst(%dma_wait3A_632 : memref<10016x128xf32, #tpu.memory_space<vmem_shared>>)
      %dma_start3A_633 = arith.constant 3 : i32
      %dma_start3A_634 = arith.constant 0 : i32
      %dma_start3A_635 = tpu.memref_slice %arg7[%dma_start3A_633, %dma_start3A_634] : memref<8x128xi32, #tpu.memory_space<vmem>> -> memref<1x64xi32, #tpu.memory_space<vmem>>
      %dma_start3A_636 = tpu.memref_squeeze %dma_start3A_635 : memref<1x64xi32, #tpu.memory_space<vmem>> -> memref<64xi32, #tpu.memory_space<vmem>>
      %dma_start3A_637 = arith.constant 0 : i32
      %dma_start3A_638 = arith.constant 0 : i32
      %dma_start3A_639 = tpu.memref_slice %arg2[%dma_start3A_637, %dma_start3A_638] : memref<20000x128xf32, #tpu.memory_space<hbm>> -> memref<20000x128xf32, #tpu.memory_space<hbm>>
      tpu.enqueue_indirect_dma source(%dma_start3A_639 : memref<20000x128xf32, #tpu.memory_space<hbm>>) target(%arg12 : memref<64x128xf32, #tpu.memory_space<vmem>>) offsets(%dma_start3A_636 : memref<64xi32, #tpu.memory_space<vmem>>) semaphore(%arg17 : memref<!tpu.dma_semaphore, #tpu.memory_space<semaphore_mem>>)
      %add3A_640 = arith.constant 1 : i32
      %add3A_641 = arith.addi %add3A_510, %add3A_640 : i32
      %lt3A_642 = arith.constant 20 : i32
      %lt3A_643 = arith.cmpi slt, %add3A_641, %lt3A_642 : i32
      %convert_element_type3A_644 = arith.extui %lt3A_643 : i1 to i32
      %cond3A_645 = arith.constant 0 : i32
      %cond3A_646 = arith.cmpi ne, %convert_element_type3A_644, %cond3A_645 : i32
      scf.if %cond3A_646 {
        %add3A_962 = arith.constant 1 : i32
        %add3A_963 = arith.addi %add3A_510, %add3A_962 : i32
        %mul3A_964 = arith.constant 8 : i32
        %mul3A_965 = arith.muli %add3A_963, %mul3A_964 : i32
        %add3A_966 = arith.addi %mul3A_6, %mul3A_965 : i32
        %mul3A_967 = arith.constant 8 : i32
        %mul3A_968 = arith.muli %add3A_963, %mul3A_967 : i32
        %add3A_969 = arith.addi %mul3A_6, %mul3A_968 : i32
        %dma_start3A_970 = arith.constant 0 : i32
        %dma_start3A_971 = arith.constant 0 : i32
        %dma_start3A_972 = tpu.memref_slice %arg3[%arg0, %dma_start3A_970, %dma_start3A_971] : memref<2x2560x128xi32, #tpu.memory_space<hbm>> -> memref<1x2560x128xi32, #tpu.memory_space<hbm>>
        %dma_start3A_973 = tpu.memref_squeeze %dma_start3A_972 : memref<1x2560x128xi32, #tpu.memory_space<hbm>> -> memref<2560x128xi32, #tpu.memory_space<hbm>>
        %dma_start3A_974 = arith.constant 0 : i32
        %dma_start3A_975 = tpu.memref_slice %dma_start3A_973[%add3A_966, %dma_start3A_974] : memref<2560x128xi32, #tpu.memory_space<hbm>> -> memref<8x128xi32, #tpu.memory_space<hbm>>
        %dma_start3A_976 = arith.constant 0 : i32
        %dma_start3A_977 = arith.constant 0 : i32
        %dma_start3A_978 = tpu.memref_slice %arg3[%arg0, %dma_start3A_976, %dma_start3A_977] : memref<2x2560x128xi32, #tpu.memory_space<hbm>> -> memref<1x2560x128xi32, #tpu.memory_space<hbm>>
        %dma_start3A_979 = tpu.memref_squeeze %dma_start3A_978 : memref<1x2560x128xi32, #tpu.memory_space<hbm>> -> memref<2560x128xi32, #tpu.memory_space<hbm>>
        %dma_start3A_980 = arith.constant 0 : i32
        %dma_start3A_981 = tpu.memref_slice %dma_start3A_979[%add3A_966, %dma_start3A_980] : memref<2560x128xi32, #tpu.memory_space<hbm>> -> memref<8x128xi32, #tpu.memory_space<hbm>>
        tpu.enqueue_dma source(%dma_start3A_981 : memref<8x128xi32, #tpu.memory_space<hbm>>) target(%arg6 : memref<8x128xi32, #tpu.memory_space<vmem>>) target_semaphore(%arg23 : memref<!tpu.dma_semaphore, #tpu.memory_space<semaphore_mem>>)
        %dma_start3A_982 = arith.constant 0 : i32
        %dma_start3A_983 = tpu.memref_slice %arg4[%add3A_969, %dma_start3A_982] : memref<2560x128xi32, #tpu.memory_space<hbm>> -> memref<8x128xi32, #tpu.memory_space<hbm>>
        %dma_start3A_984 = arith.constant 0 : i32
        %dma_start3A_985 = tpu.memref_slice %arg4[%add3A_969, %dma_start3A_984] : memref<2560x128xi32, #tpu.memory_space<hbm>> -> memref<8x128xi32, #tpu.memory_space<hbm>>
        tpu.enqueue_dma source(%dma_start3A_985 : memref<8x128xi32, #tpu.memory_space<hbm>>) target(%arg8 : memref<8x128xi32, #tpu.memory_space<vmem>>) target_semaphore(%arg25 : memref<!tpu.dma_semaphore, #tpu.memory_space<semaphore_mem>>)
      } else {
      }
      %dma_start3A_647 = arith.constant 2 : i32
      %dma_start3A_648 = arith.constant 0 : i32
      %dma_start3A_649 = tpu.memref_slice %arg9[%dma_start3A_647, %dma_start3A_648] : memref<8x128xi32, #tpu.memory_space<vmem>> -> memref<1x64xi32, #tpu.memory_space<vmem>>
      %dma_start3A_650 = tpu.memref_squeeze %dma_start3A_649 : memref<1x64xi32, #tpu.memory_space<vmem>> -> memref<64xi32, #tpu.memory_space<vmem>>
      %dma_start3A_651 = arith.constant 0 : i32
      %dma_start3A_652 = arith.constant 0 : i32
      %dma_start3A_653 = tpu.memref_slice %arg14[%dma_start3A_651, %dma_start3A_652] : memref<10016x128xf32, #tpu.memory_space<vmem_shared>> -> memref<10016x128xf32, #tpu.memory_space<vmem_shared>>
      tpu.enqueue_indirect_dma source(%arg10 : memref<64x128xf32, #tpu.memory_space<vmem>>) target(%dma_start3A_653 : memref<10016x128xf32, #tpu.memory_space<vmem_shared>>) offsets(%dma_start3A_650 : memref<64xi32, #tpu.memory_space<vmem>>) semaphore(%arg19 : memref<!tpu.dma_semaphore, #tpu.memory_space<semaphore_mem>>) {add = true}
      %dma_wait3A_654 = arith.constant 0 : i32
      %dma_wait3A_655 = arith.constant 0 : i32
      %dma_wait3A_656 = tpu.memref_slice %arg6[%dma_wait3A_654, %dma_wait3A_655] : memref<8x128xi32, #tpu.memory_space<vmem>> -> memref<1x64xi32, #tpu.memory_space<vmem>>
      %dma_wait3A_657 = tpu.memref_squeeze %dma_wait3A_656 : memref<1x64xi32, #tpu.memory_space<vmem>> -> memref<64xi32, #tpu.memory_space<vmem>>
      %dma_wait3A_658 = arith.constant 0 : i32
      %dma_wait3A_659 = arith.constant 0 : i32
      %dma_wait3A_660 = tpu.memref_slice %arg2[%dma_wait3A_658, %dma_wait3A_659] : memref<20000x128xf32, #tpu.memory_space<hbm>> -> memref<20000x128xf32, #tpu.memory_space<hbm>>
      tpu.wait_indirect_dma semaphore(%arg16 : memref<!tpu.dma_semaphore, #tpu.memory_space<semaphore_mem>>) src(%dma_wait3A_660 : memref<20000x128xf32, #tpu.memory_space<hbm>>) dst(%arg11 : memref<64x128xf32, #tpu.memory_space<vmem>>)
      %dma_wait3A_661 = arith.constant 0 : i32
      %dma_wait3A_662 = arith.constant 0 : i32
      %dma_wait3A_663 = tpu.memref_slice %arg8[%dma_wait3A_661, %dma_wait3A_662] : memref<8x128xi32, #tpu.memory_space<vmem>> -> memref<1x64xi32, #tpu.memory_space<vmem>>
      %dma_wait3A_664 = tpu.memref_squeeze %dma_wait3A_663 : memref<1x64xi32, #tpu.memory_space<vmem>> -> memref<64xi32, #tpu.memory_space<vmem>>
      %dma_wait3A_665 = arith.constant 0 : i32
      %dma_wait3A_666 = arith.constant 0 : i32
      %dma_wait3A_667 = tpu.memref_slice %arg14[%dma_wait3A_665, %dma_wait3A_666] : memref<10016x128xf32, #tpu.memory_space<vmem_shared>> -> memref<10016x128xf32, #tpu.memory_space<vmem_shared>>
      tpu.wait_indirect_dma semaphore(%arg22 : memref<!tpu.dma_semaphore, #tpu.memory_space<semaphore_mem>>) src(%arg13 : memref<64x128xf32, #tpu.memory_space<vmem>>) dst(%dma_wait3A_667 : memref<10016x128xf32, #tpu.memory_space<vmem_shared>>)
      %dma_start3A_668 = arith.constant 3 : i32
      %dma_start3A_669 = arith.constant 64 : i32
      %dma_start3A_670 = tpu.memref_slice %arg7[%dma_start3A_668, %dma_start3A_669] : memref<8x128xi32, #tpu.memory_space<vmem>> -> memref<1x64xi32, #tpu.memory_space<vmem>>
      %dma_start3A_671 = tpu.memref_squeeze %dma_start3A_670 : memref<1x64xi32, #tpu.memory_space<vmem>> -> memref<64xi32, #tpu.memory_space<vmem>>
      %dma_start3A_672 = arith.constant 0 : i32
      %dma_start3A_673 = arith.constant 0 : i32
      %dma_start3A_674 = tpu.memref_slice %arg2[%dma_start3A_672, %dma_start3A_673] : memref<20000x128xf32, #tpu.memory_space<hbm>> -> memref<20000x128xf32, #tpu.memory_space<hbm>>
      tpu.enqueue_indirect_dma source(%dma_start3A_674 : memref<20000x128xf32, #tpu.memory_space<hbm>>) target(%arg13 : memref<64x128xf32, #tpu.memory_space<vmem>>) offsets(%dma_start3A_671 : memref<64xi32, #tpu.memory_space<vmem>>) semaphore(%arg18 : memref<!tpu.dma_semaphore, #tpu.memory_space<semaphore_mem>>)
      %dma_start3A_675 = arith.constant 2 : i32
      %dma_start3A_676 = arith.constant 64 : i32
      %dma_start3A_677 = tpu.memref_slice %arg9[%dma_start3A_675, %dma_start3A_676] : memref<8x128xi32, #tpu.memory_space<vmem>> -> memref<1x64xi32, #tpu.memory_space<vmem>>
      %dma_start3A_678 = tpu.memref_squeeze %dma_start3A_677 : memref<1x64xi32, #tpu.memory_space<vmem>> -> memref<64xi32, #tpu.memory_space<vmem>>
      %dma_start3A_679 = arith.constant 0 : i32
      %dma_start3A_680 = arith.constant 0 : i32
      %dma_start3A_681 = tpu.memref_slice %arg14[%dma_start3A_679, %dma_start3A_680] : memref<10016x128xf32, #tpu.memory_space<vmem_shared>> -> memref<10016x128xf32, #tpu.memory_space<vmem_shared>>
      tpu.enqueue_indirect_dma source(%arg11 : memref<64x128xf32, #tpu.memory_space<vmem>>) target(%dma_start3A_681 : memref<10016x128xf32, #tpu.memory_space<vmem_shared>>) offsets(%dma_start3A_678 : memref<64xi32, #tpu.memory_space<vmem>>) semaphore(%arg20 : memref<!tpu.dma_semaphore, #tpu.memory_space<semaphore_mem>>) {add = true}
      %dma_wait3A_682 = arith.constant 0 : i32
      %dma_wait3A_683 = arith.constant 0 : i32
      %dma_wait3A_684 = tpu.memref_slice %arg6[%dma_wait3A_682, %dma_wait3A_683] : memref<8x128xi32, #tpu.memory_space<vmem>> -> memref<1x64xi32, #tpu.memory_space<vmem>>
      %dma_wait3A_685 = tpu.memref_squeeze %dma_wait3A_684 : memref<1x64xi32, #tpu.memory_space<vmem>> -> memref<64xi32, #tpu.memory_space<vmem>>
      %dma_wait3A_686 = arith.constant 0 : i32
      %dma_wait3A_687 = arith.constant 0 : i32
      %dma_wait3A_688 = tpu.memref_slice %arg2[%dma_wait3A_686, %dma_wait3A_687] : memref<20000x128xf32, #tpu.memory_space<hbm>> -> memref<20000x128xf32, #tpu.memory_space<hbm>>
      tpu.wait_indirect_dma semaphore(%arg17 : memref<!tpu.dma_semaphore, #tpu.memory_space<semaphore_mem>>) src(%dma_wait3A_688 : memref<20000x128xf32, #tpu.memory_space<hbm>>) dst(%arg12 : memref<64x128xf32, #tpu.memory_space<vmem>>)
      %dma_wait3A_689 = arith.constant 0 : i32
      %dma_wait3A_690 = arith.constant 0 : i32
      %dma_wait3A_691 = tpu.memref_slice %arg8[%dma_wait3A_689, %dma_wait3A_690] : memref<8x128xi32, #tpu.memory_space<vmem>> -> memref<1x64xi32, #tpu.memory_space<vmem>>
      %dma_wait3A_692 = tpu.memref_squeeze %dma_wait3A_691 : memref<1x64xi32, #tpu.memory_space<vmem>> -> memref<64xi32, #tpu.memory_space<vmem>>
      %dma_wait3A_693 = arith.constant 0 : i32
      %dma_wait3A_694 = arith.constant 0 : i32
      %dma_wait3A_695 = tpu.memref_slice %arg14[%dma_wait3A_693, %dma_wait3A_694] : memref<10016x128xf32, #tpu.memory_space<vmem_shared>> -> memref<10016x128xf32, #tpu.memory_space<vmem_shared>>
      tpu.wait_indirect_dma semaphore(%arg19 : memref<!tpu.dma_semaphore, #tpu.memory_space<semaphore_mem>>) src(%arg10 : memref<64x128xf32, #tpu.memory_space<vmem>>) dst(%dma_wait3A_695 : memref<10016x128xf32, #tpu.memory_space<vmem_shared>>)
      %dma_start3A_696 = arith.constant 4 : i32
      %dma_start3A_697 = arith.constant 0 : i32
      %dma_start3A_698 = tpu.memref_slice %arg7[%dma_start3A_696, %dma_start3A_697] : memref<8x128xi32, #tpu.memory_space<vmem>> -> memref<1x64xi32, #tpu.memory_space<vmem>>
      %dma_start3A_699 = tpu.memref_squeeze %dma_start3A_698 : memref<1x64xi32, #tpu.memory_space<vmem>> -> memref<64xi32, #tpu.memory_space<vmem>>
      %dma_start3A_700 = arith.constant 0 : i32
      %dma_start3A_701 = arith.constant 0 : i32
      %dma_start3A_702 = tpu.memref_slice %arg2[%dma_start3A_700, %dma_start3A_701] : memref<20000x128xf32, #tpu.memory_space<hbm>> -> memref<20000x128xf32, #tpu.memory_space<hbm>>
      tpu.enqueue_indirect_dma source(%dma_start3A_702 : memref<20000x128xf32, #tpu.memory_space<hbm>>) target(%arg10 : memref<64x128xf32, #tpu.memory_space<vmem>>) offsets(%dma_start3A_699 : memref<64xi32, #tpu.memory_space<vmem>>) semaphore(%arg15 : memref<!tpu.dma_semaphore, #tpu.memory_space<semaphore_mem>>)
      %dma_start3A_703 = arith.constant 3 : i32
      %dma_start3A_704 = arith.constant 0 : i32
      %dma_start3A_705 = tpu.memref_slice %arg9[%dma_start3A_703, %dma_start3A_704] : memref<8x128xi32, #tpu.memory_space<vmem>> -> memref<1x64xi32, #tpu.memory_space<vmem>>
      %dma_start3A_706 = tpu.memref_squeeze %dma_start3A_705 : memref<1x64xi32, #tpu.memory_space<vmem>> -> memref<64xi32, #tpu.memory_space<vmem>>
      %dma_start3A_707 = arith.constant 0 : i32
      %dma_start3A_708 = arith.constant 0 : i32
      %dma_start3A_709 = tpu.memref_slice %arg14[%dma_start3A_707, %dma_start3A_708] : memref<10016x128xf32, #tpu.memory_space<vmem_shared>> -> memref<10016x128xf32, #tpu.memory_space<vmem_shared>>
      tpu.enqueue_indirect_dma source(%arg12 : memref<64x128xf32, #tpu.memory_space<vmem>>) target(%dma_start3A_709 : memref<10016x128xf32, #tpu.memory_space<vmem_shared>>) offsets(%dma_start3A_706 : memref<64xi32, #tpu.memory_space<vmem>>) semaphore(%arg21 : memref<!tpu.dma_semaphore, #tpu.memory_space<semaphore_mem>>) {add = true}
      %dma_wait3A_710 = arith.constant 0 : i32
      %dma_wait3A_711 = arith.constant 0 : i32
      %dma_wait3A_712 = tpu.memref_slice %arg6[%dma_wait3A_710, %dma_wait3A_711] : memref<8x128xi32, #tpu.memory_space<vmem>> -> memref<1x64xi32, #tpu.memory_space<vmem>>
      %dma_wait3A_713 = tpu.memref_squeeze %dma_wait3A_712 : memref<1x64xi32, #tpu.memory_space<vmem>> -> memref<64xi32, #tpu.memory_space<vmem>>
      %dma_wait3A_714 = arith.constant 0 : i32
      %dma_wait3A_715 = arith.constant 0 : i32
      %dma_wait3A_716 = tpu.memref_slice %arg2[%dma_wait3A_714, %dma_wait3A_715] : memref<20000x128xf32, #tpu.memory_space<hbm>> -> memref<20000x128xf32, #tpu.memory_space<hbm>>
      tpu.wait_indirect_dma semaphore(%arg18 : memref<!tpu.dma_semaphore, #tpu.memory_space<semaphore_mem>>) src(%dma_wait3A_716 : memref<20000x128xf32, #tpu.memory_space<hbm>>) dst(%arg13 : memref<64x128xf32, #tpu.memory_space<vmem>>)
      %dma_wait3A_717 = arith.constant 0 : i32
      %dma_wait3A_718 = arith.constant 0 : i32
      %dma_wait3A_719 = tpu.memref_slice %arg8[%dma_wait3A_717, %dma_wait3A_718] : memref<8x128xi32, #tpu.memory_space<vmem>> -> memref<1x64xi32, #tpu.memory_space<vmem>>
      %dma_wait3A_720 = tpu.memref_squeeze %dma_wait3A_719 : memref<1x64xi32, #tpu.memory_space<vmem>> -> memref<64xi32, #tpu.memory_space<vmem>>
      %dma_wait3A_721 = arith.constant 0 : i32
      %dma_wait3A_722 = arith.constant 0 : i32
      %dma_wait3A_723 = tpu.memref_slice %arg14[%dma_wait3A_721, %dma_wait3A_722] : memref<10016x128xf32, #tpu.memory_space<vmem_shared>> -> memref<10016x128xf32, #tpu.memory_space<vmem_shared>>
      tpu.wait_indirect_dma semaphore(%arg20 : memref<!tpu.dma_semaphore, #tpu.memory_space<semaphore_mem>>) src(%arg11 : memref<64x128xf32, #tpu.memory_space<vmem>>) dst(%dma_wait3A_723 : memref<10016x128xf32, #tpu.memory_space<vmem_shared>>)
      %dma_start3A_724 = arith.constant 4 : i32
      %dma_start3A_725 = arith.constant 64 : i32
      %dma_start3A_726 = tpu.memref_slice %arg7[%dma_start3A_724, %dma_start3A_725] : memref<8x128xi32, #tpu.memory_space<vmem>> -> memref<1x64xi32, #tpu.memory_space<vmem>>
      %dma_start3A_727 = tpu.memref_squeeze %dma_start3A_726 : memref<1x64xi32, #tpu.memory_space<vmem>> -> memref<64xi32, #tpu.memory_space<vmem>>
      %dma_start3A_728 = arith.constant 0 : i32
      %dma_start3A_729 = arith.constant 0 : i32
      %dma_start3A_730 = tpu.memref_slice %arg2[%dma_start3A_728, %dma_start3A_729] : memref<20000x128xf32, #tpu.memory_space<hbm>> -> memref<20000x128xf32, #tpu.memory_space<hbm>>
      tpu.enqueue_indirect_dma source(%dma_start3A_730 : memref<20000x128xf32, #tpu.memory_space<hbm>>) target(%arg11 : memref<64x128xf32, #tpu.memory_space<vmem>>) offsets(%dma_start3A_727 : memref<64xi32, #tpu.memory_space<vmem>>) semaphore(%arg16 : memref<!tpu.dma_semaphore, #tpu.memory_space<semaphore_mem>>)
      %dma_start3A_731 = arith.constant 3 : i32
      %dma_start3A_732 = arith.constant 64 : i32
      %dma_start3A_733 = tpu.memref_slice %arg9[%dma_start3A_731, %dma_start3A_732] : memref<8x128xi32, #tpu.memory_space<vmem>> -> memref<1x64xi32, #tpu.memory_space<vmem>>
      %dma_start3A_734 = tpu.memref_squeeze %dma_start3A_733 : memref<1x64xi32, #tpu.memory_space<vmem>> -> memref<64xi32, #tpu.memory_space<vmem>>
      %dma_start3A_735 = arith.constant 0 : i32
      %dma_start3A_736 = arith.constant 0 : i32
      %dma_start3A_737 = tpu.memref_slice %arg14[%dma_start3A_735, %dma_start3A_736] : memref<10016x128xf32, #tpu.memory_space<vmem_shared>> -> memref<10016x128xf32, #tpu.memory_space<vmem_shared>>
      tpu.enqueue_indirect_dma source(%arg13 : memref<64x128xf32, #tpu.memory_space<vmem>>) target(%dma_start3A_737 : memref<10016x128xf32, #tpu.memory_space<vmem_shared>>) offsets(%dma_start3A_734 : memref<64xi32, #tpu.memory_space<vmem>>) semaphore(%arg22 : memref<!tpu.dma_semaphore, #tpu.memory_space<semaphore_mem>>) {add = true}
      %dma_wait3A_738 = arith.constant 0 : i32
      %dma_wait3A_739 = arith.constant 0 : i32
      %dma_wait3A_740 = tpu.memref_slice %arg6[%dma_wait3A_738, %dma_wait3A_739] : memref<8x128xi32, #tpu.memory_space<vmem>> -> memref<1x64xi32, #tpu.memory_space<vmem>>
      %dma_wait3A_741 = tpu.memref_squeeze %dma_wait3A_740 : memref<1x64xi32, #tpu.memory_space<vmem>> -> memref<64xi32, #tpu.memory_space<vmem>>
      %dma_wait3A_742 = arith.constant 0 : i32
      %dma_wait3A_743 = arith.constant 0 : i32
      %dma_wait3A_744 = tpu.memref_slice %arg2[%dma_wait3A_742, %dma_wait3A_743] : memref<20000x128xf32, #tpu.memory_space<hbm>> -> memref<20000x128xf32, #tpu.memory_space<hbm>>
      tpu.wait_indirect_dma semaphore(%arg15 : memref<!tpu.dma_semaphore, #tpu.memory_space<semaphore_mem>>) src(%dma_wait3A_744 : memref<20000x128xf32, #tpu.memory_space<hbm>>) dst(%arg10 : memref<64x128xf32, #tpu.memory_space<vmem>>)
      %dma_wait3A_745 = arith.constant 0 : i32
      %dma_wait3A_746 = arith.constant 0 : i32
      %dma_wait3A_747 = tpu.memref_slice %arg8[%dma_wait3A_745, %dma_wait3A_746] : memref<8x128xi32, #tpu.memory_space<vmem>> -> memref<1x64xi32, #tpu.memory_space<vmem>>
      %dma_wait3A_748 = tpu.memref_squeeze %dma_wait3A_747 : memref<1x64xi32, #tpu.memory_space<vmem>> -> memref<64xi32, #tpu.memory_space<vmem>>
      %dma_wait3A_749 = arith.constant 0 : i32
      %dma_wait3A_750 = arith.constant 0 : i32
      %dma_wait3A_751 = tpu.memref_slice %arg14[%dma_wait3A_749, %dma_wait3A_750] : memref<10016x128xf32, #tpu.memory_space<vmem_shared>> -> memref<10016x128xf32, #tpu.memory_space<vmem_shared>>
      tpu.wait_indirect_dma semaphore(%arg21 : memref<!tpu.dma_semaphore, #tpu.memory_space<semaphore_mem>>) src(%arg12 : memref<64x128xf32, #tpu.memory_space<vmem>>) dst(%dma_wait3A_751 : memref<10016x128xf32, #tpu.memory_space<vmem_shared>>)
      %dma_start3A_752 = arith.constant 5 : i32
      %dma_start3A_753 = arith.constant 0 : i32
      %dma_start3A_754 = tpu.memref_slice %arg7[%dma_start3A_752, %dma_start3A_753] : memref<8x128xi32, #tpu.memory_space<vmem>> -> memref<1x64xi32, #tpu.memory_space<vmem>>
      %dma_start3A_755 = tpu.memref_squeeze %dma_start3A_754 : memref<1x64xi32, #tpu.memory_space<vmem>> -> memref<64xi32, #tpu.memory_space<vmem>>
      %dma_start3A_756 = arith.constant 0 : i32
      %dma_start3A_757 = arith.constant 0 : i32
      %dma_start3A_758 = tpu.memref_slice %arg2[%dma_start3A_756, %dma_start3A_757] : memref<20000x128xf32, #tpu.memory_space<hbm>> -> memref<20000x128xf32, #tpu.memory_space<hbm>>
      tpu.enqueue_indirect_dma source(%dma_start3A_758 : memref<20000x128xf32, #tpu.memory_space<hbm>>) target(%arg12 : memref<64x128xf32, #tpu.memory_space<vmem>>) offsets(%dma_start3A_755 : memref<64xi32, #tpu.memory_space<vmem>>) semaphore(%arg17 : memref<!tpu.dma_semaphore, #tpu.memory_space<semaphore_mem>>)
      %dma_start3A_759 = arith.constant 4 : i32
      %dma_start3A_760 = arith.constant 0 : i32
      %dma_start3A_761 = tpu.memref_slice %arg9[%dma_start3A_759, %dma_start3A_760] : memref<8x128xi32, #tpu.memory_space<vmem>> -> memref<1x64xi32, #tpu.memory_space<vmem>>
      %dma_start3A_762 = tpu.memref_squeeze %dma_start3A_761 : memref<1x64xi32, #tpu.memory_space<vmem>> -> memref<64xi32, #tpu.memory_space<vmem>>
      %dma_start3A_763 = arith.constant 0 : i32
      %dma_start3A_764 = arith.constant 0 : i32
      %dma_start3A_765 = tpu.memref_slice %arg14[%dma_start3A_763, %dma_start3A_764] : memref<10016x128xf32, #tpu.memory_space<vmem_shared>> -> memref<10016x128xf32, #tpu.memory_space<vmem_shared>>
      tpu.enqueue_indirect_dma source(%arg10 : memref<64x128xf32, #tpu.memory_space<vmem>>) target(%dma_start3A_765 : memref<10016x128xf32, #tpu.memory_space<vmem_shared>>) offsets(%dma_start3A_762 : memref<64xi32, #tpu.memory_space<vmem>>) semaphore(%arg19 : memref<!tpu.dma_semaphore, #tpu.memory_space<semaphore_mem>>) {add = true}
      %dma_wait3A_766 = arith.constant 0 : i32
      %dma_wait3A_767 = arith.constant 0 : i32
      %dma_wait3A_768 = tpu.memref_slice %arg6[%dma_wait3A_766, %dma_wait3A_767] : memref<8x128xi32, #tpu.memory_space<vmem>> -> memref<1x64xi32, #tpu.memory_space<vmem>>
      %dma_wait3A_769 = tpu.memref_squeeze %dma_wait3A_768 : memref<1x64xi32, #tpu.memory_space<vmem>> -> memref<64xi32, #tpu.memory_space<vmem>>
      %dma_wait3A_770 = arith.constant 0 : i32
      %dma_wait3A_771 = arith.constant 0 : i32
      %dma_wait3A_772 = tpu.memref_slice %arg2[%dma_wait3A_770, %dma_wait3A_771] : memref<20000x128xf32, #tpu.memory_space<hbm>> -> memref<20000x128xf32, #tpu.memory_space<hbm>>
      tpu.wait_indirect_dma semaphore(%arg16 : memref<!tpu.dma_semaphore, #tpu.memory_space<semaphore_mem>>) src(%dma_wait3A_772 : memref<20000x128xf32, #tpu.memory_space<hbm>>) dst(%arg11 : memref<64x128xf32, #tpu.memory_space<vmem>>)
      %dma_wait3A_773 = arith.constant 0 : i32
      %dma_wait3A_774 = arith.constant 0 : i32
      %dma_wait3A_775 = tpu.memref_slice %arg8[%dma_wait3A_773, %dma_wait3A_774] : memref<8x128xi32, #tpu.memory_space<vmem>> -> memref<1x64xi32, #tpu.memory_space<vmem>>
      %dma_wait3A_776 = tpu.memref_squeeze %dma_wait3A_775 : memref<1x64xi32, #tpu.memory_space<vmem>> -> memref<64xi32, #tpu.memory_space<vmem>>
      %dma_wait3A_777 = arith.constant 0 : i32
      %dma_wait3A_778 = arith.constant 0 : i32
      %dma_wait3A_779 = tpu.memref_slice %arg14[%dma_wait3A_777, %dma_wait3A_778] : memref<10016x128xf32, #tpu.memory_space<vmem_shared>> -> memref<10016x128xf32, #tpu.memory_space<vmem_shared>>
      tpu.wait_indirect_dma semaphore(%arg22 : memref<!tpu.dma_semaphore, #tpu.memory_space<semaphore_mem>>) src(%arg13 : memref<64x128xf32, #tpu.memory_space<vmem>>) dst(%dma_wait3A_779 : memref<10016x128xf32, #tpu.memory_space<vmem_shared>>)
      %dma_start3A_780 = arith.constant 5 : i32
      %dma_start3A_781 = arith.constant 64 : i32
      %dma_start3A_782 = tpu.memref_slice %arg7[%dma_start3A_780, %dma_start3A_781] : memref<8x128xi32, #tpu.memory_space<vmem>> -> memref<1x64xi32, #tpu.memory_space<vmem>>
      %dma_start3A_783 = tpu.memref_squeeze %dma_start3A_782 : memref<1x64xi32, #tpu.memory_space<vmem>> -> memref<64xi32, #tpu.memory_space<vmem>>
      %dma_start3A_784 = arith.constant 0 : i32
      %dma_start3A_785 = arith.constant 0 : i32
      %dma_start3A_786 = tpu.memref_slice %arg2[%dma_start3A_784, %dma_start3A_785] : memref<20000x128xf32, #tpu.memory_space<hbm>> -> memref<20000x128xf32, #tpu.memory_space<hbm>>
      tpu.enqueue_indirect_dma source(%dma_start3A_786 : memref<20000x128xf32, #tpu.memory_space<hbm>>) target(%arg13 : memref<64x128xf32, #tpu.memory_space<vmem>>) offsets(%dma_start3A_783 : memref<64xi32, #tpu.memory_space<vmem>>) semaphore(%arg18 : memref<!tpu.dma_semaphore, #tpu.memory_space<semaphore_mem>>)
      %dma_start3A_787 = arith.constant 4 : i32
      %dma_start3A_788 = arith.constant 64 : i32
      %dma_start3A_789 = tpu.memref_slice %arg9[%dma_start3A_787, %dma_start3A_788] : memref<8x128xi32, #tpu.memory_space<vmem>> -> memref<1x64xi32, #tpu.memory_space<vmem>>
      %dma_start3A_790 = tpu.memref_squeeze %dma_start3A_789 : memref<1x64xi32, #tpu.memory_space<vmem>> -> memref<64xi32, #tpu.memory_space<vmem>>
      %dma_start3A_791 = arith.constant 0 : i32
      %dma_start3A_792 = arith.constant 0 : i32
      %dma_start3A_793 = tpu.memref_slice %arg14[%dma_start3A_791, %dma_start3A_792] : memref<10016x128xf32, #tpu.memory_space<vmem_shared>> -> memref<10016x128xf32, #tpu.memory_space<vmem_shared>>
      tpu.enqueue_indirect_dma source(%arg11 : memref<64x128xf32, #tpu.memory_space<vmem>>) target(%dma_start3A_793 : memref<10016x128xf32, #tpu.memory_space<vmem_shared>>) offsets(%dma_start3A_790 : memref<64xi32, #tpu.memory_space<vmem>>) semaphore(%arg20 : memref<!tpu.dma_semaphore, #tpu.memory_space<semaphore_mem>>) {add = true}
      %dma_wait3A_794 = arith.constant 0 : i32
      %dma_wait3A_795 = arith.constant 0 : i32
      %dma_wait3A_796 = tpu.memref_slice %arg6[%dma_wait3A_794, %dma_wait3A_795] : memref<8x128xi32, #tpu.memory_space<vmem>> -> memref<1x64xi32, #tpu.memory_space<vmem>>
      %dma_wait3A_797 = tpu.memref_squeeze %dma_wait3A_796 : memref<1x64xi32, #tpu.memory_space<vmem>> -> memref<64xi32, #tpu.memory_space<vmem>>
      %dma_wait3A_798 = arith.constant 0 : i32
      %dma_wait3A_799 = arith.constant 0 : i32
      %dma_wait3A_800 = tpu.memref_slice %arg2[%dma_wait3A_798, %dma_wait3A_799] : memref<20000x128xf32, #tpu.memory_space<hbm>> -> memref<20000x128xf32, #tpu.memory_space<hbm>>
      tpu.wait_indirect_dma semaphore(%arg17 : memref<!tpu.dma_semaphore, #tpu.memory_space<semaphore_mem>>) src(%dma_wait3A_800 : memref<20000x128xf32, #tpu.memory_space<hbm>>) dst(%arg12 : memref<64x128xf32, #tpu.memory_space<vmem>>)
      %dma_wait3A_801 = arith.constant 0 : i32
      %dma_wait3A_802 = arith.constant 0 : i32
      %dma_wait3A_803 = tpu.memref_slice %arg8[%dma_wait3A_801, %dma_wait3A_802] : memref<8x128xi32, #tpu.memory_space<vmem>> -> memref<1x64xi32, #tpu.memory_space<vmem>>
      %dma_wait3A_804 = tpu.memref_squeeze %dma_wait3A_803 : memref<1x64xi32, #tpu.memory_space<vmem>> -> memref<64xi32, #tpu.memory_space<vmem>>
      %dma_wait3A_805 = arith.constant 0 : i32
      %dma_wait3A_806 = arith.constant 0 : i32
      %dma_wait3A_807 = tpu.memref_slice %arg14[%dma_wait3A_805, %dma_wait3A_806] : memref<10016x128xf32, #tpu.memory_space<vmem_shared>> -> memref<10016x128xf32, #tpu.memory_space<vmem_shared>>
      tpu.wait_indirect_dma semaphore(%arg19 : memref<!tpu.dma_semaphore, #tpu.memory_space<semaphore_mem>>) src(%arg10 : memref<64x128xf32, #tpu.memory_space<vmem>>) dst(%dma_wait3A_807 : memref<10016x128xf32, #tpu.memory_space<vmem_shared>>)
      %dma_start3A_808 = arith.constant 6 : i32
      %dma_start3A_809 = arith.constant 0 : i32
      %dma_start3A_810 = tpu.memref_slice %arg7[%dma_start3A_808, %dma_start3A_809] : memref<8x128xi32, #tpu.memory_space<vmem>> -> memref<1x64xi32, #tpu.memory_space<vmem>>
      %dma_start3A_811 = tpu.memref_squeeze %dma_start3A_810 : memref<1x64xi32, #tpu.memory_space<vmem>> -> memref<64xi32, #tpu.memory_space<vmem>>
      %dma_start3A_812 = arith.constant 0 : i32
      %dma_start3A_813 = arith.constant 0 : i32
      %dma_start3A_814 = tpu.memref_slice %arg2[%dma_start3A_812, %dma_start3A_813] : memref<20000x128xf32, #tpu.memory_space<hbm>> -> memref<20000x128xf32, #tpu.memory_space<hbm>>
      tpu.enqueue_indirect_dma source(%dma_start3A_814 : memref<20000x128xf32, #tpu.memory_space<hbm>>) target(%arg10 : memref<64x128xf32, #tpu.memory_space<vmem>>) offsets(%dma_start3A_811 : memref<64xi32, #tpu.memory_space<vmem>>) semaphore(%arg15 : memref<!tpu.dma_semaphore, #tpu.memory_space<semaphore_mem>>)
      %dma_start3A_815 = arith.constant 5 : i32
      %dma_start3A_816 = arith.constant 0 : i32
      %dma_start3A_817 = tpu.memref_slice %arg9[%dma_start3A_815, %dma_start3A_816] : memref<8x128xi32, #tpu.memory_space<vmem>> -> memref<1x64xi32, #tpu.memory_space<vmem>>
      %dma_start3A_818 = tpu.memref_squeeze %dma_start3A_817 : memref<1x64xi32, #tpu.memory_space<vmem>> -> memref<64xi32, #tpu.memory_space<vmem>>
      %dma_start3A_819 = arith.constant 0 : i32
      %dma_start3A_820 = arith.constant 0 : i32
      %dma_start3A_821 = tpu.memref_slice %arg14[%dma_start3A_819, %dma_start3A_820] : memref<10016x128xf32, #tpu.memory_space<vmem_shared>> -> memref<10016x128xf32, #tpu.memory_space<vmem_shared>>
      tpu.enqueue_indirect_dma source(%arg12 : memref<64x128xf32, #tpu.memory_space<vmem>>) target(%dma_start3A_821 : memref<10016x128xf32, #tpu.memory_space<vmem_shared>>) offsets(%dma_start3A_818 : memref<64xi32, #tpu.memory_space<vmem>>) semaphore(%arg21 : memref<!tpu.dma_semaphore, #tpu.memory_space<semaphore_mem>>) {add = true}
      %dma_wait3A_822 = arith.constant 0 : i32
      %dma_wait3A_823 = arith.constant 0 : i32
      %dma_wait3A_824 = tpu.memref_slice %arg6[%dma_wait3A_822, %dma_wait3A_823] : memref<8x128xi32, #tpu.memory_space<vmem>> -> memref<1x64xi32, #tpu.memory_space<vmem>>
      %dma_wait3A_825 = tpu.memref_squeeze %dma_wait3A_824 : memref<1x64xi32, #tpu.memory_space<vmem>> -> memref<64xi32, #tpu.memory_space<vmem>>
      %dma_wait3A_826 = arith.constant 0 : i32
      %dma_wait3A_827 = arith.constant 0 : i32
      %dma_wait3A_828 = tpu.memref_slice %arg2[%dma_wait3A_826, %dma_wait3A_827] : memref<20000x128xf32, #tpu.memory_space<hbm>> -> memref<20000x128xf32, #tpu.memory_space<hbm>>
      tpu.wait_indirect_dma semaphore(%arg18 : memref<!tpu.dma_semaphore, #tpu.memory_space<semaphore_mem>>) src(%dma_wait3A_828 : memref<20000x128xf32, #tpu.memory_space<hbm>>) dst(%arg13 : memref<64x128xf32, #tpu.memory_space<vmem>>)
      %dma_wait3A_829 = arith.constant 0 : i32
      %dma_wait3A_830 = arith.constant 0 : i32
      %dma_wait3A_831 = tpu.memref_slice %arg8[%dma_wait3A_829, %dma_wait3A_830] : memref<8x128xi32, #tpu.memory_space<vmem>> -> memref<1x64xi32, #tpu.memory_space<vmem>>
      %dma_wait3A_832 = tpu.memref_squeeze %dma_wait3A_831 : memref<1x64xi32, #tpu.memory_space<vmem>> -> memref<64xi32, #tpu.memory_space<vmem>>
      %dma_wait3A_833 = arith.constant 0 : i32
      %dma_wait3A_834 = arith.constant 0 : i32
      %dma_wait3A_835 = tpu.memref_slice %arg14[%dma_wait3A_833, %dma_wait3A_834] : memref<10016x128xf32, #tpu.memory_space<vmem_shared>> -> memref<10016x128xf32, #tpu.memory_space<vmem_shared>>
      tpu.wait_indirect_dma semaphore(%arg20 : memref<!tpu.dma_semaphore, #tpu.memory_space<semaphore_mem>>) src(%arg11 : memref<64x128xf32, #tpu.memory_space<vmem>>) dst(%dma_wait3A_835 : memref<10016x128xf32, #tpu.memory_space<vmem_shared>>)
      %dma_start3A_836 = arith.constant 6 : i32
      %dma_start3A_837 = arith.constant 64 : i32
      %dma_start3A_838 = tpu.memref_slice %arg7[%dma_start3A_836, %dma_start3A_837] : memref<8x128xi32, #tpu.memory_space<vmem>> -> memref<1x64xi32, #tpu.memory_space<vmem>>
      %dma_start3A_839 = tpu.memref_squeeze %dma_start3A_838 : memref<1x64xi32, #tpu.memory_space<vmem>> -> memref<64xi32, #tpu.memory_space<vmem>>
      %dma_start3A_840 = arith.constant 0 : i32
      %dma_start3A_841 = arith.constant 0 : i32
      %dma_start3A_842 = tpu.memref_slice %arg2[%dma_start3A_840, %dma_start3A_841] : memref<20000x128xf32, #tpu.memory_space<hbm>> -> memref<20000x128xf32, #tpu.memory_space<hbm>>
      tpu.enqueue_indirect_dma source(%dma_start3A_842 : memref<20000x128xf32, #tpu.memory_space<hbm>>) target(%arg11 : memref<64x128xf32, #tpu.memory_space<vmem>>) offsets(%dma_start3A_839 : memref<64xi32, #tpu.memory_space<vmem>>) semaphore(%arg16 : memref<!tpu.dma_semaphore, #tpu.memory_space<semaphore_mem>>)
      %dma_start3A_843 = arith.constant 5 : i32
      %dma_start3A_844 = arith.constant 64 : i32
      %dma_start3A_845 = tpu.memref_slice %arg9[%dma_start3A_843, %dma_start3A_844] : memref<8x128xi32, #tpu.memory_space<vmem>> -> memref<1x64xi32, #tpu.memory_space<vmem>>
      %dma_start3A_846 = tpu.memref_squeeze %dma_start3A_845 : memref<1x64xi32, #tpu.memory_space<vmem>> -> memref<64xi32, #tpu.memory_space<vmem>>
      %dma_start3A_847 = arith.constant 0 : i32
      %dma_start3A_848 = arith.constant 0 : i32
      %dma_start3A_849 = tpu.memref_slice %arg14[%dma_start3A_847, %dma_start3A_848] : memref<10016x128xf32, #tpu.memory_space<vmem_shared>> -> memref<10016x128xf32, #tpu.memory_space<vmem_shared>>
      tpu.enqueue_indirect_dma source(%arg13 : memref<64x128xf32, #tpu.memory_space<vmem>>) target(%dma_start3A_849 : memref<10016x128xf32, #tpu.memory_space<vmem_shared>>) offsets(%dma_start3A_846 : memref<64xi32, #tpu.memory_space<vmem>>) semaphore(%arg22 : memref<!tpu.dma_semaphore, #tpu.memory_space<semaphore_mem>>) {add = true}
      %dma_wait3A_850 = arith.constant 0 : i32
      %dma_wait3A_851 = arith.constant 0 : i32
      %dma_wait3A_852 = tpu.memref_slice %arg6[%dma_wait3A_850, %dma_wait3A_851] : memref<8x128xi32, #tpu.memory_space<vmem>> -> memref<1x64xi32, #tpu.memory_space<vmem>>
      %dma_wait3A_853 = tpu.memref_squeeze %dma_wait3A_852 : memref<1x64xi32, #tpu.memory_space<vmem>> -> memref<64xi32, #tpu.memory_space<vmem>>
      %dma_wait3A_854 = arith.constant 0 : i32
      %dma_wait3A_855 = arith.constant 0 : i32
      %dma_wait3A_856 = tpu.memref_slice %arg2[%dma_wait3A_854, %dma_wait3A_855] : memref<20000x128xf32, #tpu.memory_space<hbm>> -> memref<20000x128xf32, #tpu.memory_space<hbm>>
      tpu.wait_indirect_dma semaphore(%arg15 : memref<!tpu.dma_semaphore, #tpu.memory_space<semaphore_mem>>) src(%dma_wait3A_856 : memref<20000x128xf32, #tpu.memory_space<hbm>>) dst(%arg10 : memref<64x128xf32, #tpu.memory_space<vmem>>)
      %dma_wait3A_857 = arith.constant 0 : i32
      %dma_wait3A_858 = arith.constant 0 : i32
      %dma_wait3A_859 = tpu.memref_slice %arg8[%dma_wait3A_857, %dma_wait3A_858] : memref<8x128xi32, #tpu.memory_space<vmem>> -> memref<1x64xi32, #tpu.memory_space<vmem>>
      %dma_wait3A_860 = tpu.memref_squeeze %dma_wait3A_859 : memref<1x64xi32, #tpu.memory_space<vmem>> -> memref<64xi32, #tpu.memory_space<vmem>>
      %dma_wait3A_861 = arith.constant 0 : i32
      %dma_wait3A_862 = arith.constant 0 : i32
      %dma_wait3A_863 = tpu.memref_slice %arg14[%dma_wait3A_861, %dma_wait3A_862] : memref<10016x128xf32, #tpu.memory_space<vmem_shared>> -> memref<10016x128xf32, #tpu.memory_space<vmem_shared>>
      tpu.wait_indirect_dma semaphore(%arg21 : memref<!tpu.dma_semaphore, #tpu.memory_space<semaphore_mem>>) src(%arg12 : memref<64x128xf32, #tpu.memory_space<vmem>>) dst(%dma_wait3A_863 : memref<10016x128xf32, #tpu.memory_space<vmem_shared>>)
      %dma_start3A_864 = arith.constant 7 : i32
      %dma_start3A_865 = arith.constant 0 : i32
      %dma_start3A_866 = tpu.memref_slice %arg7[%dma_start3A_864, %dma_start3A_865] : memref<8x128xi32, #tpu.memory_space<vmem>> -> memref<1x64xi32, #tpu.memory_space<vmem>>
      %dma_start3A_867 = tpu.memref_squeeze %dma_start3A_866 : memref<1x64xi32, #tpu.memory_space<vmem>> -> memref<64xi32, #tpu.memory_space<vmem>>
      %dma_start3A_868 = arith.constant 0 : i32
      %dma_start3A_869 = arith.constant 0 : i32
      %dma_start3A_870 = tpu.memref_slice %arg2[%dma_start3A_868, %dma_start3A_869] : memref<20000x128xf32, #tpu.memory_space<hbm>> -> memref<20000x128xf32, #tpu.memory_space<hbm>>
      tpu.enqueue_indirect_dma source(%dma_start3A_870 : memref<20000x128xf32, #tpu.memory_space<hbm>>) target(%arg12 : memref<64x128xf32, #tpu.memory_space<vmem>>) offsets(%dma_start3A_867 : memref<64xi32, #tpu.memory_space<vmem>>) semaphore(%arg17 : memref<!tpu.dma_semaphore, #tpu.memory_space<semaphore_mem>>)
      %dma_start3A_871 = arith.constant 6 : i32
      %dma_start3A_872 = arith.constant 0 : i32
      %dma_start3A_873 = tpu.memref_slice %arg9[%dma_start3A_871, %dma_start3A_872] : memref<8x128xi32, #tpu.memory_space<vmem>> -> memref<1x64xi32, #tpu.memory_space<vmem>>
      %dma_start3A_874 = tpu.memref_squeeze %dma_start3A_873 : memref<1x64xi32, #tpu.memory_space<vmem>> -> memref<64xi32, #tpu.memory_space<vmem>>
      %dma_start3A_875 = arith.constant 0 : i32
      %dma_start3A_876 = arith.constant 0 : i32
      %dma_start3A_877 = tpu.memref_slice %arg14[%dma_start3A_875, %dma_start3A_876] : memref<10016x128xf32, #tpu.memory_space<vmem_shared>> -> memref<10016x128xf32, #tpu.memory_space<vmem_shared>>
      tpu.enqueue_indirect_dma source(%arg10 : memref<64x128xf32, #tpu.memory_space<vmem>>) target(%dma_start3A_877 : memref<10016x128xf32, #tpu.memory_space<vmem_shared>>) offsets(%dma_start3A_874 : memref<64xi32, #tpu.memory_space<vmem>>) semaphore(%arg19 : memref<!tpu.dma_semaphore, #tpu.memory_space<semaphore_mem>>) {add = true}
      %dma_wait3A_878 = arith.constant 0 : i32
      %dma_wait3A_879 = arith.constant 0 : i32
      %dma_wait3A_880 = tpu.memref_slice %arg6[%dma_wait3A_878, %dma_wait3A_879] : memref<8x128xi32, #tpu.memory_space<vmem>> -> memref<1x64xi32, #tpu.memory_space<vmem>>
      %dma_wait3A_881 = tpu.memref_squeeze %dma_wait3A_880 : memref<1x64xi32, #tpu.memory_space<vmem>> -> memref<64xi32, #tpu.memory_space<vmem>>
      %dma_wait3A_882 = arith.constant 0 : i32
      %dma_wait3A_883 = arith.constant 0 : i32
      %dma_wait3A_884 = tpu.memref_slice %arg2[%dma_wait3A_882, %dma_wait3A_883] : memref<20000x128xf32, #tpu.memory_space<hbm>> -> memref<20000x128xf32, #tpu.memory_space<hbm>>
      tpu.wait_indirect_dma semaphore(%arg16 : memref<!tpu.dma_semaphore, #tpu.memory_space<semaphore_mem>>) src(%dma_wait3A_884 : memref<20000x128xf32, #tpu.memory_space<hbm>>) dst(%arg11 : memref<64x128xf32, #tpu.memory_space<vmem>>)
      %dma_wait3A_885 = arith.constant 0 : i32
      %dma_wait3A_886 = arith.constant 0 : i32
      %dma_wait3A_887 = tpu.memref_slice %arg8[%dma_wait3A_885, %dma_wait3A_886] : memref<8x128xi32, #tpu.memory_space<vmem>> -> memref<1x64xi32, #tpu.memory_space<vmem>>
      %dma_wait3A_888 = tpu.memref_squeeze %dma_wait3A_887 : memref<1x64xi32, #tpu.memory_space<vmem>> -> memref<64xi32, #tpu.memory_space<vmem>>
      %dma_wait3A_889 = arith.constant 0 : i32
      %dma_wait3A_890 = arith.constant 0 : i32
      %dma_wait3A_891 = tpu.memref_slice %arg14[%dma_wait3A_889, %dma_wait3A_890] : memref<10016x128xf32, #tpu.memory_space<vmem_shared>> -> memref<10016x128xf32, #tpu.memory_space<vmem_shared>>
      tpu.wait_indirect_dma semaphore(%arg22 : memref<!tpu.dma_semaphore, #tpu.memory_space<semaphore_mem>>) src(%arg13 : memref<64x128xf32, #tpu.memory_space<vmem>>) dst(%dma_wait3A_891 : memref<10016x128xf32, #tpu.memory_space<vmem_shared>>)
      %dma_start3A_892 = arith.constant 7 : i32
      %dma_start3A_893 = arith.constant 64 : i32
      %dma_start3A_894 = tpu.memref_slice %arg7[%dma_start3A_892, %dma_start3A_893] : memref<8x128xi32, #tpu.memory_space<vmem>> -> memref<1x64xi32, #tpu.memory_space<vmem>>
      %dma_start3A_895 = tpu.memref_squeeze %dma_start3A_894 : memref<1x64xi32, #tpu.memory_space<vmem>> -> memref<64xi32, #tpu.memory_space<vmem>>
      %dma_start3A_896 = arith.constant 0 : i32
      %dma_start3A_897 = arith.constant 0 : i32
      %dma_start3A_898 = tpu.memref_slice %arg2[%dma_start3A_896, %dma_start3A_897] : memref<20000x128xf32, #tpu.memory_space<hbm>> -> memref<20000x128xf32, #tpu.memory_space<hbm>>
      tpu.enqueue_indirect_dma source(%dma_start3A_898 : memref<20000x128xf32, #tpu.memory_space<hbm>>) target(%arg13 : memref<64x128xf32, #tpu.memory_space<vmem>>) offsets(%dma_start3A_895 : memref<64xi32, #tpu.memory_space<vmem>>) semaphore(%arg18 : memref<!tpu.dma_semaphore, #tpu.memory_space<semaphore_mem>>)
      %dma_start3A_899 = arith.constant 6 : i32
      %dma_start3A_900 = arith.constant 64 : i32
      %dma_start3A_901 = tpu.memref_slice %arg9[%dma_start3A_899, %dma_start3A_900] : memref<8x128xi32, #tpu.memory_space<vmem>> -> memref<1x64xi32, #tpu.memory_space<vmem>>
      %dma_start3A_902 = tpu.memref_squeeze %dma_start3A_901 : memref<1x64xi32, #tpu.memory_space<vmem>> -> memref<64xi32, #tpu.memory_space<vmem>>
      %dma_start3A_903 = arith.constant 0 : i32
      %dma_start3A_904 = arith.constant 0 : i32
      %dma_start3A_905 = tpu.memref_slice %arg14[%dma_start3A_903, %dma_start3A_904] : memref<10016x128xf32, #tpu.memory_space<vmem_shared>> -> memref<10016x128xf32, #tpu.memory_space<vmem_shared>>
      tpu.enqueue_indirect_dma source(%arg11 : memref<64x128xf32, #tpu.memory_space<vmem>>) target(%dma_start3A_905 : memref<10016x128xf32, #tpu.memory_space<vmem_shared>>) offsets(%dma_start3A_902 : memref<64xi32, #tpu.memory_space<vmem>>) semaphore(%arg20 : memref<!tpu.dma_semaphore, #tpu.memory_space<semaphore_mem>>) {add = true}
      %dma_wait3A_906 = arith.constant 0 : i32
      %dma_wait3A_907 = arith.constant 0 : i32
      %dma_wait3A_908 = tpu.memref_slice %arg6[%dma_wait3A_906, %dma_wait3A_907] : memref<8x128xi32, #tpu.memory_space<vmem>> -> memref<1x64xi32, #tpu.memory_space<vmem>>
      %dma_wait3A_909 = tpu.memref_squeeze %dma_wait3A_908 : memref<1x64xi32, #tpu.memory_space<vmem>> -> memref<64xi32, #tpu.memory_space<vmem>>
      %dma_wait3A_910 = arith.constant 0 : i32
      %dma_wait3A_911 = arith.constant 0 : i32
      %dma_wait3A_912 = tpu.memref_slice %arg2[%dma_wait3A_910, %dma_wait3A_911] : memref<20000x128xf32, #tpu.memory_space<hbm>> -> memref<20000x128xf32, #tpu.memory_space<hbm>>
      tpu.wait_indirect_dma semaphore(%arg17 : memref<!tpu.dma_semaphore, #tpu.memory_space<semaphore_mem>>) src(%dma_wait3A_912 : memref<20000x128xf32, #tpu.memory_space<hbm>>) dst(%arg12 : memref<64x128xf32, #tpu.memory_space<vmem>>)
      %dma_wait3A_913 = arith.constant 0 : i32
      %dma_wait3A_914 = arith.constant 0 : i32
      %dma_wait3A_915 = tpu.memref_slice %arg8[%dma_wait3A_913, %dma_wait3A_914] : memref<8x128xi32, #tpu.memory_space<vmem>> -> memref<1x64xi32, #tpu.memory_space<vmem>>
      %dma_wait3A_916 = tpu.memref_squeeze %dma_wait3A_915 : memref<1x64xi32, #tpu.memory_space<vmem>> -> memref<64xi32, #tpu.memory_space<vmem>>
      %dma_wait3A_917 = arith.constant 0 : i32
      %dma_wait3A_918 = arith.constant 0 : i32
      %dma_wait3A_919 = tpu.memref_slice %arg14[%dma_wait3A_917, %dma_wait3A_918] : memref<10016x128xf32, #tpu.memory_space<vmem_shared>> -> memref<10016x128xf32, #tpu.memory_space<vmem_shared>>
      tpu.wait_indirect_dma semaphore(%arg19 : memref<!tpu.dma_semaphore, #tpu.memory_space<semaphore_mem>>) src(%arg10 : memref<64x128xf32, #tpu.memory_space<vmem>>) dst(%dma_wait3A_919 : memref<10016x128xf32, #tpu.memory_space<vmem_shared>>)
      %add3A_920 = arith.constant 1 : i32
      %add3A_921 = arith.addi %add3A_510, %add3A_920 : i32
      %lt3A_922 = arith.constant 20 : i32
      %lt3A_923 = arith.cmpi slt, %add3A_921, %lt3A_922 : i32
      %convert_element_type3A_924 = arith.extui %lt3A_923 : i1 to i32
      %cond3A_925 = arith.constant 0 : i32
      %cond3A_926 = arith.cmpi ne, %convert_element_type3A_924, %cond3A_925 : i32
      scf.if %cond3A_926 {
        %dma_wait3A_962 = arith.constant 0 : i32
        %dma_wait3A_963 = arith.constant 0 : i32
        %dma_wait3A_964 = tpu.memref_slice %arg3[%arg0, %dma_wait3A_962, %dma_wait3A_963] : memref<2x2560x128xi32, #tpu.memory_space<hbm>> -> memref<1x2560x128xi32, #tpu.memory_space<hbm>>
        %dma_wait3A_965 = tpu.memref_squeeze %dma_wait3A_964 : memref<1x2560x128xi32, #tpu.memory_space<hbm>> -> memref<2560x128xi32, #tpu.memory_space<hbm>>
        %dma_wait3A_966 = arith.constant 0 : i32
        %dma_wait3A_967 = arith.constant 0 : i32
        %dma_wait3A_968 = tpu.memref_slice %dma_wait3A_965[%dma_wait3A_966, %dma_wait3A_967] : memref<2560x128xi32, #tpu.memory_space<hbm>> -> memref<8x128xi32, #tpu.memory_space<hbm>>
        %dma_wait3A_969 = arith.constant 0 : i32
        %dma_wait3A_970 = arith.constant 0 : i32
        %dma_wait3A_971 = tpu.memref_slice %arg3[%arg0, %dma_wait3A_969, %dma_wait3A_970] : memref<2x2560x128xi32, #tpu.memory_space<hbm>> -> memref<1x2560x128xi32, #tpu.memory_space<hbm>>
        %dma_wait3A_972 = tpu.memref_squeeze %dma_wait3A_971 : memref<1x2560x128xi32, #tpu.memory_space<hbm>> -> memref<2560x128xi32, #tpu.memory_space<hbm>>
        %dma_wait3A_973 = arith.constant 0 : i32
        %dma_wait3A_974 = arith.constant 0 : i32
        %dma_wait3A_975 = tpu.memref_slice %dma_wait3A_972[%dma_wait3A_973, %dma_wait3A_974] : memref<2560x128xi32, #tpu.memory_space<hbm>> -> memref<8x128xi32, #tpu.memory_space<hbm>>
        tpu.wait_dma2 semaphore(%arg23 : memref<!tpu.dma_semaphore, #tpu.memory_space<semaphore_mem>>) src(%dma_wait3A_975 : memref<8x128xi32, #tpu.memory_space<hbm>>) dst(%arg6 : memref<8x128xi32, #tpu.memory_space<vmem>>)
        %dma_wait3A_976 = arith.constant 0 : i32
        %dma_wait3A_977 = arith.constant 0 : i32
        %dma_wait3A_978 = tpu.memref_slice %arg4[%dma_wait3A_976, %dma_wait3A_977] : memref<2560x128xi32, #tpu.memory_space<hbm>> -> memref<8x128xi32, #tpu.memory_space<hbm>>
        %dma_wait3A_979 = arith.constant 0 : i32
        %dma_wait3A_980 = arith.constant 0 : i32
        %dma_wait3A_981 = tpu.memref_slice %arg4[%dma_wait3A_979, %dma_wait3A_980] : memref<2560x128xi32, #tpu.memory_space<hbm>> -> memref<8x128xi32, #tpu.memory_space<hbm>>
        tpu.wait_dma2 semaphore(%arg25 : memref<!tpu.dma_semaphore, #tpu.memory_space<semaphore_mem>>) src(%dma_wait3A_981 : memref<8x128xi32, #tpu.memory_space<hbm>>) dst(%arg8 : memref<8x128xi32, #tpu.memory_space<vmem>>)
        %dma_start3A_982 = arith.constant 0 : i32
        %dma_start3A_983 = arith.constant 0 : i32
        %dma_start3A_984 = tpu.memref_slice %arg6[%dma_start3A_982, %dma_start3A_983] : memref<8x128xi32, #tpu.memory_space<vmem>> -> memref<1x64xi32, #tpu.memory_space<vmem>>
        %dma_start3A_985 = tpu.memref_squeeze %dma_start3A_984 : memref<1x64xi32, #tpu.memory_space<vmem>> -> memref<64xi32, #tpu.memory_space<vmem>>
        %dma_start3A_986 = arith.constant 0 : i32
        %dma_start3A_987 = arith.constant 0 : i32
        %dma_start3A_988 = tpu.memref_slice %arg2[%dma_start3A_986, %dma_start3A_987] : memref<20000x128xf32, #tpu.memory_space<hbm>> -> memref<20000x128xf32, #tpu.memory_space<hbm>>
        tpu.enqueue_indirect_dma source(%dma_start3A_988 : memref<20000x128xf32, #tpu.memory_space<hbm>>) target(%arg10 : memref<64x128xf32, #tpu.memory_space<vmem>>) offsets(%dma_start3A_985 : memref<64xi32, #tpu.memory_space<vmem>>) semaphore(%arg15 : memref<!tpu.dma_semaphore, #tpu.memory_space<semaphore_mem>>)
      } else {
      }
      %dma_start3A_927 = arith.constant 7 : i32
      %dma_start3A_928 = arith.constant 0 : i32
      %dma_start3A_929 = tpu.memref_slice %arg9[%dma_start3A_927, %dma_start3A_928] : memref<8x128xi32, #tpu.memory_space<vmem>> -> memref<1x64xi32, #tpu.memory_space<vmem>>
      %dma_start3A_930 = tpu.memref_squeeze %dma_start3A_929 : memref<1x64xi32, #tpu.memory_space<vmem>> -> memref<64xi32, #tpu.memory_space<vmem>>
      %dma_start3A_931 = arith.constant 0 : i32
      %dma_start3A_932 = arith.constant 0 : i32
      %dma_start3A_933 = tpu.memref_slice %arg14[%dma_start3A_931, %dma_start3A_932] : memref<10016x128xf32, #tpu.memory_space<vmem_shared>> -> memref<10016x128xf32, #tpu.memory_space<vmem_shared>>
      tpu.enqueue_indirect_dma source(%arg12 : memref<64x128xf32, #tpu.memory_space<vmem>>) target(%dma_start3A_933 : memref<10016x128xf32, #tpu.memory_space<vmem_shared>>) offsets(%dma_start3A_930 : memref<64xi32, #tpu.memory_space<vmem>>) semaphore(%arg21 : memref<!tpu.dma_semaphore, #tpu.memory_space<semaphore_mem>>) {add = true}
      %dma_wait3A_934 = arith.constant 0 : i32
      %dma_wait3A_935 = arith.constant 0 : i32
      %dma_wait3A_936 = tpu.memref_slice %arg6[%dma_wait3A_934, %dma_wait3A_935] : memref<8x128xi32, #tpu.memory_space<vmem>> -> memref<1x64xi32, #tpu.memory_space<vmem>>
      %dma_wait3A_937 = tpu.memref_squeeze %dma_wait3A_936 : memref<1x64xi32, #tpu.memory_space<vmem>> -> memref<64xi32, #tpu.memory_space<vmem>>
      %dma_wait3A_938 = arith.constant 0 : i32
      %dma_wait3A_939 = arith.constant 0 : i32
      %dma_wait3A_940 = tpu.memref_slice %arg2[%dma_wait3A_938, %dma_wait3A_939] : memref<20000x128xf32, #tpu.memory_space<hbm>> -> memref<20000x128xf32, #tpu.memory_space<hbm>>
      tpu.wait_indirect_dma semaphore(%arg18 : memref<!tpu.dma_semaphore, #tpu.memory_space<semaphore_mem>>) src(%dma_wait3A_940 : memref<20000x128xf32, #tpu.memory_space<hbm>>) dst(%arg13 : memref<64x128xf32, #tpu.memory_space<vmem>>)
      %dma_wait3A_941 = arith.constant 0 : i32
      %dma_wait3A_942 = arith.constant 0 : i32
      %dma_wait3A_943 = tpu.memref_slice %arg8[%dma_wait3A_941, %dma_wait3A_942] : memref<8x128xi32, #tpu.memory_space<vmem>> -> memref<1x64xi32, #tpu.memory_space<vmem>>
      %dma_wait3A_944 = tpu.memref_squeeze %dma_wait3A_943 : memref<1x64xi32, #tpu.memory_space<vmem>> -> memref<64xi32, #tpu.memory_space<vmem>>
      %dma_wait3A_945 = arith.constant 0 : i32
      %dma_wait3A_946 = arith.constant 0 : i32
      %dma_wait3A_947 = tpu.memref_slice %arg14[%dma_wait3A_945, %dma_wait3A_946] : memref<10016x128xf32, #tpu.memory_space<vmem_shared>> -> memref<10016x128xf32, #tpu.memory_space<vmem_shared>>
      tpu.wait_indirect_dma semaphore(%arg20 : memref<!tpu.dma_semaphore, #tpu.memory_space<semaphore_mem>>) src(%arg11 : memref<64x128xf32, #tpu.memory_space<vmem>>) dst(%dma_wait3A_947 : memref<10016x128xf32, #tpu.memory_space<vmem_shared>>)
      %add3A_948 = arith.constant 1 : i32
      %add3A_949 = arith.addi %add3A_510, %add3A_948 : i32
      %lt3A_950 = arith.constant 20 : i32
      %lt3A_951 = arith.cmpi slt, %add3A_949, %lt3A_950 : i32
      %convert_element_type3A_952 = arith.extui %lt3A_951 : i1 to i32
      %cond3A_953 = arith.constant 0 : i32
      %cond3A_954 = arith.cmpi ne, %convert_element_type3A_952, %cond3A_953 : i32
      scf.if %cond3A_954 {
        %dma_start3A_962 = arith.constant 0 : i32
        %dma_start3A_963 = arith.constant 64 : i32
        %dma_start3A_964 = tpu.memref_slice %arg6[%dma_start3A_962, %dma_start3A_963] : memref<8x128xi32, #tpu.memory_space<vmem>> -> memref<1x64xi32, #tpu.memory_space<vmem>>
        %dma_start3A_965 = tpu.memref_squeeze %dma_start3A_964 : memref<1x64xi32, #tpu.memory_space<vmem>> -> memref<64xi32, #tpu.memory_space<vmem>>
        %dma_start3A_966 = arith.constant 0 : i32
        %dma_start3A_967 = arith.constant 0 : i32
        %dma_start3A_968 = tpu.memref_slice %arg2[%dma_start3A_966, %dma_start3A_967] : memref<20000x128xf32, #tpu.memory_space<hbm>> -> memref<20000x128xf32, #tpu.memory_space<hbm>>
        tpu.enqueue_indirect_dma source(%dma_start3A_968 : memref<20000x128xf32, #tpu.memory_space<hbm>>) target(%arg11 : memref<64x128xf32, #tpu.memory_space<vmem>>) offsets(%dma_start3A_965 : memref<64xi32, #tpu.memory_space<vmem>>) semaphore(%arg16 : memref<!tpu.dma_semaphore, #tpu.memory_space<semaphore_mem>>)
      } else {
      }
      %dma_start3A_955 = arith.constant 7 : i32
      %dma_start3A_956 = arith.constant 64 : i32
      %dma_start3A_957 = tpu.memref_slice %arg9[%dma_start3A_955, %dma_start3A_956] : memref<8x128xi32, #tpu.memory_space<vmem>> -> memref<1x64xi32, #tpu.memory_space<vmem>>
      %dma_start3A_958 = tpu.memref_squeeze %dma_start3A_957 : memref<1x64xi32, #tpu.memory_space<vmem>> -> memref<64xi32, #tpu.memory_space<vmem>>
      %dma_start3A_959 = arith.constant 0 : i32
      %dma_start3A_960 = arith.constant 0 : i32
      %dma_start3A_961 = tpu.memref_slice %arg14[%dma_start3A_959, %dma_start3A_960] : memref<10016x128xf32, #tpu.memory_space<vmem_shared>> -> memref<10016x128xf32, #tpu.memory_space<vmem_shared>>
      tpu.enqueue_indirect_dma source(%arg13 : memref<64x128xf32, #tpu.memory_space<vmem>>) target(%dma_start3A_961 : memref<10016x128xf32, #tpu.memory_space<vmem_shared>>) offsets(%dma_start3A_958 : memref<64xi32, #tpu.memory_space<vmem>>) semaphore(%arg22 : memref<!tpu.dma_semaphore, #tpu.memory_space<semaphore_mem>>) {add = true}
    }
    %scan3A_27 = arith.constant 10 : i32
    %dma_wait3A = arith.constant 0 : i32
    %dma_wait3A_28 = arith.constant 0 : i32
    %dma_wait3A_29 = tpu.memref_slice %arg8[%dma_wait3A, %dma_wait3A_28] : memref<8x128xi32, #tpu.memory_space<vmem>> -> memref<1x64xi32, #tpu.memory_space<vmem>>
    %dma_wait3A_30 = tpu.memref_squeeze %dma_wait3A_29 : memref<1x64xi32, #tpu.memory_space<vmem>> -> memref<64xi32, #tpu.memory_space<vmem>>
    %dma_wait3A_31 = arith.constant 0 : i32
    %dma_wait3A_32 = arith.constant 0 : i32
    %dma_wait3A_33 = tpu.memref_slice %arg14[%dma_wait3A_31, %dma_wait3A_32] : memref<10016x128xf32, #tpu.memory_space<vmem_shared>> -> memref<10016x128xf32, #tpu.memory_space<vmem_shared>>
    tpu.wait_indirect_dma semaphore(%arg21 : memref<!tpu.dma_semaphore, #tpu.memory_space<semaphore_mem>>) src(%arg12 : memref<64x128xf32, #tpu.memory_space<vmem>>) dst(%dma_wait3A_33 : memref<10016x128xf32, #tpu.memory_space<vmem_shared>>)
    %dma_wait3A_34 = arith.constant 0 : i32
    %dma_wait3A_35 = arith.constant 0 : i32
    %dma_wait3A_36 = tpu.memref_slice %arg8[%dma_wait3A_34, %dma_wait3A_35] : memref<8x128xi32, #tpu.memory_space<vmem>> -> memref<1x64xi32, #tpu.memory_space<vmem>>
    %dma_wait3A_37 = tpu.memref_squeeze %dma_wait3A_36 : memref<1x64xi32, #tpu.memory_space<vmem>> -> memref<64xi32, #tpu.memory_space<vmem>>
    %dma_wait3A_38 = arith.constant 0 : i32
    %dma_wait3A_39 = arith.constant 0 : i32
    %dma_wait3A_40 = tpu.memref_slice %arg14[%dma_wait3A_38, %dma_wait3A_39] : memref<10016x128xf32, #tpu.memory_space<vmem_shared>> -> memref<10016x128xf32, #tpu.memory_space<vmem_shared>>
    tpu.wait_indirect_dma semaphore(%arg22 : memref<!tpu.dma_semaphore, #tpu.memory_space<semaphore_mem>>) src(%arg13 : memref<64x128xf32, #tpu.memory_space<vmem>>) dst(%dma_wait3A_40 : memref<10016x128xf32, #tpu.memory_space<vmem_shared>>)
    %barrier3A_41 = arith.constant 0 : index
    tpu.barrier barrier_id(%barrier3A_41)
    %lt3A_42 = arith.constant 15 : i32
    %lt3A_43 = arith.cmpi slt, %arg1, %lt3A_42 : i32
    %convert_element_type3A_44 = arith.extui %lt3A_43 : i1 to i32
    %cond3A_45 = arith.constant 0 : i32
    %cond3A_46 = arith.cmpi ne, %convert_element_type3A_44, %cond3A_45 : i32
    scf.if %cond3A_46 {
      %mul3A_52 = arith.constant 640 : i32
      %mul3A_53 = arith.muli %arg1, %mul3A_52 : i32
      %mul3A_54 = arith.constant 10000 : i32
      %mul3A_55 = arith.muli %arg0, %mul3A_54 : i32
      %mul3A_56 = arith.constant 640 : i32
      %mul3A_57 = arith.muli %arg1, %mul3A_56 : i32
      %add3A_58 = arith.addi %mul3A_55, %mul3A_57 : i32
      "tpu.region"() ({
        %run_scoped3A = tpu.sem_alloc : memref<!tpu.dma_semaphore, #tpu.memory_space<semaphore_mem>>
        %dma_start3A_59 = arith.constant 0 : i32
        %dma_start3A_60 = tpu.memref_slice %arg5[%add3A_58, %dma_start3A_59] : memref<20000x128xf32, #tpu.memory_space<hbm>> -> memref<640x128xf32, #tpu.memory_space<hbm>>
        %dma_start3A_61 = arith.constant 0 : i32
        %dma_start3A_62 = tpu.memref_slice %arg14[%mul3A_53, %dma_start3A_61] : memref<10016x128xf32, #tpu.memory_space<vmem_shared>> -> memref<640x128xf32, #tpu.memory_space<vmem_shared>>
        tpu.enqueue_dma source(%dma_start3A_62 : memref<640x128xf32, #tpu.memory_space<vmem_shared>>) target(%dma_start3A_60 : memref<640x128xf32, #tpu.memory_space<hbm>>) target_semaphore(%run_scoped3A : memref<!tpu.dma_semaphore, #tpu.memory_space<semaphore_mem>>)
        %dma_wait3A_63 = arith.constant 0 : i32
        %dma_wait3A_64 = tpu.memref_slice %arg5[%add3A_58, %dma_wait3A_63] : memref<20000x128xf32, #tpu.memory_space<hbm>> -> memref<640x128xf32, #tpu.memory_space<hbm>>
        %dma_wait3A_65 = arith.constant 0 : i32
        %dma_wait3A_66 = tpu.memref_slice %arg14[%mul3A_53, %dma_wait3A_65] : memref<10016x128xf32, #tpu.memory_space<vmem_shared>> -> memref<640x128xf32, #tpu.memory_space<vmem_shared>>
        tpu.wait_dma2 semaphore(%run_scoped3A : memref<!tpu.dma_semaphore, #tpu.memory_space<semaphore_mem>>) src(%dma_wait3A_66 : memref<640x128xf32, #tpu.memory_space<vmem_shared>>) dst(%dma_wait3A_64 : memref<640x128xf32, #tpu.memory_space<hbm>>)
        tpu.yield
      }) : () -> ()
    } else {
    }
    %eq3A_47 = arith.constant 15 : i32
    %eq3A_48 = arith.cmpi eq, %arg1, %eq3A_47 : i32
    %convert_element_type3A_49 = arith.extui %eq3A_48 : i1 to i32
    %cond3A_50 = arith.constant 0 : i32
    %cond3A_51 = arith.cmpi ne, %convert_element_type3A_49, %cond3A_50 : i32
    scf.if %cond3A_51 {
      %mul3A_52 = arith.constant 10000 : i32
      %mul3A_53 = arith.muli %arg0, %mul3A_52 : i32
      %add3A_54 = arith.constant 9600 : i32
      %add3A_55 = arith.addi %mul3A_53, %add3A_54 : i32
      "tpu.region"() ({
        %run_scoped3A = tpu.sem_alloc : memref<!tpu.dma_semaphore, #tpu.memory_space<semaphore_mem>>
        %dma_start3A_56 = arith.constant 0 : i32
        %dma_start3A_57 = tpu.memref_slice %arg5[%add3A_55, %dma_start3A_56] : memref<20000x128xf32, #tpu.memory_space<hbm>> -> memref<400x128xf32, #tpu.memory_space<hbm>>
        %dma_start3A_58 = arith.constant 9600 : i32
        %dma_start3A_59 = arith.constant 0 : i32
        %dma_start3A_60 = tpu.memref_slice %arg14[%dma_start3A_58, %dma_start3A_59] : memref<10016x128xf32, #tpu.memory_space<vmem_shared>> -> memref<400x128xf32, #tpu.memory_space<vmem_shared>>
        tpu.enqueue_dma source(%dma_start3A_60 : memref<400x128xf32, #tpu.memory_space<vmem_shared>>) target(%dma_start3A_57 : memref<400x128xf32, #tpu.memory_space<hbm>>) target_semaphore(%run_scoped3A : memref<!tpu.dma_semaphore, #tpu.memory_space<semaphore_mem>>)
        %dma_wait3A_61 = arith.constant 0 : i32
        %dma_wait3A_62 = tpu.memref_slice %arg5[%add3A_55, %dma_wait3A_61] : memref<20000x128xf32, #tpu.memory_space<hbm>> -> memref<400x128xf32, #tpu.memory_space<hbm>>
        %dma_wait3A_63 = arith.constant 9600 : i32
        %dma_wait3A_64 = arith.constant 0 : i32
        %dma_wait3A_65 = tpu.memref_slice %arg14[%dma_wait3A_63, %dma_wait3A_64] : memref<10016x128xf32, #tpu.memory_space<vmem_shared>> -> memref<400x128xf32, #tpu.memory_space<vmem_shared>>
        tpu.wait_dma2 semaphore(%run_scoped3A : memref<!tpu.dma_semaphore, #tpu.memory_space<semaphore_mem>>) src(%dma_wait3A_65 : memref<400x128xf32, #tpu.memory_space<vmem_shared>>) dst(%dma_wait3A_62 : memref<400x128xf32, #tpu.memory_space<hbm>>)
        tpu.yield
      }) : () -> ()
    } else {
    }
    return
  }
}

module attributes {stable_mosaic.version = 14 : i64} {
  func.func @_tc0_body(%arg0: i32, %arg1: memref<1000x128xf32, #tpu.memory_space<vmem>>, %arg2: memref<128x256xf32, #tpu.memory_space<vmem>>, %arg3: memref<1000x256xf32, #tpu.memory_space<vmem>>) attributes {dimension_semantics = [#tpu.dimension_semantics<arbitrary>], iteration_bounds = array<i64: 10>, scalar_prefetch = 0 : i64, scratch_operands = 0 : i64, tpu.core_type = #tpu.core_type<tc>, window_params = [{transform_indices = @transform_0, window_bounds = array<i64: 1000, 128>}, {pipeline_mode = #tpu.pipeline_mode<synchronous>, transform_indices = @transform_1, window_bounds = array<i64: 128, 256>}, {transform_indices = @transform_2, window_bounds = array<i64: 1000, 256>}]} {
    %get3A = arith.constant 0 : index
    %get3A_0 = arith.constant 0 : index
    %get3A_1 = vector.load %arg1[%get3A, %get3A_0] : memref<1000x128xf32, #tpu.memory_space<vmem>>, vector<1000x128xf32>
    %get3A_2 = arith.constant 0 : index
    %get3A_3 = arith.constant 0 : index
    %get3A_4 = vector.load %arg2[%get3A_2, %get3A_3] : memref<128x256xf32, #tpu.memory_space<vmem>>, vector<128x256xf32>
    %dot_general3A = arith.constant dense<0.000000e+00> : vector<1000x256xf32>
    %dot_general3A_5 = tpu.matmul %get3A_1, %get3A_4, %dot_general3A {dimension_numbers = #tpu.dot_dimension_numbers<[1], [0], [0], [1], [0, 0, 1, 1], [], []>, transpose_lhs_hint = false} : vector<1000x128xf32>, vector<128x256xf32>, vector<1000x256xf32> -> vector<1000x256xf32>
    %swap3A = arith.constant 0 : index
    %swap3A_6 = arith.constant 0 : index
    %swap3A_7 = vector.load %arg3[%swap3A, %swap3A_6] : memref<1000x256xf32, #tpu.memory_space<vmem>>, vector<1000x256xf32>
    tpu.vector_store %arg3[%swap3A, %swap3A_6], %dot_general3A_5 {strides = array<i32>} : memref<1000x256xf32, #tpu.memory_space<vmem>>, vector<1000x256xf32>,
    return
  }
  func.func @transform_0(%arg0: i32) -> (i32, i32) {
    %c0_i32 = arith.constant 0 : i32
    %c0_i32_0 = arith.constant 0 : i32
    return %arg0, %c0_i32 : i32, i32
  }
  func.func @transform_1(%arg0: i32) -> (i32, i32) {
    %c0_i32 = arith.constant 0 : i32
    %c0_i32_0 = arith.constant 0 : i32
    %c0_i32_1 = arith.constant 0 : i32
    return %c0_i32, %c0_i32_0 : i32, i32
  }
  func.func @transform_2(%arg0: i32) -> (i32, i32) {
    %c0_i32 = arith.constant 0 : i32
    %c0_i32_0 = arith.constant 0 : i32
    return %arg0, %c0_i32 : i32, i32
  }
}

module attributes {stable_mosaic.version = 14 : i64} {
  func.func @_tc1_body(%arg0: i32, %arg1: memref<2x1000x1xf32, #tpu.memory_space<vmem>>, %arg2: memref<1000x256xf32, #tpu.memory_space<vmem>>, %arg3: memref<1000x1xf32, #tpu.memory_space<vmem>>, %arg4: memref<2x1000x128xf32, #tpu.memory_space<vmem>>) attributes {dimension_semantics = [#tpu.dimension_semantics<arbitrary>], iteration_bounds = array<i64: 10>, scalar_prefetch = 0 : i64, scratch_operands = 0 : i64, tpu.core_type = #tpu.core_type<tc>, window_params = [{transform_indices = @transform_0, window_bounds = array<i64: 2, 1000, 1>}, {transform_indices = @transform_1, window_bounds = array<i64: 1000, 256>}, {transform_indices = @transform_2, window_bounds = array<i64: 1000, 1>}, {transform_indices = @transform_3, window_bounds = array<i64: 2, 1000, 128>}]} {
    %get3A = arith.constant 0 : index
    %get3A_0 = arith.constant 0 : index
    %get3A_1 = arith.constant 0 : index
    %get3A_2 = vector.load %arg1[%get3A, %get3A_0, %get3A_1] : memref<2x1000x1xf32, #tpu.memory_space<vmem>>, vector<1x1000x1xf32>
    %get3A_3 = vector.shape_cast %get3A_2 : vector<1x1000x1xf32> to vector<1000x1xf32>
    %get3A_4 = arith.constant 1 : index
    %get3A_5 = arith.constant 0 : index
    %get3A_6 = arith.constant 0 : index
    %get3A_7 = vector.load %arg1[%get3A_4, %get3A_5, %get3A_6] : memref<2x1000x1xf32, #tpu.memory_space<vmem>>, vector<1x1000x1xf32>
    %get3A_8 = vector.shape_cast %get3A_7 : vector<1x1000x1xf32> to vector<1000x1xf32>
    %add3A = arith.addf %get3A_3, %get3A_8 : vector<1000x1xf32>
    %sub3A = arith.constant 1.000000e+00 : f32
    %sub3A_9 = vector.broadcast %sub3A : f32 to vector<1000x1xf32>
    %sub3A_10 = arith.subf %add3A, %sub3A_9 : vector<1000x1xf32>
    %rsqrt3A = math.rsqrt %sub3A_10 : vector<1000x1xf32>
    %swap3A = arith.constant 0 : index
    %swap3A_11 = arith.constant 0 : index
    %swap3A_12 = vector.load %arg3[%swap3A, %swap3A_11] : memref<1000x1xf32, #tpu.memory_space<vmem>>, vector<1000x1xf32>
    tpu.vector_store %arg3[%swap3A, %swap3A_11], %rsqrt3A {strides = array<i32>} : memref<1000x1xf32, #tpu.memory_space<vmem>>, vector<1000x1xf32>,
    %get3A_13 = arith.constant 0 : index
    %get3A_14 = arith.constant 0 : index
    %get3A_15 = vector.load %arg2[%get3A_13, %get3A_14] : memref<1000x256xf32, #tpu.memory_space<vmem>>, vector<1000x256xf32>
    %mul3A = vector.broadcast %rsqrt3A : vector<1000x1xf32> to vector<1000x256xf32>
    %mul3A_16 = arith.mulf %get3A_15, %mul3A : vector<1000x256xf32>
    %slice3A = vector.extract_strided_slice %mul3A_16 {offsets = [0, 0], sizes = [1000, 128], strides = [1, 1]} : vector<1000x256xf32> to vector<1000x128xf32>
    %swap3A_17 = arith.constant 0 : index
    %swap3A_18 = arith.constant 0 : index
    %swap3A_19 = arith.constant 0 : index
    %swap3A_20 = vector.load %arg4[%swap3A_17, %swap3A_18, %swap3A_19] : memref<2x1000x128xf32, #tpu.memory_space<vmem>>, vector<1x1000x128xf32>
    %swap3A_21 = vector.shape_cast %swap3A_20 : vector<1x1000x128xf32> to vector<1000x128xf32>
    %swap3A_22 = vector.shape_cast %slice3A : vector<1000x128xf32> to vector<1x1000x128xf32>
    tpu.vector_store %arg4[%swap3A_17, %swap3A_18, %swap3A_19], %swap3A_22 {strides = array<i32>} : memref<2x1000x128xf32, #tpu.memory_space<vmem>>, vector<1x1000x128xf32>,
    %slice3A_23 = vector.extract_strided_slice %mul3A_16 {offsets = [0, 128], sizes = [1000, 128], strides = [1, 1]} : vector<1000x256xf32> to vector<1000x128xf32>
    %swap3A_24 = arith.constant 1 : index
    %swap3A_25 = arith.constant 0 : index
    %swap3A_26 = arith.constant 0 : index
    %swap3A_27 = vector.load %arg4[%swap3A_24, %swap3A_25, %swap3A_26] : memref<2x1000x128xf32, #tpu.memory_space<vmem>>, vector<1x1000x128xf32>
    %swap3A_28 = vector.shape_cast %swap3A_27 : vector<1x1000x128xf32> to vector<1000x128xf32>
    %swap3A_29 = vector.shape_cast %slice3A_23 : vector<1000x128xf32> to vector<1x1000x128xf32>
    tpu.vector_store %arg4[%swap3A_24, %swap3A_25, %swap3A_26], %swap3A_29 {strides = array<i32>} : memref<2x1000x128xf32, #tpu.memory_space<vmem>>, vector<1x1000x128xf32>,
    return
  }
  func.func @transform_0(%arg0: i32) -> (i32, i32, i32) {
    %c0_i32 = arith.constant 0 : i32
    %c0_i32_0 = arith.constant 0 : i32
    %c0_i32_1 = arith.constant 0 : i32
    return %c0_i32, %arg0, %c0_i32_0 : i32, i32, i32
  }
  func.func @transform_1(%arg0: i32) -> (i32, i32) {
    %c0_i32 = arith.constant 0 : i32
    %c0_i32_0 = arith.constant 0 : i32
    return %arg0, %c0_i32 : i32, i32
  }
  func.func @transform_2(%arg0: i32) -> (i32, i32) {
    %c0_i32 = arith.constant 0 : i32
    %c0_i32_0 = arith.constant 0 : i32
    return %arg0, %c0_i32 : i32, i32
  }
  func.func @transform_3(%arg0: i32) -> (i32, i32, i32) {
    %c0_i32 = arith.constant 0 : i32
    %c0_i32_0 = arith.constant 0 : i32
    %c0_i32_1 = arith.constant 0 : i32
    return %c0_i32, %arg0, %c0_i32_0 : i32, i32, i32
  }
}

module attributes {stable_mosaic.version = 14 : i64} {
  func.func @_tc2_body(%arg0: i32, %arg1: memref<2x1000x128xf32, #tpu.memory_space<vmem>>, %arg2: memref<1000x1xf32, #tpu.memory_space<vmem>>, %arg3: memref<1x256xf32, #tpu.memory_space<vmem>>, %arg4: memref<256x128xf32, #tpu.memory_space<vmem>>, %arg5: memref<1000x128xf32, #tpu.memory_space<vmem>>) attributes {dimension_semantics = [#tpu.dimension_semantics<arbitrary>], iteration_bounds = array<i64: 10>, scalar_prefetch = 0 : i64, scratch_operands = 0 : i64, tpu.core_type = #tpu.core_type<tc>, window_params = [{transform_indices = @transform_0, window_bounds = array<i64: 2, 1000, 128>}, {transform_indices = @transform_1, window_bounds = array<i64: 1000, 1>}, {pipeline_mode = #tpu.pipeline_mode<synchronous>, transform_indices = @transform_2, window_bounds = array<i64: 1, 256>}, {pipeline_mode = #tpu.pipeline_mode<synchronous>, transform_indices = @transform_3, window_bounds = array<i64: 256, 128>}, {transform_indices = @transform_4, window_bounds = array<i64: 1000, 128>}]} {
    %get3A = arith.constant 0 : index
    %get3A_0 = arith.constant 0 : index
    %get3A_1 = vector.load %arg2[%get3A, %get3A_0] : memref<1000x1xf32, #tpu.memory_space<vmem>>, vector<1000x1xf32>
    %get3A_2 = arith.constant 0 : index
    %get3A_3 = arith.constant 0 : index
    %get3A_4 = arith.constant 0 : index
    %get3A_5 = vector.load %arg1[%get3A_2, %get3A_3, %get3A_4] : memref<2x1000x128xf32, #tpu.memory_space<vmem>>, vector<1x1000x128xf32>
    %get3A_6 = vector.shape_cast %get3A_5 : vector<1x1000x128xf32> to vector<1000x128xf32>
    %mul3A = vector.broadcast %get3A_1 : vector<1000x1xf32> to vector<1000x128xf32>
    %mul3A_7 = arith.mulf %get3A_6, %mul3A : vector<1000x128xf32>
    %get3A_8 = arith.constant 0 : index
    %get3A_9 = arith.constant 0 : index
    %get3A_10 = vector.load %arg3[%get3A_8, %get3A_9] : memref<1x256xf32, #tpu.memory_space<vmem>>, vector<1x128xf32>
    %get3A_11 = vector.shape_cast %get3A_10 : vector<1x128xf32> to vector<128xf32>
    %broadcast_in_dim3A = vector.shape_cast %get3A_11 : vector<128xf32> to vector<1x128xf32>
    %add3A = vector.broadcast %broadcast_in_dim3A : vector<1x128xf32> to vector<1000x128xf32>
    %add3A_12 = arith.addf %mul3A_7, %add3A : vector<1000x128xf32>
    %max3A = arith.constant 0.000000e+00 : f32
    %max3A_13 = vector.broadcast %max3A : f32 to vector<1000x128xf32>
    %max3A_14 = arith.maximumf %add3A_12, %max3A_13 : vector<1000x128xf32>
    %get3A_15 = arith.constant 1 : index
    %get3A_16 = arith.constant 0 : index
    %get3A_17 = arith.constant 0 : index
    %get3A_18 = vector.load %arg1[%get3A_15, %get3A_16, %get3A_17] : memref<2x1000x128xf32, #tpu.memory_space<vmem>>, vector<1x1000x128xf32>
    %get3A_19 = vector.shape_cast %get3A_18 : vector<1x1000x128xf32> to vector<1000x128xf32>
    %mul3A_20 = vector.broadcast %get3A_1 : vector<1000x1xf32> to vector<1000x128xf32>
    %mul3A_21 = arith.mulf %get3A_19, %mul3A_20 : vector<1000x128xf32>
    %get3A_22 = arith.constant 0 : index
    %get3A_23 = arith.constant 128 : index
    %get3A_24 = vector.load %arg3[%get3A_22, %get3A_23] : memref<1x256xf32, #tpu.memory_space<vmem>>, vector<1x128xf32>
    %get3A_25 = vector.shape_cast %get3A_24 : vector<1x128xf32> to vector<128xf32>
    %broadcast_in_dim3A_26 = vector.shape_cast %get3A_25 : vector<128xf32> to vector<1x128xf32>
    %add3A_27 = vector.broadcast %broadcast_in_dim3A_26 : vector<1x128xf32> to vector<1000x128xf32>
    %add3A_28 = arith.addf %mul3A_21, %add3A_27 : vector<1000x128xf32>
    %max3A_29 = arith.constant 0.000000e+00 : f32
    %max3A_30 = vector.broadcast %max3A_29 : f32 to vector<1000x128xf32>
    %max3A_31 = arith.maximumf %add3A_28, %max3A_30 : vector<1000x128xf32>
    %get3A_32 = arith.constant 0 : index
    %get3A_33 = arith.constant 0 : index
    %get3A_34 = vector.load %arg4[%get3A_32, %get3A_33] : memref<256x128xf32, #tpu.memory_space<vmem>>, vector<128x128xf32>
    %dot_general3A = arith.constant dense<0.000000e+00> : vector<1000x128xf32>
    %dot_general3A_35 = tpu.matmul %max3A_14, %get3A_34, %dot_general3A {dimension_numbers = #tpu.dot_dimension_numbers<[1], [0], [0], [1], [0, 0, 1, 1], [], []>, transpose_lhs_hint = false} : vector<1000x128xf32>, vector<128x128xf32>, vector<1000x128xf32> -> vector<1000x128xf32>
    %get3A_36 = arith.constant 128 : index
    %get3A_37 = arith.constant 0 : index
    %get3A_38 = vector.load %arg4[%get3A_36, %get3A_37] : memref<256x128xf32, #tpu.memory_space<vmem>>, vector<128x128xf32>
    %dot_general3A_39 = arith.constant dense<0.000000e+00> : vector<1000x128xf32>
    %dot_general3A_40 = tpu.matmul %max3A_31, %get3A_38, %dot_general3A_39 {dimension_numbers = #tpu.dot_dimension_numbers<[1], [0], [0], [1], [0, 0, 1, 1], [], []>, transpose_lhs_hint = false} : vector<1000x128xf32>, vector<128x128xf32>, vector<1000x128xf32> -> vector<1000x128xf32>
    %add3A_41 = arith.addf %dot_general3A_35, %dot_general3A_40 : vector<1000x128xf32>
    %mul3A_42 = vector.broadcast %get3A_1 : vector<1000x1xf32> to vector<1000x128xf32>
    %mul3A_43 = arith.mulf %add3A_41, %mul3A_42 : vector<1000x128xf32>
    %swap3A = arith.constant 0 : index
    %swap3A_44 = arith.constant 0 : index
    %swap3A_45 = vector.load %arg5[%swap3A, %swap3A_44] : memref<1000x128xf32, #tpu.memory_space<vmem>>, vector<1000x128xf32>
    tpu.vector_store %arg5[%swap3A, %swap3A_44], %mul3A_43 {strides = array<i32>} : memref<1000x128xf32, #tpu.memory_space<vmem>>, vector<1000x128xf32>,
    return
  }
  func.func @transform_0(%arg0: i32) -> (i32, i32, i32) {
    %c0_i32 = arith.constant 0 : i32
    %c0_i32_0 = arith.constant 0 : i32
    %c0_i32_1 = arith.constant 0 : i32
    return %c0_i32, %arg0, %c0_i32_0 : i32, i32, i32
  }
  func.func @transform_1(%arg0: i32) -> (i32, i32) {
    %c0_i32 = arith.constant 0 : i32
    %c0_i32_0 = arith.constant 0 : i32
    return %arg0, %c0_i32 : i32, i32
  }
  func.func @transform_2(%arg0: i32) -> (i32, i32) {
    %c0_i32 = arith.constant 0 : i32
    %c0_i32_0 = arith.constant 0 : i32
    %c0_i32_1 = arith.constant 0 : i32
    return %c0_i32, %c0_i32_0 : i32, i32
  }
  func.func @transform_3(%arg0: i32) -> (i32, i32) {
    %c0_i32 = arith.constant 0 : i32
    %c0_i32_0 = arith.constant 0 : i32
    %c0_i32_1 = arith.constant 0 : i32
    return %c0_i32, %c0_i32_0 : i32, i32
  }
  func.func @transform_4(%arg0: i32) -> (i32, i32) {
    %c0_i32 = arith.constant 0 : i32
    %c0_i32_0 = arith.constant 0 : i32
    return %arg0, %c0_i32 : i32, i32
  }
}

module attributes {stable_mosaic.version = 14 : i64} {
  func.func @_tc3_body(%arg0: i32, %arg1: memref<2x1000x128xf32, #tpu.memory_space<vmem>>, %arg2: memref<1000x128xf32, #tpu.memory_space<vmem>>, %arg3: memref<1000x1xf32, #tpu.memory_space<vmem>>, %arg4: memref<1x128xf32, #tpu.memory_space<vmem>>, %arg5: memref<1000x128xf32, #tpu.memory_space<vmem>>) attributes {dimension_semantics = [#tpu.dimension_semantics<arbitrary>], iteration_bounds = array<i64: 10>, scalar_prefetch = 0 : i64, scratch_operands = 0 : i64, tpu.core_type = #tpu.core_type<tc>, window_params = [{transform_indices = @transform_0, window_bounds = array<i64: 2, 1000, 128>}, {transform_indices = @transform_1, window_bounds = array<i64: 1000, 128>}, {transform_indices = @transform_2, window_bounds = array<i64: 1000, 1>}, {pipeline_mode = #tpu.pipeline_mode<synchronous>, transform_indices = @transform_3, window_bounds = array<i64: 1, 128>}, {transform_indices = @transform_4, window_bounds = array<i64: 1000, 128>}]} {
    %get3A = arith.constant 0 : index
    %get3A_0 = arith.constant 0 : index
    %get3A_1 = arith.constant 0 : index
    %get3A_2 = vector.load %arg1[%get3A, %get3A_0, %get3A_1] : memref<2x1000x128xf32, #tpu.memory_space<vmem>>, vector<1x1000x128xf32>
    %get3A_3 = vector.shape_cast %get3A_2 : vector<1x1000x128xf32> to vector<1000x128xf32>
    %get3A_4 = arith.constant 1 : index
    %get3A_5 = arith.constant 0 : index
    %get3A_6 = arith.constant 0 : index
    %get3A_7 = vector.load %arg1[%get3A_4, %get3A_5, %get3A_6] : memref<2x1000x128xf32, #tpu.memory_space<vmem>>, vector<1x1000x128xf32>
    %get3A_8 = vector.shape_cast %get3A_7 : vector<1x1000x128xf32> to vector<1000x128xf32>
    %add3A = arith.addf %get3A_3, %get3A_8 : vector<1000x128xf32>
    %get3A_9 = arith.constant 0 : index
    %get3A_10 = arith.constant 0 : index
    %get3A_11 = vector.load %arg2[%get3A_9, %get3A_10] : memref<1000x128xf32, #tpu.memory_space<vmem>>, vector<1000x128xf32>
    %sub3A = arith.subf %add3A, %get3A_11 : vector<1000x128xf32>
    %get3A_12 = arith.constant 0 : index
    %get3A_13 = arith.constant 0 : index
    %get3A_14 = vector.load %arg3[%get3A_12, %get3A_13] : memref<1000x1xf32, #tpu.memory_space<vmem>>, vector<1000x1xf32>
    %mul3A = vector.broadcast %get3A_14 : vector<1000x1xf32> to vector<1000x128xf32>
    %mul3A_15 = arith.mulf %sub3A, %mul3A : vector<1000x128xf32>
    %get3A_16 = arith.constant 0 : index
    %get3A_17 = arith.constant 0 : index
    %get3A_18 = vector.load %arg4[%get3A_16, %get3A_17] : memref<1x128xf32, #tpu.memory_space<vmem>>, vector<1x128xf32>
    %add3A_19 = vector.broadcast %get3A_18 : vector<1x128xf32> to vector<1000x128xf32>
    %add3A_20 = arith.addf %mul3A_15, %add3A_19 : vector<1000x128xf32>
    %swap3A = arith.constant 0 : index
    %swap3A_21 = arith.constant 0 : index
    %swap3A_22 = vector.load %arg5[%swap3A, %swap3A_21] : memref<1000x128xf32, #tpu.memory_space<vmem>>, vector<1000x128xf32>
    tpu.vector_store %arg5[%swap3A, %swap3A_21], %add3A_20 {strides = array<i32>} : memref<1000x128xf32, #tpu.memory_space<vmem>>, vector<1000x128xf32>,
    return
  }
  func.func @transform_0(%arg0: i32) -> (i32, i32, i32) {
    %c0_i32 = arith.constant 0 : i32
    %c0_i32_0 = arith.constant 0 : i32
    %c0_i32_1 = arith.constant 0 : i32
    return %c0_i32, %arg0, %c0_i32_0 : i32, i32, i32
  }
  func.func @transform_1(%arg0: i32) -> (i32, i32) {
    %c0_i32 = arith.constant 0 : i32
    %c0_i32_0 = arith.constant 0 : i32
    return %arg0, %c0_i32 : i32, i32
  }
  func.func @transform_2(%arg0: i32) -> (i32, i32) {
    %c0_i32 = arith.constant 0 : i32
    %c0_i32_0 = arith.constant 0 : i32
    return %arg0, %c0_i32 : i32, i32
  }
  func.func @transform_3(%arg0: i32) -> (i32, i32) {
    %c0_i32 = arith.constant 0 : i32
    %c0_i32_0 = arith.constant 0 : i32
    %c0_i32_1 = arith.constant 0 : i32
    return %c0_i32, %c0_i32_0 : i32, i32
  }
  func.func @transform_4(%arg0: i32) -> (i32, i32) {
    %c0_i32 = arith.constant 0 : i32
    %c0_i32_0 = arith.constant 0 : i32
    return %arg0, %c0_i32 : i32, i32
  }
}

</mosaic_0001>

<sc_bundles>
// kernel: kernel.12.cloned.1.call-start
scs
__scs_entry_jumppad:
0x0: {  	(pc) =	sbr.rel $0x88, $3  }
0x1: {  	(tag) =	ssettag $0x0;
	lr =	simm.s32 $0x1  }
0x2: {  	[smem:$0x3F9B] =	sst lr;
	_ =	strace $0xD0000000  }
0x3: {  	_ = 	snop  }
0x4: {  	_ = 	snop  }
0x5: {  	_ = 	snop  }
0x6: {  	_ = 	snop  }
0x7: {  	_ = 	snop  }
__scs_overlays_trampoline_lowered:
0x8: {  	[smem:$0x3FAA] =	sst s0  }
0x9: {  	[smem:$0x3FAB] =	sst s1  }
0xa: {  	[smem:$0x3FAC] =	sst s2  }
0xb: {  	[smem:$0x3FAD] =	sst s3  }
0xc: {  	[smem:$0x3FAE] =	sst s4  }
0xd: {  	[smem:$0x3FAF] =	sst s5  }
0xe: {  	[smem:$0x3FB0] =	sst s6  }
0xf: {  	[smem:$0x3FB1] =	sst s7  }
0x10: {  	[smem:$0x3FB2] =	sst s8  }
0x11: {  	[smem:$0x3FB3] =	sst s9;
	s0 =	simm.s32 @!p0 $0x0  }
0x12: {  	s1 =	sld [smem:$0x3F99];
	s0 =	simm.s32 @p0 $0x1  }
0x13: {  	[smem:$0x3FB4] =	sst s0;
	s0 =	simm.s32 @!p1 $0x0  }
0x14: {  	s2 =	sld [smem:$0x3F98];
	s0 =	simm.s32 @p1 $0x1  }
0x15: {  	[smem:$0x3FB5] =	sst s0;
	s0 =	simm.s32 @!p2 $0x0  }
0x16: {  	s3 =	sld [smem:$0x3FDB];
	s0 =	simm.s32 @p2 $0x1  }
0x17: {  	s4 =	simm.s32 $0x1BF5;
	[smem:$0x3FB7] =	sst s0  }
0x18: {  	s0 =	sld [smem:$0x3F9A];
	_ =	swait.ge [sflag:s4], $0x0  }
0x19: {  	s7 =	sld [smem:$0x3F9B]  }
0x1a: {  	s8 =	sadd.s32 $0xFFFFE003, lr  }
0x1b: {  	s9 =	sadd.s32 $0xFFFFFEF7, lr;
	s5 =	simm.s32 $0xFFFFFFFF;
	p2 =	slt.u32 s8, $0xFFFFF086  }
0x1c: {  	p1 =	slt.u32 s9, $0xF7A;
	s5 =	simm.s32 @!p2 $0x0  }
0x1d: {  	s5 =	simm.s32 @p1 $0x1;
	p0 =	seq.s32 s7, s2  }
0x1e: {  	s7 =	smul.u32 @!p0 $0xF7A, s2;
	p2 =	seq.s32 @!p0 s5, $0x0  }
0x1f: {  	s9 =	smul.u32 $0xF7A, s1;
	s8 =	simm.s32 @!p0 $0x1BF5;
	p2 =	por !p2, p0  }
0x20: {  	[sflag:s8] =	ssyncset.s32 @!p0 $0xFFFFF086;
	s6 =	sadd.s32 @!p0 s3, s7;
	s7 =	simm.s32 @!p0 $0x108  }
0x21: {  	s3 =	sadd.s32 s3, s9;
	s6 =	sadd.s32 @!p0 $0x88, s6;
	s7 =	simm.s32 @p2 $0x1082  }
0x22: {  	[simem:s7], [sflag:s8] =	dma.local @!p0 [hbm:s6], $0xF7A  }
0x23: {  	s9 =	sor.u32 $0xD0000000, s2;
	s6 =	simm.s32 $0x108;
	_ =	swait.ge @!p0 [sflag:s8], $0x0  }
0x24: {  	s3 =	sadd.s32 $0x88, s3;
	s6 =	simm.s32 @!p1 $0x1082;
	[sflag:s4] =	ssyncset.s32 $0xFFFFF086  }
0x25: {  	[simem:s6], [sflag:s4] =	dma.local [hbm:s3], $0xF7A  }
0x26: {  	[smem:$0x3F9B] =	sst s1;
	(tag) =	ssettag s2;
	_ =	strace s9  }
0x27: {  	s1 =	sld [smem:$0x3FAB]  }
0x28: {  	s2 =	sld [smem:$0x3FAC]  }
0x29: {  	s4 =	sld [smem:$0x3FAE]  }
0x2a: {  	p0 =	seq.s32 s5, $0x0;
	s5 =	sld [smem:$0x3FAF]  }
0x2b: {  	s6 =	sld [smem:$0x3FB0]  }
0x2c: {  	s7 =	sld [smem:$0x3FB1]  }
0x2d: {  	s3 =	simm.s32 $0x108;
	s8 =	sld [smem:$0x3FB2]  }
0x2e: {  	s3 =	simm.s32 @!p0 $0x1082;
	s9 =	sld [smem:$0x3FB3]  }
0x2f: {  	lr =	sadd.s32 s0, s3;
	s0 =	sld [smem:$0x3FAA]  }
0x30: {  	s3 =	sld [smem:$0x3FAD]  }
0x31: {  	[smem:$0x3FB6] =	sst s10  }
0x32: {  	s10 =	sld [smem:$0x3FB4];
	_ =	sdelay $0x3  }
0x33: {  	p0 =	seq.s32 s10, $0x1;
	s10 =	sld [smem:$0x3FB6];
	_ =	sdelay $0x3  }
0x34: {  	[smem:$0x3FB6] =	sst s10  }
0x35: {  	s10 =	sld [smem:$0x3FB5];
	_ =	sdelay $0x3  }
0x36: {  	p1 =	seq.s32 s10, $0x1;
	s10 =	sld [smem:$0x3FB6];
	_ =	sdelay $0x3  }
0x37: {  	[smem:$0x3FB6] =	sst s10  }
0x38: {  	s10 =	sld [smem:$0x3FB7]  }
0x39: {  	_ = 	snop;
	(pc) =	sbr.ind lr, $3  }
0x3a: {  	_ = 	snop  }
0x3b: {  	_ = 	snop  }
0x3c: {  	p2 =	seq.s32 s10, $0x1;
	s10 =	sld [smem:$0x3FB6]  }
0x3d: {  	_ =	shalt  }
0x3e: {  	_ =	shalt  }
0x3f: {  	_ =	shalt  }
0x40: {  	_ =	shalt  }
0x41: {  	_ =	shalt  }
0x42: {  	_ =	shalt  }
0x43: {  	_ =	shalt  }
0x44: {  	_ =	shalt  }
0x45: {  	_ =	shalt  }
0x46: {  	_ =	shalt  }
0x47: {  	_ =	shalt  }
0x48: {  	_ =	shalt  }
0x49: {  	_ =	shalt  }
0x4a: {  	_ =	shalt  }
0x4b: {  	_ =	shalt  }
0x4c: {  	_ =	shalt  }
0x4d: {  	_ =	shalt  }
0x4e: {  	_ =	shalt  }
0x4f: {  	_ =	shalt  }
0x50: {  	_ =	shalt  }
0x51: {  	_ =	shalt  }
0x52: {  	_ =	shalt  }
0x53: {  	_ =	shalt  }
0x54: {  	_ =	shalt  }
0x55: {  	_ =	shalt  }
0x56: {  	_ =	shalt  }
0x57: {  	_ =	shalt  }
0x58: {  	_ =	shalt  }
0x59: {  	_ =	shalt  }
0x5a: {  	_ =	shalt  }
0x5b: {  	_ =	shalt  }
0x5c: {  	_ =	shalt  }
0x5d: {  	_ =	shalt  }
0x5e: {  	_ =	shalt  }
0x5f: {  	_ =	shalt  }
0x60: {  	_ =	shalt  }
0x61: {  	_ =	shalt  }
0x62: {  	_ =	shalt  }
0x63: {  	_ =	shalt  }
0x64: {  	_ =	shalt  }
0x65: {  	_ =	shalt  }
0x66: {  	_ =	shalt  }
0x67: {  	_ =	shalt  }
0x68: {  	_ =	shalt  }
0x69: {  	_ =	shalt  }
0x6a: {  	_ =	shalt  }
0x6b: {  	_ =	shalt  }
0x6c: {  	_ =	shalt  }
0x6d: {  	_ =	shalt  }
0x6e: {  	_ =	shalt  }
0x6f: {  	_ =	shalt  }
0x70: {  	_ =	shalt  }
0x71: {  	_ =	shalt  }
0x72: {  	_ =	shalt  }
0x73: {  	_ =	shalt  }
0x74: {  	_ =	shalt  }
0x75: {  	_ =	shalt  }
0x76: {  	_ =	shalt  }
0x77: {  	_ =	shalt  }
0x78: {  	_ =	shalt  }
0x79: {  	_ =	shalt  }
0x7a: {  	_ =	shalt  }
0x7b: {  	_ =	shalt  }
0x7c: {  	_ =	shalt  }
0x7d: {  	_ =	shalt  }
0x7e: {  	_ =	shalt  }
0x7f: {  	_ =	shalt  }
0x80: {  	_ =	shalt  }
0x81: {  	_ =	shalt  }
0x82: {  	_ =	shalt  }
0x83: {  	_ =	shalt  }
0x84: {  	_ =	shalt  }
0x85: {  	_ =	shalt  }
0x86: {  	_ =	shalt  }
0x87: {  	_ =	shalt  }
.Lfunc_end0:
.L_simem_size_0:
called_computation.1_lowered:
.L_overlay_start_0:
0x88: {  	s2 =	sld [smem:$0x3FD9]  }
0x89: {  	s3 =	sld [smem:$0x3FFE];
	_ =	sdelay $0x1  }
0x8a: {  	s1 =	srdreg.scid  }
0x8b: {  	s0 =	sand.u32 $0x1, s1  }
0x8c: {  	s17 =	sshll.u32 s0, $0xA;
	s2 =	sadd.s32 s3, s2  }
0x8d: {  	s2 =	sadd.s32 s2, s17  }
0x8e: {  	[smem:$0x3FC2] =	sst s2  }
0x8f: {  	_ = 	snop  }
0x90: {  	s2 =	sld [smem:$0x3FD0];
	(tm) =	ssettm $0x1  }
0x91: {  	s18 =	sld [smem:$0x3FFB];
	_ =	sdelay $0x3  }
0x92: {  	_ =	strace s18  }
0x93: {  	s3 =	sld [smem:$0x3FFC];
	_ =	sdelay $0x3  }
0x94: {  	_ =	strace s3  }
0x95: {  	s3 =	sld [smem:$0x3FFD];
	_ =	sdelay $0x3  }
0x96: {  	_ =	strace s3  }
0x97: {  	_ =	strace $0x8FFFFFFF  }
0x98: {  	s19 =	sld [smem:$0x3FDB];
	_ =	sdelay $0x1  }
0x99: {  	s4 =	simm.s32 $_scs_section_size  }
0x9a: {  	s5 =	simm.s32 $_size__tile_overlayer_lowered;
	s6 =	simm.s32 $_tile_overlayer_lowered  }
0x9b: {  	s22 =	simm.s32 $0x1BFF;
	s21 =	sshll.u32 s6, $0x1;
	s3 =	sadd.s32 s4, s19  }
0x9c: {  	s7 =	simm.s32 $0x0;
	s20 =	sshll.u32 s5, $0x1;
	s5 =	sadd.s32 s21, s3  }
0x9d: {  	[timem:s7], [sflag:s22] =	dma.local [hbm:s5], s20  }
0x9e: {  	_ =	swait.ge [sflag:s22], s20  }
0x9f: {  	s4 =	ssub.s32 $0x0, s20;
	[sflag:s22] =	ssyncset.done $0x0  }
0xa0: {  	[sflag:s22] =	ssyncadd.s32 s4;
	_ =	sdelay $0x1  }
0xa1: {  	s23 =	simm.s32 $0x1B8B  }
0xa2: {  	_ =	swait.ge [sflag:s23], $0x1  }
0xa3: {  	[sflag:s23] =	ssyncset.done $0x0  }
0xa4: {  	s25 =	simm.s32 $0x1B8E;
	s24 =	sld [smem:$0x3FFE];
	[sflag:s23] =	ssyncadd.s32 $0xFFFFFFFF  }
0xa5: {  	s26 =	simm.s32 $execute0_lowered;
	[smem:$0x3FD2] =	sst s25  }
0xa6: {  	s5 =	sshll.u32 s26, $0x1;
	_ =	strace $0x80000049;
	[dreg:$0x1] =	wrdreg $0xFFFFFFFF  }
0xa7: {  	s28 =	simm.s32 $_size_execute0_lowered;
	s3 =	sadd.s32 s3, s5;
	[dreg:$0x0] =	wrdreg $0x0  }
0xa8: {  	s5 =	sshll.u32 s28, $0x1;
	[dreg:$0x2] =	wrdreg s3  }
0xa9: {  	[dreg:$0x3] =	wrdreg s5  }
0xaa: {  	[dreg:$0x4] =	wrdreg $0xC0  }
0xab: {  	_ =	task [dreg:s7], $0x5FFFF  }
0xac: {  	[dreg:$0x1] =	wrdreg $0xFFFFFFFF  }
0xad: {  	[dreg:$0x0] =	wrdreg $0x60  }
0xae: {  	[dreg:$0x2] =	wrdreg s24  }
0xaf: {  	[dreg:$0x3] =	wrdreg s2  }
0xb0: {  	[dreg:$0x4] =	wrdreg $0x90000  }
0xb1: {  	[dreg:$0x5] =	wrdreg $0x9  }
0xb2: {  	_ =	task.clear_ibuf [dreg:s7], $0x6FFFF;
	_ =	strace $0x90000049  }
0xb3: {  	s29 =	simm.s32 $0x9;
	_ =	strace $0x8000004B  }
0xb4: {  	_ =	swait.ge [sflag:s29], $0x1  }
0xb5: {  	[sflag:s29] =	ssyncadd.s32 $0xFFFFFFFF  }
0xb6: {  	_ =	strace $0x9000004B  }
0xb7: {  	_ =	sfence  }
0xb8: {  	s30 =	sld [smem:$0x0];
	_ =	sdelay $0x2  }
0xb9: {  	s31 =	sshll.u32 s1, $0xD;
	s1 =	sshrl.u32 s1, $0x2  }
0xba: {  	s3 =	sand.u32 $0x4000, s31;
	s1 =	sadd.s32 s1, s30  }
0xbb: {  	s0 =	sor.u32 s3, s0;
	s1 =	sshll.u32 s1, $0x11  }
0xbc: {  	s0 =	sor.u32 s1, s0  }
0xbd: {  	s0 =	sadd.s32 $0x8F2B, s0  }
0xbe: {  	[sflag:s0] =	ssyncadd.remote.s32 $0x1  }
0xbf: {  	_ =	sfence.sel $0xFFFF  }
0xc0: {  	[dreg:$0x0] =	wrdreg $0xFFFFFFFF;
	(pc) =	sbr.abs _section_cstart, $3  }
0xc1: {  	[dreg:$0x1] =	wrdreg $0xFFFFFFFF  }
0xc2: {  	_ =	task.clear_ibuf [dreg:s7], $0x2FFFF;
	_ =	strace $0x9FFFFFFF  }
0xc3: {  	(tm) =	ssettm $0x7FFFFFFF  }
tec
execute0_lowered:
.L_overlay_start_1:
0x0: {  	(tag) =	ssettag $0x1  }
0x1: {  	s0 =	rddreg [dreg:$0x0]  }
0x2: {  	s1 =	rddreg [dreg:$0x1]  }
0x3: {  	s2 =	rddreg [dreg:$0x2];
	s14 =	stileid.u32;
	s3 =	simm.s32 $0x0  }
0x4: {  	s4 =	srdreg.scid;
	s17 =	simm.s32 $0x40;
	s18 =	simm.s32 $0x1000  }
0x5: {  	s19 =	simm.s32 $0x3000;
	s21 =	simm.s32 $0x1;
	s30 =	simm.s32 $0x5000  }
0x6: {  	s31 =	simm.s32 $0x4;
	s16 =	simm.s32 $0xC;
	s5 =	smul.u32 $0xA00, s14  }
0x7: {  	s15 =	simm.s32 $0xFC0;
	s22 =	simm.s32 $0x9;
	s7 =	smul.u32 $0x50000, s14  }
0x8: {  	[smem:$0x7FF] =	sst s3;
	s6 =	sand.u32 $0x1, s4;
	s11 =	smul.u32 $0x2800, s14  }
0x9: {  	s4 =	sadd.s32 $0x16A00, s0;
	p0 =	seq.s32 s14, $0xF;
	s8 =	smul.u32 $0x27100, s6  }
0xa: {  	s28 =	simm.s32 $0x0;
	_ =	strace $0x8000004A;
	s13 =	smul.u32 $0x138800, s6  }
0xb: {  	s10 =	ssub.s32 $0x2, s6;
	s6 =	smul.u32 $0xA000, s6;
	[dreg:$0xd] =	wrdreg s28  }
0xc: {  	s9 =	sadd.s32 s5, s0;
	s12 =	sshrl.u32 s10, $0x1;
	s7 =	sshrl.u32 s7, $0x2  }
0xd: {  	s0 =	sadd.s32 $0x64C00, s0;
	s10 =	ssub.s32 s10, s12;
	s12 =	sadd.s32 s7, s2  }
0xe: {  	s8 =	sadd.s32 s11, s8;
	s23 =	sshrl.u32 s13, $0x3;
	s1 =	sadd.s32 s1, s6  }
0xf: {  	s11 =	sadd.s32 s4, s8;
	s13 =	sadd.s32 $0x25800, s23;
	s24 =	sadd.s32 s0, s8  }
0x10: {  	s25 =	smax.u32 s10, $0x1;
	s12 =	sshrl.u32 @!p0 s12, $0x3;
	s26 =	sadd.s32 s5, s1  }
0x11: {  	s20 =	sadd.s32 s1, s5;
	s23 =	simm.s32 $0x7000;
	[dreg:$0x4] =	wrdreg s11  }
0x12: {  	s5 =	simm.s32 $0x7;
	s8 =	simm.s32 $0x400;
	[dreg:$0x6] =	wrdreg s24  }
0x13: {  	s1 =	simm.s32 $0xA;
	s11 =	sadd.s32 $0x12C000, s2;
	[dreg:$0x8] =	wrdreg s25  }
0x14: {  	s7 =	sadd.s32 s4, s13;
	s0 =	sadd.s32 s0, s13;
	[dreg:$0xc] =	wrdreg s26  }
0x15: {  	s25 =	simm.s32 $0x3;
	s26 =	simm.s32 $0x5;
	[dreg:$0xb] =	wrdreg s12  }
.Ltmp0:
0x16: {  	s13 =	simm.s32 $0xF80;
	[dreg:$0x5] =	wrdreg s7;
	(pc) =	sbr.rel .LBB2_1-.Ltmp0, $4  }
0x17: {  	s24 =	simm.s32 $0xB;
	s7 =	sadd.s32 $0xCA00, s9;
	[dreg:$0x7] =	wrdreg s0  }
0x18: {  	s29 =	sshrl.u32 @p0 s11, $0x3;
	s0 =	sshll.u32 @!p0 s14, $0x6;
	s9 =	simm.s32 $0xC00  }
0x19: {  	s14 =	simm.s32 $0x2;
	s10 =	sor.u32 @!p0 $0x1C0D, s0;
	[dreg:$0x9] =	wrdreg s29  }
0x1a: {  	s11 =	simm.s32 $0x8;
	s0 =	simm.s32 $0x6;
	[dreg:$0xa] =	wrdreg s10  }
.LBB2_4:
0x1b: {  	[spmem:s2] =	stream.indirect.scatter.add.f32 [tilespmem:s30], [sflag:$0x7], $0x80, s13, s17, $0xb8;
	[tilespmem:$0x1C900] =	vst v63  }
0x1c: {  	_ =	swait.ge [sflag:s31], $0x2000  }
0x1d: {  	[sflag:s31] =	ssyncset.done $0x0  }
0x1e: {  	[sflag:s31] =	ssyncadd.s32 $0xFFFFE000  }
0x1f: {  	_ =	swait.ge [sflag:s0], $0x2000  }
0x20: {  	[sflag:s0] =	ssyncset.done $0x0  }
0x21: {  	[sflag:s0] =	ssyncadd.s32 $0xFFFFE000  }
0x22: {  	[spmem:s2] =	stream.indirect.scatter.add.f32 [tilespmem:s23], [sflag:$0x8], $0x80, s15, s17, $0xb8;
	[tilespmem:$0x1C900] =	vst v63  }
0x23: {  	_ =	swait.ge [sflag:s5], $0x2000  }
0x24: {  	[sflag:s5] =	ssyncset.done $0x0  }
0x25: {  	[sflag:s5] =	ssyncadd.s32 $0xFFFFE000  }
0x26: {  	_ =	swait.ge [sflag:s11], $0x2000  }
0x27: {  	[sflag:s11] =	ssyncset.done $0x0  }
0x28: {  	[sflag:s11] =	ssyncadd.s32 $0xFFFFE000  }
0x29: {  	[bflag:$0x0] =	sbarrier.arrive $0xFFFF  }
0x2a: {  	s10 =	rddreg [dreg:$0x7]  }
0x2b: {  	s6 =	simm.s32 @p0 $0x1FCD;
	s29 =	rddreg [dreg:$0x9]  }
0x2c: {  	[hbm:s10], [sflag:s6] =	dma.local @p0 [spmem:s29], $0x1900  }
0x2d: {  	s6 =	simm.s32 @p0 $0xD  }
0x2e: {  	_ =	swait.ge @p0 [sflag:s6], $0x1900  }
0x2f: {  	s28 =	rddreg [dreg:$0xa]  }
0x30: {  	[sflag:s6] =	ssyncset.done @p0 $0x0;
	s12 =	rddreg [dreg:$0xb]  }
0x31: {  	[sflag:s6] =	ssyncadd.s32 @p0 $0xFFFFE700;
	s6 =	rddreg [dreg:$0x6]  }
0x32: {  	[hbm:s6], [sflag:s28] =	dma.local @!p0 [spmem:s12], $0x2800  }
0x33: {  	s6 =	simm.s32 @!p0 $0xD  }
0x34: {  	_ =	swait.ge @!p0 [sflag:s6], $0x2800  }
0x35: {  	s10 =	rddreg [dreg:$0xd]  }
0x36: {  	s13 =	sadd.s32 $0x1, s10;
	s10 =	rddreg [dreg:$0x8]  }
0x37: {  	p1 =	sne.s32 s13, s10  }
.Ltmp1:
0x38: {  	_ = 	snop;
	(pc) =	sbr.rel @!p1 .LBB2_5-.Ltmp1, $4  }
0x39: {  	_ = 	snop  }
0x3a: {  	[sflag:s6] =	ssyncset.done @!p0 $0x0  }
0x3b: {  	[sflag:s6] =	ssyncadd.s32 @!p0 $0xFFFFD800  }
0x3c: {  	[dreg:$0xd] =	wrdreg s13;
	s13 =	simm.s32 $0xF80;
	s10 =	smov.u32 s28  }
.LBB2_1:
0x3d: {  	s28 =	simm.s32 @p0 $0x1FCD;
	s6 =	rddreg [dreg:$0x5]  }
0x3e: {  	[spmem:s29], [sflag:s28] =	dma.local @p0 [hbm:s6], $0x1900  }
0x3f: {  	s28 =	simm.s32 @p0 $0xD  }
0x40: {  	_ =	swait.ge @p0 [sflag:s28], $0x1900  }
0x41: {  	[sflag:s28] =	ssyncset.done @p0 $0x0  }
0x42: {  	s6 =	rddreg [dreg:$0x4];
	[sflag:s28] =	ssyncadd.s32 @p0 $0xFFFFE700;
	s28 =	simm.s32 @!p0 $0xD  }
0x43: {  	[spmem:s12], [sflag:s10] =	dma.local @!p0 [hbm:s6], $0x2800  }
0x44: {  	_ =	swait.ge @!p0 [sflag:s28], $0x2800  }
0x45: {  	[sflag:s28] =	ssyncset.done @!p0 $0x0  }
0x46: {  	[sflag:s28] =	ssyncadd.s32 @!p0 $0xFFFFD800  }
0x47: {  	[bflag:$0x0] =	sbarrier.arrive $0xFFFF  }
0x48: {  	s12 =	simm.s32 $0xD;
	s10 =	rddreg [dreg:$0xc]  }
0x49: {  	[tilespmem:s3], [sflag:$0xD] =	stream.linear.gather [hbm4b:s10+s3], $0x400, $0x38;
	[tilespmem:$0x1C900] =	vst v63  }
0x4a: {  	_ =	swait.ge [sflag:s12], $0x400  }
0x4b: {  	[sflag:s12] =	ssyncset.done $0x0  }
0x4c: {  	s29 =	simm.s32 $0x800;
	[sflag:s12] =	ssyncadd.s32 $0xFFFFFC00  }
0x4d: {  	[tilespmem:s29], [sflag:$0xD] =	stream.linear.gather [hbm4b:s7+s3], $0x400, $0x38;
	[tilespmem:$0x1C900] =	vst v63  }
0x4e: {  	_ =	swait.ge [sflag:s12], $0x400  }
0x4f: {  	[sflag:s12] =	ssyncset.done $0x0  }
0x50: {  	[sflag:s12] =	ssyncadd.s32 $0xFFFFFC00  }
0x51: {  	[tilespmem:s18], [sflag:$0x1] =	stream.indirect.gather [hbm4b:s4+s17], $0x80, s3, s17, $0xb8;
	[tilespmem:$0x1C900] =	vst v63  }
0x52: {  	s28 =	simm.s32 $0x0;
	s12 =	simm.s32 $0xC0  }
0x53: {  	[tilespmem:s19], [sflag:$0x2] =	stream.indirect.gather [hbm4b:s4+s17], $0x80, s17, s17, $0xb8;
	[tilespmem:$0x1C900] =	vst v63  }
.LBB2_2:
0x54: {  	_ =	swait.ge [sflag:s21], $0x2000;
	p1 =	seq.s32 s28, $0x0  }
0x55: {  	[sflag:s21] =	ssyncset.done $0x0;
	s29 =	simm.s32 @p1 $0x40  }
0x56: {  	s6 =	simm.s32 @p1 $0x80;
	s10 =	simm.s32 @p1 $0x5000;
	[sflag:s21] =	ssyncadd.s32 $0xFFFFE000  }
0x57: {  	[tilespmem:s10], [sflag:$0x3] =	stream.indirect.gather @p1 [hbm4b:s4+s29], $0x80, s6, s29, $0xb8;
	[tilespmem:$0x1C900] =	vst v63  }
0x58: {  	s6 =	simm.s32 @p1 $0x800;
	s10 =	simm.s32 @p1 $0x1000  }
0x59: {  	[spmem:s2] =	stream.indirect.scatter.add.f32 @p1 [tilespmem:s10], [sflag:$0x5], $0x80, s6, s29, $0xb8;
	[tilespmem:$0x1C900] =	vst v63  }
0x5a: {  	s6 =	simm.s32 @!p1 $0x7  }
0x5b: {  	_ =	swait.ge @!p1 [sflag:s6], $0x2000  }
0x5c: {  	s10 =	simm.s32 @!p1 $0x80;
	[sflag:s6] =	ssyncset.done @!p1 $0x0  }
0x5d: {  	s29 =	simm.s32 @!p1 $0x5000;
	[sflag:s6] =	ssyncadd.s32 @!p1 $0xFFFFE000;
	s6 =	simm.s32 @!p1 $0x40  }
0x5e: {  	[tilespmem:s29], [sflag:$0x3] =	stream.indirect.gather @!p1 [hbm4b:s4+s6], $0x80, s10, s6, $0xb8;
	[tilespmem:$0x1C900] =	vst v63  }
0x5f: {  	s10 =	simm.s32 @!p1 $0x800;
	s29 =	simm.s32 @!p1 $0x1000  }
0x60: {  	[spmem:s2] =	stream.indirect.scatter.add.f32 @!p1 [tilespmem:s29], [sflag:$0x5], $0x80, s10, s6, $0xb8;
	[tilespmem:$0x1C900] =	vst v63  }
0x61: {  	s6 =	simm.s32 @!p1 $0x2  }
0x62: {  	_ =	swait.ge @!p1 [sflag:s6], $0x2000  }
0x63: {  	s10 =	simm.s32 @!p1 $0x8;
	[sflag:s6] =	ssyncset.done @!p1 $0x0  }
0x64: {  	s10 =	simm.s32 @p1 $0x2;
	[sflag:s6] =	ssyncadd.s32 @!p1 $0xFFFFE000  }
0x65: {  	_ =	swait.ge [sflag:s10], $0x2000  }
0x66: {  	[sflag:s10] =	ssyncset.done $0x0  }
0x67: {  	[sflag:s10] =	ssyncadd.s32 $0xFFFFE000  }
0x68: {  	[tilespmem:s23], [sflag:$0x4] =	stream.indirect.gather [hbm4b:s4+s17], $0x80, s12, s17, $0xb8;
	[tilespmem:$0x1C900] =	vst v63  }
0x69: {  	s29 =	simm.s32 $0x840  }
0x6a: {  	[spmem:s2] =	stream.indirect.scatter.add.f32 [tilespmem:s19], [sflag:$0x6], $0x80, s29, s17, $0xb8;
	[tilespmem:$0x1C900] =	vst v63  }
0x6b: {  	_ =	swait.ge [sflag:s25], $0x2000  }
0x6c: {  	[sflag:s25] =	ssyncset.done $0x0  }
0x6d: {  	[sflag:s25] =	ssyncadd.s32 $0xFFFFE000  }
0x6e: {  	_ =	swait.ge [sflag:s26], $0x2000  }
0x6f: {  	[sflag:s26] =	ssyncset.done $0x0  }
0x70: {  	s10 =	simm.s32 $0x100;
	[sflag:s26] =	ssyncadd.s32 $0xFFFFE000  }
0x71: {  	[tilespmem:s18], [sflag:$0x1] =	stream.indirect.gather [hbm4b:s4+s17], $0x80, s10, s17, $0xb8;
	[tilespmem:$0x1C900] =	vst v63  }
0x72: {  	s29 =	simm.s32 $0x880  }
0x73: {  	[spmem:s2] =	stream.indirect.scatter.add.f32 [tilespmem:s30], [sflag:$0x7], $0x80, s29, s17, $0xb8;
	[tilespmem:$0x1C900] =	vst v63  }
0x74: {  	_ =	swait.ge [sflag:s31], $0x2000  }
0x75: {  	[sflag:s31] =	ssyncset.done $0x0  }
0x76: {  	[sflag:s31] =	ssyncadd.s32 $0xFFFFE000  }
0x77: {  	_ =	swait.ge [sflag:s0], $0x2000  }
0x78: {  	[sflag:s0] =	ssyncset.done $0x0  }
0x79: {  	s10 =	simm.s32 $0x140;
	[sflag:s0] =	ssyncadd.s32 $0xFFFFE000  }
0x7a: {  	[tilespmem:s19], [sflag:$0x2] =	stream.indirect.gather [hbm4b:s4+s17], $0x80, s10, s17, $0xb8;
	[tilespmem:$0x1C900] =	vst v63  }
0x7b: {  	s29 =	simm.s32 $0x8C0  }
0x7c: {  	[spmem:s2] =	stream.indirect.scatter.add.f32 [tilespmem:s23], [sflag:$0x8], $0x80, s29, s17, $0xb8;
	[tilespmem:$0x1C900] =	vst v63  }
0x7d: {  	_ =	swait.ge [sflag:s21], $0x2000  }
0x7e: {  	[sflag:s21] =	ssyncset.done $0x0  }
0x7f: {  	[sflag:s21] =	ssyncadd.s32 $0xFFFFE000  }
0x80: {  	_ =	swait.ge [sflag:s5], $0x2000  }
0x81: {  	[sflag:s5] =	ssyncset.done $0x0  }
0x82: {  	s10 =	simm.s32 $0x180;
	s29 =	sadd.s32 s28, s20;
	[sflag:s5] =	ssyncadd.s32 $0xFFFFE000  }
0x83: {  	[tilespmem:s30], [sflag:$0x3] =	stream.indirect.gather [hbm4b:s4+s17], $0x80, s10, s17, $0xb8;
	[tilespmem:$0x1C900] =	vst v63  }
0x84: {  	s6 =	sadd.s32 $0x80, s29;
	s10 =	sadd.s32 s28, s7  }
0x85: {  	[tilespmem:s8], [sflag:$0xA] =	stream.linear.gather [hbm4b:s6+s3], $0x400, $0x38;
	[tilespmem:$0x1C900] =	vst v63  }
0x86: {  	s6 =	sadd.s32 $0x80, s10  }
0x87: {  	[tilespmem:s9], [sflag:$0xC] =	stream.linear.gather [hbm4b:s6+s3], $0x400, $0x38;
	[tilespmem:$0x1C900] =	vst v63  }
0x88: {  	s29 =	simm.s32 $0x900  }
0x89: {  	[spmem:s2] =	stream.indirect.scatter.add.f32 [tilespmem:s18], [sflag:$0x5], $0x80, s29, s17, $0xb8;
	[tilespmem:$0x1C900] =	vst v63  }
0x8a: {  	_ =	swait.ge [sflag:s14], $0x2000  }
0x8b: {  	[sflag:s14] =	ssyncset.done $0x0  }
0x8c: {  	[sflag:s14] =	ssyncadd.s32 $0xFFFFE000  }
0x8d: {  	_ =	swait.ge [sflag:s11], $0x2000  }
0x8e: {  	[sflag:s11] =	ssyncset.done $0x0  }
0x8f: {  	s10 =	simm.s32 $0x1C0;
	[sflag:s11] =	ssyncadd.s32 $0xFFFFE000  }
0x90: {  	[tilespmem:s23], [sflag:$0x4] =	stream.indirect.gather [hbm4b:s4+s17], $0x80, s10, s17, $0xb8;
	[tilespmem:$0x1C900] =	vst v63  }
0x91: {  	s29 =	simm.s32 $0x940  }
0x92: {  	[spmem:s2] =	stream.indirect.scatter.add.f32 [tilespmem:s19], [sflag:$0x6], $0x80, s29, s17, $0xb8;
	[tilespmem:$0x1C900] =	vst v63  }
0x93: {  	_ =	swait.ge [sflag:s25], $0x2000  }
0x94: {  	[sflag:s25] =	ssyncset.done $0x0  }
0x95: {  	[sflag:s25] =	ssyncadd.s32 $0xFFFFE000  }
0x96: {  	_ =	swait.ge [sflag:s26], $0x2000  }
0x97: {  	[sflag:s26] =	ssyncset.done $0x0  }
0x98: {  	s10 =	simm.s32 $0x200;
	[sflag:s26] =	ssyncadd.s32 $0xFFFFE000  }
0x99: {  	[tilespmem:s18], [sflag:$0x1] =	stream.indirect.gather [hbm4b:s4+s17], $0x80, s10, s17, $0xb8;
	[tilespmem:$0x1C900] =	vst v63  }
0x9a: {  	s29 =	simm.s32 $0x980  }
0x9b: {  	[spmem:s2] =	stream.indirect.scatter.add.f32 [tilespmem:s30], [sflag:$0x7], $0x80, s29, s17, $0xb8;
	[tilespmem:$0x1C900] =	vst v63  }
0x9c: {  	_ =	swait.ge [sflag:s31], $0x2000  }
0x9d: {  	[sflag:s31] =	ssyncset.done $0x0  }
0x9e: {  	[sflag:s31] =	ssyncadd.s32 $0xFFFFE000  }
0x9f: {  	_ =	swait.ge [sflag:s0], $0x2000  }
0xa0: {  	[sflag:s0] =	ssyncset.done $0x0  }
0xa1: {  	s10 =	simm.s32 $0x240;
	[sflag:s0] =	ssyncadd.s32 $0xFFFFE000  }
0xa2: {  	[tilespmem:s19], [sflag:$0x2] =	stream.indirect.gather [hbm4b:s4+s17], $0x80, s10, s17, $0xb8;
	[tilespmem:$0x1C900] =	vst v63  }
0xa3: {  	s29 =	simm.s32 $0x9C0  }
0xa4: {  	[spmem:s2] =	stream.indirect.scatter.add.f32 [tilespmem:s23], [sflag:$0x8], $0x80, s29, s17, $0xb8;
	[tilespmem:$0x1C900] =	vst v63  }
0xa5: {  	_ =	swait.ge [sflag:s21], $0x2000  }
0xa6: {  	[sflag:s21] =	ssyncset.done $0x0  }
0xa7: {  	[sflag:s21] =	ssyncadd.s32 $0xFFFFE000  }
0xa8: {  	_ =	swait.ge [sflag:s5], $0x2000  }
0xa9: {  	[sflag:s5] =	ssyncset.done $0x0  }
0xaa: {  	s10 =	simm.s32 $0x280;
	[sflag:s5] =	ssyncadd.s32 $0xFFFFE000  }
0xab: {  	[tilespmem:s30], [sflag:$0x3] =	stream.indirect.gather [hbm4b:s4+s17], $0x80, s10, s17, $0xb8;
	[tilespmem:$0x1C900] =	vst v63  }
0xac: {  	s29 =	simm.s32 $0xA00  }
0xad: {  	[spmem:s2] =	stream.indirect.scatter.add.f32 [tilespmem:s18], [sflag:$0x5], $0x80, s29, s17, $0xb8;
	[tilespmem:$0x1C900] =	vst v63  }
0xae: {  	_ =	swait.ge [sflag:s14], $0x2000  }
0xaf: {  	[sflag:s14] =	ssyncset.done $0x0  }
0xb0: {  	[sflag:s14] =	ssyncadd.s32 $0xFFFFE000  }
0xb1: {  	_ =	swait.ge [sflag:s11], $0x2000  }
0xb2: {  	[sflag:s11] =	ssyncset.done $0x0  }
0xb3: {  	s10 =	simm.s32 $0x2C0;
	[sflag:s11] =	ssyncadd.s32 $0xFFFFE000  }
0xb4: {  	[tilespmem:s23], [sflag:$0x4] =	stream.indirect.gather [hbm4b:s4+s17], $0x80, s10, s17, $0xb8;
	[tilespmem:$0x1C900] =	vst v63  }
0xb5: {  	s29 =	simm.s32 $0xA40  }
0xb6: {  	[spmem:s2] =	stream.indirect.scatter.add.f32 [tilespmem:s19], [sflag:$0x6], $0x80, s29, s17, $0xb8;
	[tilespmem:$0x1C900] =	vst v63  }
0xb7: {  	_ =	swait.ge [sflag:s25], $0x2000  }
0xb8: {  	[sflag:s25] =	ssyncset.done $0x0  }
0xb9: {  	[sflag:s25] =	ssyncadd.s32 $0xFFFFE000  }
0xba: {  	_ =	swait.ge [sflag:s26], $0x2000  }
0xbb: {  	[sflag:s26] =	ssyncset.done $0x0  }
0xbc: {  	s10 =	simm.s32 $0x300;
	[sflag:s26] =	ssyncadd.s32 $0xFFFFE000  }
0xbd: {  	[tilespmem:s18], [sflag:$0x1] =	stream.indirect.gather [hbm4b:s4+s17], $0x80, s10, s17, $0xb8;
	[tilespmem:$0x1C900] =	vst v63  }
0xbe: {  	s29 =	simm.s32 $0xA80  }
0xbf: {  	[spmem:s2] =	stream.indirect.scatter.add.f32 [tilespmem:s30], [sflag:$0x7], $0x80, s29, s17, $0xb8;
	[tilespmem:$0x1C900] =	vst v63  }
0xc0: {  	_ =	swait.ge [sflag:s31], $0x2000  }
0xc1: {  	[sflag:s31] =	ssyncset.done $0x0  }
0xc2: {  	[sflag:s31] =	ssyncadd.s32 $0xFFFFE000  }
0xc3: {  	_ =	swait.ge [sflag:s0], $0x2000  }
0xc4: {  	[sflag:s0] =	ssyncset.done $0x0  }
0xc5: {  	s10 =	simm.s32 $0x340;
	[sflag:s0] =	ssyncadd.s32 $0xFFFFE000  }
0xc6: {  	[tilespmem:s19], [sflag:$0x2] =	stream.indirect.gather [hbm4b:s4+s17], $0x80, s10, s17, $0xb8;
	[tilespmem:$0x1C900] =	vst v63  }
0xc7: {  	s29 =	simm.s32 $0xAC0  }
0xc8: {  	[spmem:s2] =	stream.indirect.scatter.add.f32 [tilespmem:s23], [sflag:$0x8], $0x80, s29, s17, $0xb8;
	[tilespmem:$0x1C900] =	vst v63  }
0xc9: {  	_ =	swait.ge [sflag:s21], $0x2000  }
0xca: {  	[sflag:s21] =	ssyncset.done $0x0  }
0xcb: {  	[sflag:s21] =	ssyncadd.s32 $0xFFFFE000  }
0xcc: {  	_ =	swait.ge [sflag:s5], $0x2000  }
0xcd: {  	[sflag:s5] =	ssyncset.done $0x0  }
0xce: {  	s10 =	simm.s32 $0x380;
	[sflag:s5] =	ssyncadd.s32 $0xFFFFE000  }
0xcf: {  	[tilespmem:s30], [sflag:$0x3] =	stream.indirect.gather [hbm4b:s4+s17], $0x80, s10, s17, $0xb8;
	[tilespmem:$0x1C900] =	vst v63  }
0xd0: {  	s29 =	simm.s32 $0xB00  }
0xd1: {  	[spmem:s2] =	stream.indirect.scatter.add.f32 [tilespmem:s18], [sflag:$0x5], $0x80, s29, s17, $0xb8;
	[tilespmem:$0x1C900] =	vst v63  }
0xd2: {  	_ =	swait.ge [sflag:s14], $0x2000  }
0xd3: {  	[sflag:s14] =	ssyncset.done $0x0  }
0xd4: {  	[sflag:s14] =	ssyncadd.s32 $0xFFFFE000  }
0xd5: {  	_ =	swait.ge [sflag:s11], $0x2000  }
0xd6: {  	[sflag:s11] =	ssyncset.done $0x0  }
0xd7: {  	s10 =	simm.s32 $0x3C0;
	[sflag:s11] =	ssyncadd.s32 $0xFFFFE000  }
0xd8: {  	[tilespmem:s23], [sflag:$0x4] =	stream.indirect.gather [hbm4b:s4+s17], $0x80, s10, s17, $0xb8;
	[tilespmem:$0x1C900] =	vst v63  }
0xd9: {  	s29 =	simm.s32 $0xB40  }
0xda: {  	[spmem:s2] =	stream.indirect.scatter.add.f32 [tilespmem:s19], [sflag:$0x6], $0x80, s29, s17, $0xb8;
	[tilespmem:$0x1C900] =	vst v63  }
0xdb: {  	_ =	swait.ge [sflag:s25], $0x2000  }
0xdc: {  	[sflag:s25] =	ssyncset.done $0x0  }
0xdd: {  	[sflag:s25] =	ssyncadd.s32 $0xFFFFE000  }
0xde: {  	_ =	swait.ge [sflag:s26], $0x2000  }
0xdf: {  	[sflag:s26] =	ssyncset.done $0x0  }
0xe0: {  	[sflag:s26] =	ssyncadd.s32 $0xFFFFE000  }
0xe1: {  	_ =	swait.ge [sflag:s1], $0x400  }
0xe2: {  	[sflag:s1] =	ssyncset.done $0x0  }
0xe3: {  	[sflag:s1] =	ssyncadd.s32 $0xFFFFFC00  }
0xe4: {  	_ =	swait.ge [sflag:s16], $0x400  }
0xe5: {  	[sflag:s16] =	ssyncset.done $0x0  }
0xe6: {  	[sflag:s16] =	ssyncadd.s32 $0xFFFFFC00  }
0xe7: {  	[tilespmem:s18], [sflag:$0x1] =	stream.indirect.gather [hbm4b:s4+s17], $0x80, s8, s17, $0xb8;
	[tilespmem:$0x1C900] =	vst v63  }
0xe8: {  	s10 =	simm.s32 $0xB80  }
0xe9: {  	[spmem:s2] =	stream.indirect.scatter.add.f32 [tilespmem:s30], [sflag:$0x7], $0x80, s10, s17, $0xb8;
	[tilespmem:$0x1C900] =	vst v63  }
0xea: {  	_ =	swait.ge [sflag:s31], $0x2000  }
0xeb: {  	[sflag:s31] =	ssyncset.done $0x0  }
0xec: {  	[sflag:s31] =	ssyncadd.s32 $0xFFFFE000  }
0xed: {  	_ =	swait.ge [sflag:s0], $0x2000  }
0xee: {  	[sflag:s0] =	ssyncset.done $0x0  }
0xef: {  	s29 =	simm.s32 $0x440;
	[sflag:s0] =	ssyncadd.s32 $0xFFFFE000  }
0xf0: {  	[tilespmem:s19], [sflag:$0x2] =	stream.indirect.gather [hbm4b:s4+s17], $0x80, s29, s17, $0xb8;
	[tilespmem:$0x1C900] =	vst v63  }
0xf1: {  	s10 =	simm.s32 $0xBC0  }
0xf2: {  	[spmem:s2] =	stream.indirect.scatter.add.f32 [tilespmem:s23], [sflag:$0x8], $0x80, s10, s17, $0xb8;
	[tilespmem:$0x1C900] =	vst v63  }
0xf3: {  	_ =	swait.ge [sflag:s21], $0x2000  }
0xf4: {  	[sflag:s21] =	ssyncset.done $0x0  }
0xf5: {  	[sflag:s21] =	ssyncadd.s32 $0xFFFFE000  }
0xf6: {  	_ =	swait.ge [sflag:s5], $0x2000  }
0xf7: {  	[sflag:s5] =	ssyncset.done $0x0  }
0xf8: {  	s29 =	simm.s32 $0x480;
	[sflag:s5] =	ssyncadd.s32 $0xFFFFE000  }
0xf9: {  	[tilespmem:s30], [sflag:$0x3] =	stream.indirect.gather [hbm4b:s4+s17], $0x80, s29, s17, $0xb8;
	[tilespmem:$0x1C900] =	vst v63  }
0xfa: {  	_ = 	snop  }
0xfb: {  	[spmem:s2] =	stream.indirect.scatter.add.f32 [tilespmem:s18], [sflag:$0x5], $0x80, s9, s17, $0xb8;
	[tilespmem:$0x1C900] =	vst v63  }
0xfc: {  	_ =	swait.ge [sflag:s14], $0x2000  }
0xfd: {  	[sflag:s14] =	ssyncset.done $0x0  }
0xfe: {  	[sflag:s14] =	ssyncadd.s32 $0xFFFFE000  }
0xff: {  	_ =	swait.ge [sflag:s11], $0x2000  }
0x100: {  	[sflag:s11] =	ssyncset.done $0x0  }
0x101: {  	s10 =	simm.s32 $0x4C0;
	[sflag:s11] =	ssyncadd.s32 $0xFFFFE000  }
0x102: {  	[tilespmem:s23], [sflag:$0x4] =	stream.indirect.gather [hbm4b:s4+s17], $0x80, s10, s17, $0xb8;
	[tilespmem:$0x1C900] =	vst v63  }
0x103: {  	s29 =	simm.s32 $0xC40  }
0x104: {  	[spmem:s2] =	stream.indirect.scatter.add.f32 [tilespmem:s19], [sflag:$0x6], $0x80, s29, s17, $0xb8;
	[tilespmem:$0x1C900] =	vst v63  }
0x105: {  	_ =	swait.ge [sflag:s25], $0x2000  }
0x106: {  	[sflag:s25] =	ssyncset.done $0x0  }
0x107: {  	[sflag:s25] =	ssyncadd.s32 $0xFFFFE000  }
0x108: {  	_ =	swait.ge [sflag:s26], $0x2000  }
0x109: {  	[sflag:s26] =	ssyncset.done $0x0  }
0x10a: {  	s10 =	simm.s32 $0x500;
	[sflag:s26] =	ssyncadd.s32 $0xFFFFE000  }
0x10b: {  	[tilespmem:s18], [sflag:$0x1] =	stream.indirect.gather [hbm4b:s4+s17], $0x80, s10, s17, $0xb8;
	[tilespmem:$0x1C900] =	vst v63  }
0x10c: {  	s29 =	simm.s32 $0xC80  }
0x10d: {  	[spmem:s2] =	stream.indirect.scatter.add.f32 [tilespmem:s30], [sflag:$0x7], $0x80, s29, s17, $0xb8;
	[tilespmem:$0x1C900] =	vst v63  }
0x10e: {  	_ =	swait.ge [sflag:s31], $0x2000  }
0x10f: {  	[sflag:s31] =	ssyncset.done $0x0  }
0x110: {  	[sflag:s31] =	ssyncadd.s32 $0xFFFFE000  }
0x111: {  	_ =	swait.ge [sflag:s0], $0x2000  }
0x112: {  	[sflag:s0] =	ssyncset.done $0x0  }
0x113: {  	s10 =	simm.s32 $0x540;
	[sflag:s0] =	ssyncadd.s32 $0xFFFFE000  }
0x114: {  	[tilespmem:s19], [sflag:$0x2] =	stream.indirect.gather [hbm4b:s4+s17], $0x80, s10, s17, $0xb8;
	[tilespmem:$0x1C900] =	vst v63  }
0x115: {  	s29 =	simm.s32 $0xCC0  }
0x116: {  	[spmem:s2] =	stream.indirect.scatter.add.f32 [tilespmem:s23], [sflag:$0x8], $0x80, s29, s17, $0xb8;
	[tilespmem:$0x1C900] =	vst v63  }
0x117: {  	_ =	swait.ge [sflag:s21], $0x2000  }
0x118: {  	[sflag:s21] =	ssyncset.done $0x0  }
0x119: {  	[sflag:s21] =	ssyncadd.s32 $0xFFFFE000  }
0x11a: {  	_ =	swait.ge [sflag:s5], $0x2000  }
0x11b: {  	p1 =	seq.s32 s28, $0x900;
	[sflag:s5] =	ssyncset.done $0x0  }
0x11c: {  	s6 =	sadd.s32 @!p1 s28, s20;
	s10 =	simm.s32 $0x580;
	[sflag:s5] =	ssyncadd.s32 $0xFFFFE000  }
0x11d: {  	[tilespmem:s30], [sflag:$0x3] =	stream.indirect.gather [hbm4b:s4+s17], $0x80, s10, s17, $0xb8;
	[tilespmem:$0x1C900] =	vst v63  }
0x11e: {  	s6 =	sadd.s32 @!p1 $0x100, s6;
	s10 =	simm.s32 @!p1 $0x0  }
0x11f: {  	[tilespmem:s10], [sflag:$0x9] =	stream.linear.gather @!p1 [hbm4b:s6+s10], $0x400, $0x38;
	[tilespmem:$0x1C900] =	vst v63  }
0x120: {  	s6 =	sadd.s32 @!p1 s28, s7  }
0x121: {  	s29 =	simm.s32 @!p1 $0x800;
	s6 =	sadd.s32 @!p1 $0x100, s6  }
0x122: {  	[tilespmem:s29], [sflag:$0xB] =	stream.linear.gather @!p1 [hbm4b:s6+s10], $0x400, $0x38;
	[tilespmem:$0x1C900] =	vst v63  }
0x123: {  	s29 =	simm.s32 $0xD00  }
0x124: {  	[spmem:s2] =	stream.indirect.scatter.add.f32 [tilespmem:s18], [sflag:$0x5], $0x80, s29, s17, $0xb8;
	[tilespmem:$0x1C900] =	vst v63  }
0x125: {  	_ =	swait.ge [sflag:s14], $0x2000  }
0x126: {  	[sflag:s14] =	ssyncset.done $0x0  }
0x127: {  	[sflag:s14] =	ssyncadd.s32 $0xFFFFE000  }
0x128: {  	_ =	swait.ge [sflag:s11], $0x2000  }
0x129: {  	[sflag:s11] =	ssyncset.done $0x0  }
0x12a: {  	s10 =	simm.s32 $0x5C0;
	[sflag:s11] =	ssyncadd.s32 $0xFFFFE000  }
0x12b: {  	[tilespmem:s23], [sflag:$0x4] =	stream.indirect.gather [hbm4b:s4+s17], $0x80, s10, s17, $0xb8;
	[tilespmem:$0x1C900] =	vst v63  }
0x12c: {  	s29 =	simm.s32 $0xD40  }
0x12d: {  	[spmem:s2] =	stream.indirect.scatter.add.f32 [tilespmem:s19], [sflag:$0x6], $0x80, s29, s17, $0xb8;
	[tilespmem:$0x1C900] =	vst v63  }
0x12e: {  	_ =	swait.ge [sflag:s25], $0x2000  }
0x12f: {  	[sflag:s25] =	ssyncset.done $0x0  }
0x130: {  	[sflag:s25] =	ssyncadd.s32 $0xFFFFE000  }
0x131: {  	_ =	swait.ge [sflag:s26], $0x2000  }
0x132: {  	[sflag:s26] =	ssyncset.done $0x0  }
0x133: {  	s10 =	simm.s32 $0x600;
	[sflag:s26] =	ssyncadd.s32 $0xFFFFE000  }
0x134: {  	[tilespmem:s18], [sflag:$0x1] =	stream.indirect.gather [hbm4b:s4+s17], $0x80, s10, s17, $0xb8;
	[tilespmem:$0x1C900] =	vst v63  }
0x135: {  	s29 =	simm.s32 $0xD80  }
0x136: {  	[spmem:s2] =	stream.indirect.scatter.add.f32 [tilespmem:s30], [sflag:$0x7], $0x80, s29, s17, $0xb8;
	[tilespmem:$0x1C900] =	vst v63  }
0x137: {  	_ =	swait.ge [sflag:s31], $0x2000  }
0x138: {  	[sflag:s31] =	ssyncset.done $0x0  }
0x139: {  	[sflag:s31] =	ssyncadd.s32 $0xFFFFE000  }
0x13a: {  	_ =	swait.ge [sflag:s0], $0x2000  }
0x13b: {  	[sflag:s0] =	ssyncset.done $0x0  }
0x13c: {  	s10 =	simm.s32 $0x640;
	[sflag:s0] =	ssyncadd.s32 $0xFFFFE000  }
0x13d: {  	[tilespmem:s19], [sflag:$0x2] =	stream.indirect.gather [hbm4b:s4+s17], $0x80, s10, s17, $0xb8;
	[tilespmem:$0x1C900] =	vst v63  }
0x13e: {  	s29 =	simm.s32 $0xDC0  }
0x13f: {  	[spmem:s2] =	stream.indirect.scatter.add.f32 [tilespmem:s23], [sflag:$0x8], $0x80, s29, s17, $0xb8;
	[tilespmem:$0x1C900] =	vst v63  }
0x140: {  	_ =	swait.ge [sflag:s21], $0x2000  }
0x141: {  	[sflag:s21] =	ssyncset.done $0x0  }
0x142: {  	[sflag:s21] =	ssyncadd.s32 $0xFFFFE000  }
0x143: {  	_ =	swait.ge [sflag:s5], $0x2000  }
0x144: {  	[sflag:s5] =	ssyncset.done $0x0  }
0x145: {  	s10 =	simm.s32 $0x680;
	[sflag:s5] =	ssyncadd.s32 $0xFFFFE000  }
0x146: {  	[tilespmem:s30], [sflag:$0x3] =	stream.indirect.gather [hbm4b:s4+s17], $0x80, s10, s17, $0xb8;
	[tilespmem:$0x1C900] =	vst v63  }
0x147: {  	s29 =	simm.s32 $0xE00  }
0x148: {  	[spmem:s2] =	stream.indirect.scatter.add.f32 [tilespmem:s18], [sflag:$0x5], $0x80, s29, s17, $0xb8;
	[tilespmem:$0x1C900] =	vst v63  }
0x149: {  	_ =	swait.ge [sflag:s14], $0x2000  }
0x14a: {  	[sflag:s14] =	ssyncset.done $0x0  }
0x14b: {  	[sflag:s14] =	ssyncadd.s32 $0xFFFFE000  }
0x14c: {  	_ =	swait.ge [sflag:s11], $0x2000  }
0x14d: {  	[sflag:s11] =	ssyncset.done $0x0  }
0x14e: {  	s10 =	simm.s32 $0x6C0;
	[sflag:s11] =	ssyncadd.s32 $0xFFFFE000  }
0x14f: {  	[tilespmem:s23], [sflag:$0x4] =	stream.indirect.gather [hbm4b:s4+s17], $0x80, s10, s17, $0xb8;
	[tilespmem:$0x1C900] =	vst v63  }
0x150: {  	s29 =	simm.s32 $0xE40  }
0x151: {  	[spmem:s2] =	stream.indirect.scatter.add.f32 [tilespmem:s19], [sflag:$0x6], $0x80, s29, s17, $0xb8;
	[tilespmem:$0x1C900] =	vst v63  }
0x152: {  	_ =	swait.ge [sflag:s25], $0x2000  }
0x153: {  	[sflag:s25] =	ssyncset.done $0x0  }
0x154: {  	[sflag:s25] =	ssyncadd.s32 $0xFFFFE000  }
0x155: {  	_ =	swait.ge [sflag:s26], $0x2000  }
0x156: {  	[sflag:s26] =	ssyncset.done $0x0  }
0x157: {  	s10 =	simm.s32 $0x700;
	[sflag:s26] =	ssyncadd.s32 $0xFFFFE000  }
0x158: {  	[tilespmem:s18], [sflag:$0x1] =	stream.indirect.gather [hbm4b:s4+s17], $0x80, s10, s17, $0xb8;
	[tilespmem:$0x1C900] =	vst v63  }
0x159: {  	s29 =	simm.s32 $0xE80  }
0x15a: {  	[spmem:s2] =	stream.indirect.scatter.add.f32 [tilespmem:s30], [sflag:$0x7], $0x80, s29, s17, $0xb8;
	[tilespmem:$0x1C900] =	vst v63  }
0x15b: {  	_ =	swait.ge [sflag:s31], $0x2000  }
0x15c: {  	[sflag:s31] =	ssyncset.done $0x0  }
0x15d: {  	[sflag:s31] =	ssyncadd.s32 $0xFFFFE000  }
0x15e: {  	_ =	swait.ge [sflag:s0], $0x2000  }
0x15f: {  	[sflag:s0] =	ssyncset.done $0x0  }
0x160: {  	s10 =	simm.s32 $0x740;
	[sflag:s0] =	ssyncadd.s32 $0xFFFFE000  }
0x161: {  	[tilespmem:s19], [sflag:$0x2] =	stream.indirect.gather [hbm4b:s4+s17], $0x80, s10, s17, $0xb8;
	[tilespmem:$0x1C900] =	vst v63  }
0x162: {  	s29 =	simm.s32 $0xEC0  }
0x163: {  	[spmem:s2] =	stream.indirect.scatter.add.f32 [tilespmem:s23], [sflag:$0x8], $0x80, s29, s17, $0xb8;
	[tilespmem:$0x1C900] =	vst v63  }
0x164: {  	_ =	swait.ge [sflag:s21], $0x2000  }
0x165: {  	[sflag:s21] =	ssyncset.done $0x0  }
0x166: {  	[sflag:s21] =	ssyncadd.s32 $0xFFFFE000  }
0x167: {  	_ =	swait.ge [sflag:s5], $0x2000  }
0x168: {  	[sflag:s5] =	ssyncset.done $0x0  }
0x169: {  	s10 =	simm.s32 $0x780;
	[sflag:s5] =	ssyncadd.s32 $0xFFFFE000  }
0x16a: {  	[tilespmem:s30], [sflag:$0x3] =	stream.indirect.gather [hbm4b:s4+s17], $0x80, s10, s17, $0xb8;
	[tilespmem:$0x1C900] =	vst v63  }
0x16b: {  	s29 =	simm.s32 $0xF00  }
0x16c: {  	[spmem:s2] =	stream.indirect.scatter.add.f32 [tilespmem:s18], [sflag:$0x5], $0x80, s29, s17, $0xb8;
	[tilespmem:$0x1C900] =	vst v63  }
0x16d: {  	_ =	swait.ge [sflag:s14], $0x2000  }
0x16e: {  	[sflag:s14] =	ssyncset.done $0x0  }
0x16f: {  	[sflag:s14] =	ssyncadd.s32 $0xFFFFE000  }
0x170: {  	_ =	swait.ge [sflag:s11], $0x2000  }
0x171: {  	[sflag:s11] =	ssyncset.done $0x0  }
0x172: {  	s10 =	simm.s32 $0x7C0;
	[sflag:s11] =	ssyncadd.s32 $0xFFFFE000  }
0x173: {  	[tilespmem:s23], [sflag:$0x4] =	stream.indirect.gather [hbm4b:s4+s17], $0x80, s10, s17, $0xb8;
	[tilespmem:$0x1C900] =	vst v63  }
0x174: {  	s29 =	simm.s32 $0xF40  }
0x175: {  	[spmem:s2] =	stream.indirect.scatter.add.f32 [tilespmem:s19], [sflag:$0x6], $0x80, s29, s17, $0xb8;
	[tilespmem:$0x1C900] =	vst v63  }
0x176: {  	_ =	swait.ge [sflag:s25], $0x2000  }
.Ltmp2:
0x177: {  	[sflag:s25] =	ssyncset.done $0x0;
	(pc) =	sbr.rel @p1 .LBB2_4-.Ltmp2, $4  }
0x178: {  	[sflag:s25] =	ssyncadd.s32 $0xFFFFE000  }
0x179: {  	_ =	swait.ge [sflag:s26], $0x2000  }
0x17a: {  	[sflag:s26] =	ssyncset.done $0x0  }
0x17b: {  	[sflag:s26] =	ssyncadd.s32 $0xFFFFE000  }
0x17c: {  	_ =	swait.ge [sflag:s22], $0x400  }
0x17d: {  	[sflag:s22] =	ssyncset.done $0x0  }
0x17e: {  	[sflag:s22] =	ssyncadd.s32 $0xFFFFFC00  }
0x17f: {  	_ =	swait.ge [sflag:s24], $0x400  }
0x180: {  	[sflag:s24] =	ssyncset.done $0x0  }
0x181: {  	[sflag:s24] =	ssyncadd.s32 $0xFFFFFC00  }
0x182: {  	[tilespmem:s18], [sflag:$0x1] =	stream.indirect.gather [hbm4b:s4+s17], $0x80, s3, s17, $0xb8;
	[tilespmem:$0x1C900] =	vst v63  }
0x183: {  	_ = 	snop  }
0x184: {  	[spmem:s2] =	stream.indirect.scatter.add.f32 [tilespmem:s30], [sflag:$0x7], $0x80, s13, s17, $0xb8;
	[tilespmem:$0x1C900] =	vst v63  }
0x185: {  	_ =	swait.ge [sflag:s31], $0x2000  }
0x186: {  	[sflag:s31] =	ssyncset.done $0x0  }
0x187: {  	[sflag:s31] =	ssyncadd.s32 $0xFFFFE000  }
0x188: {  	_ =	swait.ge [sflag:s0], $0x2000  }
.Ltmp3:
0x189: {  	[sflag:s0] =	ssyncset.done $0x0;
	(pc) =	sbr.rel .LBB2_2-.Ltmp3, $4  }
0x18a: {  	[sflag:s0] =	ssyncadd.s32 $0xFFFFE000  }
0x18b: {  	[tilespmem:s19], [sflag:$0x2] =	stream.indirect.gather [hbm4b:s4+s17], $0x80, s17, s17, $0xb8;
	[tilespmem:$0x1C900] =	vst v63  }
0x18c: {  	s28 =	sadd.s32 $0x100, s28  }
0x18d: {  	[spmem:s2] =	stream.indirect.scatter.add.f32 [tilespmem:s23], [sflag:$0x8], $0x80, s15, s17, $0xb8;
	[tilespmem:$0x1C900] =	vst v63  }
.LBB2_5:
0x18e: {  	_ =	sfence.sel $0x180000  }
0x18f: {  	[bflag:$0x0] =	sbarrier.arrive $0xFFFF  }
0x190: {  	_ =	strace $0x9000004A  }
0x191: {  	s0 =	stileid.u32;
	[bflag:$0x2] =	sbarrier.arrive $0xFFFF  }
0x192: {  	p0 =	sne.s32 s0, $0x0;
	s0 =	rddreg [dreg:$0x3]  }
0x193: {  	s0 =	sadd.s32 @!p0 $0x100000, s0  }
0x194: {  	[sflag:s0] =	ssyncadd.tile.s32 @!p0 $0x1;
	_ =	shalt  }
.Lfunc_end2:
_tile_overlayer_lowered:
.L_overlay_start_2:
0x195: {  	(tag) =	ssettag $0x2  }
0x196: {  	s0 =	rddreg [dreg:$0x0];
	s2 =	stileid.u32  }
0x197: {  	s1 =	rddreg [dreg:$0x1];
	p0 =	sne.s32 s2, $0x0  }
0x198: {  	s3 =	rddreg [dreg:$0x2];
	[bflag:$0x3] =	sbarrier.arrive $0xFFFF;
	s2 =	simm.s32 @!p0 $0x1C0D  }
0x199: {  	[timem:s3], [sflag:s2] =	dma.local @!p0 [hbm:s0], s1  }
0x19a: {  	s0 =	simm.s32 @!p0 $0xD  }
0x19b: {  	_ =	swait.ge @!p0 [sflag:s0], s1  }
0x19c: {  	s1 =	ssub.s32 @!p0 $0x0, s1;
	[sflag:s0] =	ssyncset.done @!p0 $0x0  }
0x19d: {  	[sflag:s0] =	ssyncadd.s32 @!p0 s1  }
0x19e: {  	[bflag:$0x3] =	sbarrier.arrive $0xFFFF  }
0x19f: {  	_ =	shalt  }

// kernel: kernel.15.cloned.1.call-start
scs
__scs_entry_jumppad:
0x0: {  	(pc) =	sbr.rel $0x88, $3  }
0x1: {  	(tag) =	ssettag $0x0;
	lr =	simm.s32 $0x1  }
0x2: {  	[smem:$0x3F9B] =	sst lr;
	_ =	strace $0xD0000000  }
0x3: {  	_ = 	snop  }
0x4: {  	_ = 	snop  }
0x5: {  	_ = 	snop  }
0x6: {  	_ = 	snop  }
0x7: {  	_ = 	snop  }
__scs_overlays_trampoline_lowered:
0x8: {  	[smem:$0x3FAA] =	sst s0  }
0x9: {  	[smem:$0x3FAB] =	sst s1  }
0xa: {  	[smem:$0x3FAC] =	sst s2  }
0xb: {  	[smem:$0x3FAD] =	sst s3  }
0xc: {  	[smem:$0x3FAE] =	sst s4  }
0xd: {  	[smem:$0x3FAF] =	sst s5  }
0xe: {  	[smem:$0x3FB0] =	sst s6  }
0xf: {  	[smem:$0x3FB1] =	sst s7  }
0x10: {  	[smem:$0x3FB2] =	sst s8  }
0x11: {  	[smem:$0x3FB3] =	sst s9;
	s0 =	simm.s32 @!p0 $0x0  }
0x12: {  	s1 =	sld [smem:$0x3F99];
	s0 =	simm.s32 @p0 $0x1  }
0x13: {  	[smem:$0x3FB4] =	sst s0;
	s0 =	simm.s32 @!p1 $0x0  }
0x14: {  	s2 =	sld [smem:$0x3F98];
	s0 =	simm.s32 @p1 $0x1  }
0x15: {  	[smem:$0x3FB5] =	sst s0;
	s0 =	simm.s32 @!p2 $0x0  }
0x16: {  	s3 =	sld [smem:$0x3FDB];
	s0 =	simm.s32 @p2 $0x1  }
0x17: {  	s4 =	simm.s32 $0x1BF5;
	[smem:$0x3FB7] =	sst s0  }
0x18: {  	s0 =	sld [smem:$0x3F9A];
	_ =	swait.ge [sflag:s4], $0x0  }
0x19: {  	s7 =	sld [smem:$0x3F9B]  }
0x1a: {  	s8 =	sadd.s32 $0xFFFFE003, lr  }
0x1b: {  	s9 =	sadd.s32 $0xFFFFFEF7, lr;
	s5 =	simm.s32 $0xFFFFFFFF;
	p2 =	slt.u32 s8, $0xFFFFF086  }
0x1c: {  	p1 =	slt.u32 s9, $0xF7A;
	s5 =	simm.s32 @!p2 $0x0  }
0x1d: {  	s5 =	simm.s32 @p1 $0x1;
	p0 =	seq.s32 s7, s2  }
0x1e: {  	s7 =	smul.u32 @!p0 $0xF7A, s2;
	p2 =	seq.s32 @!p0 s5, $0x0  }
0x1f: {  	s9 =	smul.u32 $0xF7A, s1;
	s8 =	simm.s32 @!p0 $0x1BF5;
	p2 =	por !p2, p0  }
0x20: {  	[sflag:s8] =	ssyncset.s32 @!p0 $0xFFFFF086;
	s6 =	sadd.s32 @!p0 s3, s7;
	s7 =	simm.s32 @!p0 $0x108  }
0x21: {  	s3 =	sadd.s32 s3, s9;
	s6 =	sadd.s32 @!p0 $0x88, s6;
	s7 =	simm.s32 @p2 $0x1082  }
0x22: {  	[simem:s7], [sflag:s8] =	dma.local @!p0 [hbm:s6], $0xF7A  }
0x23: {  	s9 =	sor.u32 $0xD0000000, s2;
	s6 =	simm.s32 $0x108;
	_ =	swait.ge @!p0 [sflag:s8], $0x0  }
0x24: {  	s3 =	sadd.s32 $0x88, s3;
	s6 =	simm.s32 @!p1 $0x1082;
	[sflag:s4] =	ssyncset.s32 $0xFFFFF086  }
0x25: {  	[simem:s6], [sflag:s4] =	dma.local [hbm:s3], $0xF7A  }
0x26: {  	[smem:$0x3F9B] =	sst s1;
	(tag) =	ssettag s2;
	_ =	strace s9  }
0x27: {  	s1 =	sld [smem:$0x3FAB]  }
0x28: {  	s2 =	sld [smem:$0x3FAC]  }
0x29: {  	s4 =	sld [smem:$0x3FAE]  }
0x2a: {  	p0 =	seq.s32 s5, $0x0;
	s5 =	sld [smem:$0x3FAF]  }
0x2b: {  	s6 =	sld [smem:$0x3FB0]  }
0x2c: {  	s7 =	sld [smem:$0x3FB1]  }
0x2d: {  	s3 =	simm.s32 $0x108;
	s8 =	sld [smem:$0x3FB2]  }
0x2e: {  	s3 =	simm.s32 @!p0 $0x1082;
	s9 =	sld [smem:$0x3FB3]  }
0x2f: {  	lr =	sadd.s32 s0, s3;
	s0 =	sld [smem:$0x3FAA]  }
0x30: {  	s3 =	sld [smem:$0x3FAD]  }
0x31: {  	[smem:$0x3FB6] =	sst s10  }
0x32: {  	s10 =	sld [smem:$0x3FB4];
	_ =	sdelay $0x3  }
0x33: {  	p0 =	seq.s32 s10, $0x1;
	s10 =	sld [smem:$0x3FB6];
	_ =	sdelay $0x3  }
0x34: {  	[smem:$0x3FB6] =	sst s10  }
0x35: {  	s10 =	sld [smem:$0x3FB5];
	_ =	sdelay $0x3  }
0x36: {  	p1 =	seq.s32 s10, $0x1;
	s10 =	sld [smem:$0x3FB6];
	_ =	sdelay $0x3  }
0x37: {  	[smem:$0x3FB6] =	sst s10  }
0x38: {  	s10 =	sld [smem:$0x3FB7]  }
0x39: {  	_ = 	snop;
	(pc) =	sbr.ind lr, $3  }
0x3a: {  	_ = 	snop  }
0x3b: {  	_ = 	snop  }
0x3c: {  	p2 =	seq.s32 s10, $0x1;
	s10 =	sld [smem:$0x3FB6]  }
0x3d: {  	_ =	shalt  }
0x3e: {  	_ =	shalt  }
0x3f: {  	_ =	shalt  }
0x40: {  	_ =	shalt  }
0x41: {  	_ =	shalt  }
0x42: {  	_ =	shalt  }
0x43: {  	_ =	shalt  }
0x44: {  	_ =	shalt  }
0x45: {  	_ =	shalt  }
0x46: {  	_ =	shalt  }
0x47: {  	_ =	shalt  }
0x48: {  	_ =	shalt  }
0x49: {  	_ =	shalt  }
0x4a: {  	_ =	shalt  }
0x4b: {  	_ =	shalt  }
0x4c: {  	_ =	shalt  }
0x4d: {  	_ =	shalt  }
0x4e: {  	_ =	shalt  }
0x4f: {  	_ =	shalt  }
0x50: {  	_ =	shalt  }
0x51: {  	_ =	shalt  }
0x52: {  	_ =	shalt  }
0x53: {  	_ =	shalt  }
0x54: {  	_ =	shalt  }
0x55: {  	_ =	shalt  }
0x56: {  	_ =	shalt  }
0x57: {  	_ =	shalt  }
0x58: {  	_ =	shalt  }
0x59: {  	_ =	shalt  }
0x5a: {  	_ =	shalt  }
0x5b: {  	_ =	shalt  }
0x5c: {  	_ =	shalt  }
0x5d: {  	_ =	shalt  }
0x5e: {  	_ =	shalt  }
0x5f: {  	_ =	shalt  }
0x60: {  	_ =	shalt  }
0x61: {  	_ =	shalt  }
0x62: {  	_ =	shalt  }
0x63: {  	_ =	shalt  }
0x64: {  	_ =	shalt  }
0x65: {  	_ =	shalt  }
0x66: {  	_ =	shalt  }
0x67: {  	_ =	shalt  }
0x68: {  	_ =	shalt  }
0x69: {  	_ =	shalt  }
0x6a: {  	_ =	shalt  }
0x6b: {  	_ =	shalt  }
0x6c: {  	_ =	shalt  }
0x6d: {  	_ =	shalt  }
0x6e: {  	_ =	shalt  }
0x6f: {  	_ =	shalt  }
0x70: {  	_ =	shalt  }
0x71: {  	_ =	shalt  }
0x72: {  	_ =	shalt  }
0x73: {  	_ =	shalt  }
0x74: {  	_ =	shalt  }
0x75: {  	_ =	shalt  }
0x76: {  	_ =	shalt  }
0x77: {  	_ =	shalt  }
0x78: {  	_ =	shalt  }
0x79: {  	_ =	shalt  }
0x7a: {  	_ =	shalt  }
0x7b: {  	_ =	shalt  }
0x7c: {  	_ =	shalt  }
0x7d: {  	_ =	shalt  }
0x7e: {  	_ =	shalt  }
0x7f: {  	_ =	shalt  }
0x80: {  	_ =	shalt  }
0x81: {  	_ =	shalt  }
0x82: {  	_ =	shalt  }
0x83: {  	_ =	shalt  }
0x84: {  	_ =	shalt  }
0x85: {  	_ =	shalt  }
0x86: {  	_ =	shalt  }
0x87: {  	_ =	shalt  }
.Lfunc_end0:
.L_simem_size_0:
called_computation.2_lowered:
.L_overlay_start_0:
0x88: {  	s2 =	sld [smem:$0x3FD9]  }
0x89: {  	s3 =	sld [smem:$0x3FFE];
	_ =	sdelay $0x1  }
0x8a: {  	s1 =	srdreg.scid  }
0x8b: {  	s0 =	sand.u32 $0x1, s1  }
0x8c: {  	s17 =	sshll.u32 s0, $0xA;
	s2 =	sadd.s32 s3, s2  }
0x8d: {  	s2 =	sadd.s32 s2, s17  }
0x8e: {  	[smem:$0x3FC2] =	sst s2  }
0x8f: {  	_ = 	snop  }
0x90: {  	s2 =	sld [smem:$0x3FD0];
	(tm) =	ssettm $0x1  }
0x91: {  	s18 =	sld [smem:$0x3FFB];
	_ =	sdelay $0x3  }
0x92: {  	_ =	strace s18  }
0x93: {  	s3 =	sld [smem:$0x3FFC];
	_ =	sdelay $0x3  }
0x94: {  	_ =	strace s3  }
0x95: {  	s3 =	sld [smem:$0x3FFD];
	_ =	sdelay $0x3  }
0x96: {  	_ =	strace s3  }
0x97: {  	_ =	strace $0x8FFFFFFF  }
0x98: {  	s19 =	sld [smem:$0x3FDB];
	_ =	sdelay $0x1  }
0x99: {  	s4 =	simm.s32 $_scs_section_size  }
0x9a: {  	s5 =	simm.s32 $_size__tile_overlayer_lowered;
	s6 =	simm.s32 $_tile_overlayer_lowered  }
0x9b: {  	s22 =	simm.s32 $0x1BFF;
	s21 =	sshll.u32 s6, $0x1;
	s3 =	sadd.s32 s4, s19  }
0x9c: {  	s7 =	simm.s32 $0x0;
	s20 =	sshll.u32 s5, $0x1;
	s5 =	sadd.s32 s21, s3  }
0x9d: {  	[timem:s7], [sflag:s22] =	dma.local [hbm:s5], s20  }
0x9e: {  	_ =	swait.ge [sflag:s22], s20  }
0x9f: {  	s4 =	ssub.s32 $0x0, s20;
	[sflag:s22] =	ssyncset.done $0x0  }
0xa0: {  	[sflag:s22] =	ssyncadd.s32 s4;
	_ =	sdelay $0x1  }
0xa1: {  	s23 =	simm.s32 $0x1B8B  }
0xa2: {  	_ =	swait.ge [sflag:s23], $0x1  }
0xa3: {  	[sflag:s23] =	ssyncset.done $0x0  }
0xa4: {  	s25 =	simm.s32 $0x1B8E;
	s24 =	sld [smem:$0x3FFE];
	[sflag:s23] =	ssyncadd.s32 $0xFFFFFFFF  }
0xa5: {  	s26 =	simm.s32 $execute0_lowered;
	[smem:$0x3FD2] =	sst s25  }
0xa6: {  	s5 =	sshll.u32 s26, $0x1;
	_ =	strace $0x8000004C;
	[dreg:$0x1] =	wrdreg $0xFFFFFFFF  }
0xa7: {  	s28 =	simm.s32 $_size_execute0_lowered;
	s3 =	sadd.s32 s3, s5;
	[dreg:$0x0] =	wrdreg $0x0  }
0xa8: {  	s5 =	sshll.u32 s28, $0x1;
	[dreg:$0x2] =	wrdreg s3  }
0xa9: {  	[dreg:$0x3] =	wrdreg s5  }
0xaa: {  	[dreg:$0x4] =	wrdreg $0xC0  }
0xab: {  	_ =	task [dreg:s7], $0x5FFFF  }
0xac: {  	[dreg:$0x1] =	wrdreg $0xFFFFFFFF  }
0xad: {  	[dreg:$0x0] =	wrdreg $0x60  }
0xae: {  	[dreg:$0x2] =	wrdreg s2  }
0xaf: {  	[dreg:$0x3] =	wrdreg s24  }
0xb0: {  	[dreg:$0x4] =	wrdreg $0x90000  }
0xb1: {  	[dreg:$0x5] =	wrdreg $0x9  }
0xb2: {  	_ =	task.clear_ibuf [dreg:s7], $0x6FFFF;
	_ =	strace $0x9000004C  }
0xb3: {  	s29 =	simm.s32 $0x9;
	_ =	strace $0x8000004E  }
0xb4: {  	_ =	swait.ge [sflag:s29], $0x1  }
0xb5: {  	[sflag:s29] =	ssyncadd.s32 $0xFFFFFFFF  }
0xb6: {  	_ =	strace $0x9000004E  }
0xb7: {  	_ =	sfence  }
0xb8: {  	s30 =	sld [smem:$0x0];
	_ =	sdelay $0x2  }
0xb9: {  	s31 =	sshll.u32 s1, $0xD;
	s1 =	sshrl.u32 s1, $0x2  }
0xba: {  	s3 =	sand.u32 $0x4000, s31;
	s1 =	sadd.s32 s1, s30  }
0xbb: {  	s0 =	sor.u32 s3, s0;
	s1 =	sshll.u32 s1, $0x11  }
0xbc: {  	s0 =	sor.u32 s1, s0  }
0xbd: {  	s0 =	sadd.s32 $0x8F2B, s0  }
0xbe: {  	[sflag:s0] =	ssyncadd.remote.s32 $0x1  }
0xbf: {  	_ =	sfence.sel $0xFFFF  }
0xc0: {  	[dreg:$0x0] =	wrdreg $0xFFFFFFFF;
	(pc) =	sbr.abs _section_cstart, $3  }
0xc1: {  	[dreg:$0x1] =	wrdreg $0xFFFFFFFF  }
0xc2: {  	_ =	task.clear_ibuf [dreg:s7], $0x2FFFF;
	_ =	strace $0x9FFFFFFF  }
0xc3: {  	(tm) =	ssettm $0x7FFFFFFF  }
tec
execute0_lowered:
.L_overlay_start_1:
0x0: {  	(tag) =	ssettag $0x1  }
0x1: {  	s1 =	rddreg [dreg:$0x0]  }
0x2: {  	s0 =	rddreg [dreg:$0x1]  }
0x3: {  	s3 =	rddreg [dreg:$0x2];
	s4 =	simm.s32 $0x0  }
0x4: {  	s2 =	srdreg.scid;
	s15 =	stileid.u32;
	s21 =	simm.s32 $0x40  }
0x5: {  	s29 =	simm.s32 $0x3;
	s30 =	simm.s32 $0x5;
	s20 =	simm.s32 $0x4  }
0x6: {  	s17 =	simm.s32 $0x2;
	s18 =	simm.s32 $0x8;
	s19 =	simm.s32 $0xA  }
0x7: {  	s16 =	simm.s32 $0x0;
	s2 =	sand.u32 $0x1, s2;
	s5 =	smul.u32 $0x50000, s15  }
0x8: {  	s6 =	sshll.u32 s15, $0x1;
	[smem:$0x7FF] =	sst s4;
	s7 =	smul.u32 $0x2800, s15  }
0x9: {  	s8 =	sadd.s32 $0x2A00, s0;
	s9 =	sadd.s32 $0xCA00, s0;
	s13 =	smul.u32 $0x14000, s15  }
0xa: {  	s0 =	sadd.s32 $0x16A00, s0;
	s22 =	smul.u32 $0x14, s15;
	s14 =	sadd.s32 $0x25800, s1  }
0xb: {  	s6 =	sor.u32 s2, s6;
	_ =	strace $0x8000004D;
	s11 =	smul.u32 $0x138800, s2  }
0xc: {  	s10 =	ssub.s32 $0x2, s2;
	s2 =	smul.u32 $0xA, s2;
	[dreg:$0x5] =	wrdreg s14  }
0xd: {  	p0 =	seq.s32 s15, $0xF;
	[dreg:$0xe] =	wrdreg s16;
	s6 =	smul.u32 $0x500, s6  }
0xe: {  	s12 =	sshrl.u32 s10, $0x1;
	s5 =	sshrl.u32 s5, $0x2;
	s7 =	sadd.s32 s1, s7  }
0xf: {  	s10 =	ssub.s32 s10, s12;
	s5 =	sadd.s32 s5, s3;
	[dreg:$0x4] =	wrdreg s7  }
0x10: {  	s7 =	sadd.s32 $0x12C000, s3;
	s24 =	sadd.s32 s13, s11;
	s2 =	sadd.s32 s2, s22  }
0x11: {  	s11 =	sshrl.u32 s11, $0x3;
	s22 =	simm.s32 $0x1000;
	s23 =	sadd.s32 s8, s6  }
0x12: {  	s6 =	sadd.s32 s9, s6;
	s2 =	sshll.u32 s2, $0x7;
	s26 =	smax.u32 s10, $0x1  }
0x13: {  	s28 =	sshrl.u32 @p0 s7, $0x3;
	s7 =	simm.s32 $0x9;
	[dreg:$0x6] =	wrdreg s23  }
0x14: {  	[dreg:$0x7] =	wrdreg s6;
	s6 =	sshrl.u32 s24, $0x3;
	s25 =	sadd.s32 $0x100, s2  }
0x15: {  	[dreg:$0xa] =	wrdreg s26;
	s10 =	sadd.s32 s2, s8;
	s23 =	simm.s32 $0x3000  }
0x16: {  	s24 =	simm.s32 $0x1;
	s26 =	simm.s32 $0x7000;
	[dreg:$0xb] =	wrdreg s28  }
0x17: {  	s6 =	sadd.s32 s0, s6;
	s0 =	sadd.s32 s0, s11;
	s12 =	sadd.s32 s25, s8  }
0x18: {  	s13 =	sadd.s32 s25, s9;
	s14 =	sadd.s32 $0x80, s10;
	s11 =	sadd.s32 s2, s9  }
0x19: {  	s2 =	sshll.u32 @!p0 s15, $0x6;
	s8 =	simm.s32 $0x7;
	s10 =	simm.s32 $0x400  }
.Ltmp0:
0x1a: {  	s25 =	simm.s32 $0xC;
	[dreg:$0x8] =	wrdreg s6;
	(pc) =	sbr.rel .LBB2_1-.Ltmp0, $4  }
0x1b: {  	s9 =	simm.s32 $0xB;
	s0 =	sadd.s32 $0x25800, s0;
	[dreg:$0xf] =	wrdreg s12  }
0x1c: {  	s15 =	sadd.s32 $0x80, s11;
	s31 =	sor.u32 @!p0 $0x1C0D, s2;
	[dreg:$0x9] =	wrdreg s0  }
0x1d: {  	s6 =	sshrl.u32 @!p0 s5, $0x3;
	s2 =	simm.s32 $0x5000;
	[dreg:$0xc] =	wrdreg s31  }
0x1e: {  	s5 =	simm.s32 $0x6;
	s11 =	simm.s32 $0xC00;
	[dreg:$0xd] =	wrdreg s6  }
.LBB2_4:
0x1f: {  	s0 =	simm.s32 $0xF80  }
0x20: {  	[spmem:s3] =	stream.indirect.scatter.add.f32 [tilespmem:s2], [sflag:$0x7], $0x80, s0, s21, $0xb8;
	[tilespmem:$0x1C900] =	vst v63  }
0x21: {  	_ =	swait.ge [sflag:s20], $0x2000  }
0x22: {  	[sflag:s20] =	ssyncset.done $0x0  }
0x23: {  	[sflag:s20] =	ssyncadd.s32 $0xFFFFE000  }
0x24: {  	_ =	swait.ge [sflag:s5], $0x2000  }
0x25: {  	[sflag:s5] =	ssyncset.done $0x0  }
0x26: {  	s16 =	simm.s32 $0xFC0;
	[sflag:s5] =	ssyncadd.s32 $0xFFFFE000  }
0x27: {  	[spmem:s3] =	stream.indirect.scatter.add.f32 [tilespmem:s26], [sflag:$0x8], $0x80, s16, s21, $0xb8;
	[tilespmem:$0x1C900] =	vst v63  }
0x28: {  	_ =	swait.ge [sflag:s8], $0x2000  }
0x29: {  	[sflag:s8] =	ssyncset.done $0x0  }
0x2a: {  	[sflag:s8] =	ssyncadd.s32 $0xFFFFE000  }
0x2b: {  	_ =	swait.ge [sflag:s18], $0x2000  }
0x2c: {  	[sflag:s18] =	ssyncset.done $0x0  }
0x2d: {  	[sflag:s18] =	ssyncadd.s32 $0xFFFFE000  }
0x2e: {  	[bflag:$0x0] =	sbarrier.arrive $0xFFFF  }
0x2f: {  	s16 =	rddreg [dreg:$0x9]  }
0x30: {  	s0 =	simm.s32 @p0 $0x1FCD;
	s12 =	rddreg [dreg:$0xb]  }
0x31: {  	[hbm:s16], [sflag:s0] =	dma.local @p0 [spmem:s12], $0x1900  }
0x32: {  	s0 =	simm.s32 @p0 $0xD  }
0x33: {  	_ =	swait.ge @p0 [sflag:s0], $0x1900  }
0x34: {  	s31 =	rddreg [dreg:$0xc]  }
0x35: {  	[sflag:s0] =	ssyncset.done @p0 $0x0;
	s6 =	rddreg [dreg:$0xd]  }
0x36: {  	[sflag:s0] =	ssyncadd.s32 @p0 $0xFFFFE700;
	s0 =	rddreg [dreg:$0x8]  }
0x37: {  	[hbm:s0], [sflag:s31] =	dma.local @!p0 [spmem:s6], $0x2800  }
0x38: {  	s0 =	simm.s32 @!p0 $0xD  }
0x39: {  	_ =	swait.ge @!p0 [sflag:s0], $0x2800  }
0x3a: {  	s28 =	rddreg [dreg:$0xe]  }
0x3b: {  	s16 =	rddreg [dreg:$0xa];
	s28 =	sadd.s32 $0x1, s28  }
0x3c: {  	p1 =	sne.s32 s28, s16  }
.Ltmp1:
0x3d: {  	_ = 	snop;
	(pc) =	sbr.rel @!p1 .LBB2_5-.Ltmp1, $3  }
0x3e: {  	_ =	sdelay $0x1  }
0x3f: {  	[sflag:s0] =	ssyncset.done @!p0 $0x0;
	[dreg:$0xe] =	wrdreg s28  }
0x40: {  	[sflag:s0] =	ssyncadd.s32 @!p0 $0xFFFFD800;
	s28 =	smov.u32 s12;
	s12 =	rddreg [dreg:$0xf]  }
.LBB2_1:
0x41: {  	s16 =	simm.s32 @p0 $0x1FCD;
	s0 =	rddreg [dreg:$0x5]  }
0x42: {  	[spmem:s28], [sflag:s16] =	dma.local @p0 [hbm:s0], $0x1900  }
0x43: {  	s16 =	simm.s32 @p0 $0xD  }
0x44: {  	_ =	swait.ge @p0 [sflag:s16], $0x1900  }
0x45: {  	[sflag:s16] =	ssyncset.done @p0 $0x0  }
0x46: {  	s0 =	rddreg [dreg:$0x4];
	[sflag:s16] =	ssyncadd.s32 @p0 $0xFFFFE700;
	s16 =	simm.s32 @!p0 $0xD  }
0x47: {  	[spmem:s6], [sflag:s31] =	dma.local @!p0 [hbm:s0], $0x2800  }
0x48: {  	_ =	swait.ge @!p0 [sflag:s16], $0x2800  }
0x49: {  	[sflag:s16] =	ssyncset.done @!p0 $0x0  }
0x4a: {  	[sflag:s16] =	ssyncadd.s32 @!p0 $0xFFFFD800  }
0x4b: {  	[bflag:$0x0] =	sbarrier.arrive $0xFFFF  }
0x4c: {  	s6 =	simm.s32 $0xD;
	s16 =	rddreg [dreg:$0x6]  }
0x4d: {  	[tilespmem:s4], [sflag:$0xD] =	stream.linear.gather [hbm4b:s16+s4], $0x400, $0x38;
	[tilespmem:$0x1C900] =	vst v63  }
0x4e: {  	_ =	swait.ge [sflag:s6], $0x400  }
0x4f: {  	[sflag:s6] =	ssyncset.done $0x0  }
0x50: {  	s31 =	simm.s32 $0x800;
	s28 =	rddreg [dreg:$0x7];
	[sflag:s6] =	ssyncadd.s32 $0xFFFFFC00  }
0x51: {  	[tilespmem:s31], [sflag:$0xD] =	stream.linear.gather [hbm4b:s28+s4], $0x400, $0x38;
	[tilespmem:$0x1C900] =	vst v63  }
0x52: {  	_ =	swait.ge [sflag:s6], $0x400  }
0x53: {  	[sflag:s6] =	ssyncset.done $0x0  }
0x54: {  	[sflag:s6] =	ssyncadd.s32 $0xFFFFFC00  }
0x55: {  	[tilespmem:s22], [sflag:$0x1] =	stream.indirect.gather [hbm4b:s1+s21], $0x80, s4, s21, $0xb8;
	[tilespmem:$0x1C900] =	vst v63  }
0x56: {  	s16 =	simm.s32 $0x0;
	s6 =	simm.s32 $0xC0  }
0x57: {  	[tilespmem:s23], [sflag:$0x2] =	stream.indirect.gather [hbm4b:s1+s21], $0x80, s21, s21, $0xb8;
	[tilespmem:$0x1C900] =	vst v63  }
.LBB2_2:
0x58: {  	_ =	swait.ge [sflag:s24], $0x2000;
	p1 =	seq.s32 s16, $0x0  }
0x59: {  	[sflag:s24] =	ssyncset.done $0x0;
	s28 =	simm.s32 @p1 $0x40  }
0x5a: {  	s31 =	simm.s32 @p1 $0x80;
	s0 =	simm.s32 @p1 $0x5000;
	[sflag:s24] =	ssyncadd.s32 $0xFFFFE000  }
0x5b: {  	[tilespmem:s0], [sflag:$0x3] =	stream.indirect.gather @p1 [hbm4b:s1+s28], $0x80, s31, s28, $0xb8;
	[tilespmem:$0x1C900] =	vst v63  }
0x5c: {  	s0 =	simm.s32 @p1 $0x800;
	s31 =	simm.s32 @p1 $0x1000  }
0x5d: {  	[spmem:s3] =	stream.indirect.scatter.add.f32 @p1 [tilespmem:s31], [sflag:$0x5], $0x80, s0, s28, $0xb8;
	[tilespmem:$0x1C900] =	vst v63  }
0x5e: {  	s0 =	simm.s32 @!p1 $0x7  }
0x5f: {  	_ =	swait.ge @!p1 [sflag:s0], $0x2000  }
0x60: {  	s28 =	simm.s32 @!p1 $0x80;
	[sflag:s0] =	ssyncset.done @!p1 $0x0  }
0x61: {  	s31 =	simm.s32 @!p1 $0x5000;
	[sflag:s0] =	ssyncadd.s32 @!p1 $0xFFFFE000;
	s0 =	simm.s32 @!p1 $0x40  }
0x62: {  	[tilespmem:s31], [sflag:$0x3] =	stream.indirect.gather @!p1 [hbm4b:s1+s0], $0x80, s28, s0, $0xb8;
	[tilespmem:$0x1C900] =	vst v63  }
0x63: {  	s28 =	simm.s32 @!p1 $0x800;
	s31 =	simm.s32 @!p1 $0x1000  }
0x64: {  	[spmem:s3] =	stream.indirect.scatter.add.f32 @!p1 [tilespmem:s31], [sflag:$0x5], $0x80, s28, s0, $0xb8;
	[tilespmem:$0x1C900] =	vst v63  }
0x65: {  	s0 =	simm.s32 @!p1 $0x2  }
0x66: {  	_ =	swait.ge @!p1 [sflag:s0], $0x2000  }
0x67: {  	s28 =	simm.s32 @!p1 $0x8;
	[sflag:s0] =	ssyncset.done @!p1 $0x0  }
0x68: {  	s28 =	simm.s32 @p1 $0x2;
	[sflag:s0] =	ssyncadd.s32 @!p1 $0xFFFFE000  }
0x69: {  	_ =	swait.ge [sflag:s28], $0x2000  }
0x6a: {  	[sflag:s28] =	ssyncset.done $0x0  }
0x6b: {  	[sflag:s28] =	ssyncadd.s32 $0xFFFFE000  }
0x6c: {  	[tilespmem:s26], [sflag:$0x4] =	stream.indirect.gather [hbm4b:s1+s21], $0x80, s6, s21, $0xb8;
	[tilespmem:$0x1C900] =	vst v63  }
0x6d: {  	s31 =	simm.s32 $0x840  }
0x6e: {  	[spmem:s3] =	stream.indirect.scatter.add.f32 [tilespmem:s23], [sflag:$0x6], $0x80, s31, s21, $0xb8;
	[tilespmem:$0x1C900] =	vst v63  }
0x6f: {  	_ =	swait.ge [sflag:s29], $0x2000  }
0x70: {  	[sflag:s29] =	ssyncset.done $0x0  }
0x71: {  	[sflag:s29] =	ssyncadd.s32 $0xFFFFE000  }
0x72: {  	_ =	swait.ge [sflag:s30], $0x2000  }
0x73: {  	[sflag:s30] =	ssyncset.done $0x0  }
0x74: {  	s28 =	simm.s32 $0x100;
	[sflag:s30] =	ssyncadd.s32 $0xFFFFE000  }
0x75: {  	[tilespmem:s22], [sflag:$0x1] =	stream.indirect.gather [hbm4b:s1+s21], $0x80, s28, s21, $0xb8;
	[tilespmem:$0x1C900] =	vst v63  }
0x76: {  	s31 =	simm.s32 $0x880  }
0x77: {  	[spmem:s3] =	stream.indirect.scatter.add.f32 [tilespmem:s2], [sflag:$0x7], $0x80, s31, s21, $0xb8;
	[tilespmem:$0x1C900] =	vst v63  }
0x78: {  	_ =	swait.ge [sflag:s20], $0x2000  }
0x79: {  	[sflag:s20] =	ssyncset.done $0x0  }
0x7a: {  	[sflag:s20] =	ssyncadd.s32 $0xFFFFE000  }
0x7b: {  	_ =	swait.ge [sflag:s5], $0x2000  }
0x7c: {  	[sflag:s5] =	ssyncset.done $0x0  }
0x7d: {  	s28 =	simm.s32 $0x140;
	[sflag:s5] =	ssyncadd.s32 $0xFFFFE000  }
0x7e: {  	[tilespmem:s23], [sflag:$0x2] =	stream.indirect.gather [hbm4b:s1+s21], $0x80, s28, s21, $0xb8;
	[tilespmem:$0x1C900] =	vst v63  }
0x7f: {  	s31 =	simm.s32 $0x8C0  }
0x80: {  	[spmem:s3] =	stream.indirect.scatter.add.f32 [tilespmem:s26], [sflag:$0x8], $0x80, s31, s21, $0xb8;
	[tilespmem:$0x1C900] =	vst v63  }
0x81: {  	_ =	swait.ge [sflag:s24], $0x2000  }
0x82: {  	[sflag:s24] =	ssyncset.done $0x0  }
0x83: {  	[sflag:s24] =	ssyncadd.s32 $0xFFFFE000  }
0x84: {  	_ =	swait.ge [sflag:s8], $0x2000  }
0x85: {  	[sflag:s8] =	ssyncset.done $0x0  }
0x86: {  	s28 =	simm.s32 $0x180;
	[sflag:s8] =	ssyncadd.s32 $0xFFFFE000  }
0x87: {  	[tilespmem:s2], [sflag:$0x3] =	stream.indirect.gather [hbm4b:s1+s21], $0x80, s28, s21, $0xb8;
	[tilespmem:$0x1C900] =	vst v63  }
0x88: {  	s31 =	sadd.s32 s16, s14  }
0x89: {  	[tilespmem:s10], [sflag:$0xA] =	stream.linear.gather [hbm4b:s31+s4], $0x400, $0x38;
	[tilespmem:$0x1C900] =	vst v63  }
0x8a: {  	s28 =	sadd.s32 s16, s15  }
0x8b: {  	[tilespmem:s11], [sflag:$0xC] =	stream.linear.gather [hbm4b:s28+s4], $0x400, $0x38;
	[tilespmem:$0x1C900] =	vst v63  }
0x8c: {  	s31 =	simm.s32 $0x900  }
0x8d: {  	[spmem:s3] =	stream.indirect.scatter.add.f32 [tilespmem:s22], [sflag:$0x5], $0x80, s31, s21, $0xb8;
	[tilespmem:$0x1C900] =	vst v63  }
0x8e: {  	_ =	swait.ge [sflag:s17], $0x2000  }
0x8f: {  	[sflag:s17] =	ssyncset.done $0x0  }
0x90: {  	[sflag:s17] =	ssyncadd.s32 $0xFFFFE000  }
0x91: {  	_ =	swait.ge [sflag:s18], $0x2000  }
0x92: {  	[sflag:s18] =	ssyncset.done $0x0  }
0x93: {  	s28 =	simm.s32 $0x1C0;
	[sflag:s18] =	ssyncadd.s32 $0xFFFFE000  }
0x94: {  	[tilespmem:s26], [sflag:$0x4] =	stream.indirect.gather [hbm4b:s1+s21], $0x80, s28, s21, $0xb8;
	[tilespmem:$0x1C900] =	vst v63  }
0x95: {  	s31 =	simm.s32 $0x940  }
0x96: {  	[spmem:s3] =	stream.indirect.scatter.add.f32 [tilespmem:s23], [sflag:$0x6], $0x80, s31, s21, $0xb8;
	[tilespmem:$0x1C900] =	vst v63  }
0x97: {  	_ =	swait.ge [sflag:s29], $0x2000  }
0x98: {  	[sflag:s29] =	ssyncset.done $0x0  }
0x99: {  	[sflag:s29] =	ssyncadd.s32 $0xFFFFE000  }
0x9a: {  	_ =	swait.ge [sflag:s30], $0x2000  }
0x9b: {  	[sflag:s30] =	ssyncset.done $0x0  }
0x9c: {  	s28 =	simm.s32 $0x200;
	[sflag:s30] =	ssyncadd.s32 $0xFFFFE000  }
0x9d: {  	[tilespmem:s22], [sflag:$0x1] =	stream.indirect.gather [hbm4b:s1+s21], $0x80, s28, s21, $0xb8;
	[tilespmem:$0x1C900] =	vst v63  }
0x9e: {  	s31 =	simm.s32 $0x980  }
0x9f: {  	[spmem:s3] =	stream.indirect.scatter.add.f32 [tilespmem:s2], [sflag:$0x7], $0x80, s31, s21, $0xb8;
	[tilespmem:$0x1C900] =	vst v63  }
0xa0: {  	_ =	swait.ge [sflag:s20], $0x2000  }
0xa1: {  	[sflag:s20] =	ssyncset.done $0x0  }
0xa2: {  	[sflag:s20] =	ssyncadd.s32 $0xFFFFE000  }
0xa3: {  	_ =	swait.ge [sflag:s5], $0x2000  }
0xa4: {  	[sflag:s5] =	ssyncset.done $0x0  }
0xa5: {  	s28 =	simm.s32 $0x240;
	[sflag:s5] =	ssyncadd.s32 $0xFFFFE000  }
0xa6: {  	[tilespmem:s23], [sflag:$0x2] =	stream.indirect.gather [hbm4b:s1+s21], $0x80, s28, s21, $0xb8;
	[tilespmem:$0x1C900] =	vst v63  }
0xa7: {  	s31 =	simm.s32 $0x9C0  }
0xa8: {  	[spmem:s3] =	stream.indirect.scatter.add.f32 [tilespmem:s26], [sflag:$0x8], $0x80, s31, s21, $0xb8;
	[tilespmem:$0x1C900] =	vst v63  }
0xa9: {  	_ =	swait.ge [sflag:s24], $0x2000  }
0xaa: {  	[sflag:s24] =	ssyncset.done $0x0  }
0xab: {  	[sflag:s24] =	ssyncadd.s32 $0xFFFFE000  }
0xac: {  	_ =	swait.ge [sflag:s8], $0x2000  }
0xad: {  	[sflag:s8] =	ssyncset.done $0x0  }
0xae: {  	s28 =	simm.s32 $0x280;
	[sflag:s8] =	ssyncadd.s32 $0xFFFFE000  }
0xaf: {  	[tilespmem:s2], [sflag:$0x3] =	stream.indirect.gather [hbm4b:s1+s21], $0x80, s28, s21, $0xb8;
	[tilespmem:$0x1C900] =	vst v63  }
0xb0: {  	s31 =	simm.s32 $0xA00  }
0xb1: {  	[spmem:s3] =	stream.indirect.scatter.add.f32 [tilespmem:s22], [sflag:$0x5], $0x80, s31, s21, $0xb8;
	[tilespmem:$0x1C900] =	vst v63  }
0xb2: {  	_ =	swait.ge [sflag:s17], $0x2000  }
0xb3: {  	[sflag:s17] =	ssyncset.done $0x0  }
0xb4: {  	[sflag:s17] =	ssyncadd.s32 $0xFFFFE000  }
0xb5: {  	_ =	swait.ge [sflag:s18], $0x2000  }
0xb6: {  	[sflag:s18] =	ssyncset.done $0x0  }
0xb7: {  	s28 =	simm.s32 $0x2C0;
	[sflag:s18] =	ssyncadd.s32 $0xFFFFE000  }
0xb8: {  	[tilespmem:s26], [sflag:$0x4] =	stream.indirect.gather [hbm4b:s1+s21], $0x80, s28, s21, $0xb8;
	[tilespmem:$0x1C900] =	vst v63  }
0xb9: {  	s31 =	simm.s32 $0xA40  }
0xba: {  	[spmem:s3] =	stream.indirect.scatter.add.f32 [tilespmem:s23], [sflag:$0x6], $0x80, s31, s21, $0xb8;
	[tilespmem:$0x1C900] =	vst v63  }
0xbb: {  	_ =	swait.ge [sflag:s29], $0x2000  }
0xbc: {  	[sflag:s29] =	ssyncset.done $0x0  }
0xbd: {  	[sflag:s29] =	ssyncadd.s32 $0xFFFFE000  }
0xbe: {  	_ =	swait.ge [sflag:s30], $0x2000  }
0xbf: {  	[sflag:s30] =	ssyncset.done $0x0  }
0xc0: {  	s28 =	simm.s32 $0x300;
	[sflag:s30] =	ssyncadd.s32 $0xFFFFE000  }
0xc1: {  	[tilespmem:s22], [sflag:$0x1] =	stream.indirect.gather [hbm4b:s1+s21], $0x80, s28, s21, $0xb8;
	[tilespmem:$0x1C900] =	vst v63  }
0xc2: {  	s31 =	simm.s32 $0xA80  }
0xc3: {  	[spmem:s3] =	stream.indirect.scatter.add.f32 [tilespmem:s2], [sflag:$0x7], $0x80, s31, s21, $0xb8;
	[tilespmem:$0x1C900] =	vst v63  }
0xc4: {  	_ =	swait.ge [sflag:s20], $0x2000  }
0xc5: {  	[sflag:s20] =	ssyncset.done $0x0  }
0xc6: {  	[sflag:s20] =	ssyncadd.s32 $0xFFFFE000  }
0xc7: {  	_ =	swait.ge [sflag:s5], $0x2000  }
0xc8: {  	[sflag:s5] =	ssyncset.done $0x0  }
0xc9: {  	s28 =	simm.s32 $0x340;
	[sflag:s5] =	ssyncadd.s32 $0xFFFFE000  }
0xca: {  	[tilespmem:s23], [sflag:$0x2] =	stream.indirect.gather [hbm4b:s1+s21], $0x80, s28, s21, $0xb8;
	[tilespmem:$0x1C900] =	vst v63  }
0xcb: {  	s31 =	simm.s32 $0xAC0  }
0xcc: {  	[spmem:s3] =	stream.indirect.scatter.add.f32 [tilespmem:s26], [sflag:$0x8], $0x80, s31, s21, $0xb8;
	[tilespmem:$0x1C900] =	vst v63  }
0xcd: {  	_ =	swait.ge [sflag:s24], $0x2000  }
0xce: {  	[sflag:s24] =	ssyncset.done $0x0  }
0xcf: {  	[sflag:s24] =	ssyncadd.s32 $0xFFFFE000  }
0xd0: {  	_ =	swait.ge [sflag:s8], $0x2000  }
0xd1: {  	[sflag:s8] =	ssyncset.done $0x0  }
0xd2: {  	s28 =	simm.s32 $0x380;
	[sflag:s8] =	ssyncadd.s32 $0xFFFFE000  }
0xd3: {  	[tilespmem:s2], [sflag:$0x3] =	stream.indirect.gather [hbm4b:s1+s21], $0x80, s28, s21, $0xb8;
	[tilespmem:$0x1C900] =	vst v63  }
0xd4: {  	s31 =	simm.s32 $0xB00  }
0xd5: {  	[spmem:s3] =	stream.indirect.scatter.add.f32 [tilespmem:s22], [sflag:$0x5], $0x80, s31, s21, $0xb8;
	[tilespmem:$0x1C900] =	vst v63  }
0xd6: {  	_ =	swait.ge [sflag:s17], $0x2000  }
0xd7: {  	[sflag:s17] =	ssyncset.done $0x0  }
0xd8: {  	[sflag:s17] =	ssyncadd.s32 $0xFFFFE000  }
0xd9: {  	_ =	swait.ge [sflag:s18], $0x2000  }
0xda: {  	[sflag:s18] =	ssyncset.done $0x0  }
0xdb: {  	s28 =	simm.s32 $0x3C0;
	[sflag:s18] =	ssyncadd.s32 $0xFFFFE000  }
0xdc: {  	[tilespmem:s26], [sflag:$0x4] =	stream.indirect.gather [hbm4b:s1+s21], $0x80, s28, s21, $0xb8;
	[tilespmem:$0x1C900] =	vst v63  }
0xdd: {  	s31 =	simm.s32 $0xB40  }
0xde: {  	[spmem:s3] =	stream.indirect.scatter.add.f32 [tilespmem:s23], [sflag:$0x6], $0x80, s31, s21, $0xb8;
	[tilespmem:$0x1C900] =	vst v63  }
0xdf: {  	_ =	swait.ge [sflag:s29], $0x2000  }
0xe0: {  	[sflag:s29] =	ssyncset.done $0x0  }
0xe1: {  	[sflag:s29] =	ssyncadd.s32 $0xFFFFE000  }
0xe2: {  	_ =	swait.ge [sflag:s30], $0x2000  }
0xe3: {  	[sflag:s30] =	ssyncset.done $0x0  }
0xe4: {  	[sflag:s30] =	ssyncadd.s32 $0xFFFFE000  }
0xe5: {  	_ =	swait.ge [sflag:s19], $0x400  }
0xe6: {  	[sflag:s19] =	ssyncset.done $0x0  }
0xe7: {  	[sflag:s19] =	ssyncadd.s32 $0xFFFFFC00  }
0xe8: {  	_ =	swait.ge [sflag:s25], $0x400  }
0xe9: {  	[sflag:s25] =	ssyncset.done $0x0  }
0xea: {  	[sflag:s25] =	ssyncadd.s32 $0xFFFFFC00  }
0xeb: {  	[tilespmem:s22], [sflag:$0x1] =	stream.indirect.gather [hbm4b:s1+s21], $0x80, s10, s21, $0xb8;
	[tilespmem:$0x1C900] =	vst v63  }
0xec: {  	s28 =	simm.s32 $0xB80  }
0xed: {  	[spmem:s3] =	stream.indirect.scatter.add.f32 [tilespmem:s2], [sflag:$0x7], $0x80, s28, s21, $0xb8;
	[tilespmem:$0x1C900] =	vst v63  }
0xee: {  	_ =	swait.ge [sflag:s20], $0x2000  }
0xef: {  	[sflag:s20] =	ssyncset.done $0x0  }
0xf0: {  	[sflag:s20] =	ssyncadd.s32 $0xFFFFE000  }
0xf1: {  	_ =	swait.ge [sflag:s5], $0x2000  }
0xf2: {  	[sflag:s5] =	ssyncset.done $0x0  }
0xf3: {  	s31 =	simm.s32 $0x440;
	[sflag:s5] =	ssyncadd.s32 $0xFFFFE000  }
0xf4: {  	[tilespmem:s23], [sflag:$0x2] =	stream.indirect.gather [hbm4b:s1+s21], $0x80, s31, s21, $0xb8;
	[tilespmem:$0x1C900] =	vst v63  }
0xf5: {  	s28 =	simm.s32 $0xBC0  }
0xf6: {  	[spmem:s3] =	stream.indirect.scatter.add.f32 [tilespmem:s26], [sflag:$0x8], $0x80, s28, s21, $0xb8;
	[tilespmem:$0x1C900] =	vst v63  }
0xf7: {  	_ =	swait.ge [sflag:s24], $0x2000  }
0xf8: {  	[sflag:s24] =	ssyncset.done $0x0  }
0xf9: {  	[sflag:s24] =	ssyncadd.s32 $0xFFFFE000  }
0xfa: {  	_ =	swait.ge [sflag:s8], $0x2000  }
0xfb: {  	[sflag:s8] =	ssyncset.done $0x0  }
0xfc: {  	s31 =	simm.s32 $0x480;
	[sflag:s8] =	ssyncadd.s32 $0xFFFFE000  }
0xfd: {  	[tilespmem:s2], [sflag:$0x3] =	stream.indirect.gather [hbm4b:s1+s21], $0x80, s31, s21, $0xb8;
	[tilespmem:$0x1C900] =	vst v63  }
0xfe: {  	_ = 	snop  }
0xff: {  	[spmem:s3] =	stream.indirect.scatter.add.f32 [tilespmem:s22], [sflag:$0x5], $0x80, s11, s21, $0xb8;
	[tilespmem:$0x1C900] =	vst v63  }
0x100: {  	_ =	swait.ge [sflag:s17], $0x2000  }
0x101: {  	[sflag:s17] =	ssyncset.done $0x0  }
0x102: {  	[sflag:s17] =	ssyncadd.s32 $0xFFFFE000  }
0x103: {  	_ =	swait.ge [sflag:s18], $0x2000  }
0x104: {  	[sflag:s18] =	ssyncset.done $0x0  }
0x105: {  	s28 =	simm.s32 $0x4C0;
	[sflag:s18] =	ssyncadd.s32 $0xFFFFE000  }
0x106: {  	[tilespmem:s26], [sflag:$0x4] =	stream.indirect.gather [hbm4b:s1+s21], $0x80, s28, s21, $0xb8;
	[tilespmem:$0x1C900] =	vst v63  }
0x107: {  	s31 =	simm.s32 $0xC40  }
0x108: {  	[spmem:s3] =	stream.indirect.scatter.add.f32 [tilespmem:s23], [sflag:$0x6], $0x80, s31, s21, $0xb8;
	[tilespmem:$0x1C900] =	vst v63  }
0x109: {  	_ =	swait.ge [sflag:s29], $0x2000  }
0x10a: {  	[sflag:s29] =	ssyncset.done $0x0  }
0x10b: {  	[sflag:s29] =	ssyncadd.s32 $0xFFFFE000  }
0x10c: {  	_ =	swait.ge [sflag:s30], $0x2000  }
0x10d: {  	[sflag:s30] =	ssyncset.done $0x0  }
0x10e: {  	s28 =	simm.s32 $0x500;
	[sflag:s30] =	ssyncadd.s32 $0xFFFFE000  }
0x10f: {  	[tilespmem:s22], [sflag:$0x1] =	stream.indirect.gather [hbm4b:s1+s21], $0x80, s28, s21, $0xb8;
	[tilespmem:$0x1C900] =	vst v63  }
0x110: {  	s31 =	simm.s32 $0xC80  }
0x111: {  	[spmem:s3] =	stream.indirect.scatter.add.f32 [tilespmem:s2], [sflag:$0x7], $0x80, s31, s21, $0xb8;
	[tilespmem:$0x1C900] =	vst v63  }
0x112: {  	_ =	swait.ge [sflag:s20], $0x2000  }
0x113: {  	[sflag:s20] =	ssyncset.done $0x0  }
0x114: {  	[sflag:s20] =	ssyncadd.s32 $0xFFFFE000  }
0x115: {  	_ =	swait.ge [sflag:s5], $0x2000  }
0x116: {  	[sflag:s5] =	ssyncset.done $0x0  }
0x117: {  	s28 =	simm.s32 $0x540;
	[sflag:s5] =	ssyncadd.s32 $0xFFFFE000  }
0x118: {  	[tilespmem:s23], [sflag:$0x2] =	stream.indirect.gather [hbm4b:s1+s21], $0x80, s28, s21, $0xb8;
	[tilespmem:$0x1C900] =	vst v63  }
0x119: {  	s31 =	simm.s32 $0xCC0  }
0x11a: {  	[spmem:s3] =	stream.indirect.scatter.add.f32 [tilespmem:s26], [sflag:$0x8], $0x80, s31, s21, $0xb8;
	[tilespmem:$0x1C900] =	vst v63  }
0x11b: {  	_ =	swait.ge [sflag:s24], $0x2000  }
0x11c: {  	[sflag:s24] =	ssyncset.done $0x0  }
0x11d: {  	[sflag:s24] =	ssyncadd.s32 $0xFFFFE000  }
0x11e: {  	_ =	swait.ge [sflag:s8], $0x2000  }
0x11f: {  	[sflag:s8] =	ssyncset.done $0x0  }
0x120: {  	p1 =	seq.s32 s16, $0x400;
	s28 =	simm.s32 $0x580;
	[sflag:s8] =	ssyncadd.s32 $0xFFFFE000  }
0x121: {  	[tilespmem:s2], [sflag:$0x3] =	stream.indirect.gather [hbm4b:s1+s21], $0x80, s28, s21, $0xb8;
	[tilespmem:$0x1C900] =	vst v63  }
0x122: {  	s0 =	sadd.s32 @!p1 s16, s12;
	s28 =	simm.s32 @!p1 $0x0  }
0x123: {  	[tilespmem:s28], [sflag:$0x9] =	stream.linear.gather @!p1 [hbm4b:s0+s28], $0x400, $0x38;
	[tilespmem:$0x1C900] =	vst v63  }
0x124: {  	s31 =	simm.s32 @!p1 $0x800;
	s0 =	sadd.s32 @!p1 s16, s13  }
0x125: {  	[tilespmem:s31], [sflag:$0xB] =	stream.linear.gather @!p1 [hbm4b:s0+s28], $0x400, $0x38;
	[tilespmem:$0x1C900] =	vst v63  }
0x126: {  	s31 =	simm.s32 $0xD00  }
0x127: {  	[spmem:s3] =	stream.indirect.scatter.add.f32 [tilespmem:s22], [sflag:$0x5], $0x80, s31, s21, $0xb8;
	[tilespmem:$0x1C900] =	vst v63  }
0x128: {  	_ =	swait.ge [sflag:s17], $0x2000  }
0x129: {  	[sflag:s17] =	ssyncset.done $0x0  }
0x12a: {  	[sflag:s17] =	ssyncadd.s32 $0xFFFFE000  }
0x12b: {  	_ =	swait.ge [sflag:s18], $0x2000  }
0x12c: {  	[sflag:s18] =	ssyncset.done $0x0  }
0x12d: {  	s28 =	simm.s32 $0x5C0;
	[sflag:s18] =	ssyncadd.s32 $0xFFFFE000  }
0x12e: {  	[tilespmem:s26], [sflag:$0x4] =	stream.indirect.gather [hbm4b:s1+s21], $0x80, s28, s21, $0xb8;
	[tilespmem:$0x1C900] =	vst v63  }
0x12f: {  	s31 =	simm.s32 $0xD40  }
0x130: {  	[spmem:s3] =	stream.indirect.scatter.add.f32 [tilespmem:s23], [sflag:$0x6], $0x80, s31, s21, $0xb8;
	[tilespmem:$0x1C900] =	vst v63  }
0x131: {  	_ =	swait.ge [sflag:s29], $0x2000  }
0x132: {  	[sflag:s29] =	ssyncset.done $0x0  }
0x133: {  	[sflag:s29] =	ssyncadd.s32 $0xFFFFE000  }
0x134: {  	_ =	swait.ge [sflag:s30], $0x2000  }
0x135: {  	[sflag:s30] =	ssyncset.done $0x0  }
0x136: {  	s28 =	simm.s32 $0x600;
	[sflag:s30] =	ssyncadd.s32 $0xFFFFE000  }
0x137: {  	[tilespmem:s22], [sflag:$0x1] =	stream.indirect.gather [hbm4b:s1+s21], $0x80, s28, s21, $0xb8;
	[tilespmem:$0x1C900] =	vst v63  }
0x138: {  	s31 =	simm.s32 $0xD80  }
0x139: {  	[spmem:s3] =	stream.indirect.scatter.add.f32 [tilespmem:s2], [sflag:$0x7], $0x80, s31, s21, $0xb8;
	[tilespmem:$0x1C900] =	vst v63  }
0x13a: {  	_ =	swait.ge [sflag:s20], $0x2000  }
0x13b: {  	[sflag:s20] =	ssyncset.done $0x0  }
0x13c: {  	[sflag:s20] =	ssyncadd.s32 $0xFFFFE000  }
0x13d: {  	_ =	swait.ge [sflag:s5], $0x2000  }
0x13e: {  	[sflag:s5] =	ssyncset.done $0x0  }
0x13f: {  	s28 =	simm.s32 $0x640;
	[sflag:s5] =	ssyncadd.s32 $0xFFFFE000  }
0x140: {  	[tilespmem:s23], [sflag:$0x2] =	stream.indirect.gather [hbm4b:s1+s21], $0x80, s28, s21, $0xb8;
	[tilespmem:$0x1C900] =	vst v63  }
0x141: {  	s31 =	simm.s32 $0xDC0  }
0x142: {  	[spmem:s3] =	stream.indirect.scatter.add.f32 [tilespmem:s26], [sflag:$0x8], $0x80, s31, s21, $0xb8;
	[tilespmem:$0x1C900] =	vst v63  }
0x143: {  	_ =	swait.ge [sflag:s24], $0x2000  }
0x144: {  	[sflag:s24] =	ssyncset.done $0x0  }
0x145: {  	[sflag:s24] =	ssyncadd.s32 $0xFFFFE000  }
0x146: {  	_ =	swait.ge [sflag:s8], $0x2000  }
0x147: {  	[sflag:s8] =	ssyncset.done $0x0  }
0x148: {  	s28 =	simm.s32 $0x680;
	[sflag:s8] =	ssyncadd.s32 $0xFFFFE000  }
0x149: {  	[tilespmem:s2], [sflag:$0x3] =	stream.indirect.gather [hbm4b:s1+s21], $0x80, s28, s21, $0xb8;
	[tilespmem:$0x1C900] =	vst v63  }
0x14a: {  	s31 =	simm.s32 $0xE00  }
0x14b: {  	[spmem:s3] =	stream.indirect.scatter.add.f32 [tilespmem:s22], [sflag:$0x5], $0x80, s31, s21, $0xb8;
	[tilespmem:$0x1C900] =	vst v63  }
0x14c: {  	_ =	swait.ge [sflag:s17], $0x2000  }
0x14d: {  	[sflag:s17] =	ssyncset.done $0x0  }
0x14e: {  	[sflag:s17] =	ssyncadd.s32 $0xFFFFE000  }
0x14f: {  	_ =	swait.ge [sflag:s18], $0x2000  }
0x150: {  	[sflag:s18] =	ssyncset.done $0x0  }
0x151: {  	s28 =	simm.s32 $0x6C0;
	[sflag:s18] =	ssyncadd.s32 $0xFFFFE000  }
0x152: {  	[tilespmem:s26], [sflag:$0x4] =	stream.indirect.gather [hbm4b:s1+s21], $0x80, s28, s21, $0xb8;
	[tilespmem:$0x1C900] =	vst v63  }
0x153: {  	s31 =	simm.s32 $0xE40  }
0x154: {  	[spmem:s3] =	stream.indirect.scatter.add.f32 [tilespmem:s23], [sflag:$0x6], $0x80, s31, s21, $0xb8;
	[tilespmem:$0x1C900] =	vst v63  }
0x155: {  	_ =	swait.ge [sflag:s29], $0x2000  }
0x156: {  	[sflag:s29] =	ssyncset.done $0x0  }
0x157: {  	[sflag:s29] =	ssyncadd.s32 $0xFFFFE000  }
0x158: {  	_ =	swait.ge [sflag:s30], $0x2000  }
0x159: {  	[sflag:s30] =	ssyncset.done $0x0  }
0x15a: {  	s28 =	simm.s32 $0x700;
	[sflag:s30] =	ssyncadd.s32 $0xFFFFE000  }
0x15b: {  	[tilespmem:s22], [sflag:$0x1] =	stream.indirect.gather [hbm4b:s1+s21], $0x80, s28, s21, $0xb8;
	[tilespmem:$0x1C900] =	vst v63  }
0x15c: {  	s31 =	simm.s32 $0xE80  }
0x15d: {  	[spmem:s3] =	stream.indirect.scatter.add.f32 [tilespmem:s2], [sflag:$0x7], $0x80, s31, s21, $0xb8;
	[tilespmem:$0x1C900] =	vst v63  }
0x15e: {  	_ =	swait.ge [sflag:s20], $0x2000  }
0x15f: {  	[sflag:s20] =	ssyncset.done $0x0  }
0x160: {  	[sflag:s20] =	ssyncadd.s32 $0xFFFFE000  }
0x161: {  	_ =	swait.ge [sflag:s5], $0x2000  }
0x162: {  	[sflag:s5] =	ssyncset.done $0x0  }
0x163: {  	s28 =	simm.s32 $0x740;
	[sflag:s5] =	ssyncadd.s32 $0xFFFFE000  }
0x164: {  	[tilespmem:s23], [sflag:$0x2] =	stream.indirect.gather [hbm4b:s1+s21], $0x80, s28, s21, $0xb8;
	[tilespmem:$0x1C900] =	vst v63  }
0x165: {  	s31 =	simm.s32 $0xEC0  }
0x166: {  	[spmem:s3] =	stream.indirect.scatter.add.f32 [tilespmem:s26], [sflag:$0x8], $0x80, s31, s21, $0xb8;
	[tilespmem:$0x1C900] =	vst v63  }
0x167: {  	_ =	swait.ge [sflag:s24], $0x2000  }
0x168: {  	[sflag:s24] =	ssyncset.done $0x0  }
0x169: {  	[sflag:s24] =	ssyncadd.s32 $0xFFFFE000  }
0x16a: {  	_ =	swait.ge [sflag:s8], $0x2000  }
0x16b: {  	[sflag:s8] =	ssyncset.done $0x0  }
0x16c: {  	s28 =	simm.s32 $0x780;
	[sflag:s8] =	ssyncadd.s32 $0xFFFFE000  }
0x16d: {  	[tilespmem:s2], [sflag:$0x3] =	stream.indirect.gather [hbm4b:s1+s21], $0x80, s28, s21, $0xb8;
	[tilespmem:$0x1C900] =	vst v63  }
0x16e: {  	s31 =	simm.s32 $0xF00  }
0x16f: {  	[spmem:s3] =	stream.indirect.scatter.add.f32 [tilespmem:s22], [sflag:$0x5], $0x80, s31, s21, $0xb8;
	[tilespmem:$0x1C900] =	vst v63  }
0x170: {  	_ =	swait.ge [sflag:s17], $0x2000  }
0x171: {  	[sflag:s17] =	ssyncset.done $0x0  }
0x172: {  	[sflag:s17] =	ssyncadd.s32 $0xFFFFE000  }
0x173: {  	_ =	swait.ge [sflag:s18], $0x2000  }
0x174: {  	[sflag:s18] =	ssyncset.done $0x0  }
0x175: {  	s28 =	simm.s32 $0x7C0;
	[sflag:s18] =	ssyncadd.s32 $0xFFFFE000  }
0x176: {  	[tilespmem:s26], [sflag:$0x4] =	stream.indirect.gather [hbm4b:s1+s21], $0x80, s28, s21, $0xb8;
	[tilespmem:$0x1C900] =	vst v63  }
0x177: {  	s31 =	simm.s32 $0xF40  }
0x178: {  	[spmem:s3] =	stream.indirect.scatter.add.f32 [tilespmem:s23], [sflag:$0x6], $0x80, s31, s21, $0xb8;
	[tilespmem:$0x1C900] =	vst v63  }
0x179: {  	_ =	swait.ge [sflag:s29], $0x2000  }
.Ltmp2:
0x17a: {  	[sflag:s29] =	ssyncset.done $0x0;
	(pc) =	sbr.rel @p1 .LBB2_4-.Ltmp2, $4  }
0x17b: {  	[sflag:s29] =	ssyncadd.s32 $0xFFFFE000  }
0x17c: {  	_ =	swait.ge [sflag:s30], $0x2000  }
0x17d: {  	[sflag:s30] =	ssyncset.done $0x0  }
0x17e: {  	[sflag:s30] =	ssyncadd.s32 $0xFFFFE000  }
0x17f: {  	_ =	swait.ge [sflag:s7], $0x400  }
0x180: {  	[sflag:s7] =	ssyncset.done $0x0  }
0x181: {  	[sflag:s7] =	ssyncadd.s32 $0xFFFFFC00  }
0x182: {  	_ =	swait.ge [sflag:s9], $0x400  }
0x183: {  	[sflag:s9] =	ssyncset.done $0x0  }
0x184: {  	[sflag:s9] =	ssyncadd.s32 $0xFFFFFC00  }
0x185: {  	[tilespmem:s22], [sflag:$0x1] =	stream.indirect.gather [hbm4b:s1+s21], $0x80, s4, s21, $0xb8;
	[tilespmem:$0x1C900] =	vst v63  }
0x186: {  	s0 =	simm.s32 $0xF80  }
0x187: {  	[spmem:s3] =	stream.indirect.scatter.add.f32 [tilespmem:s2], [sflag:$0x7], $0x80, s0, s21, $0xb8;
	[tilespmem:$0x1C900] =	vst v63  }
0x188: {  	_ =	swait.ge [sflag:s20], $0x2000  }
0x189: {  	[sflag:s20] =	ssyncset.done $0x0  }
0x18a: {  	[sflag:s20] =	ssyncadd.s32 $0xFFFFE000  }
0x18b: {  	_ =	swait.ge [sflag:s5], $0x2000  }
.Ltmp3:
0x18c: {  	[sflag:s5] =	ssyncset.done $0x0;
	(pc) =	sbr.rel .LBB2_2-.Ltmp3, $4  }
0x18d: {  	[sflag:s5] =	ssyncadd.s32 $0xFFFFE000  }
0x18e: {  	[tilespmem:s23], [sflag:$0x2] =	stream.indirect.gather [hbm4b:s1+s21], $0x80, s21, s21, $0xb8;
	[tilespmem:$0x1C900] =	vst v63  }
0x18f: {  	s31 =	simm.s32 $0xFC0;
	s16 =	sadd.s32 $0x100, s16  }
0x190: {  	[spmem:s3] =	stream.indirect.scatter.add.f32 [tilespmem:s26], [sflag:$0x8], $0x80, s31, s21, $0xb8;
	[tilespmem:$0x1C900] =	vst v63  }
.LBB2_5:
0x191: {  	_ =	sfence.sel $0x180000  }
0x192: {  	[bflag:$0x0] =	sbarrier.arrive $0xFFFF  }
0x193: {  	_ =	strace $0x9000004D  }
0x194: {  	s0 =	stileid.u32;
	[bflag:$0x2] =	sbarrier.arrive $0xFFFF  }
0x195: {  	p0 =	sne.s32 s0, $0x0;
	s0 =	rddreg [dreg:$0x3]  }
0x196: {  	s0 =	sadd.s32 @!p0 $0x100000, s0  }
0x197: {  	[sflag:s0] =	ssyncadd.tile.s32 @!p0 $0x1;
	_ =	shalt  }
.Lfunc_end2:
_tile_overlayer_lowered:
.L_overlay_start_2:
0x198: {  	(tag) =	ssettag $0x2  }
0x199: {  	s0 =	rddreg [dreg:$0x0];
	s2 =	stileid.u32  }
0x19a: {  	s1 =	rddreg [dreg:$0x1];
	p0 =	sne.s32 s2, $0x0  }
0x19b: {  	s3 =	rddreg [dreg:$0x2];
	[bflag:$0x3] =	sbarrier.arrive $0xFFFF;
	s2 =	simm.s32 @!p0 $0x1C0D  }
0x19c: {  	[timem:s3], [sflag:s2] =	dma.local @!p0 [hbm:s0], s1  }
0x19d: {  	s0 =	simm.s32 @!p0 $0xD  }
0x19e: {  	_ =	swait.ge @!p0 [sflag:s0], s1  }
0x19f: {  	s1 =	ssub.s32 @!p0 $0x0, s1;
	[sflag:s0] =	ssyncset.done @!p0 $0x0  }
0x1a0: {  	[sflag:s0] =	ssyncadd.s32 @!p0 s1  }
0x1a1: {  	[bflag:$0x3] =	sbarrier.arrive $0xFFFF  }
0x1a2: {  	_ =	shalt  }

// kernel: kernel.9.cloned.1.call-start
scs
__scs_entry_jumppad:
0x0: {  	(pc) =	sbr.rel $0x88, $3  }
0x1: {  	(tag) =	ssettag $0x0;
	lr =	simm.s32 $0x1  }
0x2: {  	[smem:$0x3F9B] =	sst lr;
	_ =	strace $0xD0000000  }
0x3: {  	_ = 	snop  }
0x4: {  	_ = 	snop  }
0x5: {  	_ = 	snop  }
0x6: {  	_ = 	snop  }
0x7: {  	_ = 	snop  }
__scs_overlays_trampoline_lowered:
0x8: {  	[smem:$0x3FAA] =	sst s0  }
0x9: {  	[smem:$0x3FAB] =	sst s1  }
0xa: {  	[smem:$0x3FAC] =	sst s2  }
0xb: {  	[smem:$0x3FAD] =	sst s3  }
0xc: {  	[smem:$0x3FAE] =	sst s4  }
0xd: {  	[smem:$0x3FAF] =	sst s5  }
0xe: {  	[smem:$0x3FB0] =	sst s6  }
0xf: {  	[smem:$0x3FB1] =	sst s7  }
0x10: {  	[smem:$0x3FB2] =	sst s8  }
0x11: {  	[smem:$0x3FB3] =	sst s9;
	s0 =	simm.s32 @!p0 $0x0  }
0x12: {  	s1 =	sld [smem:$0x3F99];
	s0 =	simm.s32 @p0 $0x1  }
0x13: {  	[smem:$0x3FB4] =	sst s0;
	s0 =	simm.s32 @!p1 $0x0  }
0x14: {  	s2 =	sld [smem:$0x3F98];
	s0 =	simm.s32 @p1 $0x1  }
0x15: {  	[smem:$0x3FB5] =	sst s0;
	s0 =	simm.s32 @!p2 $0x0  }
0x16: {  	s3 =	sld [smem:$0x3FDB];
	s0 =	simm.s32 @p2 $0x1  }
0x17: {  	s4 =	simm.s32 $0x1BF5;
	[smem:$0x3FB7] =	sst s0  }
0x18: {  	s0 =	sld [smem:$0x3F9A];
	_ =	swait.ge [sflag:s4], $0x0  }
0x19: {  	s7 =	sld [smem:$0x3F9B]  }
0x1a: {  	s8 =	sadd.s32 $0xFFFFE003, lr  }
0x1b: {  	s9 =	sadd.s32 $0xFFFFFEF7, lr;
	s5 =	simm.s32 $0xFFFFFFFF;
	p2 =	slt.u32 s8, $0xFFFFF086  }
0x1c: {  	p1 =	slt.u32 s9, $0xF7A;
	s5 =	simm.s32 @!p2 $0x0  }
0x1d: {  	s5 =	simm.s32 @p1 $0x1;
	p0 =	seq.s32 s7, s2  }
0x1e: {  	s7 =	smul.u32 @!p0 $0xF7A, s2;
	p2 =	seq.s32 @!p0 s5, $0x0  }
0x1f: {  	s9 =	smul.u32 $0xF7A, s1;
	s8 =	simm.s32 @!p0 $0x1BF5;
	p2 =	por !p2, p0  }
0x20: {  	[sflag:s8] =	ssyncset.s32 @!p0 $0xFFFFF086;
	s6 =	sadd.s32 @!p0 s3, s7;
	s7 =	simm.s32 @!p0 $0x108  }
0x21: {  	s3 =	sadd.s32 s3, s9;
	s6 =	sadd.s32 @!p0 $0x88, s6;
	s7 =	simm.s32 @p2 $0x1082  }
0x22: {  	[simem:s7], [sflag:s8] =	dma.local @!p0 [hbm:s6], $0xF7A  }
0x23: {  	s9 =	sor.u32 $0xD0000000, s2;
	s6 =	simm.s32 $0x108;
	_ =	swait.ge @!p0 [sflag:s8], $0x0  }
0x24: {  	s3 =	sadd.s32 $0x88, s3;
	s6 =	simm.s32 @!p1 $0x1082;
	[sflag:s4] =	ssyncset.s32 $0xFFFFF086  }
0x25: {  	[simem:s6], [sflag:s4] =	dma.local [hbm:s3], $0xF7A  }
0x26: {  	[smem:$0x3F9B] =	sst s1;
	(tag) =	ssettag s2;
	_ =	strace s9  }
0x27: {  	s1 =	sld [smem:$0x3FAB]  }
0x28: {  	s2 =	sld [smem:$0x3FAC]  }
0x29: {  	s4 =	sld [smem:$0x3FAE]  }
0x2a: {  	p0 =	seq.s32 s5, $0x0;
	s5 =	sld [smem:$0x3FAF]  }
0x2b: {  	s6 =	sld [smem:$0x3FB0]  }
0x2c: {  	s7 =	sld [smem:$0x3FB1]  }
0x2d: {  	s3 =	simm.s32 $0x108;
	s8 =	sld [smem:$0x3FB2]  }
0x2e: {  	s3 =	simm.s32 @!p0 $0x1082;
	s9 =	sld [smem:$0x3FB3]  }
0x2f: {  	lr =	sadd.s32 s0, s3;
	s0 =	sld [smem:$0x3FAA]  }
0x30: {  	s3 =	sld [smem:$0x3FAD]  }
0x31: {  	[smem:$0x3FB6] =	sst s10  }
0x32: {  	s10 =	sld [smem:$0x3FB4];
	_ =	sdelay $0x3  }
0x33: {  	p0 =	seq.s32 s10, $0x1;
	s10 =	sld [smem:$0x3FB6];
	_ =	sdelay $0x3  }
0x34: {  	[smem:$0x3FB6] =	sst s10  }
0x35: {  	s10 =	sld [smem:$0x3FB5];
	_ =	sdelay $0x3  }
0x36: {  	p1 =	seq.s32 s10, $0x1;
	s10 =	sld [smem:$0x3FB6];
	_ =	sdelay $0x3  }
0x37: {  	[smem:$0x3FB6] =	sst s10  }
0x38: {  	s10 =	sld [smem:$0x3FB7]  }
0x39: {  	_ = 	snop;
	(pc) =	sbr.ind lr, $3  }
0x3a: {  	_ = 	snop  }
0x3b: {  	_ = 	snop  }
0x3c: {  	p2 =	seq.s32 s10, $0x1;
	s10 =	sld [smem:$0x3FB6]  }
0x3d: {  	_ =	shalt  }
0x3e: {  	_ =	shalt  }
0x3f: {  	_ =	shalt  }
0x40: {  	_ =	shalt  }
0x41: {  	_ =	shalt  }
0x42: {  	_ =	shalt  }
0x43: {  	_ =	shalt  }
0x44: {  	_ =	shalt  }
0x45: {  	_ =	shalt  }
0x46: {  	_ =	shalt  }
0x47: {  	_ =	shalt  }
0x48: {  	_ =	shalt  }
0x49: {  	_ =	shalt  }
0x4a: {  	_ =	shalt  }
0x4b: {  	_ =	shalt  }
0x4c: {  	_ =	shalt  }
0x4d: {  	_ =	shalt  }
0x4e: {  	_ =	shalt  }
0x4f: {  	_ =	shalt  }
0x50: {  	_ =	shalt  }
0x51: {  	_ =	shalt  }
0x52: {  	_ =	shalt  }
0x53: {  	_ =	shalt  }
0x54: {  	_ =	shalt  }
0x55: {  	_ =	shalt  }
0x56: {  	_ =	shalt  }
0x57: {  	_ =	shalt  }
0x58: {  	_ =	shalt  }
0x59: {  	_ =	shalt  }
0x5a: {  	_ =	shalt  }
0x5b: {  	_ =	shalt  }
0x5c: {  	_ =	shalt  }
0x5d: {  	_ =	shalt  }
0x5e: {  	_ =	shalt  }
0x5f: {  	_ =	shalt  }
0x60: {  	_ =	shalt  }
0x61: {  	_ =	shalt  }
0x62: {  	_ =	shalt  }
0x63: {  	_ =	shalt  }
0x64: {  	_ =	shalt  }
0x65: {  	_ =	shalt  }
0x66: {  	_ =	shalt  }
0x67: {  	_ =	shalt  }
0x68: {  	_ =	shalt  }
0x69: {  	_ =	shalt  }
0x6a: {  	_ =	shalt  }
0x6b: {  	_ =	shalt  }
0x6c: {  	_ =	shalt  }
0x6d: {  	_ =	shalt  }
0x6e: {  	_ =	shalt  }
0x6f: {  	_ =	shalt  }
0x70: {  	_ =	shalt  }
0x71: {  	_ =	shalt  }
0x72: {  	_ =	shalt  }
0x73: {  	_ =	shalt  }
0x74: {  	_ =	shalt  }
0x75: {  	_ =	shalt  }
0x76: {  	_ =	shalt  }
0x77: {  	_ =	shalt  }
0x78: {  	_ =	shalt  }
0x79: {  	_ =	shalt  }
0x7a: {  	_ =	shalt  }
0x7b: {  	_ =	shalt  }
0x7c: {  	_ =	shalt  }
0x7d: {  	_ =	shalt  }
0x7e: {  	_ =	shalt  }
0x7f: {  	_ =	shalt  }
0x80: {  	_ =	shalt  }
0x81: {  	_ =	shalt  }
0x82: {  	_ =	shalt  }
0x83: {  	_ =	shalt  }
0x84: {  	_ =	shalt  }
0x85: {  	_ =	shalt  }
0x86: {  	_ =	shalt  }
0x87: {  	_ =	shalt  }
.Lfunc_end0:
.L_simem_size_0:
called_computation_lowered:
.L_overlay_start_0:
0x88: {  	s2 =	sld [smem:$0x3FD9]  }
0x89: {  	s3 =	sld [smem:$0x3FFE];
	_ =	sdelay $0x1  }
0x8a: {  	s1 =	srdreg.scid  }
0x8b: {  	s0 =	sand.u32 $0x1, s1  }
0x8c: {  	s16 =	sshll.u32 s0, $0xA;
	s2 =	sadd.s32 s3, s2  }
0x8d: {  	s2 =	sadd.s32 s2, s16  }
0x8e: {  	[smem:$0x3FC2] =	sst s2  }
0x8f: {  	_ = 	snop  }
0x90: {  	(tm) =	ssettm $0x1  }
0x91: {  	s17 =	sld [smem:$0x3FFB];
	_ =	sdelay $0x3  }
0x92: {  	_ =	strace s17  }
0x93: {  	s2 =	sld [smem:$0x3FFC];
	_ =	sdelay $0x3  }
0x94: {  	_ =	strace s2  }
0x95: {  	s2 =	sld [smem:$0x3FFD];
	_ =	sdelay $0x3  }
0x96: {  	_ =	strace s2  }
0x97: {  	_ =	strace $0x8FFFFFFF  }
0x98: {  	s18 =	sld [smem:$0x3FDB];
	_ =	sdelay $0x1  }
0x99: {  	s19 =	simm.s32 $_scs_section_size  }
0x9a: {  	s4 =	simm.s32 $_size__tile_overlayer_lowered;
	s5 =	simm.s32 $_tile_overlayer_lowered  }
0x9b: {  	s22 =	simm.s32 $0x1BFF;
	s21 =	sshll.u32 s5, $0x1;
	s2 =	sadd.s32 s19, s18  }
0x9c: {  	s6 =	simm.s32 $0x0;
	s20 =	sshll.u32 s4, $0x1;
	s4 =	sadd.s32 s21, s2  }
0x9d: {  	[timem:s6], [sflag:s22] =	dma.local [hbm:s4], s20  }
0x9e: {  	_ =	swait.ge [sflag:s22], s20  }
0x9f: {  	s3 =	ssub.s32 $0x0, s20;
	[sflag:s22] =	ssyncset.done $0x0  }
0xa0: {  	[sflag:s22] =	ssyncadd.s32 s3;
	_ =	sdelay $0x1  }
0xa1: {  	s23 =	simm.s32 $0x1B8B  }
0xa2: {  	_ =	swait.ge [sflag:s23], $0x1  }
0xa3: {  	[sflag:s23] =	ssyncset.done $0x0  }
0xa4: {  	s25 =	simm.s32 $0x1B8E;
	s24 =	sld [smem:$0x3FFE];
	[sflag:s23] =	ssyncadd.s32 $0xFFFFFFFF  }
0xa5: {  	s26 =	simm.s32 $execute0_lowered;
	[smem:$0x3FD2] =	sst s25  }
0xa6: {  	s4 =	sshll.u32 s26, $0x1;
	_ =	strace $0x80000046;
	[dreg:$0x1] =	wrdreg $0xFFFFFFFF  }
0xa7: {  	s28 =	simm.s32 $_size_execute0_lowered;
	s2 =	sadd.s32 s2, s4;
	[dreg:$0x0] =	wrdreg $0x0  }
0xa8: {  	s4 =	sshll.u32 s28, $0x1;
	[dreg:$0x2] =	wrdreg s2  }
0xa9: {  	[dreg:$0x3] =	wrdreg s4  }
0xaa: {  	[dreg:$0x4] =	wrdreg $0xC0  }
0xab: {  	_ =	task [dreg:s6], $0x5FFFF  }
0xac: {  	[dreg:$0x1] =	wrdreg $0xFFFFFFFF  }
0xad: {  	[dreg:$0x0] =	wrdreg $0x60  }
0xae: {  	[dreg:$0x2] =	wrdreg s24  }
0xaf: {  	[dreg:$0x3] =	wrdreg $0x4800  }
0xb0: {  	[dreg:$0x4] =	wrdreg $0x9  }
0xb1: {  	_ =	task.clear_ibuf [dreg:s6], $0x5FFFF;
	_ =	strace $0x90000046  }
0xb2: {  	s29 =	simm.s32 $0x9;
	_ =	strace $0x80000048  }
0xb3: {  	_ =	swait.ge [sflag:s29], $0x1  }
0xb4: {  	[sflag:s29] =	ssyncadd.s32 $0xFFFFFFFF  }
0xb5: {  	_ =	strace $0x90000048  }
0xb6: {  	_ =	sfence  }
0xb7: {  	s30 =	sld [smem:$0x0];
	_ =	sdelay $0x2  }
0xb8: {  	s31 =	sshll.u32 s1, $0xD;
	s1 =	sshrl.u32 s1, $0x2  }
0xb9: {  	s3 =	sand.u32 $0x4000, s31;
	s1 =	sadd.s32 s1, s30  }
0xba: {  	s0 =	sor.u32 s3, s0;
	s1 =	sshll.u32 s1, $0x11  }
0xbb: {  	s0 =	sor.u32 s1, s0  }
0xbc: {  	s0 =	sadd.s32 $0x8F2B, s0  }
0xbd: {  	[sflag:s0] =	ssyncadd.remote.s32 $0x1  }
0xbe: {  	_ =	sfence.sel $0xFFFF  }
0xbf: {  	[dreg:$0x0] =	wrdreg $0xFFFFFFFF;
	(pc) =	sbr.abs _section_cstart, $3  }
0xc0: {  	[dreg:$0x1] =	wrdreg $0xFFFFFFFF  }
0xc1: {  	_ =	task.clear_ibuf [dreg:s6], $0x2FFFF;
	_ =	strace $0x9FFFFFFF  }
0xc2: {  	(tm) =	ssettm $0x7FFFFFFF  }
0xc3: {  	_ =	shalt  }
tec
execute0_lowered:
.L_overlay_start_1:
0x0: {  	(tag) =	ssettag $0x1  }
0x1: {  	s4 =	rddreg [dreg:$0x0]  }
0x2: {  	s1 =	rddreg [dreg:$0x1]  }
0x3: {  	s0 =	rddreg [dreg:$0x2];
	s2 =	simm.s32 $0x0  }
0x4: {  	s5 =	srdreg.scid;
	s6 =	stileid.u32;
	s12 =	simm.s32 $0x180  }
0x5: {  	s13 =	simm.s32 $0x200;
	s14 =	simm.s32 $0x280;
	s15 =	simm.s32 $0x300  }
0x6: {  	s16 =	simm.s32 $0x380;
	s17 =	simm.s32 $0x0;
	[smem:$0x7FF] =	sst s2  }
0x7: {  	s3 =	sadd.s32 $0x16A00, s4;
	s5 =	sand.u32 $0x1, s5;
	s7 =	smul.u32 $0xA00, s6  }
0x8: {  	p0 =	sne.s32 s6, $0x0;
	_ =	strace $0x80000047;
	s9 =	ssub.s32 $0x2, s5  }
0x9: {  	s8 =	sshll.u32 s5, $0x4;
	s11 =	smul.u32 $0x500, s5;
	s10 =	sshrl.u32 s9, $0x1  }
0xa: {  	s8 =	sadd.s32 s8, s4;
	s7 =	sadd.s32 s7, s4;
	s31 =	ssub.s32 s9, s10  }
0xb: {  	s4 =	sadd.s32 $0x17000, s8;
	s7 =	sadd.s32 s11, s7;
	s8 =	simm.s32 $0x400  }
0xc: {  	s9 =	simm.s32 $0x1;
	s10 =	simm.s32 $0x80;
	s11 =	simm.s32 $0x100  }
0xd: {  	s5 =	smax.u32 s31, $0x1;
	s6 =	sadd.s32 $0xCA00, s7;
	s7 =	sshrl.u32 @!p0 s1, $0x3  }
.LBB2_1:
0xe: {  	s18 =	simm.s32 @!p0 $0x1C01  }
0xf: {  	[spmem:s7], [sflag:s18] =	dma.local @!p0 [hbm:s3], $0x4F0  }
0x10: {  	s18 =	simm.s32 @!p0 $0x1  }
0x11: {  	_ =	swait.ge @!p0 [sflag:s18], $0x4F0  }
0x12: {  	[sflag:s18] =	ssyncset.done @!p0 $0x0  }
0x13: {  	[sflag:s18] =	ssyncadd.s32 @!p0 $0xFFFFFB10  }
0x14: {  	[tilespmem:s8], [sflag:$0x1] =	stream.linear.gather [hbm4b:s3+s2], $0x80, $0x38;
	[tilespmem:$0x6F8] =	vst v63  }
0x15: {  	_ =	swait.ge [sflag:s9], $0x80  }
0x16: {  	[sflag:s9] =	ssyncset.done $0x0  }
0x17: {  	[sflag:s9] =	ssyncadd.s32 $0xFFFFFF80  }
0x18: {  	s31 =	sadd.s32 $0x0, s6;
	[bflag:$0x0] =	sbarrier.arrive $0xFFFF  }
0x19: {  	[tilespmem:s2], [sflag:$0x1] =	stream.linear.gather [hbm4b:s31+s2], $0x400, $0x38;
	[tilespmem:$0x6F8] =	vst v63  }
0x1a: {  	_ =	swait.ge [sflag:s9], $0x400  }
0x1b: {  	[sflag:s9] =	ssyncset.done $0x0  }
0x1c: {  	[sflag:s9] =	ssyncadd.s32 $0xFFFFFC00  }
0x1d: {  	[spmem:s1] =	stream.indirect.scatter.add.f32 [tilespmem:s8], [sflag:$0x1], $0x1, s2, s10, $0xb8;
	[tilespmem:$0x6F8] =	vst v63  }
0x1e: {  	_ =	swait.ge [sflag:s9], $0x80  }
0x1f: {  	[sflag:s9] =	ssyncset.done $0x0  }
0x20: {  	[sflag:s9] =	ssyncadd.s32 $0xFFFFFF80  }
0x21: {  	[spmem:s1] =	stream.indirect.scatter.add.f32 [tilespmem:s8], [sflag:$0x1], $0x1, s10, s10, $0xb8;
	[tilespmem:$0x6F8] =	vst v63  }
0x22: {  	_ =	swait.ge [sflag:s9], $0x80  }
0x23: {  	[sflag:s9] =	ssyncset.done $0x0  }
0x24: {  	[sflag:s9] =	ssyncadd.s32 $0xFFFFFF80  }
0x25: {  	[spmem:s1] =	stream.indirect.scatter.add.f32 [tilespmem:s8], [sflag:$0x1], $0x1, s11, s10, $0xb8;
	[tilespmem:$0x6F8] =	vst v63  }
0x26: {  	_ =	swait.ge [sflag:s9], $0x80  }
0x27: {  	[sflag:s9] =	ssyncset.done $0x0  }
0x28: {  	[sflag:s9] =	ssyncadd.s32 $0xFFFFFF80  }
0x29: {  	[spmem:s1] =	stream.indirect.scatter.add.f32 [tilespmem:s8], [sflag:$0x1], $0x1, s12, s10, $0xb8;
	[tilespmem:$0x6F8] =	vst v63  }
0x2a: {  	_ =	swait.ge [sflag:s9], $0x80  }
0x2b: {  	[sflag:s9] =	ssyncset.done $0x0  }
0x2c: {  	[sflag:s9] =	ssyncadd.s32 $0xFFFFFF80  }
0x2d: {  	[spmem:s1] =	stream.indirect.scatter.add.f32 [tilespmem:s8], [sflag:$0x1], $0x1, s13, s10, $0xb8;
	[tilespmem:$0x6F8] =	vst v63  }
0x2e: {  	_ =	swait.ge [sflag:s9], $0x80  }
0x2f: {  	[sflag:s9] =	ssyncset.done $0x0  }
0x30: {  	[sflag:s9] =	ssyncadd.s32 $0xFFFFFF80  }
0x31: {  	[spmem:s1] =	stream.indirect.scatter.add.f32 [tilespmem:s8], [sflag:$0x1], $0x1, s14, s10, $0xb8;
	[tilespmem:$0x6F8] =	vst v63  }
0x32: {  	_ =	swait.ge [sflag:s9], $0x80  }
0x33: {  	[sflag:s9] =	ssyncset.done $0x0  }
0x34: {  	[sflag:s9] =	ssyncadd.s32 $0xFFFFFF80  }
0x35: {  	[spmem:s1] =	stream.indirect.scatter.add.f32 [tilespmem:s8], [sflag:$0x1], $0x1, s15, s10, $0xb8;
	[tilespmem:$0x6F8] =	vst v63  }
0x36: {  	_ =	swait.ge [sflag:s9], $0x80  }
0x37: {  	[sflag:s9] =	ssyncset.done $0x0  }
0x38: {  	[sflag:s9] =	ssyncadd.s32 $0xFFFFFF80  }
0x39: {  	[spmem:s1] =	stream.indirect.scatter.add.f32 [tilespmem:s8], [sflag:$0x1], $0x1, s16, s10, $0xb8;
	[tilespmem:$0x6F8] =	vst v63  }
0x3a: {  	_ =	swait.ge [sflag:s9], $0x80  }
0x3b: {  	s20 =	simm.s32 $0x100;
	s18 =	simm.s32 $0x80;
	[sflag:s9] =	ssyncset.done $0x0  }
.LBB2_2:
0x3c: {  	s21 =	sadd.s32 s18, s6  }
0x3d: {  	[sflag:s9] =	ssyncadd.s32 $0xFFFFFF80;
	s18 =	smov.u32 s20;
	s19 =	sadd.s32 $0x80, s20  }
0x3e: {  	[tilespmem:s2], [sflag:$0x1] =	stream.linear.gather [hbm4b:s21+s2], $0x400, $0x38;
	[tilespmem:$0x6F8] =	vst v63  }
0x3f: {  	p1 =	sne.s32 s20, $0x480;
	_ =	swait.ge [sflag:s9], $0x400  }
0x40: {  	[sflag:s9] =	ssyncset.done $0x0  }
0x41: {  	[sflag:s9] =	ssyncadd.s32 $0xFFFFFC00  }
0x42: {  	[spmem:s1] =	stream.indirect.scatter.add.f32 [tilespmem:s8], [sflag:$0x1], $0x1, s2, s10, $0xb8;
	[tilespmem:$0x6F8] =	vst v63  }
0x43: {  	_ =	swait.ge [sflag:s9], $0x80  }
0x44: {  	[sflag:s9] =	ssyncset.done $0x0  }
0x45: {  	[sflag:s9] =	ssyncadd.s32 $0xFFFFFF80  }
0x46: {  	[spmem:s1] =	stream.indirect.scatter.add.f32 [tilespmem:s8], [sflag:$0x1], $0x1, s10, s10, $0xb8;
	[tilespmem:$0x6F8] =	vst v63  }
0x47: {  	_ =	swait.ge [sflag:s9], $0x80  }
0x48: {  	[sflag:s9] =	ssyncset.done $0x0  }
0x49: {  	[sflag:s9] =	ssyncadd.s32 $0xFFFFFF80  }
0x4a: {  	[spmem:s1] =	stream.indirect.scatter.add.f32 [tilespmem:s8], [sflag:$0x1], $0x1, s11, s10, $0xb8;
	[tilespmem:$0x6F8] =	vst v63  }
0x4b: {  	_ =	swait.ge [sflag:s9], $0x80  }
0x4c: {  	[sflag:s9] =	ssyncset.done $0x0  }
0x4d: {  	[sflag:s9] =	ssyncadd.s32 $0xFFFFFF80  }
0x4e: {  	[spmem:s1] =	stream.indirect.scatter.add.f32 [tilespmem:s8], [sflag:$0x1], $0x1, s12, s10, $0xb8;
	[tilespmem:$0x6F8] =	vst v63  }
0x4f: {  	_ =	swait.ge [sflag:s9], $0x80  }
0x50: {  	[sflag:s9] =	ssyncset.done $0x0  }
0x51: {  	[sflag:s9] =	ssyncadd.s32 $0xFFFFFF80  }
0x52: {  	[spmem:s1] =	stream.indirect.scatter.add.f32 [tilespmem:s8], [sflag:$0x1], $0x1, s13, s10, $0xb8;
	[tilespmem:$0x6F8] =	vst v63  }
0x53: {  	_ =	swait.ge [sflag:s9], $0x80  }
0x54: {  	[sflag:s9] =	ssyncset.done $0x0  }
0x55: {  	[sflag:s9] =	ssyncadd.s32 $0xFFFFFF80  }
0x56: {  	[spmem:s1] =	stream.indirect.scatter.add.f32 [tilespmem:s8], [sflag:$0x1], $0x1, s14, s10, $0xb8;
	[tilespmem:$0x6F8] =	vst v63  }
0x57: {  	_ =	swait.ge [sflag:s9], $0x80  }
0x58: {  	[sflag:s9] =	ssyncset.done $0x0  }
0x59: {  	[sflag:s9] =	ssyncadd.s32 $0xFFFFFF80  }
0x5a: {  	[spmem:s1] =	stream.indirect.scatter.add.f32 [tilespmem:s8], [sflag:$0x1], $0x1, s15, s10, $0xb8;
	[tilespmem:$0x6F8] =	vst v63  }
0x5b: {  	_ =	swait.ge [sflag:s9], $0x80  }
.Ltmp0:
0x5c: {  	[sflag:s9] =	ssyncset.done $0x0;
	(pc) =	sbr.rel @p1 .LBB2_2-.Ltmp0, $4  }
0x5d: {  	[sflag:s9] =	ssyncadd.s32 $0xFFFFFF80  }
0x5e: {  	[spmem:s1] =	stream.indirect.scatter.add.f32 [tilespmem:s8], [sflag:$0x1], $0x1, s16, s10, $0xb8;
	[tilespmem:$0x6F8] =	vst v63  }
0x5f: {  	_ =	swait.ge [sflag:s9], $0x80  }
0x60: {  	s20 =	smov.u32 s19;
	[sflag:s9] =	ssyncset.done $0x0  }
0x61: {  	s18 =	sadd.s32 s18, s6;
	[sflag:s9] =	ssyncadd.s32 $0xFFFFFF80  }
0x62: {  	[tilespmem:s2], [sflag:$0x1] =	stream.linear.gather [hbm4b:s18+s2], $0x400, $0x38;
	[tilespmem:$0x6F8] =	vst v63  }
0x63: {  	_ =	swait.ge [sflag:s9], $0x400  }
0x64: {  	[sflag:s9] =	ssyncset.done $0x0  }
0x65: {  	[sflag:s9] =	ssyncadd.s32 $0xFFFFFC00  }
0x66: {  	[spmem:s1] =	stream.indirect.scatter.add.f32 [tilespmem:s8], [sflag:$0x1], $0x1, s2, s10, $0xb8;
	[tilespmem:$0x6F8] =	vst v63  }
0x67: {  	_ =	swait.ge [sflag:s9], $0x80  }
0x68: {  	[sflag:s9] =	ssyncset.done $0x0  }
0x69: {  	[sflag:s9] =	ssyncadd.s32 $0xFFFFFF80  }
0x6a: {  	[spmem:s1] =	stream.indirect.scatter.add.f32 [tilespmem:s8], [sflag:$0x1], $0x1, s10, s10, $0xb8;
	[tilespmem:$0x6F8] =	vst v63  }
0x6b: {  	_ =	swait.ge [sflag:s9], $0x80  }
0x6c: {  	[sflag:s9] =	ssyncset.done $0x0  }
0x6d: {  	[sflag:s9] =	ssyncadd.s32 $0xFFFFFF80  }
0x6e: {  	[spmem:s1] =	stream.indirect.scatter.add.f32 [tilespmem:s8], [sflag:$0x1], $0x1, s11, s10, $0xb8;
	[tilespmem:$0x6F8] =	vst v63  }
0x6f: {  	_ =	swait.ge [sflag:s9], $0x80  }
0x70: {  	[sflag:s9] =	ssyncset.done $0x0  }
0x71: {  	[sflag:s9] =	ssyncadd.s32 $0xFFFFFF80  }
0x72: {  	[spmem:s1] =	stream.indirect.scatter.add.f32 [tilespmem:s8], [sflag:$0x1], $0x1, s12, s10, $0xb8;
	[tilespmem:$0x6F8] =	vst v63  }
0x73: {  	_ =	swait.ge [sflag:s9], $0x80  }
0x74: {  	[sflag:s9] =	ssyncset.done $0x0  }
0x75: {  	[sflag:s9] =	ssyncadd.s32 $0xFFFFFF80  }
0x76: {  	[spmem:s1] =	stream.indirect.scatter.add.f32 [tilespmem:s8], [sflag:$0x1], $0x1, s13, s10, $0xb8;
	[tilespmem:$0x6F8] =	vst v63  }
0x77: {  	_ =	swait.ge [sflag:s9], $0x80  }
0x78: {  	[sflag:s9] =	ssyncset.done $0x0  }
0x79: {  	[sflag:s9] =	ssyncadd.s32 $0xFFFFFF80  }
0x7a: {  	[spmem:s1] =	stream.indirect.scatter.add.f32 [tilespmem:s8], [sflag:$0x1], $0x1, s14, s10, $0xb8;
	[tilespmem:$0x6F8] =	vst v63  }
0x7b: {  	_ =	swait.ge [sflag:s9], $0x80  }
0x7c: {  	[sflag:s9] =	ssyncset.done $0x0  }
0x7d: {  	[sflag:s9] =	ssyncadd.s32 $0xFFFFFF80  }
0x7e: {  	[spmem:s1] =	stream.indirect.scatter.add.f32 [tilespmem:s8], [sflag:$0x1], $0x1, s15, s10, $0xb8;
	[tilespmem:$0x6F8] =	vst v63  }
0x7f: {  	_ =	swait.ge [sflag:s9], $0x80  }
0x80: {  	[sflag:s9] =	ssyncset.done $0x0  }
0x81: {  	[sflag:s9] =	ssyncadd.s32 $0xFFFFFF80  }
0x82: {  	[spmem:s1] =	stream.indirect.scatter.add.f32 [tilespmem:s8], [sflag:$0x1], $0x1, s16, s10, $0xb8;
	[tilespmem:$0x6F8] =	vst v63  }
0x83: {  	s19 =	simm.s32 @!p0 $0x20;
	_ =	swait.ge [sflag:s9], $0x80  }
0x84: {  	s20 =	simm.s32 @!p0 $0x10;
	s17 =	sadd.s32 $0x1, s17;
	[sflag:s9] =	ssyncset.done $0x0  }
0x85: {  	s21 =	simm.s32 @!p0 $0x1C01;
	p1 =	sne.s32 s17, s5;
	[sflag:s9] =	ssyncadd.s32 $0xFFFFFF80  }
.Ltmp1:
0x86: {  	s18 =	simm.s32 @!p0 $0x1;
	[bflag:$0x0] =	sbarrier.arrive $0xFFFF;
	(pc) =	sbr.rel @p1 .LBB2_1-.Ltmp1, $4  }
0x87: {  	[hbm:s4@s19], [sflag:s21] =	dma.strided @!p0 [spmem:s7@s20], $0x4F0, s18, $0x10   }
0x88: {  	_ =	swait.ge @!p0 [sflag:s18], $0x4F0  }
0x89: {  	[sflag:s18] =	ssyncset.done @!p0 $0x0  }
0x8a: {  	[sflag:s18] =	ssyncadd.s32 @!p0 $0xFFFFFB10  }
0x8b: {  	_ =	sfence.sel $0x180000  }
0x8c: {  	[bflag:$0x0] =	sbarrier.arrive $0xFFFF  }
0x8d: {  	_ =	strace $0x90000047  }
0x8e: {  	s0 =	sadd.s32 @!p0 $0x100000, s0;
	[bflag:$0x2] =	sbarrier.arrive $0xFFFF  }
0x8f: {  	[sflag:s0] =	ssyncadd.tile.s32 @!p0 $0x1;
	_ =	shalt  }
.Lfunc_end2:
_tile_overlayer_lowered:
.L_overlay_start_2:
0x90: {  	(tag) =	ssettag $0x2  }
0x91: {  	s0 =	rddreg [dreg:$0x0];
	s2 =	stileid.u32  }
0x92: {  	s1 =	rddreg [dreg:$0x1];
	p0 =	sne.s32 s2, $0x0  }
0x93: {  	s3 =	rddreg [dreg:$0x2];
	[bflag:$0x3] =	sbarrier.arrive $0xFFFF;
	s2 =	simm.s32 @!p0 $0x1C01  }
0x94: {  	[timem:s3], [sflag:s2] =	dma.local @!p0 [hbm:s0], s1  }
0x95: {  	s0 =	simm.s32 @!p0 $0x1  }
0x96: {  	_ =	swait.ge @!p0 [sflag:s0], s1  }
0x97: {  	s1 =	ssub.s32 @!p0 $0x0, s1;
	[sflag:s0] =	ssyncset.done @!p0 $0x0  }
0x98: {  	[sflag:s0] =	ssyncadd.s32 @!p0 s1  }
0x99: {  	[bflag:$0x3] =	sbarrier.arrive $0xFFFF  }
0x9a: {  	_ =	shalt  }

</sc_bundles>
